<compile_context>
chip_gen: v7x
topology: tpu7x:2x2x1
jax: 0.10.2.dev20260603
libtpu: 0.0.44.dev20260713+nightly
codegen_flags: <defaults>
</compile_context>

<pallas_src>
import functools

import jax
import jax.numpy as jnp
from jax import lax
from jax.experimental import pallas as pl
from jax.experimental.pallas import tpu as pltpu
from jax.experimental.pallas import tpu_sc as plsc

E = 3_200_000
D = 16
N = 100_000
C = 512
NCHUNK = E // C
CT = C // 128
NW = 32
BLK = 400
NBLK = N // BLK

_mesh = plsc.VectorSubcoreMesh(core_axis_name="c", subcore_axis_name="s")
_sc_params = pltpu.CompilerParams(
    use_tc_tiling_on_sc=False, needs_layout_passes=False)


@functools.partial(
    pl.kernel,
    out_type=jax.ShapeDtypeStruct((2, N, 128), jnp.float32),
    mesh=_mesh,
    compiler_params=_sc_params,
    scratch_types=[
        pltpu.MemorySpace.VMEM_SHARED((N, D), jnp.float32),
        pltpu.VMEM((C, D), jnp.float32),
        pltpu.VMEM((2, 2, CT, 8, 128), jnp.float32),
        pltpu.VMEM((2, C), jnp.float32),
        pltpu.VMEM((2, CT, 128), jnp.int32),
        pltpu.VMEM((16,), jnp.float32),
        pltpu.SemaphoreType.DMA,
        pltpu.SemaphoreType.DMA,
        pltpu.SemaphoreType.DMA,
    ],
)
def _scatter_kernel(sh_hbm, cut_hbm, recv_hbm, inv_hbm, out_hbm,
                    acc, sh_buf, shT_buf, cut_buf, idx_buf, inv_buf,
                    in_sem0, in_sem1, scat_sem):
    c = lax.axis_index("c")
    s = lax.axis_index("s")
    wid = c * 16 + s

    pltpu.sync_copy(inv_hbm, inv_buf)
    inv_vec = inv_buf[:]

    stage = sh_buf.at[pl.ds(0, BLK)]

    def _zero(i, _):
        sh_buf[i, :] = jnp.zeros((D,), jnp.float32)
        return _

    lax.fori_loop(0, BLK, _zero, 0)
    nzb = (NBLK - s + 15) // 16

    def _zero_blk(i, _):
        r0 = pl.multiple_of((s + i * 16) * BLK, 8)
        pltpu.sync_copy(stage, acc.at[pl.ds(r0, BLK)])
        return _

    lax.fori_loop(0, nzb, _zero_blk, 0)
    plsc.subcore_barrier()

    nmine = (NCHUNK - wid + NW - 1) // NW
    in_sems = (in_sem0, in_sem1)
    iota16 = lax.iota(jnp.int32, 16)

    def issue_in(i, b):
        chunk = wid + i * NW
        base = pl.multiple_of(chunk * C, 8)
        pltpu.async_copy(sh_hbm.at[:, pl.ds(chunk * CT, CT)],
                         shT_buf.at[b], in_sems[b])
        pltpu.async_copy(cut_hbm.at[pl.ds(base, C)],
                         cut_buf.at[b], in_sems[b])
        pltpu.async_copy(recv_hbm.at[chunk], idx_buf.at[b], in_sems[b])

    def wait_in(i, b):
        chunk = wid + i * NW
        base = pl.multiple_of(chunk * C, 8)
        pltpu.make_async_copy(sh_hbm.at[:, pl.ds(chunk * CT, CT)],
                              shT_buf.at[b], in_sems[b]).wait()
        pltpu.make_async_copy(cut_hbm.at[pl.ds(base, C)],
                              cut_buf.at[b], in_sems[b]).wait()
        pltpu.make_async_copy(recv_hbm.at[chunk], idx_buf.at[b],
                              in_sems[b]).wait()

    def wait_scat(b):
        for j in range(CT):
            pltpu.make_async_copy(
                sh_buf.at[pl.ds(j * 128, 128)],
                acc.at[idx_buf.at[b, j]], scat_sem).wait()

    def process(i, b):
        def load_grp(g):
            ct = g // 8
            doff = (g % 8) * 16
            cutv = cut_buf[b, pl.ds(g * 16, 16)] * inv_vec
            return tuple(
                shT_buf[b, f // 8, ct, f % 8, pl.ds(doff, 16)] * cutv
                for f in range(16)
            )

        def store_grp(g, vals):
            e_vec = g * 16 + iota16
            for f in range(16):
                plsc.store_scatter(
                    sh_buf, [e_vec, jnp.full((16,), f, jnp.int32)], vals[f])

        def scale_grp(g, vals_prev):
            vals = load_grp(g)
            store_grp(g - 1, vals_prev)
            return vals

        last_vals = lax.fori_loop(1, C // 16, scale_grp, load_grp(0))
        store_grp(C // 16 - 1, last_vals)

    def issue_scat(b):
        for j in range(CT):
            pltpu.async_copy(
                sh_buf.at[pl.ds(j * 128, 128)],
                acc.at[idx_buf.at[b, j]], scat_sem, add=True)

    issue_in(0, 0)

    def pair_body(k, carry):
        for b in range(2):
            i = 2 * k + b

            @pl.when(i < nmine)
            def _():
                wait_in(i, b)

                @pl.when(i > 0)
                def _():
                    wait_scat(1 - b)

                @pl.when(i + 1 < nmine)
                def _():
                    issue_in(i + 1, 1 - b)

                process(i, b)
                issue_scat(b)
        return carry

    lax.fori_loop(0, (nmine + 1) // 2, pair_body, 0)
    last_b = (nmine - 1) % 2
    wait_scat(last_b)
    plsc.subcore_barrier()

    def _write_blk(i, _):
        r0 = pl.multiple_of((s + i * 16) * BLK, 8)
        pltpu.sync_copy(acc.at[pl.ds(r0, BLK)], stage)
        pltpu.sync_copy(stage, out_hbm.at[c, pl.ds(r0, BLK), pl.ds(0, D)])
        return _

    lax.fori_loop(0, nzb, _write_blk, 0)


BRB = 250


def _combine_body(p0_ref, p1_ref, off_ref, o_ref):
    a = p0_ref[0][:, :D]
    b = p1_ref[0][:, :D]
    o_ref[...] = jnp.reshape(a + b + off_ref[0, 0], (BRB, 8, D))


def _combine_tc(partials, off):
    return pl.pallas_call(
        _combine_body,
        grid=(N // 8 // BRB,),
        in_specs=[
            pl.BlockSpec((1, BRB * 8, 128), lambda i: (0, i, 0)),
            pl.BlockSpec((1, BRB * 8, 128), lambda i: (1, i, 0)),
            pl.BlockSpec((1, 1), lambda i: (0, 0)),
        ],
        out_specs=pl.BlockSpec((BRB, 8, D), lambda i: (i, 0, 0)),
        out_shape=jax.ShapeDtypeStruct((N // 8, 8, D), jnp.float32),
    )(partials, partials, off)


def kernel(sh_vectors, cutoffs, receivers, avg_num_neighbors, num_nodes):
    sh4 = jnp.transpose(
        jnp.reshape(jnp.transpose(sh_vectors), (2, 8, E // 128, 128)),
        (0, 2, 1, 3))
    cut = jnp.reshape(cutoffs, (E,))
    recv = jnp.reshape(receivers.astype(jnp.int32), (NCHUNK, C // 128, 128))
    inv = jnp.full((16,), 1.0, jnp.float32) / jnp.asarray(
        avg_num_neighbors, jnp.float32)
    off = jnp.full((1, 1), num_nodes - N, jnp.float32)
    partials = _scatter_kernel(sh4, cut, recv, inv)
    return jnp.reshape(_combine_tc(partials, off), (N, D))

# --- scband reference (transcript-rebuilt; emitter-appended) ---
"""Pipeline reference for scband-euclidean-embedding-61546881352459 (READ-ONLY COPY).

The authoritative reference and input builder live on the scoring server;
editing this copy changes nothing except your own understanding.
"""

import jax, jax.numpy as jnp
import numpy as np


def setup_inputs(seed: int = 0) -> dict:
    key = jax.random.key(seed)
    k1, k2, k3 = jax.random.split(key, 3)
    E = 3200000
    D = 16
    N = 100000
    sh_vectors = jax.random.normal(k1, (E, D), dtype=jnp.float32)
    cutoffs = jax.random.uniform(k2, (E, 1), dtype=jnp.float32)
    receivers = jax.random.randint(k3, (E,), 0, N, dtype=jnp.int64)
    return {
        "sh_vectors": sh_vectors,
        "cutoffs": cutoffs,
        "receivers": receivers,
        "avg_num_neighbors": 32,
        "num_nodes": N,
    }


def reference(sh_vectors, cutoffs, receivers, avg_num_neighbors, num_nodes):
    # initialization_to_zeros=False path: scatter-sum of cutoff-scaled SH vectors
    num_segments_static = 100000
    inv_avg_num_neighbors = 1.0 / avg_num_neighbors
    scaled_neighbors = sh_vectors * cutoffs
    ev_embedding = jax.ops.segment_sum(
        scaled_neighbors, receivers, num_segments=num_segments_static
    ) * inv_avg_num_neighbors
    ev_embedding = ev_embedding + jnp.asarray(
        num_nodes - num_segments_static
    ).astype(ev_embedding.dtype)
    return ev_embedding

if __name__ == "__main__":
    import jax
    _d = setup_inputs()
    print(jax.jit(kernel)(*tuple(_d.values())))

</pallas_src>

<mosaic_0001>
#map = affine_map<(d0, d1) -> (0, 0, 0, 0)>
#map1 = affine_map<(d0, d1) -> (0)>
#map2 = affine_map<(d0, d1) -> (0, 0, 0)>
module attributes {stable_mosaic.version = 14 : i64} {
  func.func @_scatter_kernel(%arg0: i32, %arg1: i32, %arg2: memref<2x25000x8x128xf32, #tpu.memory_space<hbm>>, %arg3: memref<3200000xf32, #tpu.memory_space<hbm>>, %arg4: memref<6250x4x128xi32, #tpu.memory_space<hbm>>, %arg5: memref<16xf32, #tpu.memory_space<hbm>>, %arg6: memref<2x100000x128xf32, #tpu.memory_space<hbm>>, %arg7: memref<100000x16xf32, #tpu.memory_space<vmem_shared>>, %arg8: memref<512x16xf32, #tpu.memory_space<vmem>>, %arg9: memref<2x2x4x8x128xf32, #tpu.memory_space<vmem>>, %arg10: memref<2x512xf32, #tpu.memory_space<vmem>>, %arg11: memref<2x4x128xi32, #tpu.memory_space<vmem>>, %arg12: memref<16xf32, #tpu.memory_space<vmem>>, %arg13: memref<!tpu.dma_semaphore, #tpu.memory_space<semaphore_mem>>, %arg14: memref<!tpu.dma_semaphore, #tpu.memory_space<semaphore_mem>>, %arg15: memref<!tpu.dma_semaphore, #tpu.memory_space<semaphore_mem>>) attributes {dimension_semantics = [#tpu.dimension_semantics<core_parallel>, #tpu.dimension_semantics<subcore_parallel>], iteration_bounds = array<i64: 2, 16>, scalar_prefetch = 0 : i64, scratch_operands = 9 : i64, tpu.core_type = #tpu.core_type<sc_vector_subcore>, window_params = [{transform_indices = #map}, {transform_indices = #map1}, {transform_indices = #map2}, {transform_indices = #map1}, {transform_indices = #map2}]} {
    %mul3A = arith.constant 16 : i32
    %mul3A_0 = arith.muli %arg0, %mul3A : i32
    %add3A = arith.addi %mul3A_0, %arg1 : i32
    "tpu.region"() ({
      %run_scoped3A = tpu.sem_alloc : memref<!tpu.dma_semaphore, #tpu.memory_space<semaphore_mem>>
      tpu.enqueue_dma source(%arg5 : memref<16xf32, #tpu.memory_space<hbm>>) target(%arg12 : memref<16xf32, #tpu.memory_space<vmem>>) target_semaphore(%run_scoped3A : memref<!tpu.dma_semaphore, #tpu.memory_space<semaphore_mem>>)
      tpu.wait_dma2 semaphore(%run_scoped3A : memref<!tpu.dma_semaphore, #tpu.memory_space<semaphore_mem>>) src(%arg5 : memref<16xf32, #tpu.memory_space<hbm>>) dst(%arg12 : memref<16xf32, #tpu.memory_space<vmem>>)
      tpu.yield
    }) : () -> ()
    %get3A = arith.constant 0 : index
    %get3A_1 = tpu.vector_load %arg12[%get3A] {strides = array<i32>} : memref<16xf32, #tpu.memory_space<vmem>>, vector<16xf32>,
    %scan3A = arith.constant 0 : i32
    %scan3A_2 = arith.constant 0 : i32
    %scan3A_3 = arith.constant 400 : i32
    %scan3A_4 = arith.addi %scan3A_2, %scan3A_3 : i32
    %scan3A_5 = arith.constant 1 : i32
    scf.for %scan3A_220 = %scan3A_2 to %scan3A_4 step %scan3A_5  : i32 {
      %broadcast_in_dim3A = arith.constant 0.000000e+00 : f32
      %broadcast_in_dim3A_221 = vector.broadcast %broadcast_in_dim3A : f32 to vector<16xf32>
      %swap3A = arith.index_cast %scan3A_220 : i32 to index
      %swap3A_222 = arith.constant 0 : index
      %swap3A_223 = tpu.vector_load %arg8[%swap3A, %swap3A_222] {strides = array<i32>} : memref<512x16xf32, #tpu.memory_space<vmem>>, vector<16xf32>,
      tpu.vector_store %arg8[%swap3A, %swap3A_222], %broadcast_in_dim3A_221 {strides = array<i32>} : memref<512x16xf32, #tpu.memory_space<vmem>>, vector<16xf32>,
    }
    %scan3A_6 = arith.constant 400 : i32
    %sub3A = arith.constant 250 : i32
    %sub3A_7 = arith.subi %sub3A, %arg1 : i32
    %add3A_8 = arith.constant 15 : i32
    %add3A_9 = arith.addi %sub3A_7, %add3A_8 : i32
    %jit3A = arith.constant 16 : i32
    %div3A = arith.divsi %add3A_9, %jit3A : i32
    %sign3A = arith.constant 0 : i32
    %sign3A_10 = arith.cmpi sgt, %add3A_9, %sign3A : i32
    %sign3A_11 = arith.extui %sign3A_10 : i1 to i32
    %sign3A_12 = arith.constant 0 : i32
    %sign3A_13 = arith.cmpi slt, %add3A_9, %sign3A_12 : i32
    %sign3A_14 = arith.extui %sign3A_13 : i1 to i32
    %sign3A_15 = arith.subi %sign3A_11, %sign3A_14 : i32
    %sign3A_16 = arith.constant 0 : i32
    %sign3A_17 = arith.cmpi sgt, %jit3A, %sign3A_16 : i32
    %sign3A_18 = arith.extui %sign3A_17 : i1 to i32
    %sign3A_19 = arith.constant 0 : i32
    %sign3A_20 = arith.cmpi slt, %jit3A, %sign3A_19 : i32
    %sign3A_21 = arith.extui %sign3A_20 : i1 to i32
    %sign3A_22 = arith.subi %sign3A_18, %sign3A_21 : i32
    %ne3A = arith.cmpi ne, %sign3A_15, %sign3A_22 : i32
    %rem3A = arith.remsi %add3A_9, %jit3A : i32
    %ne3A_23 = arith.constant 0 : i32
    %ne3A_24 = arith.cmpi ne, %rem3A, %ne3A_23 : i32
    %and3A = arith.andi %ne3A, %ne3A_24 : i1
    %sub3A_25 = arith.constant 1 : i32
    %sub3A_26 = arith.subi %div3A, %sub3A_25 : i32
    %select_n3A = arith.select %and3A, %sub3A_26, %div3A : i32
    %while3A = arith.constant 0 : i32
    %while3A_27 = arith.constant 0 : i32
    %while3A_28 = arith.subi %select_n3A, %while3A_27 : i32
    %while3A_29 = arith.addi %while3A_27, %while3A_28 : i32
    %while3A_30 = arith.constant 1 : i32
    %while3A_31 = arith.divsi %while3A_28, %while3A_30 : i32
    %while3A_32 = arith.muli %while3A_31, %while3A_30 : i32
    %while3A_33 = arith.addi %while3A_27, %while3A_32 : i32
    %while3A_34 = arith.constant 1 : i32
    scf.for %while3A_220 = %while3A_27 to %while3A_33 step %while3A_34  : i32 {
      %mul3A_221 = arith.constant 16 : i32
      %mul3A_222 = arith.muli %while3A_220, %mul3A_221 : i32
      %add3A_223 = arith.addi %arg1, %mul3A_222 : i32
      %mul3A_224 = arith.constant 400 : i32
      %mul3A_225 = arith.muli %add3A_223, %mul3A_224 : i32
      %multiple_of3A_226 = tpu.assume_multiple %mul3A_225, 8 : i32
      "tpu.region"() ({
        %run_scoped3A = tpu.sem_alloc : memref<!tpu.dma_semaphore, #tpu.memory_space<semaphore_mem>>
        %dma_start3A_227 = arith.constant 0 : i32
        %dma_start3A_228 = arith.constant 0 : i32
        %dma_start3A_229 = tpu.memref_slice %arg8[%dma_start3A_227, %dma_start3A_228] : memref<512x16xf32, #tpu.memory_space<vmem>> -> memref<400x16xf32, #tpu.memory_space<vmem>>
        %dma_start3A_230 = arith.constant 0 : i32
        %dma_start3A_231 = tpu.memref_slice %arg7[%multiple_of3A_226, %dma_start3A_230] : memref<100000x16xf32, #tpu.memory_space<vmem_shared>> -> memref<400x16xf32, #tpu.memory_space<vmem_shared>>
        %dma_start3A_232 = arith.constant 0 : i32
        %dma_start3A_233 = tpu.memref_slice %arg7[%multiple_of3A_226, %dma_start3A_232] : memref<100000x16xf32, #tpu.memory_space<vmem_shared>> -> memref<400x16xf32, #tpu.memory_space<vmem_shared>>
        %dma_start3A_234 = arith.constant 0 : i32
        %dma_start3A_235 = arith.constant 0 : i32
        %dma_start3A_236 = tpu.memref_slice %arg8[%dma_start3A_234, %dma_start3A_235] : memref<512x16xf32, #tpu.memory_space<vmem>> -> memref<400x16xf32, #tpu.memory_space<vmem>>
        tpu.enqueue_dma source(%dma_start3A_236 : memref<400x16xf32, #tpu.memory_space<vmem>>) target(%dma_start3A_233 : memref<400x16xf32, #tpu.memory_space<vmem_shared>>) target_semaphore(%run_scoped3A : memref<!tpu.dma_semaphore, #tpu.memory_space<semaphore_mem>>)
        %dma_wait3A_237 = arith.constant 0 : i32
        %dma_wait3A_238 = arith.constant 0 : i32
        %dma_wait3A_239 = tpu.memref_slice %arg8[%dma_wait3A_237, %dma_wait3A_238] : memref<512x16xf32, #tpu.memory_space<vmem>> -> memref<400x16xf32, #tpu.memory_space<vmem>>
        %dma_wait3A_240 = arith.constant 0 : i32
        %dma_wait3A_241 = tpu.memref_slice %arg7[%multiple_of3A_226, %dma_wait3A_240] : memref<100000x16xf32, #tpu.memory_space<vmem_shared>> -> memref<400x16xf32, #tpu.memory_space<vmem_shared>>
        %dma_wait3A_242 = arith.constant 0 : i32
        %dma_wait3A_243 = tpu.memref_slice %arg7[%multiple_of3A_226, %dma_wait3A_242] : memref<100000x16xf32, #tpu.memory_space<vmem_shared>> -> memref<400x16xf32, #tpu.memory_space<vmem_shared>>
        %dma_wait3A_244 = arith.constant 0 : i32
        %dma_wait3A_245 = arith.constant 0 : i32
        %dma_wait3A_246 = tpu.memref_slice %arg8[%dma_wait3A_244, %dma_wait3A_245] : memref<512x16xf32, #tpu.memory_space<vmem>> -> memref<400x16xf32, #tpu.memory_space<vmem>>
        tpu.wait_dma2 semaphore(%run_scoped3A : memref<!tpu.dma_semaphore, #tpu.memory_space<semaphore_mem>>) src(%dma_wait3A_246 : memref<400x16xf32, #tpu.memory_space<vmem>>) dst(%dma_wait3A_243 : memref<400x16xf32, #tpu.memory_space<vmem_shared>>)
        tpu.yield
      }) : () -> ()
    }
    %while3A_35 = arith.constant 1 : i32
    scf.for %while3A_220 = %while3A_33 to %while3A_29 step %while3A_35  : i32 {
      %mul3A_221 = arith.constant 16 : i32
      %mul3A_222 = arith.muli %while3A_220, %mul3A_221 : i32
      %add3A_223 = arith.addi %arg1, %mul3A_222 : i32
      %mul3A_224 = arith.constant 400 : i32
      %mul3A_225 = arith.muli %add3A_223, %mul3A_224 : i32
      %multiple_of3A_226 = tpu.assume_multiple %mul3A_225, 8 : i32
      "tpu.region"() ({
        %run_scoped3A = tpu.sem_alloc : memref<!tpu.dma_semaphore, #tpu.memory_space<semaphore_mem>>
        %dma_start3A_227 = arith.constant 0 : i32
        %dma_start3A_228 = arith.constant 0 : i32
        %dma_start3A_229 = tpu.memref_slice %arg8[%dma_start3A_227, %dma_start3A_228] : memref<512x16xf32, #tpu.memory_space<vmem>> -> memref<400x16xf32, #tpu.memory_space<vmem>>
        %dma_start3A_230 = arith.constant 0 : i32
        %dma_start3A_231 = tpu.memref_slice %arg7[%multiple_of3A_226, %dma_start3A_230] : memref<100000x16xf32, #tpu.memory_space<vmem_shared>> -> memref<400x16xf32, #tpu.memory_space<vmem_shared>>
        %dma_start3A_232 = arith.constant 0 : i32
        %dma_start3A_233 = tpu.memref_slice %arg7[%multiple_of3A_226, %dma_start3A_232] : memref<100000x16xf32, #tpu.memory_space<vmem_shared>> -> memref<400x16xf32, #tpu.memory_space<vmem_shared>>
        %dma_start3A_234 = arith.constant 0 : i32
        %dma_start3A_235 = arith.constant 0 : i32
        %dma_start3A_236 = tpu.memref_slice %arg8[%dma_start3A_234, %dma_start3A_235] : memref<512x16xf32, #tpu.memory_space<vmem>> -> memref<400x16xf32, #tpu.memory_space<vmem>>
        tpu.enqueue_dma source(%dma_start3A_236 : memref<400x16xf32, #tpu.memory_space<vmem>>) target(%dma_start3A_233 : memref<400x16xf32, #tpu.memory_space<vmem_shared>>) target_semaphore(%run_scoped3A : memref<!tpu.dma_semaphore, #tpu.memory_space<semaphore_mem>>)
        %dma_wait3A_237 = arith.constant 0 : i32
        %dma_wait3A_238 = arith.constant 0 : i32
        %dma_wait3A_239 = tpu.memref_slice %arg8[%dma_wait3A_237, %dma_wait3A_238] : memref<512x16xf32, #tpu.memory_space<vmem>> -> memref<400x16xf32, #tpu.memory_space<vmem>>
        %dma_wait3A_240 = arith.constant 0 : i32
        %dma_wait3A_241 = tpu.memref_slice %arg7[%multiple_of3A_226, %dma_wait3A_240] : memref<100000x16xf32, #tpu.memory_space<vmem_shared>> -> memref<400x16xf32, #tpu.memory_space<vmem_shared>>
        %dma_wait3A_242 = arith.constant 0 : i32
        %dma_wait3A_243 = tpu.memref_slice %arg7[%multiple_of3A_226, %dma_wait3A_242] : memref<100000x16xf32, #tpu.memory_space<vmem_shared>> -> memref<400x16xf32, #tpu.memory_space<vmem_shared>>
        %dma_wait3A_244 = arith.constant 0 : i32
        %dma_wait3A_245 = arith.constant 0 : i32
        %dma_wait3A_246 = tpu.memref_slice %arg8[%dma_wait3A_244, %dma_wait3A_245] : memref<512x16xf32, #tpu.memory_space<vmem>> -> memref<400x16xf32, #tpu.memory_space<vmem>>
        tpu.wait_dma2 semaphore(%run_scoped3A : memref<!tpu.dma_semaphore, #tpu.memory_space<semaphore_mem>>) src(%dma_wait3A_246 : memref<400x16xf32, #tpu.memory_space<vmem>>) dst(%dma_wait3A_243 : memref<400x16xf32, #tpu.memory_space<vmem_shared>>)
        tpu.yield
      }) : () -> ()
    }
    %barrier3A = arith.constant 0 : index
    tpu.barrier barrier_id(%barrier3A)
    %sub3A_36 = arith.constant 6250 : i32
    %sub3A_37 = arith.subi %sub3A_36, %add3A : i32
    %add3A_38 = arith.constant 32 : i32
    %add3A_39 = arith.addi %sub3A_37, %add3A_38 : i32
    %sub3A_40 = arith.constant 1 : i32
    %sub3A_41 = arith.subi %add3A_39, %sub3A_40 : i32
    %jit3A_42 = arith.constant 32 : i32
    %div3A_43 = arith.divsi %sub3A_41, %jit3A_42 : i32
    %sign3A_44 = arith.constant 0 : i32
    %sign3A_45 = arith.cmpi sgt, %sub3A_41, %sign3A_44 : i32
    %sign3A_46 = arith.extui %sign3A_45 : i1 to i32
    %sign3A_47 = arith.constant 0 : i32
    %sign3A_48 = arith.cmpi slt, %sub3A_41, %sign3A_47 : i32
    %sign3A_49 = arith.extui %sign3A_48 : i1 to i32
    %sign3A_50 = arith.subi %sign3A_46, %sign3A_49 : i32
    %sign3A_51 = arith.constant 0 : i32
    %sign3A_52 = arith.cmpi sgt, %jit3A_42, %sign3A_51 : i32
    %sign3A_53 = arith.extui %sign3A_52 : i1 to i32
    %sign3A_54 = arith.constant 0 : i32
    %sign3A_55 = arith.cmpi slt, %jit3A_42, %sign3A_54 : i32
    %sign3A_56 = arith.extui %sign3A_55 : i1 to i32
    %sign3A_57 = arith.subi %sign3A_53, %sign3A_56 : i32
    %ne3A_58 = arith.cmpi ne, %sign3A_50, %sign3A_57 : i32
    %rem3A_59 = arith.remsi %sub3A_41, %jit3A_42 : i32
    %ne3A_60 = arith.constant 0 : i32
    %ne3A_61 = arith.cmpi ne, %rem3A_59, %ne3A_60 : i32
    %and3A_62 = arith.andi %ne3A_58, %ne3A_61 : i1
    %sub3A_63 = arith.constant 1 : i32
    %sub3A_64 = arith.subi %div3A_43, %sub3A_63 : i32
    %select_n3A_65 = arith.select %and3A_62, %sub3A_64, %div3A_43 : i32
    %iota3A = tpu.iota {dimensions = array<i32: 0>} : vector<16xi32>
    %add3A_66 = arith.constant 0 : i32
    %add3A_67 = arith.addi %add3A, %add3A_66 : i32
    %mul3A_68 = arith.constant 512 : i32
    %mul3A_69 = arith.muli %add3A_67, %mul3A_68 : i32
    %multiple_of3A = tpu.assume_multiple %mul3A_69, 8 : i32
    %mul3A_70 = arith.constant 4 : i32
    %mul3A_71 = arith.muli %add3A_67, %mul3A_70 : i32
    %dma_start3A = arith.constant 0 : i32
    %dma_start3A_72 = arith.constant 0 : i32
    %dma_start3A_73 = arith.constant 0 : i32
    %dma_start3A_74 = arith.constant 0 : i32
    %dma_start3A_75 = arith.constant 0 : i32
    %dma_start3A_76 = tpu.memref_slice %arg9[%dma_start3A, %dma_start3A_72, %dma_start3A_73, %dma_start3A_74, %dma_start3A_75] : memref<2x2x4x8x128xf32, #tpu.memory_space<vmem>> -> memref<1x2x4x8x128xf32, #tpu.memory_space<vmem>>
    %dma_start3A_77 = tpu.memref_squeeze %dma_start3A_76 : memref<1x2x4x8x128xf32, #tpu.memory_space<vmem>> -> memref<2x4x8x128xf32, #tpu.memory_space<vmem>>
    %dma_start3A_78 = arith.constant 0 : i32
    %dma_start3A_79 = arith.constant 0 : i32
    %dma_start3A_80 = arith.constant 0 : i32
    %dma_start3A_81 = tpu.memref_slice %arg2[%dma_start3A_78, %mul3A_71, %dma_start3A_79, %dma_start3A_80] : memref<2x25000x8x128xf32, #tpu.memory_space<hbm>> -> memref<2x4x8x128xf32, #tpu.memory_space<hbm>>
    %dma_start3A_82 = arith.constant 0 : i32
    %dma_start3A_83 = arith.constant 0 : i32
    %dma_start3A_84 = arith.constant 0 : i32
    %dma_start3A_85 = arith.constant 0 : i32
    %dma_start3A_86 = tpu.memref_slice %arg9[%dma_start3A, %dma_start3A_82, %dma_start3A_83, %dma_start3A_84, %dma_start3A_85] : memref<2x2x4x8x128xf32, #tpu.memory_space<vmem>> -> memref<1x2x4x8x128xf32, #tpu.memory_space<vmem>>
    %dma_start3A_87 = tpu.memref_squeeze %dma_start3A_86 : memref<1x2x4x8x128xf32, #tpu.memory_space<vmem>> -> memref<2x4x8x128xf32, #tpu.memory_space<vmem>>
    %dma_start3A_88 = arith.constant 0 : i32
    %dma_start3A_89 = arith.constant 0 : i32
    %dma_start3A_90 = arith.constant 0 : i32
    %dma_start3A_91 = tpu.memref_slice %arg2[%dma_start3A_88, %mul3A_71, %dma_start3A_89, %dma_start3A_90] : memref<2x25000x8x128xf32, #tpu.memory_space<hbm>> -> memref<2x4x8x128xf32, #tpu.memory_space<hbm>>
    tpu.enqueue_dma source(%dma_start3A_91 : memref<2x4x8x128xf32, #tpu.memory_space<hbm>>) target(%dma_start3A_87 : memref<2x4x8x128xf32, #tpu.memory_space<vmem>>) target_semaphore(%arg13 : memref<!tpu.dma_semaphore, #tpu.memory_space<semaphore_mem>>)
    %dma_start3A_92 = arith.constant 0 : i32
    %dma_start3A_93 = arith.constant 0 : i32
    %dma_start3A_94 = tpu.memref_slice %arg10[%dma_start3A_92, %dma_start3A_93] : memref<2x512xf32, #tpu.memory_space<vmem>> -> memref<1x512xf32, #tpu.memory_space<vmem>>
    %dma_start3A_95 = tpu.memref_squeeze %dma_start3A_94 : memref<1x512xf32, #tpu.memory_space<vmem>> -> memref<512xf32, #tpu.memory_space<vmem>>
    %dma_start3A_96 = tpu.memref_slice %arg3[%multiple_of3A] : memref<3200000xf32, #tpu.memory_space<hbm>> -> memref<512xf32, #tpu.memory_space<hbm>>
    %dma_start3A_97 = arith.constant 0 : i32
    %dma_start3A_98 = tpu.memref_slice %arg10[%dma_start3A_92, %dma_start3A_97] : memref<2x512xf32, #tpu.memory_space<vmem>> -> memref<1x512xf32, #tpu.memory_space<vmem>>
    %dma_start3A_99 = tpu.memref_squeeze %dma_start3A_98 : memref<1x512xf32, #tpu.memory_space<vmem>> -> memref<512xf32, #tpu.memory_space<vmem>>
    %dma_start3A_100 = tpu.memref_slice %arg3[%multiple_of3A] : memref<3200000xf32, #tpu.memory_space<hbm>> -> memref<512xf32, #tpu.memory_space<hbm>>
    tpu.enqueue_dma source(%dma_start3A_100 : memref<512xf32, #tpu.memory_space<hbm>>) target(%dma_start3A_99 : memref<512xf32, #tpu.memory_space<vmem>>) target_semaphore(%arg13 : memref<!tpu.dma_semaphore, #tpu.memory_space<semaphore_mem>>)
    %dma_start3A_101 = arith.constant 0 : i32
    %dma_start3A_102 = arith.constant 0 : i32
    %dma_start3A_103 = arith.constant 0 : i32
    %dma_start3A_104 = tpu.memref_slice %arg11[%dma_start3A_101, %dma_start3A_102, %dma_start3A_103] : memref<2x4x128xi32, #tpu.memory_space<vmem>> -> memref<1x4x128xi32, #tpu.memory_space<vmem>>
    %dma_start3A_105 = tpu.memref_squeeze %dma_start3A_104 : memref<1x4x128xi32, #tpu.memory_space<vmem>> -> memref<4x128xi32, #tpu.memory_space<vmem>>
    %dma_start3A_106 = arith.constant 0 : i32
    %dma_start3A_107 = arith.constant 0 : i32
    %dma_start3A_108 = tpu.memref_slice %arg4[%add3A_67, %dma_start3A_106, %dma_start3A_107] : memref<6250x4x128xi32, #tpu.memory_space<hbm>> -> memref<1x4x128xi32, #tpu.memory_space<hbm>>
    %dma_start3A_109 = tpu.memref_squeeze %dma_start3A_108 : memref<1x4x128xi32, #tpu.memory_space<hbm>> -> memref<4x128xi32, #tpu.memory_space<hbm>>
    %dma_start3A_110 = arith.constant 0 : i32
    %dma_start3A_111 = arith.constant 0 : i32
    %dma_start3A_112 = tpu.memref_slice %arg11[%dma_start3A_101, %dma_start3A_110, %dma_start3A_111] : memref<2x4x128xi32, #tpu.memory_space<vmem>> -> memref<1x4x128xi32, #tpu.memory_space<vmem>>
    %dma_start3A_113 = tpu.memref_squeeze %dma_start3A_112 : memref<1x4x128xi32, #tpu.memory_space<vmem>> -> memref<4x128xi32, #tpu.memory_space<vmem>>
    %dma_start3A_114 = arith.constant 0 : i32
    %dma_start3A_115 = arith.constant 0 : i32
    %dma_start3A_116 = tpu.memref_slice %arg4[%add3A_67, %dma_start3A_114, %dma_start3A_115] : memref<6250x4x128xi32, #tpu.memory_space<hbm>> -> memref<1x4x128xi32, #tpu.memory_space<hbm>>
    %dma_start3A_117 = tpu.memref_squeeze %dma_start3A_116 : memref<1x4x128xi32, #tpu.memory_space<hbm>> -> memref<4x128xi32, #tpu.memory_space<hbm>>
    tpu.enqueue_dma source(%dma_start3A_117 : memref<4x128xi32, #tpu.memory_space<hbm>>) target(%dma_start3A_113 : memref<4x128xi32, #tpu.memory_space<vmem>>) target_semaphore(%arg13 : memref<!tpu.dma_semaphore, #tpu.memory_space<semaphore_mem>>)
    %add3A_118 = arith.constant 1 : i32
    %add3A_119 = arith.addi %select_n3A_65, %add3A_118 : i32
    %jit3A_120 = arith.constant 2 : i32
    %div3A_121 = arith.divsi %add3A_119, %jit3A_120 : i32
    %sign3A_122 = arith.constant 0 : i32
    %sign3A_123 = arith.cmpi sgt, %add3A_119, %sign3A_122 : i32
    %sign3A_124 = arith.extui %sign3A_123 : i1 to i32
    %sign3A_125 = arith.constant 0 : i32
    %sign3A_126 = arith.cmpi slt, %add3A_119, %sign3A_125 : i32
    %sign3A_127 = arith.extui %sign3A_126 : i1 to i32
    %sign3A_128 = arith.subi %sign3A_124, %sign3A_127 : i32
    %sign3A_129 = arith.constant 0 : i32
    %sign3A_130 = arith.cmpi sgt, %jit3A_120, %sign3A_129 : i32
    %sign3A_131 = arith.extui %sign3A_130 : i1 to i32
    %sign3A_132 = arith.constant 0 : i32
    %sign3A_133 = arith.cmpi slt, %jit3A_120, %sign3A_132 : i32
    %sign3A_134 = arith.extui %sign3A_133 : i1 to i32
    %sign3A_135 = arith.subi %sign3A_131, %sign3A_134 : i32
    %ne3A_136 = arith.cmpi ne, %sign3A_128, %sign3A_135 : i32
    %rem3A_137 = arith.remsi %add3A_119, %jit3A_120 : i32
    %ne3A_138 = arith.constant 0 : i32
    %ne3A_139 = arith.cmpi ne, %rem3A_137, %ne3A_138 : i32
    %and3A_140 = arith.andi %ne3A_136, %ne3A_139 : i1
    %sub3A_141 = arith.constant 1 : i32
    %sub3A_142 = arith.subi %div3A_121, %sub3A_141 : i32
    %select_n3A_143 = arith.select %and3A_140, %sub3A_142, %div3A_121 : i32
    %while3A_144 = arith.constant 0 : i32
    %while3A_145 = arith.constant 0 : i32
    %while3A_146 = arith.subi %select_n3A_143, %while3A_145 : i32
    %while3A_147 = arith.addi %while3A_145, %while3A_146 : i32
    %while3A_148 = arith.constant 1 : i32
    %while3A_149 = arith.divsi %while3A_146, %while3A_148 : i32
    %while3A_150 = arith.muli %while3A_149, %while3A_148 : i32
    %while3A_151 = arith.addi %while3A_145, %while3A_150 : i32
    %while3A_152 = arith.constant 1 : i32
    scf.for %while3A_220 = %while3A_145 to %while3A_151 step %while3A_152  : i32 {
      %mul3A_221 = arith.constant 2 : i32
      %mul3A_222 = arith.muli %mul3A_221, %while3A_220 : i32
      %add3A_223 = arith.constant 0 : i32
      %add3A_224 = arith.addi %mul3A_222, %add3A_223 : i32
      %lt3A_225 = arith.cmpi slt, %add3A_224, %select_n3A_65 : i32
      %convert_element_type3A = arith.extui %lt3A_225 : i1 to i32
      %cond3A = arith.constant 0 : i32
      %cond3A_226 = arith.cmpi ne, %convert_element_type3A, %cond3A : i32
      scf.if %cond3A_226 {
        %mul3A_235 = arith.constant 32 : i32
        %mul3A_236 = arith.muli %add3A_224, %mul3A_235 : i32
        %add3A_237 = arith.addi %add3A, %mul3A_236 : i32
        %mul3A_238 = arith.constant 512 : i32
        %mul3A_239 = arith.muli %add3A_237, %mul3A_238 : i32
        %multiple_of3A_240 = tpu.assume_multiple %mul3A_239, 8 : i32
        %mul3A_241 = arith.constant 4 : i32
        %mul3A_242 = arith.muli %add3A_237, %mul3A_241 : i32
        %dma_wait3A_243 = arith.constant 0 : i32
        %dma_wait3A_244 = arith.constant 0 : i32
        %dma_wait3A_245 = arith.constant 0 : i32
        %dma_wait3A_246 = arith.constant 0 : i32
        %dma_wait3A_247 = arith.constant 0 : i32
        %dma_wait3A_248 = tpu.memref_slice %arg9[%dma_wait3A_243, %dma_wait3A_244, %dma_wait3A_245, %dma_wait3A_246, %dma_wait3A_247] : memref<2x2x4x8x128xf32, #tpu.memory_space<vmem>> -> memref<1x2x4x8x128xf32, #tpu.memory_space<vmem>>
        %dma_wait3A_249 = tpu.memref_squeeze %dma_wait3A_248 : memref<1x2x4x8x128xf32, #tpu.memory_space<vmem>> -> memref<2x4x8x128xf32, #tpu.memory_space<vmem>>
        %dma_wait3A_250 = arith.constant 0 : i32
        %dma_wait3A_251 = arith.constant 0 : i32
        %dma_wait3A_252 = arith.constant 0 : i32
        %dma_wait3A_253 = tpu.memref_slice %arg2[%dma_wait3A_250, %mul3A_242, %dma_wait3A_251, %dma_wait3A_252] : memref<2x25000x8x128xf32, #tpu.memory_space<hbm>> -> memref<2x4x8x128xf32, #tpu.memory_space<hbm>>
        %dma_wait3A_254 = arith.constant 0 : i32
        %dma_wait3A_255 = arith.constant 0 : i32
        %dma_wait3A_256 = arith.constant 0 : i32
        %dma_wait3A_257 = arith.constant 0 : i32
        %dma_wait3A_258 = tpu.memref_slice %arg9[%dma_wait3A_243, %dma_wait3A_254, %dma_wait3A_255, %dma_wait3A_256, %dma_wait3A_257] : memref<2x2x4x8x128xf32, #tpu.memory_space<vmem>> -> memref<1x2x4x8x128xf32, #tpu.memory_space<vmem>>
        %dma_wait3A_259 = tpu.memref_squeeze %dma_wait3A_258 : memref<1x2x4x8x128xf32, #tpu.memory_space<vmem>> -> memref<2x4x8x128xf32, #tpu.memory_space<vmem>>
        %dma_wait3A_260 = arith.constant 0 : i32
        %dma_wait3A_261 = arith.constant 0 : i32
        %dma_wait3A_262 = arith.constant 0 : i32
        %dma_wait3A_263 = tpu.memref_slice %arg2[%dma_wait3A_260, %mul3A_242, %dma_wait3A_261, %dma_wait3A_262] : memref<2x25000x8x128xf32, #tpu.memory_space<hbm>> -> memref<2x4x8x128xf32, #tpu.memory_space<hbm>>
        tpu.wait_dma2 semaphore(%arg13 : memref<!tpu.dma_semaphore, #tpu.memory_space<semaphore_mem>>) src(%dma_wait3A_263 : memref<2x4x8x128xf32, #tpu.memory_space<hbm>>) dst(%dma_wait3A_259 : memref<2x4x8x128xf32, #tpu.memory_space<vmem>>)
        %dma_wait3A_264 = arith.constant 0 : i32
        %dma_wait3A_265 = arith.constant 0 : i32
        %dma_wait3A_266 = tpu.memref_slice %arg10[%dma_wait3A_264, %dma_wait3A_265] : memref<2x512xf32, #tpu.memory_space<vmem>> -> memref<1x512xf32, #tpu.memory_space<vmem>>
        %dma_wait3A_267 = tpu.memref_squeeze %dma_wait3A_266 : memref<1x512xf32, #tpu.memory_space<vmem>> -> memref<512xf32, #tpu.memory_space<vmem>>
        %dma_wait3A_268 = tpu.memref_slice %arg3[%multiple_of3A_240] : memref<3200000xf32, #tpu.memory_space<hbm>> -> memref<512xf32, #tpu.memory_space<hbm>>
        %dma_wait3A_269 = arith.constant 0 : i32
        %dma_wait3A_270 = tpu.memref_slice %arg10[%dma_wait3A_264, %dma_wait3A_269] : memref<2x512xf32, #tpu.memory_space<vmem>> -> memref<1x512xf32, #tpu.memory_space<vmem>>
        %dma_wait3A_271 = tpu.memref_squeeze %dma_wait3A_270 : memref<1x512xf32, #tpu.memory_space<vmem>> -> memref<512xf32, #tpu.memory_space<vmem>>
        %dma_wait3A_272 = tpu.memref_slice %arg3[%multiple_of3A_240] : memref<3200000xf32, #tpu.memory_space<hbm>> -> memref<512xf32, #tpu.memory_space<hbm>>
        tpu.wait_dma2 semaphore(%arg13 : memref<!tpu.dma_semaphore, #tpu.memory_space<semaphore_mem>>) src(%dma_wait3A_272 : memref<512xf32, #tpu.memory_space<hbm>>) dst(%dma_wait3A_271 : memref<512xf32, #tpu.memory_space<vmem>>)
        %dma_wait3A_273 = arith.constant 0 : i32
        %dma_wait3A_274 = arith.constant 0 : i32
        %dma_wait3A_275 = arith.constant 0 : i32
        %dma_wait3A_276 = tpu.memref_slice %arg11[%dma_wait3A_273, %dma_wait3A_274, %dma_wait3A_275] : memref<2x4x128xi32, #tpu.memory_space<vmem>> -> memref<1x4x128xi32, #tpu.memory_space<vmem>>
        %dma_wait3A_277 = tpu.memref_squeeze %dma_wait3A_276 : memref<1x4x128xi32, #tpu.memory_space<vmem>> -> memref<4x128xi32, #tpu.memory_space<vmem>>
        %dma_wait3A_278 = arith.constant 0 : i32
        %dma_wait3A_279 = arith.constant 0 : i32
        %dma_wait3A_280 = tpu.memref_slice %arg4[%add3A_237, %dma_wait3A_278, %dma_wait3A_279] : memref<6250x4x128xi32, #tpu.memory_space<hbm>> -> memref<1x4x128xi32, #tpu.memory_space<hbm>>
        %dma_wait3A_281 = tpu.memref_squeeze %dma_wait3A_280 : memref<1x4x128xi32, #tpu.memory_space<hbm>> -> memref<4x128xi32, #tpu.memory_space<hbm>>
        %dma_wait3A_282 = arith.constant 0 : i32
        %dma_wait3A_283 = arith.constant 0 : i32
        %dma_wait3A_284 = tpu.memref_slice %arg11[%dma_wait3A_273, %dma_wait3A_282, %dma_wait3A_283] : memref<2x4x128xi32, #tpu.memory_space<vmem>> -> memref<1x4x128xi32, #tpu.memory_space<vmem>>
        %dma_wait3A_285 = tpu.memref_squeeze %dma_wait3A_284 : memref<1x4x128xi32, #tpu.memory_space<vmem>> -> memref<4x128xi32, #tpu.memory_space<vmem>>
        %dma_wait3A_286 = arith.constant 0 : i32
        %dma_wait3A_287 = arith.constant 0 : i32
        %dma_wait3A_288 = tpu.memref_slice %arg4[%add3A_237, %dma_wait3A_286, %dma_wait3A_287] : memref<6250x4x128xi32, #tpu.memory_space<hbm>> -> memref<1x4x128xi32, #tpu.memory_space<hbm>>
        %dma_wait3A_289 = tpu.memref_squeeze %dma_wait3A_288 : memref<1x4x128xi32, #tpu.memory_space<hbm>> -> memref<4x128xi32, #tpu.memory_space<hbm>>
        tpu.wait_dma2 semaphore(%arg13 : memref<!tpu.dma_semaphore, #tpu.memory_space<semaphore_mem>>) src(%dma_wait3A_289 : memref<4x128xi32, #tpu.memory_space<hbm>>) dst(%dma_wait3A_285 : memref<4x128xi32, #tpu.memory_space<vmem>>)
        %gt3A = arith.constant 0 : i32
        %gt3A_290 = arith.cmpi sgt, %add3A_224, %gt3A : i32
        %convert_element_type3A_291 = arith.extui %gt3A_290 : i1 to i32
        %cond3A_292 = arith.constant 0 : i32
        %cond3A_293 = arith.cmpi ne, %convert_element_type3A_291, %cond3A_292 : i32
        scf.if %cond3A_293 {
          %dma_wait3A_565 = arith.constant 1 : i32
          %dma_wait3A_566 = arith.constant 0 : i32
          %dma_wait3A_567 = arith.constant 0 : i32
          %dma_wait3A_568 = arith.constant 0 : i32
          %dma_wait3A_569 = tpu.memref_slice %arg8[%dma_wait3A_567, %dma_wait3A_568] : memref<512x16xf32, #tpu.memory_space<vmem>> -> memref<128x16xf32, #tpu.memory_space<vmem>>
          %dma_wait3A_570 = arith.constant 0 : i32
          %dma_wait3A_571 = tpu.memref_slice %arg11[%dma_wait3A_565, %dma_wait3A_566, %dma_wait3A_570] : memref<2x4x128xi32, #tpu.memory_space<vmem>> -> memref<1x1x128xi32, #tpu.memory_space<vmem>>
          %dma_wait3A_572 = tpu.memref_squeeze %dma_wait3A_571 : memref<1x1x128xi32, #tpu.memory_space<vmem>> -> memref<128xi32, #tpu.memory_space<vmem>>
          %dma_wait3A_573 = arith.constant 0 : i32
          %dma_wait3A_574 = arith.constant 0 : i32
          %dma_wait3A_575 = tpu.memref_slice %arg7[%dma_wait3A_573, %dma_wait3A_574] : memref<100000x16xf32, #tpu.memory_space<vmem_shared>> -> memref<100000x16xf32, #tpu.memory_space<vmem_shared>>
          tpu.wait_indirect_dma semaphore(%arg15 : memref<!tpu.dma_semaphore, #tpu.memory_space<semaphore_mem>>) src(%dma_wait3A_569 : memref<128x16xf32, #tpu.memory_space<vmem>>) dst(%dma_wait3A_575 : memref<100000x16xf32, #tpu.memory_space<vmem_shared>>)
          %dma_wait3A_576 = arith.constant 1 : i32
          %dma_wait3A_577 = arith.constant 1 : i32
          %dma_wait3A_578 = arith.constant 128 : i32
          %dma_wait3A_579 = arith.constant 0 : i32
          %dma_wait3A_580 = tpu.memref_slice %arg8[%dma_wait3A_578, %dma_wait3A_579] : memref<512x16xf32, #tpu.memory_space<vmem>> -> memref<128x16xf32, #tpu.memory_space<vmem>>
          %dma_wait3A_581 = arith.constant 0 : i32
          %dma_wait3A_582 = tpu.memref_slice %arg11[%dma_wait3A_576, %dma_wait3A_577, %dma_wait3A_581] : memref<2x4x128xi32, #tpu.memory_space<vmem>> -> memref<1x1x128xi32, #tpu.memory_space<vmem>>
          %dma_wait3A_583 = tpu.memref_squeeze %dma_wait3A_582 : memref<1x1x128xi32, #tpu.memory_space<vmem>> -> memref<128xi32, #tpu.memory_space<vmem>>
          %dma_wait3A_584 = arith.constant 0 : i32
          %dma_wait3A_585 = arith.constant 0 : i32
          %dma_wait3A_586 = tpu.memref_slice %arg7[%dma_wait3A_584, %dma_wait3A_585] : memref<100000x16xf32, #tpu.memory_space<vmem_shared>> -> memref<100000x16xf32, #tpu.memory_space<vmem_shared>>
          tpu.wait_indirect_dma semaphore(%arg15 : memref<!tpu.dma_semaphore, #tpu.memory_space<semaphore_mem>>) src(%dma_wait3A_580 : memref<128x16xf32, #tpu.memory_space<vmem>>) dst(%dma_wait3A_586 : memref<100000x16xf32, #tpu.memory_space<vmem_shared>>)
          %dma_wait3A_587 = arith.constant 1 : i32
          %dma_wait3A_588 = arith.constant 2 : i32
          %dma_wait3A_589 = arith.constant 256 : i32
          %dma_wait3A_590 = arith.constant 0 : i32
          %dma_wait3A_591 = tpu.memref_slice %arg8[%dma_wait3A_589, %dma_wait3A_590] : memref<512x16xf32, #tpu.memory_space<vmem>> -> memref<128x16xf32, #tpu.memory_space<vmem>>
          %dma_wait3A_592 = arith.constant 0 : i32
          %dma_wait3A_593 = tpu.memref_slice %arg11[%dma_wait3A_587, %dma_wait3A_588, %dma_wait3A_592] : memref<2x4x128xi32, #tpu.memory_space<vmem>> -> memref<1x1x128xi32, #tpu.memory_space<vmem>>
          %dma_wait3A_594 = tpu.memref_squeeze %dma_wait3A_593 : memref<1x1x128xi32, #tpu.memory_space<vmem>> -> memref<128xi32, #tpu.memory_space<vmem>>
          %dma_wait3A_595 = arith.constant 0 : i32
          %dma_wait3A_596 = arith.constant 0 : i32
          %dma_wait3A_597 = tpu.memref_slice %arg7[%dma_wait3A_595, %dma_wait3A_596] : memref<100000x16xf32, #tpu.memory_space<vmem_shared>> -> memref<100000x16xf32, #tpu.memory_space<vmem_shared>>
          tpu.wait_indirect_dma semaphore(%arg15 : memref<!tpu.dma_semaphore, #tpu.memory_space<semaphore_mem>>) src(%dma_wait3A_591 : memref<128x16xf32, #tpu.memory_space<vmem>>) dst(%dma_wait3A_597 : memref<100000x16xf32, #tpu.memory_space<vmem_shared>>)
          %dma_wait3A_598 = arith.constant 1 : i32
          %dma_wait3A_599 = arith.constant 3 : i32
          %dma_wait3A_600 = arith.constant 384 : i32
          %dma_wait3A_601 = arith.constant 0 : i32
          %dma_wait3A_602 = tpu.memref_slice %arg8[%dma_wait3A_600, %dma_wait3A_601] : memref<512x16xf32, #tpu.memory_space<vmem>> -> memref<128x16xf32, #tpu.memory_space<vmem>>
          %dma_wait3A_603 = arith.constant 0 : i32
          %dma_wait3A_604 = tpu.memref_slice %arg11[%dma_wait3A_598, %dma_wait3A_599, %dma_wait3A_603] : memref<2x4x128xi32, #tpu.memory_space<vmem>> -> memref<1x1x128xi32, #tpu.memory_space<vmem>>
          %dma_wait3A_605 = tpu.memref_squeeze %dma_wait3A_604 : memref<1x1x128xi32, #tpu.memory_space<vmem>> -> memref<128xi32, #tpu.memory_space<vmem>>
          %dma_wait3A_606 = arith.constant 0 : i32
          %dma_wait3A_607 = arith.constant 0 : i32
          %dma_wait3A_608 = tpu.memref_slice %arg7[%dma_wait3A_606, %dma_wait3A_607] : memref<100000x16xf32, #tpu.memory_space<vmem_shared>> -> memref<100000x16xf32, #tpu.memory_space<vmem_shared>>
          tpu.wait_indirect_dma semaphore(%arg15 : memref<!tpu.dma_semaphore, #tpu.memory_space<semaphore_mem>>) src(%dma_wait3A_602 : memref<128x16xf32, #tpu.memory_space<vmem>>) dst(%dma_wait3A_608 : memref<100000x16xf32, #tpu.memory_space<vmem_shared>>)
        } else {
        }
        %add3A_294 = arith.constant 1 : i32
        %add3A_295 = arith.addi %add3A_224, %add3A_294 : i32
        %lt3A_296 = arith.cmpi slt, %add3A_295, %select_n3A_65 : i32
        %convert_element_type3A_297 = arith.extui %lt3A_296 : i1 to i32
        %cond3A_298 = arith.constant 0 : i32
        %cond3A_299 = arith.cmpi ne, %convert_element_type3A_297, %cond3A_298 : i32
        scf.if %cond3A_299 {
          %add3A_565 = arith.constant 1 : i32
          %add3A_566 = arith.addi %add3A_224, %add3A_565 : i32
          %mul3A_567 = arith.constant 32 : i32
          %mul3A_568 = arith.muli %add3A_566, %mul3A_567 : i32
          %add3A_569 = arith.addi %add3A, %mul3A_568 : i32
          %mul3A_570 = arith.constant 512 : i32
          %mul3A_571 = arith.muli %add3A_569, %mul3A_570 : i32
          %multiple_of3A_572 = tpu.assume_multiple %mul3A_571, 8 : i32
          %mul3A_573 = arith.constant 4 : i32
          %mul3A_574 = arith.muli %add3A_569, %mul3A_573 : i32
          %dma_start3A_575 = arith.constant 1 : i32
          %dma_start3A_576 = arith.constant 0 : i32
          %dma_start3A_577 = arith.constant 0 : i32
          %dma_start3A_578 = arith.constant 0 : i32
          %dma_start3A_579 = arith.constant 0 : i32
          %dma_start3A_580 = tpu.memref_slice %arg9[%dma_start3A_575, %dma_start3A_576, %dma_start3A_577, %dma_start3A_578, %dma_start3A_579] : memref<2x2x4x8x128xf32, #tpu.memory_space<vmem>> -> memref<1x2x4x8x128xf32, #tpu.memory_space<vmem>>
          %dma_start3A_581 = tpu.memref_squeeze %dma_start3A_580 : memref<1x2x4x8x128xf32, #tpu.memory_space<vmem>> -> memref<2x4x8x128xf32, #tpu.memory_space<vmem>>
          %dma_start3A_582 = arith.constant 0 : i32
          %dma_start3A_583 = arith.constant 0 : i32
          %dma_start3A_584 = arith.constant 0 : i32
          %dma_start3A_585 = tpu.memref_slice %arg2[%dma_start3A_582, %mul3A_574, %dma_start3A_583, %dma_start3A_584] : memref<2x25000x8x128xf32, #tpu.memory_space<hbm>> -> memref<2x4x8x128xf32, #tpu.memory_space<hbm>>
          %dma_start3A_586 = arith.constant 0 : i32
          %dma_start3A_587 = arith.constant 0 : i32
          %dma_start3A_588 = arith.constant 0 : i32
          %dma_start3A_589 = arith.constant 0 : i32
          %dma_start3A_590 = tpu.memref_slice %arg9[%dma_start3A_575, %dma_start3A_586, %dma_start3A_587, %dma_start3A_588, %dma_start3A_589] : memref<2x2x4x8x128xf32, #tpu.memory_space<vmem>> -> memref<1x2x4x8x128xf32, #tpu.memory_space<vmem>>
          %dma_start3A_591 = tpu.memref_squeeze %dma_start3A_590 : memref<1x2x4x8x128xf32, #tpu.memory_space<vmem>> -> memref<2x4x8x128xf32, #tpu.memory_space<vmem>>
          %dma_start3A_592 = arith.constant 0 : i32
          %dma_start3A_593 = arith.constant 0 : i32
          %dma_start3A_594 = arith.constant 0 : i32
          %dma_start3A_595 = tpu.memref_slice %arg2[%dma_start3A_592, %mul3A_574, %dma_start3A_593, %dma_start3A_594] : memref<2x25000x8x128xf32, #tpu.memory_space<hbm>> -> memref<2x4x8x128xf32, #tpu.memory_space<hbm>>
          tpu.enqueue_dma source(%dma_start3A_595 : memref<2x4x8x128xf32, #tpu.memory_space<hbm>>) target(%dma_start3A_591 : memref<2x4x8x128xf32, #tpu.memory_space<vmem>>) target_semaphore(%arg14 : memref<!tpu.dma_semaphore, #tpu.memory_space<semaphore_mem>>)
          %dma_start3A_596 = arith.constant 1 : i32
          %dma_start3A_597 = arith.constant 0 : i32
          %dma_start3A_598 = tpu.memref_slice %arg10[%dma_start3A_596, %dma_start3A_597] : memref<2x512xf32, #tpu.memory_space<vmem>> -> memref<1x512xf32, #tpu.memory_space<vmem>>
          %dma_start3A_599 = tpu.memref_squeeze %dma_start3A_598 : memref<1x512xf32, #tpu.memory_space<vmem>> -> memref<512xf32, #tpu.memory_space<vmem>>
          %dma_start3A_600 = tpu.memref_slice %arg3[%multiple_of3A_572] : memref<3200000xf32, #tpu.memory_space<hbm>> -> memref<512xf32, #tpu.memory_space<hbm>>
          %dma_start3A_601 = arith.constant 0 : i32
          %dma_start3A_602 = tpu.memref_slice %arg10[%dma_start3A_596, %dma_start3A_601] : memref<2x512xf32, #tpu.memory_space<vmem>> -> memref<1x512xf32, #tpu.memory_space<vmem>>
          %dma_start3A_603 = tpu.memref_squeeze %dma_start3A_602 : memref<1x512xf32, #tpu.memory_space<vmem>> -> memref<512xf32, #tpu.memory_space<vmem>>
          %dma_start3A_604 = tpu.memref_slice %arg3[%multiple_of3A_572] : memref<3200000xf32, #tpu.memory_space<hbm>> -> memref<512xf32, #tpu.memory_space<hbm>>
          tpu.enqueue_dma source(%dma_start3A_604 : memref<512xf32, #tpu.memory_space<hbm>>) target(%dma_start3A_603 : memref<512xf32, #tpu.memory_space<vmem>>) target_semaphore(%arg14 : memref<!tpu.dma_semaphore, #tpu.memory_space<semaphore_mem>>)
          %dma_start3A_605 = arith.constant 1 : i32
          %dma_start3A_606 = arith.constant 0 : i32
          %dma_start3A_607 = arith.constant 0 : i32
          %dma_start3A_608 = tpu.memref_slice %arg11[%dma_start3A_605, %dma_start3A_606, %dma_start3A_607] : memref<2x4x128xi32, #tpu.memory_space<vmem>> -> memref<1x4x128xi32, #tpu.memory_space<vmem>>
          %dma_start3A_609 = tpu.memref_squeeze %dma_start3A_608 : memref<1x4x128xi32, #tpu.memory_space<vmem>> -> memref<4x128xi32, #tpu.memory_space<vmem>>
          %dma_start3A_610 = arith.constant 0 : i32
          %dma_start3A_611 = arith.constant 0 : i32
          %dma_start3A_612 = tpu.memref_slice %arg4[%add3A_569, %dma_start3A_610, %dma_start3A_611] : memref<6250x4x128xi32, #tpu.memory_space<hbm>> -> memref<1x4x128xi32, #tpu.memory_space<hbm>>
          %dma_start3A_613 = tpu.memref_squeeze %dma_start3A_612 : memref<1x4x128xi32, #tpu.memory_space<hbm>> -> memref<4x128xi32, #tpu.memory_space<hbm>>
          %dma_start3A_614 = arith.constant 0 : i32
          %dma_start3A_615 = arith.constant 0 : i32
          %dma_start3A_616 = tpu.memref_slice %arg11[%dma_start3A_605, %dma_start3A_614, %dma_start3A_615] : memref<2x4x128xi32, #tpu.memory_space<vmem>> -> memref<1x4x128xi32, #tpu.memory_space<vmem>>
          %dma_start3A_617 = tpu.memref_squeeze %dma_start3A_616 : memref<1x4x128xi32, #tpu.memory_space<vmem>> -> memref<4x128xi32, #tpu.memory_space<vmem>>
          %dma_start3A_618 = arith.constant 0 : i32
          %dma_start3A_619 = arith.constant 0 : i32
          %dma_start3A_620 = tpu.memref_slice %arg4[%add3A_569, %dma_start3A_618, %dma_start3A_619] : memref<6250x4x128xi32, #tpu.memory_space<hbm>> -> memref<1x4x128xi32, #tpu.memory_space<hbm>>
          %dma_start3A_621 = tpu.memref_squeeze %dma_start3A_620 : memref<1x4x128xi32, #tpu.memory_space<hbm>> -> memref<4x128xi32, #tpu.memory_space<hbm>>
          tpu.enqueue_dma source(%dma_start3A_621 : memref<4x128xi32, #tpu.memory_space<hbm>>) target(%dma_start3A_617 : memref<4x128xi32, #tpu.memory_space<vmem>>) target_semaphore(%arg14 : memref<!tpu.dma_semaphore, #tpu.memory_space<semaphore_mem>>)
        } else {
        }
        %get3A_300 = arith.constant 0 : i32
        %get3A_301 = arith.index_cast %get3A_300 : i32 to index
        %get3A_302 = arith.constant 0 : index
        %get3A_303 = tpu.vector_load %arg10[%get3A_301, %get3A_302] {strides = array<i32>} : memref<2x512xf32, #tpu.memory_space<vmem>>, vector<16xf32>,
        %mul3A_304 = arith.mulf %get3A_303, %get3A_1 : vector<16xf32>
        %get3A_305 = arith.constant 0 : i32
        %get3A_306 = arith.constant 0 : i32
        %get3A_307 = arith.constant 0 : i32
        %get3A_308 = arith.constant 0 : i32
        %get3A_309 = arith.index_cast %get3A_305 : i32 to index
        %get3A_310 = arith.index_cast %get3A_306 : i32 to index
        %get3A_311 = arith.index_cast %get3A_307 : i32 to index
        %get3A_312 = arith.index_cast %get3A_308 : i32 to index
        %get3A_313 = arith.constant 0 : index
        %get3A_314 = tpu.vector_load %arg9[%get3A_309, %get3A_310, %get3A_311, %get3A_312, %get3A_313] {strides = array<i32>} : memref<2x2x4x8x128xf32, #tpu.memory_space<vmem>>, vector<16xf32>,
        %mul3A_315 = arith.mulf %get3A_314, %mul3A_304 : vector<16xf32>
        %get3A_316 = arith.constant 0 : i32
        %get3A_317 = arith.constant 0 : i32
        %get3A_318 = arith.constant 0 : i32
        %get3A_319 = arith.constant 1 : i32
        %get3A_320 = arith.index_cast %get3A_316 : i32 to index
        %get3A_321 = arith.index_cast %get3A_317 : i32 to index
        %get3A_322 = arith.index_cast %get3A_318 : i32 to index
        %get3A_323 = arith.index_cast %get3A_319 : i32 to index
        %get3A_324 = arith.constant 0 : index
        %get3A_325 = tpu.vector_load %arg9[%get3A_320, %get3A_321, %get3A_322, %get3A_323, %get3A_324] {strides = array<i32>} : memref<2x2x4x8x128xf32, #tpu.memory_space<vmem>>, vector<16xf32>,
        %mul3A_326 = arith.mulf %get3A_325, %mul3A_304 : vector<16xf32>
        %get3A_327 = arith.constant 0 : i32
        %get3A_328 = arith.constant 0 : i32
        %get3A_329 = arith.constant 0 : i32
        %get3A_330 = arith.constant 2 : i32
        %get3A_331 = arith.index_cast %get3A_327 : i32 to index
        %get3A_332 = arith.index_cast %get3A_328 : i32 to index
        %get3A_333 = arith.index_cast %get3A_329 : i32 to index
        %get3A_334 = arith.index_cast %get3A_330 : i32 to index
        %get3A_335 = arith.constant 0 : index
        %get3A_336 = tpu.vector_load %arg9[%get3A_331, %get3A_332, %get3A_333, %get3A_334, %get3A_335] {strides = array<i32>} : memref<2x2x4x8x128xf32, #tpu.memory_space<vmem>>, vector<16xf32>,
        %mul3A_337 = arith.mulf %get3A_336, %mul3A_304 : vector<16xf32>
        %get3A_338 = arith.constant 0 : i32
        %get3A_339 = arith.constant 0 : i32
        %get3A_340 = arith.constant 0 : i32
        %get3A_341 = arith.constant 3 : i32
        %get3A_342 = arith.index_cast %get3A_338 : i32 to index
        %get3A_343 = arith.index_cast %get3A_339 : i32 to index
        %get3A_344 = arith.index_cast %get3A_340 : i32 to index
        %get3A_345 = arith.index_cast %get3A_341 : i32 to index
        %get3A_346 = arith.constant 0 : index
        %get3A_347 = tpu.vector_load %arg9[%get3A_342, %get3A_343, %get3A_344, %get3A_345, %get3A_346] {strides = array<i32>} : memref<2x2x4x8x128xf32, #tpu.memory_space<vmem>>, vector<16xf32>,
        %mul3A_348 = arith.mulf %get3A_347, %mul3A_304 : vector<16xf32>
        %get3A_349 = arith.constant 0 : i32
        %get3A_350 = arith.constant 0 : i32
        %get3A_351 = arith.constant 0 : i32
        %get3A_352 = arith.constant 4 : i32
        %get3A_353 = arith.index_cast %get3A_349 : i32 to index
        %get3A_354 = arith.index_cast %get3A_350 : i32 to index
        %get3A_355 = arith.index_cast %get3A_351 : i32 to index
        %get3A_356 = arith.index_cast %get3A_352 : i32 to index
        %get3A_357 = arith.constant 0 : index
        %get3A_358 = tpu.vector_load %arg9[%get3A_353, %get3A_354, %get3A_355, %get3A_356, %get3A_357] {strides = array<i32>} : memref<2x2x4x8x128xf32, #tpu.memory_space<vmem>>, vector<16xf32>,
        %mul3A_359 = arith.mulf %get3A_358, %mul3A_304 : vector<16xf32>
        %get3A_360 = arith.constant 0 : i32
        %get3A_361 = arith.constant 0 : i32
        %get3A_362 = arith.constant 0 : i32
        %get3A_363 = arith.constant 5 : i32
        %get3A_364 = arith.index_cast %get3A_360 : i32 to index
        %get3A_365 = arith.index_cast %get3A_361 : i32 to index
        %get3A_366 = arith.index_cast %get3A_362 : i32 to index
        %get3A_367 = arith.index_cast %get3A_363 : i32 to index
        %get3A_368 = arith.constant 0 : index
        %get3A_369 = tpu.vector_load %arg9[%get3A_364, %get3A_365, %get3A_366, %get3A_367, %get3A_368] {strides = array<i32>} : memref<2x2x4x8x128xf32, #tpu.memory_space<vmem>>, vector<16xf32>,
        %mul3A_370 = arith.mulf %get3A_369, %mul3A_304 : vector<16xf32>
        %get3A_371 = arith.constant 0 : i32
        %get3A_372 = arith.constant 0 : i32
        %get3A_373 = arith.constant 0 : i32
        %get3A_374 = arith.constant 6 : i32
        %get3A_375 = arith.index_cast %get3A_371 : i32 to index
        %get3A_376 = arith.index_cast %get3A_372 : i32 to index
        %get3A_377 = arith.index_cast %get3A_373 : i32 to index
        %get3A_378 = arith.index_cast %get3A_374 : i32 to index
        %get3A_379 = arith.constant 0 : index
        %get3A_380 = tpu.vector_load %arg9[%get3A_375, %get3A_376, %get3A_377, %get3A_378, %get3A_379] {strides = array<i32>} : memref<2x2x4x8x128xf32, #tpu.memory_space<vmem>>, vector<16xf32>,
        %mul3A_381 = arith.mulf %get3A_380, %mul3A_304 : vector<16xf32>
        %get3A_382 = arith.constant 0 : i32
        %get3A_383 = arith.constant 0 : i32
        %get3A_384 = arith.constant 0 : i32
        %get3A_385 = arith.constant 7 : i32
        %get3A_386 = arith.index_cast %get3A_382 : i32 to index
        %get3A_387 = arith.index_cast %get3A_383 : i32 to index
        %get3A_388 = arith.index_cast %get3A_384 : i32 to index
        %get3A_389 = arith.index_cast %get3A_385 : i32 to index
        %get3A_390 = arith.constant 0 : index
        %get3A_391 = tpu.vector_load %arg9[%get3A_386, %get3A_387, %get3A_388, %get3A_389, %get3A_390] {strides = array<i32>} : memref<2x2x4x8x128xf32, #tpu.memory_space<vmem>>, vector<16xf32>,
        %mul3A_392 = arith.mulf %get3A_391, %mul3A_304 : vector<16xf32>
        %get3A_393 = arith.constant 0 : i32
        %get3A_394 = arith.constant 1 : i32
        %get3A_395 = arith.constant 0 : i32
        %get3A_396 = arith.constant 0 : i32
        %get3A_397 = arith.index_cast %get3A_393 : i32 to index
        %get3A_398 = arith.index_cast %get3A_394 : i32 to index
        %get3A_399 = arith.index_cast %get3A_395 : i32 to index
        %get3A_400 = arith.index_cast %get3A_396 : i32 to index
        %get3A_401 = arith.constant 0 : index
        %get3A_402 = tpu.vector_load %arg9[%get3A_397, %get3A_398, %get3A_399, %get3A_400, %get3A_401] {strides = array<i32>} : memref<2x2x4x8x128xf32, #tpu.memory_space<vmem>>, vector<16xf32>,
        %mul3A_403 = arith.mulf %get3A_402, %mul3A_304 : vector<16xf32>
        %get3A_404 = arith.constant 0 : i32
        %get3A_405 = arith.constant 1 : i32
        %get3A_406 = arith.constant 0 : i32
        %get3A_407 = arith.constant 1 : i32
        %get3A_408 = arith.index_cast %get3A_404 : i32 to index
        %get3A_409 = arith.index_cast %get3A_405 : i32 to index
        %get3A_410 = arith.index_cast %get3A_406 : i32 to index
        %get3A_411 = arith.index_cast %get3A_407 : i32 to index
        %get3A_412 = arith.constant 0 : index
        %get3A_413 = tpu.vector_load %arg9[%get3A_408, %get3A_409, %get3A_410, %get3A_411, %get3A_412] {strides = array<i32>} : memref<2x2x4x8x128xf32, #tpu.memory_space<vmem>>, vector<16xf32>,
        %mul3A_414 = arith.mulf %get3A_413, %mul3A_304 : vector<16xf32>
        %get3A_415 = arith.constant 0 : i32
        %get3A_416 = arith.constant 1 : i32
        %get3A_417 = arith.constant 0 : i32
        %get3A_418 = arith.constant 2 : i32
        %get3A_419 = arith.index_cast %get3A_415 : i32 to index
        %get3A_420 = arith.index_cast %get3A_416 : i32 to index
        %get3A_421 = arith.index_cast %get3A_417 : i32 to index
        %get3A_422 = arith.index_cast %get3A_418 : i32 to index
        %get3A_423 = arith.constant 0 : index
        %get3A_424 = tpu.vector_load %arg9[%get3A_419, %get3A_420, %get3A_421, %get3A_422, %get3A_423] {strides = array<i32>} : memref<2x2x4x8x128xf32, #tpu.memory_space<vmem>>, vector<16xf32>,
        %mul3A_425 = arith.mulf %get3A_424, %mul3A_304 : vector<16xf32>
        %get3A_426 = arith.constant 0 : i32
        %get3A_427 = arith.constant 1 : i32
        %get3A_428 = arith.constant 0 : i32
        %get3A_429 = arith.constant 3 : i32
        %get3A_430 = arith.index_cast %get3A_426 : i32 to index
        %get3A_431 = arith.index_cast %get3A_427 : i32 to index
        %get3A_432 = arith.index_cast %get3A_428 : i32 to index
        %get3A_433 = arith.index_cast %get3A_429 : i32 to index
        %get3A_434 = arith.constant 0 : index
        %get3A_435 = tpu.vector_load %arg9[%get3A_430, %get3A_431, %get3A_432, %get3A_433, %get3A_434] {strides = array<i32>} : memref<2x2x4x8x128xf32, #tpu.memory_space<vmem>>, vector<16xf32>,
        %mul3A_436 = arith.mulf %get3A_435, %mul3A_304 : vector<16xf32>
        %get3A_437 = arith.constant 0 : i32
        %get3A_438 = arith.constant 1 : i32
        %get3A_439 = arith.constant 0 : i32
        %get3A_440 = arith.constant 4 : i32
        %get3A_441 = arith.index_cast %get3A_437 : i32 to index
        %get3A_442 = arith.index_cast %get3A_438 : i32 to index
        %get3A_443 = arith.index_cast %get3A_439 : i32 to index
        %get3A_444 = arith.index_cast %get3A_440 : i32 to index
        %get3A_445 = arith.constant 0 : index
        %get3A_446 = tpu.vector_load %arg9[%get3A_441, %get3A_442, %get3A_443, %get3A_444, %get3A_445] {strides = array<i32>} : memref<2x2x4x8x128xf32, #tpu.memory_space<vmem>>, vector<16xf32>,
        %mul3A_447 = arith.mulf %get3A_446, %mul3A_304 : vector<16xf32>
        %get3A_448 = arith.constant 0 : i32
        %get3A_449 = arith.constant 1 : i32
        %get3A_450 = arith.constant 0 : i32
        %get3A_451 = arith.constant 5 : i32
        %get3A_452 = arith.index_cast %get3A_448 : i32 to index
        %get3A_453 = arith.index_cast %get3A_449 : i32 to index
        %get3A_454 = arith.index_cast %get3A_450 : i32 to index
        %get3A_455 = arith.index_cast %get3A_451 : i32 to index
        %get3A_456 = arith.constant 0 : index
        %get3A_457 = tpu.vector_load %arg9[%get3A_452, %get3A_453, %get3A_454, %get3A_455, %get3A_456] {strides = array<i32>} : memref<2x2x4x8x128xf32, #tpu.memory_space<vmem>>, vector<16xf32>,
        %mul3A_458 = arith.mulf %get3A_457, %mul3A_304 : vector<16xf32>
        %get3A_459 = arith.constant 0 : i32
        %get3A_460 = arith.constant 1 : i32
        %get3A_461 = arith.constant 0 : i32
        %get3A_462 = arith.constant 6 : i32
        %get3A_463 = arith.index_cast %get3A_459 : i32 to index
        %get3A_464 = arith.index_cast %get3A_460 : i32 to index
        %get3A_465 = arith.index_cast %get3A_461 : i32 to index
        %get3A_466 = arith.index_cast %get3A_462 : i32 to index
        %get3A_467 = arith.constant 0 : index
        %get3A_468 = tpu.vector_load %arg9[%get3A_463, %get3A_464, %get3A_465, %get3A_466, %get3A_467] {strides = array<i32>} : memref<2x2x4x8x128xf32, #tpu.memory_space<vmem>>, vector<16xf32>,
        %mul3A_469 = arith.mulf %get3A_468, %mul3A_304 : vector<16xf32>
        %get3A_470 = arith.constant 0 : i32
        %get3A_471 = arith.constant 1 : i32
        %get3A_472 = arith.constant 0 : i32
        %get3A_473 = arith.constant 7 : i32
        %get3A_474 = arith.index_cast %get3A_470 : i32 to index
        %get3A_475 = arith.index_cast %get3A_471 : i32 to index
        %get3A_476 = arith.index_cast %get3A_472 : i32 to index
        %get3A_477 = arith.index_cast %get3A_473 : i32 to index
        %get3A_478 = arith.constant 0 : index
        %get3A_479 = tpu.vector_load %arg9[%get3A_474, %get3A_475, %get3A_476, %get3A_477, %get3A_478] {strides = array<i32>} : memref<2x2x4x8x128xf32, #tpu.memory_space<vmem>>, vector<16xf32>,
        %mul3A_480 = arith.mulf %get3A_479, %mul3A_304 : vector<16xf32>
        %scan3A_481 = arith.constant 1 : i32
        %scan3A_482 = arith.constant 31 : i32
        %scan3A_483 = arith.addi %scan3A_481, %scan3A_482 : i32
        %scan3A_484 = arith.constant 1 : i32
        %scan3A_485:16 = scf.for %scan3A_565 = %scan3A_481 to %scan3A_483 step %scan3A_484 iter_args(%scan3A_566 = %mul3A_315, %scan3A_567 = %mul3A_326, %scan3A_568 = %mul3A_337, %scan3A_569 = %mul3A_348, %scan3A_570 = %mul3A_359, %scan3A_571 = %mul3A_370, %scan3A_572 = %mul3A_381, %scan3A_573 = %mul3A_392, %scan3A_574 = %mul3A_403, %scan3A_575 = %mul3A_414, %scan3A_576 = %mul3A_425, %scan3A_577 = %mul3A_436, %scan3A_578 = %mul3A_447, %scan3A_579 = %mul3A_458, %scan3A_580 = %mul3A_469, %scan3A_581 = %mul3A_480) -> (vector<16xf32>, vector<16xf32>, vector<16xf32>, vector<16xf32>, vector<16xf32>, vector<16xf32>, vector<16xf32>, vector<16xf32>, vector<16xf32>, vector<16xf32>, vector<16xf32>, vector<16xf32>, vector<16xf32>, vector<16xf32>, vector<16xf32>, vector<16xf32>)  : i32 {
          %jit3A_582 = arith.constant 8 : i32
          %div3A_583 = arith.divsi %scan3A_565, %jit3A_582 : i32
          %sign3A_584 = arith.constant 0 : i32
          %sign3A_585 = arith.cmpi sgt, %scan3A_565, %sign3A_584 : i32
          %sign3A_586 = arith.extui %sign3A_585 : i1 to i32
          %sign3A_587 = arith.constant 0 : i32
          %sign3A_588 = arith.cmpi slt, %scan3A_565, %sign3A_587 : i32
          %sign3A_589 = arith.extui %sign3A_588 : i1 to i32
          %sign3A_590 = arith.subi %sign3A_586, %sign3A_589 : i32
          %sign3A_591 = arith.constant 0 : i32
          %sign3A_592 = arith.cmpi sgt, %jit3A_582, %sign3A_591 : i32
          %sign3A_593 = arith.extui %sign3A_592 : i1 to i32
          %sign3A_594 = arith.constant 0 : i32
          %sign3A_595 = arith.cmpi slt, %jit3A_582, %sign3A_594 : i32
          %sign3A_596 = arith.extui %sign3A_595 : i1 to i32
          %sign3A_597 = arith.subi %sign3A_593, %sign3A_596 : i32
          %ne3A_598 = arith.cmpi ne, %sign3A_590, %sign3A_597 : i32
          %rem3A_599 = arith.remsi %scan3A_565, %jit3A_582 : i32
          %ne3A_600 = arith.constant 0 : i32
          %ne3A_601 = arith.cmpi ne, %rem3A_599, %ne3A_600 : i32
          %and3A_602 = arith.andi %ne3A_598, %ne3A_601 : i1
          %sub3A_603 = arith.constant 1 : i32
          %sub3A_604 = arith.subi %div3A_583, %sub3A_603 : i32
          %select_n3A_605 = arith.select %and3A_602, %sub3A_604, %div3A_583 : i32
          %jit3A_606 = arith.constant 8 : i32
          %eq3A_607 = arith.constant 0 : i32
          %eq3A_608 = arith.cmpi eq, %jit3A_606, %eq3A_607 : i32
          %jit3A_609 = arith.constant 1 : i32
          %select_n3A_610 = arith.select %eq3A_608, %jit3A_609, %jit3A_606 : i32
          %rem3A_611 = arith.remsi %scan3A_565, %select_n3A_610 : i32
          %ne3A_612 = arith.constant 0 : i32
          %ne3A_613 = arith.cmpi ne, %rem3A_611, %ne3A_612 : i32
          %lt3A_614 = arith.constant 0 : i32
          %lt3A_615 = arith.cmpi slt, %rem3A_611, %lt3A_614 : i32
          %lt3A_616 = arith.constant 0 : i32
          %lt3A_617 = arith.cmpi slt, %select_n3A_610, %lt3A_616 : i32
          %ne3A_618 = arith.xori %lt3A_615, %lt3A_617 : i1
          %and3A_619 = arith.andi %ne3A_618, %ne3A_613 : i1
          %add3A_620 = arith.addi %rem3A_611, %select_n3A_610 : i32
          %select_n3A_621 = arith.select %and3A_619, %add3A_620, %rem3A_611 : i32
          %mul3A_622 = arith.constant 16 : i32
          %mul3A_623 = arith.muli %select_n3A_621, %mul3A_622 : i32
          %mul3A_624 = arith.constant 16 : i32
          %mul3A_625 = arith.muli %scan3A_565, %mul3A_624 : i32
          %get3A_626 = arith.constant 0 : i32
          %get3A_627 = arith.index_cast %get3A_626 : i32 to index
          %get3A_628 = arith.index_cast %mul3A_625 : i32 to index
          %get3A_629 = tpu.vector_load %arg10[%get3A_627, %get3A_628] {strides = array<i32>} : memref<2x512xf32, #tpu.memory_space<vmem>>, vector<16xf32>,
          %mul3A_630 = arith.mulf %get3A_629, %get3A_1 : vector<16xf32>
          %get3A_631 = arith.constant 0 : i32
          %get3A_632 = arith.constant 0 : i32
          %get3A_633 = arith.constant 0 : i32
          %get3A_634 = arith.index_cast %get3A_631 : i32 to index
          %get3A_635 = arith.index_cast %get3A_632 : i32 to index
          %get3A_636 = arith.index_cast %select_n3A_605 : i32 to index
          %get3A_637 = arith.index_cast %get3A_633 : i32 to index
          %get3A_638 = arith.index_cast %mul3A_623 : i32 to index
          %get3A_639 = tpu.vector_load %arg9[%get3A_634, %get3A_635, %get3A_636, %get3A_637, %get3A_638] {strides = array<i32>} : memref<2x2x4x8x128xf32, #tpu.memory_space<vmem>>, vector<16xf32>,
          %mul3A_640 = arith.mulf %get3A_639, %mul3A_630 : vector<16xf32>
          %get3A_641 = arith.constant 0 : i32
          %get3A_642 = arith.constant 0 : i32
          %get3A_643 = arith.constant 1 : i32
          %get3A_644 = arith.index_cast %get3A_641 : i32 to index
          %get3A_645 = arith.index_cast %get3A_642 : i32 to index
          %get3A_646 = arith.index_cast %select_n3A_605 : i32 to index
          %get3A_647 = arith.index_cast %get3A_643 : i32 to index
          %get3A_648 = arith.index_cast %mul3A_623 : i32 to index
          %get3A_649 = tpu.vector_load %arg9[%get3A_644, %get3A_645, %get3A_646, %get3A_647, %get3A_648] {strides = array<i32>} : memref<2x2x4x8x128xf32, #tpu.memory_space<vmem>>, vector<16xf32>,
          %mul3A_650 = arith.mulf %get3A_649, %mul3A_630 : vector<16xf32>
          %get3A_651 = arith.constant 0 : i32
          %get3A_652 = arith.constant 0 : i32
          %get3A_653 = arith.constant 2 : i32
          %get3A_654 = arith.index_cast %get3A_651 : i32 to index
          %get3A_655 = arith.index_cast %get3A_652 : i32 to index
          %get3A_656 = arith.index_cast %select_n3A_605 : i32 to index
          %get3A_657 = arith.index_cast %get3A_653 : i32 to index
          %get3A_658 = arith.index_cast %mul3A_623 : i32 to index
          %get3A_659 = tpu.vector_load %arg9[%get3A_654, %get3A_655, %get3A_656, %get3A_657, %get3A_658] {strides = array<i32>} : memref<2x2x4x8x128xf32, #tpu.memory_space<vmem>>, vector<16xf32>,
          %mul3A_660 = arith.mulf %get3A_659, %mul3A_630 : vector<16xf32>
          %get3A_661 = arith.constant 0 : i32
          %get3A_662 = arith.constant 0 : i32
          %get3A_663 = arith.constant 3 : i32
          %get3A_664 = arith.index_cast %get3A_661 : i32 to index
          %get3A_665 = arith.index_cast %get3A_662 : i32 to index
          %get3A_666 = arith.index_cast %select_n3A_605 : i32 to index
          %get3A_667 = arith.index_cast %get3A_663 : i32 to index
          %get3A_668 = arith.index_cast %mul3A_623 : i32 to index
          %get3A_669 = tpu.vector_load %arg9[%get3A_664, %get3A_665, %get3A_666, %get3A_667, %get3A_668] {strides = array<i32>} : memref<2x2x4x8x128xf32, #tpu.memory_space<vmem>>, vector<16xf32>,
          %mul3A_670 = arith.mulf %get3A_669, %mul3A_630 : vector<16xf32>
          %get3A_671 = arith.constant 0 : i32
          %get3A_672 = arith.constant 0 : i32
          %get3A_673 = arith.constant 4 : i32
          %get3A_674 = arith.index_cast %get3A_671 : i32 to index
          %get3A_675 = arith.index_cast %get3A_672 : i32 to index
          %get3A_676 = arith.index_cast %select_n3A_605 : i32 to index
          %get3A_677 = arith.index_cast %get3A_673 : i32 to index
          %get3A_678 = arith.index_cast %mul3A_623 : i32 to index
          %get3A_679 = tpu.vector_load %arg9[%get3A_674, %get3A_675, %get3A_676, %get3A_677, %get3A_678] {strides = array<i32>} : memref<2x2x4x8x128xf32, #tpu.memory_space<vmem>>, vector<16xf32>,
          %mul3A_680 = arith.mulf %get3A_679, %mul3A_630 : vector<16xf32>
          %get3A_681 = arith.constant 0 : i32
          %get3A_682 = arith.constant 0 : i32
          %get3A_683 = arith.constant 5 : i32
          %get3A_684 = arith.index_cast %get3A_681 : i32 to index
          %get3A_685 = arith.index_cast %get3A_682 : i32 to index
          %get3A_686 = arith.index_cast %select_n3A_605 : i32 to index
          %get3A_687 = arith.index_cast %get3A_683 : i32 to index
          %get3A_688 = arith.index_cast %mul3A_623 : i32 to index
          %get3A_689 = tpu.vector_load %arg9[%get3A_684, %get3A_685, %get3A_686, %get3A_687, %get3A_688] {strides = array<i32>} : memref<2x2x4x8x128xf32, #tpu.memory_space<vmem>>, vector<16xf32>,
          %mul3A_690 = arith.mulf %get3A_689, %mul3A_630 : vector<16xf32>
          %get3A_691 = arith.constant 0 : i32
          %get3A_692 = arith.constant 0 : i32
          %get3A_693 = arith.constant 6 : i32
          %get3A_694 = arith.index_cast %get3A_691 : i32 to index
          %get3A_695 = arith.index_cast %get3A_692 : i32 to index
          %get3A_696 = arith.index_cast %select_n3A_605 : i32 to index
          %get3A_697 = arith.index_cast %get3A_693 : i32 to index
          %get3A_698 = arith.index_cast %mul3A_623 : i32 to index
          %get3A_699 = tpu.vector_load %arg9[%get3A_694, %get3A_695, %get3A_696, %get3A_697, %get3A_698] {strides = array<i32>} : memref<2x2x4x8x128xf32, #tpu.memory_space<vmem>>, vector<16xf32>,
          %mul3A_700 = arith.mulf %get3A_699, %mul3A_630 : vector<16xf32>
          %get3A_701 = arith.constant 0 : i32
          %get3A_702 = arith.constant 0 : i32
          %get3A_703 = arith.constant 7 : i32
          %get3A_704 = arith.index_cast %get3A_701 : i32 to index
          %get3A_705 = arith.index_cast %get3A_702 : i32 to index
          %get3A_706 = arith.index_cast %select_n3A_605 : i32 to index
          %get3A_707 = arith.index_cast %get3A_703 : i32 to index
          %get3A_708 = arith.index_cast %mul3A_623 : i32 to index
          %get3A_709 = tpu.vector_load %arg9[%get3A_704, %get3A_705, %get3A_706, %get3A_707, %get3A_708] {strides = array<i32>} : memref<2x2x4x8x128xf32, #tpu.memory_space<vmem>>, vector<16xf32>,
          %mul3A_710 = arith.mulf %get3A_709, %mul3A_630 : vector<16xf32>
          %get3A_711 = arith.constant 0 : i32
          %get3A_712 = arith.constant 1 : i32
          %get3A_713 = arith.constant 0 : i32
          %get3A_714 = arith.index_cast %get3A_711 : i32 to index
          %get3A_715 = arith.index_cast %get3A_712 : i32 to index
          %get3A_716 = arith.index_cast %select_n3A_605 : i32 to index
          %get3A_717 = arith.index_cast %get3A_713 : i32 to index
          %get3A_718 = arith.index_cast %mul3A_623 : i32 to index
          %get3A_719 = tpu.vector_load %arg9[%get3A_714, %get3A_715, %get3A_716, %get3A_717, %get3A_718] {strides = array<i32>} : memref<2x2x4x8x128xf32, #tpu.memory_space<vmem>>, vector<16xf32>,
          %mul3A_720 = arith.mulf %get3A_719, %mul3A_630 : vector<16xf32>
          %get3A_721 = arith.constant 0 : i32
          %get3A_722 = arith.constant 1 : i32
          %get3A_723 = arith.constant 1 : i32
          %get3A_724 = arith.index_cast %get3A_721 : i32 to index
          %get3A_725 = arith.index_cast %get3A_722 : i32 to index
          %get3A_726 = arith.index_cast %select_n3A_605 : i32 to index
          %get3A_727 = arith.index_cast %get3A_723 : i32 to index
          %get3A_728 = arith.index_cast %mul3A_623 : i32 to index
          %get3A_729 = tpu.vector_load %arg9[%get3A_724, %get3A_725, %get3A_726, %get3A_727, %get3A_728] {strides = array<i32>} : memref<2x2x4x8x128xf32, #tpu.memory_space<vmem>>, vector<16xf32>,
          %mul3A_730 = arith.mulf %get3A_729, %mul3A_630 : vector<16xf32>
          %get3A_731 = arith.constant 0 : i32
          %get3A_732 = arith.constant 1 : i32
          %get3A_733 = arith.constant 2 : i32
          %get3A_734 = arith.index_cast %get3A_731 : i32 to index
          %get3A_735 = arith.index_cast %get3A_732 : i32 to index
          %get3A_736 = arith.index_cast %select_n3A_605 : i32 to index
          %get3A_737 = arith.index_cast %get3A_733 : i32 to index
          %get3A_738 = arith.index_cast %mul3A_623 : i32 to index
          %get3A_739 = tpu.vector_load %arg9[%get3A_734, %get3A_735, %get3A_736, %get3A_737, %get3A_738] {strides = array<i32>} : memref<2x2x4x8x128xf32, #tpu.memory_space<vmem>>, vector<16xf32>,
          %mul3A_740 = arith.mulf %get3A_739, %mul3A_630 : vector<16xf32>
          %get3A_741 = arith.constant 0 : i32
          %get3A_742 = arith.constant 1 : i32
          %get3A_743 = arith.constant 3 : i32
          %get3A_744 = arith.index_cast %get3A_741 : i32 to index
          %get3A_745 = arith.index_cast %get3A_742 : i32 to index
          %get3A_746 = arith.index_cast %select_n3A_605 : i32 to index
          %get3A_747 = arith.index_cast %get3A_743 : i32 to index
          %get3A_748 = arith.index_cast %mul3A_623 : i32 to index
          %get3A_749 = tpu.vector_load %arg9[%get3A_744, %get3A_745, %get3A_746, %get3A_747, %get3A_748] {strides = array<i32>} : memref<2x2x4x8x128xf32, #tpu.memory_space<vmem>>, vector<16xf32>,
          %mul3A_750 = arith.mulf %get3A_749, %mul3A_630 : vector<16xf32>
          %get3A_751 = arith.constant 0 : i32
          %get3A_752 = arith.constant 1 : i32
          %get3A_753 = arith.constant 4 : i32
          %get3A_754 = arith.index_cast %get3A_751 : i32 to index
          %get3A_755 = arith.index_cast %get3A_752 : i32 to index
          %get3A_756 = arith.index_cast %select_n3A_605 : i32 to index
          %get3A_757 = arith.index_cast %get3A_753 : i32 to index
          %get3A_758 = arith.index_cast %mul3A_623 : i32 to index
          %get3A_759 = tpu.vector_load %arg9[%get3A_754, %get3A_755, %get3A_756, %get3A_757, %get3A_758] {strides = array<i32>} : memref<2x2x4x8x128xf32, #tpu.memory_space<vmem>>, vector<16xf32>,
          %mul3A_760 = arith.mulf %get3A_759, %mul3A_630 : vector<16xf32>
          %get3A_761 = arith.constant 0 : i32
          %get3A_762 = arith.constant 1 : i32
          %get3A_763 = arith.constant 5 : i32
          %get3A_764 = arith.index_cast %get3A_761 : i32 to index
          %get3A_765 = arith.index_cast %get3A_762 : i32 to index
          %get3A_766 = arith.index_cast %select_n3A_605 : i32 to index
          %get3A_767 = arith.index_cast %get3A_763 : i32 to index
          %get3A_768 = arith.index_cast %mul3A_623 : i32 to index
          %get3A_769 = tpu.vector_load %arg9[%get3A_764, %get3A_765, %get3A_766, %get3A_767, %get3A_768] {strides = array<i32>} : memref<2x2x4x8x128xf32, #tpu.memory_space<vmem>>, vector<16xf32>,
          %mul3A_770 = arith.mulf %get3A_769, %mul3A_630 : vector<16xf32>
          %get3A_771 = arith.constant 0 : i32
          %get3A_772 = arith.constant 1 : i32
          %get3A_773 = arith.constant 6 : i32
          %get3A_774 = arith.index_cast %get3A_771 : i32 to index
          %get3A_775 = arith.index_cast %get3A_772 : i32 to index
          %get3A_776 = arith.index_cast %select_n3A_605 : i32 to index
          %get3A_777 = arith.index_cast %get3A_773 : i32 to index
          %get3A_778 = arith.index_cast %mul3A_623 : i32 to index
          %get3A_779 = tpu.vector_load %arg9[%get3A_774, %get3A_775, %get3A_776, %get3A_777, %get3A_778] {strides = array<i32>} : memref<2x2x4x8x128xf32, #tpu.memory_space<vmem>>, vector<16xf32>,
          %mul3A_780 = arith.mulf %get3A_779, %mul3A_630 : vector<16xf32>
          %get3A_781 = arith.constant 0 : i32
          %get3A_782 = arith.constant 1 : i32
          %get3A_783 = arith.constant 7 : i32
          %get3A_784 = arith.index_cast %get3A_781 : i32 to index
          %get3A_785 = arith.index_cast %get3A_782 : i32 to index
          %get3A_786 = arith.index_cast %select_n3A_605 : i32 to index
          %get3A_787 = arith.index_cast %get3A_783 : i32 to index
          %get3A_788 = arith.index_cast %mul3A_623 : i32 to index
          %get3A_789 = tpu.vector_load %arg9[%get3A_784, %get3A_785, %get3A_786, %get3A_787, %get3A_788] {strides = array<i32>} : memref<2x2x4x8x128xf32, #tpu.memory_space<vmem>>, vector<16xf32>,
          %mul3A_790 = arith.mulf %get3A_789, %mul3A_630 : vector<16xf32>
          %sub3A_791 = arith.constant 1 : i32
          %sub3A_792 = arith.subi %scan3A_565, %sub3A_791 : i32
          %mul3A_793 = arith.constant 16 : i32
          %mul3A_794 = arith.muli %sub3A_792, %mul3A_793 : i32
          %add3A_795 = vector.broadcast %mul3A_794 : i32 to vector<16xi32>
          %add3A_796 = arith.addi %add3A_795, %iota3A : vector<16xi32>
          %broadcast_in_dim3A_797 = arith.constant 0 : i32
          %broadcast_in_dim3A_798 = vector.broadcast %broadcast_in_dim3A_797 : i32 to vector<16xi32>
          tpu.vector_store_idx %arg8[%add3A_796, %broadcast_in_dim3A_798], %scan3A_566 : memref<512x16xf32, #tpu.memory_space<vmem>>[vector<16xi32>, vector<16xi32>], vector<16xf32>,
          %broadcast_in_dim3A_799 = arith.constant 1 : i32
          %broadcast_in_dim3A_800 = vector.broadcast %broadcast_in_dim3A_799 : i32 to vector<16xi32>
          tpu.vector_store_idx %arg8[%add3A_796, %broadcast_in_dim3A_800], %scan3A_567 : memref<512x16xf32, #tpu.memory_space<vmem>>[vector<16xi32>, vector<16xi32>], vector<16xf32>,
          %broadcast_in_dim3A_801 = arith.constant 2 : i32
          %broadcast_in_dim3A_802 = vector.broadcast %broadcast_in_dim3A_801 : i32 to vector<16xi32>
          tpu.vector_store_idx %arg8[%add3A_796, %broadcast_in_dim3A_802], %scan3A_568 : memref<512x16xf32, #tpu.memory_space<vmem>>[vector<16xi32>, vector<16xi32>], vector<16xf32>,
          %broadcast_in_dim3A_803 = arith.constant 3 : i32
          %broadcast_in_dim3A_804 = vector.broadcast %broadcast_in_dim3A_803 : i32 to vector<16xi32>
          tpu.vector_store_idx %arg8[%add3A_796, %broadcast_in_dim3A_804], %scan3A_569 : memref<512x16xf32, #tpu.memory_space<vmem>>[vector<16xi32>, vector<16xi32>], vector<16xf32>,
          %broadcast_in_dim3A_805 = arith.constant 4 : i32
          %broadcast_in_dim3A_806 = vector.broadcast %broadcast_in_dim3A_805 : i32 to vector<16xi32>
          tpu.vector_store_idx %arg8[%add3A_796, %broadcast_in_dim3A_806], %scan3A_570 : memref<512x16xf32, #tpu.memory_space<vmem>>[vector<16xi32>, vector<16xi32>], vector<16xf32>,
          %broadcast_in_dim3A_807 = arith.constant 5 : i32
          %broadcast_in_dim3A_808 = vector.broadcast %broadcast_in_dim3A_807 : i32 to vector<16xi32>
          tpu.vector_store_idx %arg8[%add3A_796, %broadcast_in_dim3A_808], %scan3A_571 : memref<512x16xf32, #tpu.memory_space<vmem>>[vector<16xi32>, vector<16xi32>], vector<16xf32>,
          %broadcast_in_dim3A_809 = arith.constant 6 : i32
          %broadcast_in_dim3A_810 = vector.broadcast %broadcast_in_dim3A_809 : i32 to vector<16xi32>
          tpu.vector_store_idx %arg8[%add3A_796, %broadcast_in_dim3A_810], %scan3A_572 : memref<512x16xf32, #tpu.memory_space<vmem>>[vector<16xi32>, vector<16xi32>], vector<16xf32>,
          %broadcast_in_dim3A_811 = arith.constant 7 : i32
          %broadcast_in_dim3A_812 = vector.broadcast %broadcast_in_dim3A_811 : i32 to vector<16xi32>
          tpu.vector_store_idx %arg8[%add3A_796, %broadcast_in_dim3A_812], %scan3A_573 : memref<512x16xf32, #tpu.memory_space<vmem>>[vector<16xi32>, vector<16xi32>], vector<16xf32>,
          %broadcast_in_dim3A_813 = arith.constant 8 : i32
          %broadcast_in_dim3A_814 = vector.broadcast %broadcast_in_dim3A_813 : i32 to vector<16xi32>
          tpu.vector_store_idx %arg8[%add3A_796, %broadcast_in_dim3A_814], %scan3A_574 : memref<512x16xf32, #tpu.memory_space<vmem>>[vector<16xi32>, vector<16xi32>], vector<16xf32>,
          %broadcast_in_dim3A_815 = arith.constant 9 : i32
          %broadcast_in_dim3A_816 = vector.broadcast %broadcast_in_dim3A_815 : i32 to vector<16xi32>
          tpu.vector_store_idx %arg8[%add3A_796, %broadcast_in_dim3A_816], %scan3A_575 : memref<512x16xf32, #tpu.memory_space<vmem>>[vector<16xi32>, vector<16xi32>], vector<16xf32>,
          %broadcast_in_dim3A_817 = arith.constant 10 : i32
          %broadcast_in_dim3A_818 = vector.broadcast %broadcast_in_dim3A_817 : i32 to vector<16xi32>
          tpu.vector_store_idx %arg8[%add3A_796, %broadcast_in_dim3A_818], %scan3A_576 : memref<512x16xf32, #tpu.memory_space<vmem>>[vector<16xi32>, vector<16xi32>], vector<16xf32>,
          %broadcast_in_dim3A_819 = arith.constant 11 : i32
          %broadcast_in_dim3A_820 = vector.broadcast %broadcast_in_dim3A_819 : i32 to vector<16xi32>
          tpu.vector_store_idx %arg8[%add3A_796, %broadcast_in_dim3A_820], %scan3A_577 : memref<512x16xf32, #tpu.memory_space<vmem>>[vector<16xi32>, vector<16xi32>], vector<16xf32>,
          %broadcast_in_dim3A_821 = arith.constant 12 : i32
          %broadcast_in_dim3A_822 = vector.broadcast %broadcast_in_dim3A_821 : i32 to vector<16xi32>
          tpu.vector_store_idx %arg8[%add3A_796, %broadcast_in_dim3A_822], %scan3A_578 : memref<512x16xf32, #tpu.memory_space<vmem>>[vector<16xi32>, vector<16xi32>], vector<16xf32>,
          %broadcast_in_dim3A_823 = arith.constant 13 : i32
          %broadcast_in_dim3A_824 = vector.broadcast %broadcast_in_dim3A_823 : i32 to vector<16xi32>
          tpu.vector_store_idx %arg8[%add3A_796, %broadcast_in_dim3A_824], %scan3A_579 : memref<512x16xf32, #tpu.memory_space<vmem>>[vector<16xi32>, vector<16xi32>], vector<16xf32>,
          %broadcast_in_dim3A_825 = arith.constant 14 : i32
          %broadcast_in_dim3A_826 = vector.broadcast %broadcast_in_dim3A_825 : i32 to vector<16xi32>
          tpu.vector_store_idx %arg8[%add3A_796, %broadcast_in_dim3A_826], %scan3A_580 : memref<512x16xf32, #tpu.memory_space<vmem>>[vector<16xi32>, vector<16xi32>], vector<16xf32>,
          %broadcast_in_dim3A_827 = arith.constant 15 : i32
          %broadcast_in_dim3A_828 = vector.broadcast %broadcast_in_dim3A_827 : i32 to vector<16xi32>
          tpu.vector_store_idx %arg8[%add3A_796, %broadcast_in_dim3A_828], %scan3A_581 : memref<512x16xf32, #tpu.memory_space<vmem>>[vector<16xi32>, vector<16xi32>], vector<16xf32>,
          scf.yield %mul3A_640, %mul3A_650, %mul3A_660, %mul3A_670, %mul3A_680, %mul3A_690, %mul3A_700, %mul3A_710, %mul3A_720, %mul3A_730, %mul3A_740, %mul3A_750, %mul3A_760, %mul3A_770, %mul3A_780, %mul3A_790 : vector<16xf32>, vector<16xf32>, vector<16xf32>, vector<16xf32>, vector<16xf32>, vector<16xf32>, vector<16xf32>, vector<16xf32>, vector<16xf32>, vector<16xf32>, vector<16xf32>, vector<16xf32>, vector<16xf32>, vector<16xf32>, vector<16xf32>, vector<16xf32>
        }
        %scan3A_486 = arith.constant 31 : i32
        %add3A_487 = arith.constant 496 : i32
        %add3A_488 = vector.broadcast %add3A_487 : i32 to vector<16xi32>
        %add3A_489 = arith.addi %add3A_488, %iota3A : vector<16xi32>
        %broadcast_in_dim3A = arith.constant 0 : i32
        %broadcast_in_dim3A_490 = vector.broadcast %broadcast_in_dim3A : i32 to vector<16xi32>
        tpu.vector_store_idx %arg8[%add3A_489, %broadcast_in_dim3A_490], %scan3A_485#0 : memref<512x16xf32, #tpu.memory_space<vmem>>[vector<16xi32>, vector<16xi32>], vector<16xf32>,
        %broadcast_in_dim3A_491 = arith.constant 1 : i32
        %broadcast_in_dim3A_492 = vector.broadcast %broadcast_in_dim3A_491 : i32 to vector<16xi32>
        tpu.vector_store_idx %arg8[%add3A_489, %broadcast_in_dim3A_492], %scan3A_485#1 : memref<512x16xf32, #tpu.memory_space<vmem>>[vector<16xi32>, vector<16xi32>], vector<16xf32>,
        %broadcast_in_dim3A_493 = arith.constant 2 : i32
        %broadcast_in_dim3A_494 = vector.broadcast %broadcast_in_dim3A_493 : i32 to vector<16xi32>
        tpu.vector_store_idx %arg8[%add3A_489, %broadcast_in_dim3A_494], %scan3A_485#2 : memref<512x16xf32, #tpu.memory_space<vmem>>[vector<16xi32>, vector<16xi32>], vector<16xf32>,
        %broadcast_in_dim3A_495 = arith.constant 3 : i32
        %broadcast_in_dim3A_496 = vector.broadcast %broadcast_in_dim3A_495 : i32 to vector<16xi32>
        tpu.vector_store_idx %arg8[%add3A_489, %broadcast_in_dim3A_496], %scan3A_485#3 : memref<512x16xf32, #tpu.memory_space<vmem>>[vector<16xi32>, vector<16xi32>], vector<16xf32>,
        %broadcast_in_dim3A_497 = arith.constant 4 : i32
        %broadcast_in_dim3A_498 = vector.broadcast %broadcast_in_dim3A_497 : i32 to vector<16xi32>
        tpu.vector_store_idx %arg8[%add3A_489, %broadcast_in_dim3A_498], %scan3A_485#4 : memref<512x16xf32, #tpu.memory_space<vmem>>[vector<16xi32>, vector<16xi32>], vector<16xf32>,
        %broadcast_in_dim3A_499 = arith.constant 5 : i32
        %broadcast_in_dim3A_500 = vector.broadcast %broadcast_in_dim3A_499 : i32 to vector<16xi32>
        tpu.vector_store_idx %arg8[%add3A_489, %broadcast_in_dim3A_500], %scan3A_485#5 : memref<512x16xf32, #tpu.memory_space<vmem>>[vector<16xi32>, vector<16xi32>], vector<16xf32>,
        %broadcast_in_dim3A_501 = arith.constant 6 : i32
        %broadcast_in_dim3A_502 = vector.broadcast %broadcast_in_dim3A_501 : i32 to vector<16xi32>
        tpu.vector_store_idx %arg8[%add3A_489, %broadcast_in_dim3A_502], %scan3A_485#6 : memref<512x16xf32, #tpu.memory_space<vmem>>[vector<16xi32>, vector<16xi32>], vector<16xf32>,
        %broadcast_in_dim3A_503 = arith.constant 7 : i32
        %broadcast_in_dim3A_504 = vector.broadcast %broadcast_in_dim3A_503 : i32 to vector<16xi32>
        tpu.vector_store_idx %arg8[%add3A_489, %broadcast_in_dim3A_504], %scan3A_485#7 : memref<512x16xf32, #tpu.memory_space<vmem>>[vector<16xi32>, vector<16xi32>], vector<16xf32>,
        %broadcast_in_dim3A_505 = arith.constant 8 : i32
        %broadcast_in_dim3A_506 = vector.broadcast %broadcast_in_dim3A_505 : i32 to vector<16xi32>
        tpu.vector_store_idx %arg8[%add3A_489, %broadcast_in_dim3A_506], %scan3A_485#8 : memref<512x16xf32, #tpu.memory_space<vmem>>[vector<16xi32>, vector<16xi32>], vector<16xf32>,
        %broadcast_in_dim3A_507 = arith.constant 9 : i32
        %broadcast_in_dim3A_508 = vector.broadcast %broadcast_in_dim3A_507 : i32 to vector<16xi32>
        tpu.vector_store_idx %arg8[%add3A_489, %broadcast_in_dim3A_508], %scan3A_485#9 : memref<512x16xf32, #tpu.memory_space<vmem>>[vector<16xi32>, vector<16xi32>], vector<16xf32>,
        %broadcast_in_dim3A_509 = arith.constant 10 : i32
        %broadcast_in_dim3A_510 = vector.broadcast %broadcast_in_dim3A_509 : i32 to vector<16xi32>
        tpu.vector_store_idx %arg8[%add3A_489, %broadcast_in_dim3A_510], %scan3A_485#10 : memref<512x16xf32, #tpu.memory_space<vmem>>[vector<16xi32>, vector<16xi32>], vector<16xf32>,
        %broadcast_in_dim3A_511 = arith.constant 11 : i32
        %broadcast_in_dim3A_512 = vector.broadcast %broadcast_in_dim3A_511 : i32 to vector<16xi32>
        tpu.vector_store_idx %arg8[%add3A_489, %broadcast_in_dim3A_512], %scan3A_485#11 : memref<512x16xf32, #tpu.memory_space<vmem>>[vector<16xi32>, vector<16xi32>], vector<16xf32>,
        %broadcast_in_dim3A_513 = arith.constant 12 : i32
        %broadcast_in_dim3A_514 = vector.broadcast %broadcast_in_dim3A_513 : i32 to vector<16xi32>
        tpu.vector_store_idx %arg8[%add3A_489, %broadcast_in_dim3A_514], %scan3A_485#12 : memref<512x16xf32, #tpu.memory_space<vmem>>[vector<16xi32>, vector<16xi32>], vector<16xf32>,
        %broadcast_in_dim3A_515 = arith.constant 13 : i32
        %broadcast_in_dim3A_516 = vector.broadcast %broadcast_in_dim3A_515 : i32 to vector<16xi32>
        tpu.vector_store_idx %arg8[%add3A_489, %broadcast_in_dim3A_516], %scan3A_485#13 : memref<512x16xf32, #tpu.memory_space<vmem>>[vector<16xi32>, vector<16xi32>], vector<16xf32>,
        %broadcast_in_dim3A_517 = arith.constant 14 : i32
        %broadcast_in_dim3A_518 = vector.broadcast %broadcast_in_dim3A_517 : i32 to vector<16xi32>
        tpu.vector_store_idx %arg8[%add3A_489, %broadcast_in_dim3A_518], %scan3A_485#14 : memref<512x16xf32, #tpu.memory_space<vmem>>[vector<16xi32>, vector<16xi32>], vector<16xf32>,
        %broadcast_in_dim3A_519 = arith.constant 15 : i32
        %broadcast_in_dim3A_520 = vector.broadcast %broadcast_in_dim3A_519 : i32 to vector<16xi32>
        tpu.vector_store_idx %arg8[%add3A_489, %broadcast_in_dim3A_520], %scan3A_485#15 : memref<512x16xf32, #tpu.memory_space<vmem>>[vector<16xi32>, vector<16xi32>], vector<16xf32>,
        %dma_start3A_521 = arith.constant 0 : i32
        %dma_start3A_522 = arith.constant 0 : i32
        %dma_start3A_523 = arith.constant 0 : i32
        %dma_start3A_524 = arith.constant 0 : i32
        %dma_start3A_525 = tpu.memref_slice %arg8[%dma_start3A_523, %dma_start3A_524] : memref<512x16xf32, #tpu.memory_space<vmem>> -> memref<128x16xf32, #tpu.memory_space<vmem>>
        %dma_start3A_526 = arith.constant 0 : i32
        %dma_start3A_527 = tpu.memref_slice %arg11[%dma_start3A_521, %dma_start3A_522, %dma_start3A_526] : memref<2x4x128xi32, #tpu.memory_space<vmem>> -> memref<1x1x128xi32, #tpu.memory_space<vmem>>
        %dma_start3A_528 = tpu.memref_squeeze %dma_start3A_527 : memref<1x1x128xi32, #tpu.memory_space<vmem>> -> memref<128xi32, #tpu.memory_space<vmem>>
        %dma_start3A_529 = arith.constant 0 : i32
        %dma_start3A_530 = arith.constant 0 : i32
        %dma_start3A_531 = tpu.memref_slice %arg7[%dma_start3A_529, %dma_start3A_530] : memref<100000x16xf32, #tpu.memory_space<vmem_shared>> -> memref<100000x16xf32, #tpu.memory_space<vmem_shared>>
        tpu.enqueue_indirect_dma source(%dma_start3A_525 : memref<128x16xf32, #tpu.memory_space<vmem>>) target(%dma_start3A_531 : memref<100000x16xf32, #tpu.memory_space<vmem_shared>>) offsets(%dma_start3A_528 : memref<128xi32, #tpu.memory_space<vmem>>) semaphore(%arg15 : memref<!tpu.dma_semaphore, #tpu.memory_space<semaphore_mem>>) {add = true}
        %dma_start3A_532 = arith.constant 0 : i32
        %dma_start3A_533 = arith.constant 1 : i32
        %dma_start3A_534 = arith.constant 128 : i32
        %dma_start3A_535 = arith.constant 0 : i32
        %dma_start3A_536 = tpu.memref_slice %arg8[%dma_start3A_534, %dma_start3A_535] : memref<512x16xf32, #tpu.memory_space<vmem>> -> memref<128x16xf32, #tpu.memory_space<vmem>>
        %dma_start3A_537 = arith.constant 0 : i32
        %dma_start3A_538 = tpu.memref_slice %arg11[%dma_start3A_532, %dma_start3A_533, %dma_start3A_537] : memref<2x4x128xi32, #tpu.memory_space<vmem>> -> memref<1x1x128xi32, #tpu.memory_space<vmem>>
        %dma_start3A_539 = tpu.memref_squeeze %dma_start3A_538 : memref<1x1x128xi32, #tpu.memory_space<vmem>> -> memref<128xi32, #tpu.memory_space<vmem>>
        %dma_start3A_540 = arith.constant 0 : i32
        %dma_start3A_541 = arith.constant 0 : i32
        %dma_start3A_542 = tpu.memref_slice %arg7[%dma_start3A_540, %dma_start3A_541] : memref<100000x16xf32, #tpu.memory_space<vmem_shared>> -> memref<100000x16xf32, #tpu.memory_space<vmem_shared>>
        tpu.enqueue_indirect_dma source(%dma_start3A_536 : memref<128x16xf32, #tpu.memory_space<vmem>>) target(%dma_start3A_542 : memref<100000x16xf32, #tpu.memory_space<vmem_shared>>) offsets(%dma_start3A_539 : memref<128xi32, #tpu.memory_space<vmem>>) semaphore(%arg15 : memref<!tpu.dma_semaphore, #tpu.memory_space<semaphore_mem>>) {add = true}
        %dma_start3A_543 = arith.constant 0 : i32
        %dma_start3A_544 = arith.constant 2 : i32
        %dma_start3A_545 = arith.constant 256 : i32
        %dma_start3A_546 = arith.constant 0 : i32
        %dma_start3A_547 = tpu.memref_slice %arg8[%dma_start3A_545, %dma_start3A_546] : memref<512x16xf32, #tpu.memory_space<vmem>> -> memref<128x16xf32, #tpu.memory_space<vmem>>
        %dma_start3A_548 = arith.constant 0 : i32
        %dma_start3A_549 = tpu.memref_slice %arg11[%dma_start3A_543, %dma_start3A_544, %dma_start3A_548] : memref<2x4x128xi32, #tpu.memory_space<vmem>> -> memref<1x1x128xi32, #tpu.memory_space<vmem>>
        %dma_start3A_550 = tpu.memref_squeeze %dma_start3A_549 : memref<1x1x128xi32, #tpu.memory_space<vmem>> -> memref<128xi32, #tpu.memory_space<vmem>>
        %dma_start3A_551 = arith.constant 0 : i32
        %dma_start3A_552 = arith.constant 0 : i32
        %dma_start3A_553 = tpu.memref_slice %arg7[%dma_start3A_551, %dma_start3A_552] : memref<100000x16xf32, #tpu.memory_space<vmem_shared>> -> memref<100000x16xf32, #tpu.memory_space<vmem_shared>>
        tpu.enqueue_indirect_dma source(%dma_start3A_547 : memref<128x16xf32, #tpu.memory_space<vmem>>) target(%dma_start3A_553 : memref<100000x16xf32, #tpu.memory_space<vmem_shared>>) offsets(%dma_start3A_550 : memref<128xi32, #tpu.memory_space<vmem>>) semaphore(%arg15 : memref<!tpu.dma_semaphore, #tpu.memory_space<semaphore_mem>>) {add = true}
        %dma_start3A_554 = arith.constant 0 : i32
        %dma_start3A_555 = arith.constant 3 : i32
        %dma_start3A_556 = arith.constant 384 : i32
        %dma_start3A_557 = arith.constant 0 : i32
        %dma_start3A_558 = tpu.memref_slice %arg8[%dma_start3A_556, %dma_start3A_557] : memref<512x16xf32, #tpu.memory_space<vmem>> -> memref<128x16xf32, #tpu.memory_space<vmem>>
        %dma_start3A_559 = arith.constant 0 : i32
        %dma_start3A_560 = tpu.memref_slice %arg11[%dma_start3A_554, %dma_start3A_555, %dma_start3A_559] : memref<2x4x128xi32, #tpu.memory_space<vmem>> -> memref<1x1x128xi32, #tpu.memory_space<vmem>>
        %dma_start3A_561 = tpu.memref_squeeze %dma_start3A_560 : memref<1x1x128xi32, #tpu.memory_space<vmem>> -> memref<128xi32, #tpu.memory_space<vmem>>
        %dma_start3A_562 = arith.constant 0 : i32
        %dma_start3A_563 = arith.constant 0 : i32
        %dma_start3A_564 = tpu.memref_slice %arg7[%dma_start3A_562, %dma_start3A_563] : memref<100000x16xf32, #tpu.memory_space<vmem_shared>> -> memref<100000x16xf32, #tpu.memory_space<vmem_shared>>
        tpu.enqueue_indirect_dma source(%dma_start3A_558 : memref<128x16xf32, #tpu.memory_space<vmem>>) target(%dma_start3A_564 : memref<100000x16xf32, #tpu.memory_space<vmem_shared>>) offsets(%dma_start3A_561 : memref<128xi32, #tpu.memory_space<vmem>>) semaphore(%arg15 : memref<!tpu.dma_semaphore, #tpu.memory_space<semaphore_mem>>) {add = true}
      } else {
      }
      %mul3A_227 = arith.constant 2 : i32
      %mul3A_228 = arith.muli %mul3A_227, %while3A_220 : i32
      %add3A_229 = arith.constant 1 : i32
      %add3A_230 = arith.addi %mul3A_228, %add3A_229 : i32
      %lt3A_231 = arith.cmpi slt, %add3A_230, %select_n3A_65 : i32
      %convert_element_type3A_232 = arith.extui %lt3A_231 : i1 to i32
      %cond3A_233 = arith.constant 0 : i32
      %cond3A_234 = arith.cmpi ne, %convert_element_type3A_232, %cond3A_233 : i32
      scf.if %cond3A_234 {
        %mul3A_235 = arith.constant 32 : i32
        %mul3A_236 = arith.muli %add3A_230, %mul3A_235 : i32
        %add3A_237 = arith.addi %add3A, %mul3A_236 : i32
        %mul3A_238 = arith.constant 512 : i32
        %mul3A_239 = arith.muli %add3A_237, %mul3A_238 : i32
        %multiple_of3A_240 = tpu.assume_multiple %mul3A_239, 8 : i32
        %mul3A_241 = arith.constant 4 : i32
        %mul3A_242 = arith.muli %add3A_237, %mul3A_241 : i32
        %dma_wait3A_243 = arith.constant 1 : i32
        %dma_wait3A_244 = arith.constant 0 : i32
        %dma_wait3A_245 = arith.constant 0 : i32
        %dma_wait3A_246 = arith.constant 0 : i32
        %dma_wait3A_247 = arith.constant 0 : i32
        %dma_wait3A_248 = tpu.memref_slice %arg9[%dma_wait3A_243, %dma_wait3A_244, %dma_wait3A_245, %dma_wait3A_246, %dma_wait3A_247] : memref<2x2x4x8x128xf32, #tpu.memory_space<vmem>> -> memref<1x2x4x8x128xf32, #tpu.memory_space<vmem>>
        %dma_wait3A_249 = tpu.memref_squeeze %dma_wait3A_248 : memref<1x2x4x8x128xf32, #tpu.memory_space<vmem>> -> memref<2x4x8x128xf32, #tpu.memory_space<vmem>>
        %dma_wait3A_250 = arith.constant 0 : i32
        %dma_wait3A_251 = arith.constant 0 : i32
        %dma_wait3A_252 = arith.constant 0 : i32
        %dma_wait3A_253 = tpu.memref_slice %arg2[%dma_wait3A_250, %mul3A_242, %dma_wait3A_251, %dma_wait3A_252] : memref<2x25000x8x128xf32, #tpu.memory_space<hbm>> -> memref<2x4x8x128xf32, #tpu.memory_space<hbm>>
        %dma_wait3A_254 = arith.constant 0 : i32
        %dma_wait3A_255 = arith.constant 0 : i32
        %dma_wait3A_256 = arith.constant 0 : i32
        %dma_wait3A_257 = arith.constant 0 : i32
        %dma_wait3A_258 = tpu.memref_slice %arg9[%dma_wait3A_243, %dma_wait3A_254, %dma_wait3A_255, %dma_wait3A_256, %dma_wait3A_257] : memref<2x2x4x8x128xf32, #tpu.memory_space<vmem>> -> memref<1x2x4x8x128xf32, #tpu.memory_space<vmem>>
        %dma_wait3A_259 = tpu.memref_squeeze %dma_wait3A_258 : memref<1x2x4x8x128xf32, #tpu.memory_space<vmem>> -> memref<2x4x8x128xf32, #tpu.memory_space<vmem>>
        %dma_wait3A_260 = arith.constant 0 : i32
        %dma_wait3A_261 = arith.constant 0 : i32
        %dma_wait3A_262 = arith.constant 0 : i32
        %dma_wait3A_263 = tpu.memref_slice %arg2[%dma_wait3A_260, %mul3A_242, %dma_wait3A_261, %dma_wait3A_262] : memref<2x25000x8x128xf32, #tpu.memory_space<hbm>> -> memref<2x4x8x128xf32, #tpu.memory_space<hbm>>
        tpu.wait_dma2 semaphore(%arg14 : memref<!tpu.dma_semaphore, #tpu.memory_space<semaphore_mem>>) src(%dma_wait3A_263 : memref<2x4x8x128xf32, #tpu.memory_space<hbm>>) dst(%dma_wait3A_259 : memref<2x4x8x128xf32, #tpu.memory_space<vmem>>)
        %dma_wait3A_264 = arith.constant 1 : i32
        %dma_wait3A_265 = arith.constant 0 : i32
        %dma_wait3A_266 = tpu.memref_slice %arg10[%dma_wait3A_264, %dma_wait3A_265] : memref<2x512xf32, #tpu.memory_space<vmem>> -> memref<1x512xf32, #tpu.memory_space<vmem>>
        %dma_wait3A_267 = tpu.memref_squeeze %dma_wait3A_266 : memref<1x512xf32, #tpu.memory_space<vmem>> -> memref<512xf32, #tpu.memory_space<vmem>>
        %dma_wait3A_268 = tpu.memref_slice %arg3[%multiple_of3A_240] : memref<3200000xf32, #tpu.memory_space<hbm>> -> memref<512xf32, #tpu.memory_space<hbm>>
        %dma_wait3A_269 = arith.constant 0 : i32
        %dma_wait3A_270 = tpu.memref_slice %arg10[%dma_wait3A_264, %dma_wait3A_269] : memref<2x512xf32, #tpu.memory_space<vmem>> -> memref<1x512xf32, #tpu.memory_space<vmem>>
        %dma_wait3A_271 = tpu.memref_squeeze %dma_wait3A_270 : memref<1x512xf32, #tpu.memory_space<vmem>> -> memref<512xf32, #tpu.memory_space<vmem>>
        %dma_wait3A_272 = tpu.memref_slice %arg3[%multiple_of3A_240] : memref<3200000xf32, #tpu.memory_space<hbm>> -> memref<512xf32, #tpu.memory_space<hbm>>
        tpu.wait_dma2 semaphore(%arg14 : memref<!tpu.dma_semaphore, #tpu.memory_space<semaphore_mem>>) src(%dma_wait3A_272 : memref<512xf32, #tpu.memory_space<hbm>>) dst(%dma_wait3A_271 : memref<512xf32, #tpu.memory_space<vmem>>)
        %dma_wait3A_273 = arith.constant 1 : i32
        %dma_wait3A_274 = arith.constant 0 : i32
        %dma_wait3A_275 = arith.constant 0 : i32
        %dma_wait3A_276 = tpu.memref_slice %arg11[%dma_wait3A_273, %dma_wait3A_274, %dma_wait3A_275] : memref<2x4x128xi32, #tpu.memory_space<vmem>> -> memref<1x4x128xi32, #tpu.memory_space<vmem>>
        %dma_wait3A_277 = tpu.memref_squeeze %dma_wait3A_276 : memref<1x4x128xi32, #tpu.memory_space<vmem>> -> memref<4x128xi32, #tpu.memory_space<vmem>>
        %dma_wait3A_278 = arith.constant 0 : i32
        %dma_wait3A_279 = arith.constant 0 : i32
        %dma_wait3A_280 = tpu.memref_slice %arg4[%add3A_237, %dma_wait3A_278, %dma_wait3A_279] : memref<6250x4x128xi32, #tpu.memory_space<hbm>> -> memref<1x4x128xi32, #tpu.memory_space<hbm>>
        %dma_wait3A_281 = tpu.memref_squeeze %dma_wait3A_280 : memref<1x4x128xi32, #tpu.memory_space<hbm>> -> memref<4x128xi32, #tpu.memory_space<hbm>>
        %dma_wait3A_282 = arith.constant 0 : i32
        %dma_wait3A_283 = arith.constant 0 : i32
        %dma_wait3A_284 = tpu.memref_slice %arg11[%dma_wait3A_273, %dma_wait3A_282, %dma_wait3A_283] : memref<2x4x128xi32, #tpu.memory_space<vmem>> -> memref<1x4x128xi32, #tpu.memory_space<vmem>>
        %dma_wait3A_285 = tpu.memref_squeeze %dma_wait3A_284 : memref<1x4x128xi32, #tpu.memory_space<vmem>> -> memref<4x128xi32, #tpu.memory_space<vmem>>
        %dma_wait3A_286 = arith.constant 0 : i32
        %dma_wait3A_287 = arith.constant 0 : i32
        %dma_wait3A_288 = tpu.memref_slice %arg4[%add3A_237, %dma_wait3A_286, %dma_wait3A_287] : memref<6250x4x128xi32, #tpu.memory_space<hbm>> -> memref<1x4x128xi32, #tpu.memory_space<hbm>>
        %dma_wait3A_289 = tpu.memref_squeeze %dma_wait3A_288 : memref<1x4x128xi32, #tpu.memory_space<hbm>> -> memref<4x128xi32, #tpu.memory_space<hbm>>
        tpu.wait_dma2 semaphore(%arg14 : memref<!tpu.dma_semaphore, #tpu.memory_space<semaphore_mem>>) src(%dma_wait3A_289 : memref<4x128xi32, #tpu.memory_space<hbm>>) dst(%dma_wait3A_285 : memref<4x128xi32, #tpu.memory_space<vmem>>)
        %gt3A = arith.constant 0 : i32
        %gt3A_290 = arith.cmpi sgt, %add3A_230, %gt3A : i32
        %convert_element_type3A_291 = arith.extui %gt3A_290 : i1 to i32
        %cond3A_292 = arith.constant 0 : i32
        %cond3A_293 = arith.cmpi ne, %convert_element_type3A_291, %cond3A_292 : i32
        scf.if %cond3A_293 {
          %dma_wait3A_565 = arith.constant 0 : i32
          %dma_wait3A_566 = arith.constant 0 : i32
          %dma_wait3A_567 = arith.constant 0 : i32
          %dma_wait3A_568 = arith.constant 0 : i32
          %dma_wait3A_569 = tpu.memref_slice %arg8[%dma_wait3A_567, %dma_wait3A_568] : memref<512x16xf32, #tpu.memory_space<vmem>> -> memref<128x16xf32, #tpu.memory_space<vmem>>
          %dma_wait3A_570 = arith.constant 0 : i32
          %dma_wait3A_571 = tpu.memref_slice %arg11[%dma_wait3A_565, %dma_wait3A_566, %dma_wait3A_570] : memref<2x4x128xi32, #tpu.memory_space<vmem>> -> memref<1x1x128xi32, #tpu.memory_space<vmem>>
          %dma_wait3A_572 = tpu.memref_squeeze %dma_wait3A_571 : memref<1x1x128xi32, #tpu.memory_space<vmem>> -> memref<128xi32, #tpu.memory_space<vmem>>
          %dma_wait3A_573 = arith.constant 0 : i32
          %dma_wait3A_574 = arith.constant 0 : i32
          %dma_wait3A_575 = tpu.memref_slice %arg7[%dma_wait3A_573, %dma_wait3A_574] : memref<100000x16xf32, #tpu.memory_space<vmem_shared>> -> memref<100000x16xf32, #tpu.memory_space<vmem_shared>>
          tpu.wait_indirect_dma semaphore(%arg15 : memref<!tpu.dma_semaphore, #tpu.memory_space<semaphore_mem>>) src(%dma_wait3A_569 : memref<128x16xf32, #tpu.memory_space<vmem>>) dst(%dma_wait3A_575 : memref<100000x16xf32, #tpu.memory_space<vmem_shared>>)
          %dma_wait3A_576 = arith.constant 0 : i32
          %dma_wait3A_577 = arith.constant 1 : i32
          %dma_wait3A_578 = arith.constant 128 : i32
          %dma_wait3A_579 = arith.constant 0 : i32
          %dma_wait3A_580 = tpu.memref_slice %arg8[%dma_wait3A_578, %dma_wait3A_579] : memref<512x16xf32, #tpu.memory_space<vmem>> -> memref<128x16xf32, #tpu.memory_space<vmem>>
          %dma_wait3A_581 = arith.constant 0 : i32
          %dma_wait3A_582 = tpu.memref_slice %arg11[%dma_wait3A_576, %dma_wait3A_577, %dma_wait3A_581] : memref<2x4x128xi32, #tpu.memory_space<vmem>> -> memref<1x1x128xi32, #tpu.memory_space<vmem>>
          %dma_wait3A_583 = tpu.memref_squeeze %dma_wait3A_582 : memref<1x1x128xi32, #tpu.memory_space<vmem>> -> memref<128xi32, #tpu.memory_space<vmem>>
          %dma_wait3A_584 = arith.constant 0 : i32
          %dma_wait3A_585 = arith.constant 0 : i32
          %dma_wait3A_586 = tpu.memref_slice %arg7[%dma_wait3A_584, %dma_wait3A_585] : memref<100000x16xf32, #tpu.memory_space<vmem_shared>> -> memref<100000x16xf32, #tpu.memory_space<vmem_shared>>
          tpu.wait_indirect_dma semaphore(%arg15 : memref<!tpu.dma_semaphore, #tpu.memory_space<semaphore_mem>>) src(%dma_wait3A_580 : memref<128x16xf32, #tpu.memory_space<vmem>>) dst(%dma_wait3A_586 : memref<100000x16xf32, #tpu.memory_space<vmem_shared>>)
          %dma_wait3A_587 = arith.constant 0 : i32
          %dma_wait3A_588 = arith.constant 2 : i32
          %dma_wait3A_589 = arith.constant 256 : i32
          %dma_wait3A_590 = arith.constant 0 : i32
          %dma_wait3A_591 = tpu.memref_slice %arg8[%dma_wait3A_589, %dma_wait3A_590] : memref<512x16xf32, #tpu.memory_space<vmem>> -> memref<128x16xf32, #tpu.memory_space<vmem>>
          %dma_wait3A_592 = arith.constant 0 : i32
          %dma_wait3A_593 = tpu.memref_slice %arg11[%dma_wait3A_587, %dma_wait3A_588, %dma_wait3A_592] : memref<2x4x128xi32, #tpu.memory_space<vmem>> -> memref<1x1x128xi32, #tpu.memory_space<vmem>>
          %dma_wait3A_594 = tpu.memref_squeeze %dma_wait3A_593 : memref<1x1x128xi32, #tpu.memory_space<vmem>> -> memref<128xi32, #tpu.memory_space<vmem>>
          %dma_wait3A_595 = arith.constant 0 : i32
          %dma_wait3A_596 = arith.constant 0 : i32
          %dma_wait3A_597 = tpu.memref_slice %arg7[%dma_wait3A_595, %dma_wait3A_596] : memref<100000x16xf32, #tpu.memory_space<vmem_shared>> -> memref<100000x16xf32, #tpu.memory_space<vmem_shared>>
          tpu.wait_indirect_dma semaphore(%arg15 : memref<!tpu.dma_semaphore, #tpu.memory_space<semaphore_mem>>) src(%dma_wait3A_591 : memref<128x16xf32, #tpu.memory_space<vmem>>) dst(%dma_wait3A_597 : memref<100000x16xf32, #tpu.memory_space<vmem_shared>>)
          %dma_wait3A_598 = arith.constant 0 : i32
          %dma_wait3A_599 = arith.constant 3 : i32
          %dma_wait3A_600 = arith.constant 384 : i32
          %dma_wait3A_601 = arith.constant 0 : i32
          %dma_wait3A_602 = tpu.memref_slice %arg8[%dma_wait3A_600, %dma_wait3A_601] : memref<512x16xf32, #tpu.memory_space<vmem>> -> memref<128x16xf32, #tpu.memory_space<vmem>>
          %dma_wait3A_603 = arith.constant 0 : i32
          %dma_wait3A_604 = tpu.memref_slice %arg11[%dma_wait3A_598, %dma_wait3A_599, %dma_wait3A_603] : memref<2x4x128xi32, #tpu.memory_space<vmem>> -> memref<1x1x128xi32, #tpu.memory_space<vmem>>
          %dma_wait3A_605 = tpu.memref_squeeze %dma_wait3A_604 : memref<1x1x128xi32, #tpu.memory_space<vmem>> -> memref<128xi32, #tpu.memory_space<vmem>>
          %dma_wait3A_606 = arith.constant 0 : i32
          %dma_wait3A_607 = arith.constant 0 : i32
          %dma_wait3A_608 = tpu.memref_slice %arg7[%dma_wait3A_606, %dma_wait3A_607] : memref<100000x16xf32, #tpu.memory_space<vmem_shared>> -> memref<100000x16xf32, #tpu.memory_space<vmem_shared>>
          tpu.wait_indirect_dma semaphore(%arg15 : memref<!tpu.dma_semaphore, #tpu.memory_space<semaphore_mem>>) src(%dma_wait3A_602 : memref<128x16xf32, #tpu.memory_space<vmem>>) dst(%dma_wait3A_608 : memref<100000x16xf32, #tpu.memory_space<vmem_shared>>)
        } else {
        }
        %add3A_294 = arith.constant 1 : i32
        %add3A_295 = arith.addi %add3A_230, %add3A_294 : i32
        %lt3A_296 = arith.cmpi slt, %add3A_295, %select_n3A_65 : i32
        %convert_element_type3A_297 = arith.extui %lt3A_296 : i1 to i32
        %cond3A_298 = arith.constant 0 : i32
        %cond3A_299 = arith.cmpi ne, %convert_element_type3A_297, %cond3A_298 : i32
        scf.if %cond3A_299 {
          %add3A_565 = arith.constant 1 : i32
          %add3A_566 = arith.addi %add3A_230, %add3A_565 : i32
          %mul3A_567 = arith.constant 32 : i32
          %mul3A_568 = arith.muli %add3A_566, %mul3A_567 : i32
          %add3A_569 = arith.addi %add3A, %mul3A_568 : i32
          %mul3A_570 = arith.constant 512 : i32
          %mul3A_571 = arith.muli %add3A_569, %mul3A_570 : i32
          %multiple_of3A_572 = tpu.assume_multiple %mul3A_571, 8 : i32
          %mul3A_573 = arith.constant 4 : i32
          %mul3A_574 = arith.muli %add3A_569, %mul3A_573 : i32
          %dma_start3A_575 = arith.constant 0 : i32
          %dma_start3A_576 = arith.constant 0 : i32
          %dma_start3A_577 = arith.constant 0 : i32
          %dma_start3A_578 = arith.constant 0 : i32
          %dma_start3A_579 = arith.constant 0 : i32
          %dma_start3A_580 = tpu.memref_slice %arg9[%dma_start3A_575, %dma_start3A_576, %dma_start3A_577, %dma_start3A_578, %dma_start3A_579] : memref<2x2x4x8x128xf32, #tpu.memory_space<vmem>> -> memref<1x2x4x8x128xf32, #tpu.memory_space<vmem>>
          %dma_start3A_581 = tpu.memref_squeeze %dma_start3A_580 : memref<1x2x4x8x128xf32, #tpu.memory_space<vmem>> -> memref<2x4x8x128xf32, #tpu.memory_space<vmem>>
          %dma_start3A_582 = arith.constant 0 : i32
          %dma_start3A_583 = arith.constant 0 : i32
          %dma_start3A_584 = arith.constant 0 : i32
          %dma_start3A_585 = tpu.memref_slice %arg2[%dma_start3A_582, %mul3A_574, %dma_start3A_583, %dma_start3A_584] : memref<2x25000x8x128xf32, #tpu.memory_space<hbm>> -> memref<2x4x8x128xf32, #tpu.memory_space<hbm>>
          %dma_start3A_586 = arith.constant 0 : i32
          %dma_start3A_587 = arith.constant 0 : i32
          %dma_start3A_588 = arith.constant 0 : i32
          %dma_start3A_589 = arith.constant 0 : i32
          %dma_start3A_590 = tpu.memref_slice %arg9[%dma_start3A_575, %dma_start3A_586, %dma_start3A_587, %dma_start3A_588, %dma_start3A_589] : memref<2x2x4x8x128xf32, #tpu.memory_space<vmem>> -> memref<1x2x4x8x128xf32, #tpu.memory_space<vmem>>
          %dma_start3A_591 = tpu.memref_squeeze %dma_start3A_590 : memref<1x2x4x8x128xf32, #tpu.memory_space<vmem>> -> memref<2x4x8x128xf32, #tpu.memory_space<vmem>>
          %dma_start3A_592 = arith.constant 0 : i32
          %dma_start3A_593 = arith.constant 0 : i32
          %dma_start3A_594 = arith.constant 0 : i32
          %dma_start3A_595 = tpu.memref_slice %arg2[%dma_start3A_592, %mul3A_574, %dma_start3A_593, %dma_start3A_594] : memref<2x25000x8x128xf32, #tpu.memory_space<hbm>> -> memref<2x4x8x128xf32, #tpu.memory_space<hbm>>
          tpu.enqueue_dma source(%dma_start3A_595 : memref<2x4x8x128xf32, #tpu.memory_space<hbm>>) target(%dma_start3A_591 : memref<2x4x8x128xf32, #tpu.memory_space<vmem>>) target_semaphore(%arg13 : memref<!tpu.dma_semaphore, #tpu.memory_space<semaphore_mem>>)
          %dma_start3A_596 = arith.constant 0 : i32
          %dma_start3A_597 = arith.constant 0 : i32
          %dma_start3A_598 = tpu.memref_slice %arg10[%dma_start3A_596, %dma_start3A_597] : memref<2x512xf32, #tpu.memory_space<vmem>> -> memref<1x512xf32, #tpu.memory_space<vmem>>
          %dma_start3A_599 = tpu.memref_squeeze %dma_start3A_598 : memref<1x512xf32, #tpu.memory_space<vmem>> -> memref<512xf32, #tpu.memory_space<vmem>>
          %dma_start3A_600 = tpu.memref_slice %arg3[%multiple_of3A_572] : memref<3200000xf32, #tpu.memory_space<hbm>> -> memref<512xf32, #tpu.memory_space<hbm>>
          %dma_start3A_601 = arith.constant 0 : i32
          %dma_start3A_602 = tpu.memref_slice %arg10[%dma_start3A_596, %dma_start3A_601] : memref<2x512xf32, #tpu.memory_space<vmem>> -> memref<1x512xf32, #tpu.memory_space<vmem>>
          %dma_start3A_603 = tpu.memref_squeeze %dma_start3A_602 : memref<1x512xf32, #tpu.memory_space<vmem>> -> memref<512xf32, #tpu.memory_space<vmem>>
          %dma_start3A_604 = tpu.memref_slice %arg3[%multiple_of3A_572] : memref<3200000xf32, #tpu.memory_space<hbm>> -> memref<512xf32, #tpu.memory_space<hbm>>
          tpu.enqueue_dma source(%dma_start3A_604 : memref<512xf32, #tpu.memory_space<hbm>>) target(%dma_start3A_603 : memref<512xf32, #tpu.memory_space<vmem>>) target_semaphore(%arg13 : memref<!tpu.dma_semaphore, #tpu.memory_space<semaphore_mem>>)
          %dma_start3A_605 = arith.constant 0 : i32
          %dma_start3A_606 = arith.constant 0 : i32
          %dma_start3A_607 = arith.constant 0 : i32
          %dma_start3A_608 = tpu.memref_slice %arg11[%dma_start3A_605, %dma_start3A_606, %dma_start3A_607] : memref<2x4x128xi32, #tpu.memory_space<vmem>> -> memref<1x4x128xi32, #tpu.memory_space<vmem>>
          %dma_start3A_609 = tpu.memref_squeeze %dma_start3A_608 : memref<1x4x128xi32, #tpu.memory_space<vmem>> -> memref<4x128xi32, #tpu.memory_space<vmem>>
          %dma_start3A_610 = arith.constant 0 : i32
          %dma_start3A_611 = arith.constant 0 : i32
          %dma_start3A_612 = tpu.memref_slice %arg4[%add3A_569, %dma_start3A_610, %dma_start3A_611] : memref<6250x4x128xi32, #tpu.memory_space<hbm>> -> memref<1x4x128xi32, #tpu.memory_space<hbm>>
          %dma_start3A_613 = tpu.memref_squeeze %dma_start3A_612 : memref<1x4x128xi32, #tpu.memory_space<hbm>> -> memref<4x128xi32, #tpu.memory_space<hbm>>
          %dma_start3A_614 = arith.constant 0 : i32
          %dma_start3A_615 = arith.constant 0 : i32
          %dma_start3A_616 = tpu.memref_slice %arg11[%dma_start3A_605, %dma_start3A_614, %dma_start3A_615] : memref<2x4x128xi32, #tpu.memory_space<vmem>> -> memref<1x4x128xi32, #tpu.memory_space<vmem>>
          %dma_start3A_617 = tpu.memref_squeeze %dma_start3A_616 : memref<1x4x128xi32, #tpu.memory_space<vmem>> -> memref<4x128xi32, #tpu.memory_space<vmem>>
          %dma_start3A_618 = arith.constant 0 : i32
          %dma_start3A_619 = arith.constant 0 : i32
          %dma_start3A_620 = tpu.memref_slice %arg4[%add3A_569, %dma_start3A_618, %dma_start3A_619] : memref<6250x4x128xi32, #tpu.memory_space<hbm>> -> memref<1x4x128xi32, #tpu.memory_space<hbm>>
          %dma_start3A_621 = tpu.memref_squeeze %dma_start3A_620 : memref<1x4x128xi32, #tpu.memory_space<hbm>> -> memref<4x128xi32, #tpu.memory_space<hbm>>
          tpu.enqueue_dma source(%dma_start3A_621 : memref<4x128xi32, #tpu.memory_space<hbm>>) target(%dma_start3A_617 : memref<4x128xi32, #tpu.memory_space<vmem>>) target_semaphore(%arg13 : memref<!tpu.dma_semaphore, #tpu.memory_space<semaphore_mem>>)
        } else {
        }
        %get3A_300 = arith.constant 1 : i32
        %get3A_301 = arith.index_cast %get3A_300 : i32 to index
        %get3A_302 = arith.constant 0 : index
        %get3A_303 = tpu.vector_load %arg10[%get3A_301, %get3A_302] {strides = array<i32>} : memref<2x512xf32, #tpu.memory_space<vmem>>, vector<16xf32>,
        %mul3A_304 = arith.mulf %get3A_303, %get3A_1 : vector<16xf32>
        %get3A_305 = arith.constant 1 : i32
        %get3A_306 = arith.constant 0 : i32
        %get3A_307 = arith.constant 0 : i32
        %get3A_308 = arith.constant 0 : i32
        %get3A_309 = arith.index_cast %get3A_305 : i32 to index
        %get3A_310 = arith.index_cast %get3A_306 : i32 to index
        %get3A_311 = arith.index_cast %get3A_307 : i32 to index
        %get3A_312 = arith.index_cast %get3A_308 : i32 to index
        %get3A_313 = arith.constant 0 : index
        %get3A_314 = tpu.vector_load %arg9[%get3A_309, %get3A_310, %get3A_311, %get3A_312, %get3A_313] {strides = array<i32>} : memref<2x2x4x8x128xf32, #tpu.memory_space<vmem>>, vector<16xf32>,
        %mul3A_315 = arith.mulf %get3A_314, %mul3A_304 : vector<16xf32>
        %get3A_316 = arith.constant 1 : i32
        %get3A_317 = arith.constant 0 : i32
        %get3A_318 = arith.constant 0 : i32
        %get3A_319 = arith.constant 1 : i32
        %get3A_320 = arith.index_cast %get3A_316 : i32 to index
        %get3A_321 = arith.index_cast %get3A_317 : i32 to index
        %get3A_322 = arith.index_cast %get3A_318 : i32 to index
        %get3A_323 = arith.index_cast %get3A_319 : i32 to index
        %get3A_324 = arith.constant 0 : index
        %get3A_325 = tpu.vector_load %arg9[%get3A_320, %get3A_321, %get3A_322, %get3A_323, %get3A_324] {strides = array<i32>} : memref<2x2x4x8x128xf32, #tpu.memory_space<vmem>>, vector<16xf32>,
        %mul3A_326 = arith.mulf %get3A_325, %mul3A_304 : vector<16xf32>
        %get3A_327 = arith.constant 1 : i32
        %get3A_328 = arith.constant 0 : i32
        %get3A_329 = arith.constant 0 : i32
        %get3A_330 = arith.constant 2 : i32
        %get3A_331 = arith.index_cast %get3A_327 : i32 to index
        %get3A_332 = arith.index_cast %get3A_328 : i32 to index
        %get3A_333 = arith.index_cast %get3A_329 : i32 to index
        %get3A_334 = arith.index_cast %get3A_330 : i32 to index
        %get3A_335 = arith.constant 0 : index
        %get3A_336 = tpu.vector_load %arg9[%get3A_331, %get3A_332, %get3A_333, %get3A_334, %get3A_335] {strides = array<i32>} : memref<2x2x4x8x128xf32, #tpu.memory_space<vmem>>, vector<16xf32>,
        %mul3A_337 = arith.mulf %get3A_336, %mul3A_304 : vector<16xf32>
        %get3A_338 = arith.constant 1 : i32
        %get3A_339 = arith.constant 0 : i32
        %get3A_340 = arith.constant 0 : i32
        %get3A_341 = arith.constant 3 : i32
        %get3A_342 = arith.index_cast %get3A_338 : i32 to index
        %get3A_343 = arith.index_cast %get3A_339 : i32 to index
        %get3A_344 = arith.index_cast %get3A_340 : i32 to index
        %get3A_345 = arith.index_cast %get3A_341 : i32 to index
        %get3A_346 = arith.constant 0 : index
        %get3A_347 = tpu.vector_load %arg9[%get3A_342, %get3A_343, %get3A_344, %get3A_345, %get3A_346] {strides = array<i32>} : memref<2x2x4x8x128xf32, #tpu.memory_space<vmem>>, vector<16xf32>,
        %mul3A_348 = arith.mulf %get3A_347, %mul3A_304 : vector<16xf32>
        %get3A_349 = arith.constant 1 : i32
        %get3A_350 = arith.constant 0 : i32
        %get3A_351 = arith.constant 0 : i32
        %get3A_352 = arith.constant 4 : i32
        %get3A_353 = arith.index_cast %get3A_349 : i32 to index
        %get3A_354 = arith.index_cast %get3A_350 : i32 to index
        %get3A_355 = arith.index_cast %get3A_351 : i32 to index
        %get3A_356 = arith.index_cast %get3A_352 : i32 to index
        %get3A_357 = arith.constant 0 : index
        %get3A_358 = tpu.vector_load %arg9[%get3A_353, %get3A_354, %get3A_355, %get3A_356, %get3A_357] {strides = array<i32>} : memref<2x2x4x8x128xf32, #tpu.memory_space<vmem>>, vector<16xf32>,
        %mul3A_359 = arith.mulf %get3A_358, %mul3A_304 : vector<16xf32>
        %get3A_360 = arith.constant 1 : i32
        %get3A_361 = arith.constant 0 : i32
        %get3A_362 = arith.constant 0 : i32
        %get3A_363 = arith.constant 5 : i32
        %get3A_364 = arith.index_cast %get3A_360 : i32 to index
        %get3A_365 = arith.index_cast %get3A_361 : i32 to index
        %get3A_366 = arith.index_cast %get3A_362 : i32 to index
        %get3A_367 = arith.index_cast %get3A_363 : i32 to index
        %get3A_368 = arith.constant 0 : index
        %get3A_369 = tpu.vector_load %arg9[%get3A_364, %get3A_365, %get3A_366, %get3A_367, %get3A_368] {strides = array<i32>} : memref<2x2x4x8x128xf32, #tpu.memory_space<vmem>>, vector<16xf32>,
        %mul3A_370 = arith.mulf %get3A_369, %mul3A_304 : vector<16xf32>
        %get3A_371 = arith.constant 1 : i32
        %get3A_372 = arith.constant 0 : i32
        %get3A_373 = arith.constant 0 : i32
        %get3A_374 = arith.constant 6 : i32
        %get3A_375 = arith.index_cast %get3A_371 : i32 to index
        %get3A_376 = arith.index_cast %get3A_372 : i32 to index
        %get3A_377 = arith.index_cast %get3A_373 : i32 to index
        %get3A_378 = arith.index_cast %get3A_374 : i32 to index
        %get3A_379 = arith.constant 0 : index
        %get3A_380 = tpu.vector_load %arg9[%get3A_375, %get3A_376, %get3A_377, %get3A_378, %get3A_379] {strides = array<i32>} : memref<2x2x4x8x128xf32, #tpu.memory_space<vmem>>, vector<16xf32>,
        %mul3A_381 = arith.mulf %get3A_380, %mul3A_304 : vector<16xf32>
        %get3A_382 = arith.constant 1 : i32
        %get3A_383 = arith.constant 0 : i32
        %get3A_384 = arith.constant 0 : i32
        %get3A_385 = arith.constant 7 : i32
        %get3A_386 = arith.index_cast %get3A_382 : i32 to index
        %get3A_387 = arith.index_cast %get3A_383 : i32 to index
        %get3A_388 = arith.index_cast %get3A_384 : i32 to index
        %get3A_389 = arith.index_cast %get3A_385 : i32 to index
        %get3A_390 = arith.constant 0 : index
        %get3A_391 = tpu.vector_load %arg9[%get3A_386, %get3A_387, %get3A_388, %get3A_389, %get3A_390] {strides = array<i32>} : memref<2x2x4x8x128xf32, #tpu.memory_space<vmem>>, vector<16xf32>,
        %mul3A_392 = arith.mulf %get3A_391, %mul3A_304 : vector<16xf32>
        %get3A_393 = arith.constant 1 : i32
        %get3A_394 = arith.constant 1 : i32
        %get3A_395 = arith.constant 0 : i32
        %get3A_396 = arith.constant 0 : i32
        %get3A_397 = arith.index_cast %get3A_393 : i32 to index
        %get3A_398 = arith.index_cast %get3A_394 : i32 to index
        %get3A_399 = arith.index_cast %get3A_395 : i32 to index
        %get3A_400 = arith.index_cast %get3A_396 : i32 to index
        %get3A_401 = arith.constant 0 : index
        %get3A_402 = tpu.vector_load %arg9[%get3A_397, %get3A_398, %get3A_399, %get3A_400, %get3A_401] {strides = array<i32>} : memref<2x2x4x8x128xf32, #tpu.memory_space<vmem>>, vector<16xf32>,
        %mul3A_403 = arith.mulf %get3A_402, %mul3A_304 : vector<16xf32>
        %get3A_404 = arith.constant 1 : i32
        %get3A_405 = arith.constant 1 : i32
        %get3A_406 = arith.constant 0 : i32
        %get3A_407 = arith.constant 1 : i32
        %get3A_408 = arith.index_cast %get3A_404 : i32 to index
        %get3A_409 = arith.index_cast %get3A_405 : i32 to index
        %get3A_410 = arith.index_cast %get3A_406 : i32 to index
        %get3A_411 = arith.index_cast %get3A_407 : i32 to index
        %get3A_412 = arith.constant 0 : index
        %get3A_413 = tpu.vector_load %arg9[%get3A_408, %get3A_409, %get3A_410, %get3A_411, %get3A_412] {strides = array<i32>} : memref<2x2x4x8x128xf32, #tpu.memory_space<vmem>>, vector<16xf32>,
        %mul3A_414 = arith.mulf %get3A_413, %mul3A_304 : vector<16xf32>
        %get3A_415 = arith.constant 1 : i32
        %get3A_416 = arith.constant 1 : i32
        %get3A_417 = arith.constant 0 : i32
        %get3A_418 = arith.constant 2 : i32
        %get3A_419 = arith.index_cast %get3A_415 : i32 to index
        %get3A_420 = arith.index_cast %get3A_416 : i32 to index
        %get3A_421 = arith.index_cast %get3A_417 : i32 to index
        %get3A_422 = arith.index_cast %get3A_418 : i32 to index
        %get3A_423 = arith.constant 0 : index
        %get3A_424 = tpu.vector_load %arg9[%get3A_419, %get3A_420, %get3A_421, %get3A_422, %get3A_423] {strides = array<i32>} : memref<2x2x4x8x128xf32, #tpu.memory_space<vmem>>, vector<16xf32>,
        %mul3A_425 = arith.mulf %get3A_424, %mul3A_304 : vector<16xf32>
        %get3A_426 = arith.constant 1 : i32
        %get3A_427 = arith.constant 1 : i32
        %get3A_428 = arith.constant 0 : i32
        %get3A_429 = arith.constant 3 : i32
        %get3A_430 = arith.index_cast %get3A_426 : i32 to index
        %get3A_431 = arith.index_cast %get3A_427 : i32 to index
        %get3A_432 = arith.index_cast %get3A_428 : i32 to index
        %get3A_433 = arith.index_cast %get3A_429 : i32 to index
        %get3A_434 = arith.constant 0 : index
        %get3A_435 = tpu.vector_load %arg9[%get3A_430, %get3A_431, %get3A_432, %get3A_433, %get3A_434] {strides = array<i32>} : memref<2x2x4x8x128xf32, #tpu.memory_space<vmem>>, vector<16xf32>,
        %mul3A_436 = arith.mulf %get3A_435, %mul3A_304 : vector<16xf32>
        %get3A_437 = arith.constant 1 : i32
        %get3A_438 = arith.constant 1 : i32
        %get3A_439 = arith.constant 0 : i32
        %get3A_440 = arith.constant 4 : i32
        %get3A_441 = arith.index_cast %get3A_437 : i32 to index
        %get3A_442 = arith.index_cast %get3A_438 : i32 to index
        %get3A_443 = arith.index_cast %get3A_439 : i32 to index
        %get3A_444 = arith.index_cast %get3A_440 : i32 to index
        %get3A_445 = arith.constant 0 : index
        %get3A_446 = tpu.vector_load %arg9[%get3A_441, %get3A_442, %get3A_443, %get3A_444, %get3A_445] {strides = array<i32>} : memref<2x2x4x8x128xf32, #tpu.memory_space<vmem>>, vector<16xf32>,
        %mul3A_447 = arith.mulf %get3A_446, %mul3A_304 : vector<16xf32>
        %get3A_448 = arith.constant 1 : i32
        %get3A_449 = arith.constant 1 : i32
        %get3A_450 = arith.constant 0 : i32
        %get3A_451 = arith.constant 5 : i32
        %get3A_452 = arith.index_cast %get3A_448 : i32 to index
        %get3A_453 = arith.index_cast %get3A_449 : i32 to index
        %get3A_454 = arith.index_cast %get3A_450 : i32 to index
        %get3A_455 = arith.index_cast %get3A_451 : i32 to index
        %get3A_456 = arith.constant 0 : index
        %get3A_457 = tpu.vector_load %arg9[%get3A_452, %get3A_453, %get3A_454, %get3A_455, %get3A_456] {strides = array<i32>} : memref<2x2x4x8x128xf32, #tpu.memory_space<vmem>>, vector<16xf32>,
        %mul3A_458 = arith.mulf %get3A_457, %mul3A_304 : vector<16xf32>
        %get3A_459 = arith.constant 1 : i32
        %get3A_460 = arith.constant 1 : i32
        %get3A_461 = arith.constant 0 : i32
        %get3A_462 = arith.constant 6 : i32
        %get3A_463 = arith.index_cast %get3A_459 : i32 to index
        %get3A_464 = arith.index_cast %get3A_460 : i32 to index
        %get3A_465 = arith.index_cast %get3A_461 : i32 to index
        %get3A_466 = arith.index_cast %get3A_462 : i32 to index
        %get3A_467 = arith.constant 0 : index
        %get3A_468 = tpu.vector_load %arg9[%get3A_463, %get3A_464, %get3A_465, %get3A_466, %get3A_467] {strides = array<i32>} : memref<2x2x4x8x128xf32, #tpu.memory_space<vmem>>, vector<16xf32>,
        %mul3A_469 = arith.mulf %get3A_468, %mul3A_304 : vector<16xf32>
        %get3A_470 = arith.constant 1 : i32
        %get3A_471 = arith.constant 1 : i32
        %get3A_472 = arith.constant 0 : i32
        %get3A_473 = arith.constant 7 : i32
        %get3A_474 = arith.index_cast %get3A_470 : i32 to index
        %get3A_475 = arith.index_cast %get3A_471 : i32 to index
        %get3A_476 = arith.index_cast %get3A_472 : i32 to index
        %get3A_477 = arith.index_cast %get3A_473 : i32 to index
        %get3A_478 = arith.constant 0 : index
        %get3A_479 = tpu.vector_load %arg9[%get3A_474, %get3A_475, %get3A_476, %get3A_477, %get3A_478] {strides = array<i32>} : memref<2x2x4x8x128xf32, #tpu.memory_space<vmem>>, vector<16xf32>,
        %mul3A_480 = arith.mulf %get3A_479, %mul3A_304 : vector<16xf32>
        %scan3A_481 = arith.constant 1 : i32
        %scan3A_482 = arith.constant 31 : i32
        %scan3A_483 = arith.addi %scan3A_481, %scan3A_482 : i32
        %scan3A_484 = arith.constant 1 : i32
        %scan3A_485:16 = scf.for %scan3A_565 = %scan3A_481 to %scan3A_483 step %scan3A_484 iter_args(%scan3A_566 = %mul3A_315, %scan3A_567 = %mul3A_326, %scan3A_568 = %mul3A_337, %scan3A_569 = %mul3A_348, %scan3A_570 = %mul3A_359, %scan3A_571 = %mul3A_370, %scan3A_572 = %mul3A_381, %scan3A_573 = %mul3A_392, %scan3A_574 = %mul3A_403, %scan3A_575 = %mul3A_414, %scan3A_576 = %mul3A_425, %scan3A_577 = %mul3A_436, %scan3A_578 = %mul3A_447, %scan3A_579 = %mul3A_458, %scan3A_580 = %mul3A_469, %scan3A_581 = %mul3A_480) -> (vector<16xf32>, vector<16xf32>, vector<16xf32>, vector<16xf32>, vector<16xf32>, vector<16xf32>, vector<16xf32>, vector<16xf32>, vector<16xf32>, vector<16xf32>, vector<16xf32>, vector<16xf32>, vector<16xf32>, vector<16xf32>, vector<16xf32>, vector<16xf32>)  : i32 {
          %jit3A_582 = arith.constant 8 : i32
          %div3A_583 = arith.divsi %scan3A_565, %jit3A_582 : i32
          %sign3A_584 = arith.constant 0 : i32
          %sign3A_585 = arith.cmpi sgt, %scan3A_565, %sign3A_584 : i32
          %sign3A_586 = arith.extui %sign3A_585 : i1 to i32
          %sign3A_587 = arith.constant 0 : i32
          %sign3A_588 = arith.cmpi slt, %scan3A_565, %sign3A_587 : i32
          %sign3A_589 = arith.extui %sign3A_588 : i1 to i32
          %sign3A_590 = arith.subi %sign3A_586, %sign3A_589 : i32
          %sign3A_591 = arith.constant 0 : i32
          %sign3A_592 = arith.cmpi sgt, %jit3A_582, %sign3A_591 : i32
          %sign3A_593 = arith.extui %sign3A_592 : i1 to i32
          %sign3A_594 = arith.constant 0 : i32
          %sign3A_595 = arith.cmpi slt, %jit3A_582, %sign3A_594 : i32
          %sign3A_596 = arith.extui %sign3A_595 : i1 to i32
          %sign3A_597 = arith.subi %sign3A_593, %sign3A_596 : i32
          %ne3A_598 = arith.cmpi ne, %sign3A_590, %sign3A_597 : i32
          %rem3A_599 = arith.remsi %scan3A_565, %jit3A_582 : i32
          %ne3A_600 = arith.constant 0 : i32
          %ne3A_601 = arith.cmpi ne, %rem3A_599, %ne3A_600 : i32
          %and3A_602 = arith.andi %ne3A_598, %ne3A_601 : i1
          %sub3A_603 = arith.constant 1 : i32
          %sub3A_604 = arith.subi %div3A_583, %sub3A_603 : i32
          %select_n3A_605 = arith.select %and3A_602, %sub3A_604, %div3A_583 : i32
          %jit3A_606 = arith.constant 8 : i32
          %eq3A_607 = arith.constant 0 : i32
          %eq3A_608 = arith.cmpi eq, %jit3A_606, %eq3A_607 : i32
          %jit3A_609 = arith.constant 1 : i32
          %select_n3A_610 = arith.select %eq3A_608, %jit3A_609, %jit3A_606 : i32
          %rem3A_611 = arith.remsi %scan3A_565, %select_n3A_610 : i32
          %ne3A_612 = arith.constant 0 : i32
          %ne3A_613 = arith.cmpi ne, %rem3A_611, %ne3A_612 : i32
          %lt3A_614 = arith.constant 0 : i32
          %lt3A_615 = arith.cmpi slt, %rem3A_611, %lt3A_614 : i32
          %lt3A_616 = arith.constant 0 : i32
          %lt3A_617 = arith.cmpi slt, %select_n3A_610, %lt3A_616 : i32
          %ne3A_618 = arith.xori %lt3A_615, %lt3A_617 : i1
          %and3A_619 = arith.andi %ne3A_618, %ne3A_613 : i1
          %add3A_620 = arith.addi %rem3A_611, %select_n3A_610 : i32
          %select_n3A_621 = arith.select %and3A_619, %add3A_620, %rem3A_611 : i32
          %mul3A_622 = arith.constant 16 : i32
          %mul3A_623 = arith.muli %select_n3A_621, %mul3A_622 : i32
          %mul3A_624 = arith.constant 16 : i32
          %mul3A_625 = arith.muli %scan3A_565, %mul3A_624 : i32
          %get3A_626 = arith.constant 1 : i32
          %get3A_627 = arith.index_cast %get3A_626 : i32 to index
          %get3A_628 = arith.index_cast %mul3A_625 : i32 to index
          %get3A_629 = tpu.vector_load %arg10[%get3A_627, %get3A_628] {strides = array<i32>} : memref<2x512xf32, #tpu.memory_space<vmem>>, vector<16xf32>,
          %mul3A_630 = arith.mulf %get3A_629, %get3A_1 : vector<16xf32>
          %get3A_631 = arith.constant 1 : i32
          %get3A_632 = arith.constant 0 : i32
          %get3A_633 = arith.constant 0 : i32
          %get3A_634 = arith.index_cast %get3A_631 : i32 to index
          %get3A_635 = arith.index_cast %get3A_632 : i32 to index
          %get3A_636 = arith.index_cast %select_n3A_605 : i32 to index
          %get3A_637 = arith.index_cast %get3A_633 : i32 to index
          %get3A_638 = arith.index_cast %mul3A_623 : i32 to index
          %get3A_639 = tpu.vector_load %arg9[%get3A_634, %get3A_635, %get3A_636, %get3A_637, %get3A_638] {strides = array<i32>} : memref<2x2x4x8x128xf32, #tpu.memory_space<vmem>>, vector<16xf32>,
          %mul3A_640 = arith.mulf %get3A_639, %mul3A_630 : vector<16xf32>
          %get3A_641 = arith.constant 1 : i32
          %get3A_642 = arith.constant 0 : i32
          %get3A_643 = arith.constant 1 : i32
          %get3A_644 = arith.index_cast %get3A_641 : i32 to index
          %get3A_645 = arith.index_cast %get3A_642 : i32 to index
          %get3A_646 = arith.index_cast %select_n3A_605 : i32 to index
          %get3A_647 = arith.index_cast %get3A_643 : i32 to index
          %get3A_648 = arith.index_cast %mul3A_623 : i32 to index
          %get3A_649 = tpu.vector_load %arg9[%get3A_644, %get3A_645, %get3A_646, %get3A_647, %get3A_648] {strides = array<i32>} : memref<2x2x4x8x128xf32, #tpu.memory_space<vmem>>, vector<16xf32>,
          %mul3A_650 = arith.mulf %get3A_649, %mul3A_630 : vector<16xf32>
          %get3A_651 = arith.constant 1 : i32
          %get3A_652 = arith.constant 0 : i32
          %get3A_653 = arith.constant 2 : i32
          %get3A_654 = arith.index_cast %get3A_651 : i32 to index
          %get3A_655 = arith.index_cast %get3A_652 : i32 to index
          %get3A_656 = arith.index_cast %select_n3A_605 : i32 to index
          %get3A_657 = arith.index_cast %get3A_653 : i32 to index
          %get3A_658 = arith.index_cast %mul3A_623 : i32 to index
          %get3A_659 = tpu.vector_load %arg9[%get3A_654, %get3A_655, %get3A_656, %get3A_657, %get3A_658] {strides = array<i32>} : memref<2x2x4x8x128xf32, #tpu.memory_space<vmem>>, vector<16xf32>,
          %mul3A_660 = arith.mulf %get3A_659, %mul3A_630 : vector<16xf32>
          %get3A_661 = arith.constant 1 : i32
          %get3A_662 = arith.constant 0 : i32
          %get3A_663 = arith.constant 3 : i32
          %get3A_664 = arith.index_cast %get3A_661 : i32 to index
          %get3A_665 = arith.index_cast %get3A_662 : i32 to index
          %get3A_666 = arith.index_cast %select_n3A_605 : i32 to index
          %get3A_667 = arith.index_cast %get3A_663 : i32 to index
          %get3A_668 = arith.index_cast %mul3A_623 : i32 to index
          %get3A_669 = tpu.vector_load %arg9[%get3A_664, %get3A_665, %get3A_666, %get3A_667, %get3A_668] {strides = array<i32>} : memref<2x2x4x8x128xf32, #tpu.memory_space<vmem>>, vector<16xf32>,
          %mul3A_670 = arith.mulf %get3A_669, %mul3A_630 : vector<16xf32>
          %get3A_671 = arith.constant 1 : i32
          %get3A_672 = arith.constant 0 : i32
          %get3A_673 = arith.constant 4 : i32
          %get3A_674 = arith.index_cast %get3A_671 : i32 to index
          %get3A_675 = arith.index_cast %get3A_672 : i32 to index
          %get3A_676 = arith.index_cast %select_n3A_605 : i32 to index
          %get3A_677 = arith.index_cast %get3A_673 : i32 to index
          %get3A_678 = arith.index_cast %mul3A_623 : i32 to index
          %get3A_679 = tpu.vector_load %arg9[%get3A_674, %get3A_675, %get3A_676, %get3A_677, %get3A_678] {strides = array<i32>} : memref<2x2x4x8x128xf32, #tpu.memory_space<vmem>>, vector<16xf32>,
          %mul3A_680 = arith.mulf %get3A_679, %mul3A_630 : vector<16xf32>
          %get3A_681 = arith.constant 1 : i32
          %get3A_682 = arith.constant 0 : i32
          %get3A_683 = arith.constant 5 : i32
          %get3A_684 = arith.index_cast %get3A_681 : i32 to index
          %get3A_685 = arith.index_cast %get3A_682 : i32 to index
          %get3A_686 = arith.index_cast %select_n3A_605 : i32 to index
          %get3A_687 = arith.index_cast %get3A_683 : i32 to index
          %get3A_688 = arith.index_cast %mul3A_623 : i32 to index
          %get3A_689 = tpu.vector_load %arg9[%get3A_684, %get3A_685, %get3A_686, %get3A_687, %get3A_688] {strides = array<i32>} : memref<2x2x4x8x128xf32, #tpu.memory_space<vmem>>, vector<16xf32>,
          %mul3A_690 = arith.mulf %get3A_689, %mul3A_630 : vector<16xf32>
          %get3A_691 = arith.constant 1 : i32
          %get3A_692 = arith.constant 0 : i32
          %get3A_693 = arith.constant 6 : i32
          %get3A_694 = arith.index_cast %get3A_691 : i32 to index
          %get3A_695 = arith.index_cast %get3A_692 : i32 to index
          %get3A_696 = arith.index_cast %select_n3A_605 : i32 to index
          %get3A_697 = arith.index_cast %get3A_693 : i32 to index
          %get3A_698 = arith.index_cast %mul3A_623 : i32 to index
          %get3A_699 = tpu.vector_load %arg9[%get3A_694, %get3A_695, %get3A_696, %get3A_697, %get3A_698] {strides = array<i32>} : memref<2x2x4x8x128xf32, #tpu.memory_space<vmem>>, vector<16xf32>,
          %mul3A_700 = arith.mulf %get3A_699, %mul3A_630 : vector<16xf32>
          %get3A_701 = arith.constant 1 : i32
          %get3A_702 = arith.constant 0 : i32
          %get3A_703 = arith.constant 7 : i32
          %get3A_704 = arith.index_cast %get3A_701 : i32 to index
          %get3A_705 = arith.index_cast %get3A_702 : i32 to index
          %get3A_706 = arith.index_cast %select_n3A_605 : i32 to index
          %get3A_707 = arith.index_cast %get3A_703 : i32 to index
          %get3A_708 = arith.index_cast %mul3A_623 : i32 to index
          %get3A_709 = tpu.vector_load %arg9[%get3A_704, %get3A_705, %get3A_706, %get3A_707, %get3A_708] {strides = array<i32>} : memref<2x2x4x8x128xf32, #tpu.memory_space<vmem>>, vector<16xf32>,
          %mul3A_710 = arith.mulf %get3A_709, %mul3A_630 : vector<16xf32>
          %get3A_711 = arith.constant 1 : i32
          %get3A_712 = arith.constant 1 : i32
          %get3A_713 = arith.constant 0 : i32
          %get3A_714 = arith.index_cast %get3A_711 : i32 to index
          %get3A_715 = arith.index_cast %get3A_712 : i32 to index
          %get3A_716 = arith.index_cast %select_n3A_605 : i32 to index
          %get3A_717 = arith.index_cast %get3A_713 : i32 to index
          %get3A_718 = arith.index_cast %mul3A_623 : i32 to index
          %get3A_719 = tpu.vector_load %arg9[%get3A_714, %get3A_715, %get3A_716, %get3A_717, %get3A_718] {strides = array<i32>} : memref<2x2x4x8x128xf32, #tpu.memory_space<vmem>>, vector<16xf32>,
          %mul3A_720 = arith.mulf %get3A_719, %mul3A_630 : vector<16xf32>
          %get3A_721 = arith.constant 1 : i32
          %get3A_722 = arith.constant 1 : i32
          %get3A_723 = arith.constant 1 : i32
          %get3A_724 = arith.index_cast %get3A_721 : i32 to index
          %get3A_725 = arith.index_cast %get3A_722 : i32 to index
          %get3A_726 = arith.index_cast %select_n3A_605 : i32 to index
          %get3A_727 = arith.index_cast %get3A_723 : i32 to index
          %get3A_728 = arith.index_cast %mul3A_623 : i32 to index
          %get3A_729 = tpu.vector_load %arg9[%get3A_724, %get3A_725, %get3A_726, %get3A_727, %get3A_728] {strides = array<i32>} : memref<2x2x4x8x128xf32, #tpu.memory_space<vmem>>, vector<16xf32>,
          %mul3A_730 = arith.mulf %get3A_729, %mul3A_630 : vector<16xf32>
          %get3A_731 = arith.constant 1 : i32
          %get3A_732 = arith.constant 1 : i32
          %get3A_733 = arith.constant 2 : i32
          %get3A_734 = arith.index_cast %get3A_731 : i32 to index
          %get3A_735 = arith.index_cast %get3A_732 : i32 to index
          %get3A_736 = arith.index_cast %select_n3A_605 : i32 to index
          %get3A_737 = arith.index_cast %get3A_733 : i32 to index
          %get3A_738 = arith.index_cast %mul3A_623 : i32 to index
          %get3A_739 = tpu.vector_load %arg9[%get3A_734, %get3A_735, %get3A_736, %get3A_737, %get3A_738] {strides = array<i32>} : memref<2x2x4x8x128xf32, #tpu.memory_space<vmem>>, vector<16xf32>,
          %mul3A_740 = arith.mulf %get3A_739, %mul3A_630 : vector<16xf32>
          %get3A_741 = arith.constant 1 : i32
          %get3A_742 = arith.constant 1 : i32
          %get3A_743 = arith.constant 3 : i32
          %get3A_744 = arith.index_cast %get3A_741 : i32 to index
          %get3A_745 = arith.index_cast %get3A_742 : i32 to index
          %get3A_746 = arith.index_cast %select_n3A_605 : i32 to index
          %get3A_747 = arith.index_cast %get3A_743 : i32 to index
          %get3A_748 = arith.index_cast %mul3A_623 : i32 to index
          %get3A_749 = tpu.vector_load %arg9[%get3A_744, %get3A_745, %get3A_746, %get3A_747, %get3A_748] {strides = array<i32>} : memref<2x2x4x8x128xf32, #tpu.memory_space<vmem>>, vector<16xf32>,
          %mul3A_750 = arith.mulf %get3A_749, %mul3A_630 : vector<16xf32>
          %get3A_751 = arith.constant 1 : i32
          %get3A_752 = arith.constant 1 : i32
          %get3A_753 = arith.constant 4 : i32
          %get3A_754 = arith.index_cast %get3A_751 : i32 to index
          %get3A_755 = arith.index_cast %get3A_752 : i32 to index
          %get3A_756 = arith.index_cast %select_n3A_605 : i32 to index
          %get3A_757 = arith.index_cast %get3A_753 : i32 to index
          %get3A_758 = arith.index_cast %mul3A_623 : i32 to index
          %get3A_759 = tpu.vector_load %arg9[%get3A_754, %get3A_755, %get3A_756, %get3A_757, %get3A_758] {strides = array<i32>} : memref<2x2x4x8x128xf32, #tpu.memory_space<vmem>>, vector<16xf32>,
          %mul3A_760 = arith.mulf %get3A_759, %mul3A_630 : vector<16xf32>
          %get3A_761 = arith.constant 1 : i32
          %get3A_762 = arith.constant 1 : i32
          %get3A_763 = arith.constant 5 : i32
          %get3A_764 = arith.index_cast %get3A_761 : i32 to index
          %get3A_765 = arith.index_cast %get3A_762 : i32 to index
          %get3A_766 = arith.index_cast %select_n3A_605 : i32 to index
          %get3A_767 = arith.index_cast %get3A_763 : i32 to index
          %get3A_768 = arith.index_cast %mul3A_623 : i32 to index
          %get3A_769 = tpu.vector_load %arg9[%get3A_764, %get3A_765, %get3A_766, %get3A_767, %get3A_768] {strides = array<i32>} : memref<2x2x4x8x128xf32, #tpu.memory_space<vmem>>, vector<16xf32>,
          %mul3A_770 = arith.mulf %get3A_769, %mul3A_630 : vector<16xf32>
          %get3A_771 = arith.constant 1 : i32
          %get3A_772 = arith.constant 1 : i32
          %get3A_773 = arith.constant 6 : i32
          %get3A_774 = arith.index_cast %get3A_771 : i32 to index
          %get3A_775 = arith.index_cast %get3A_772 : i32 to index
          %get3A_776 = arith.index_cast %select_n3A_605 : i32 to index
          %get3A_777 = arith.index_cast %get3A_773 : i32 to index
          %get3A_778 = arith.index_cast %mul3A_623 : i32 to index
          %get3A_779 = tpu.vector_load %arg9[%get3A_774, %get3A_775, %get3A_776, %get3A_777, %get3A_778] {strides = array<i32>} : memref<2x2x4x8x128xf32, #tpu.memory_space<vmem>>, vector<16xf32>,
          %mul3A_780 = arith.mulf %get3A_779, %mul3A_630 : vector<16xf32>
          %get3A_781 = arith.constant 1 : i32
          %get3A_782 = arith.constant 1 : i32
          %get3A_783 = arith.constant 7 : i32
          %get3A_784 = arith.index_cast %get3A_781 : i32 to index
          %get3A_785 = arith.index_cast %get3A_782 : i32 to index
          %get3A_786 = arith.index_cast %select_n3A_605 : i32 to index
          %get3A_787 = arith.index_cast %get3A_783 : i32 to index
          %get3A_788 = arith.index_cast %mul3A_623 : i32 to index
          %get3A_789 = tpu.vector_load %arg9[%get3A_784, %get3A_785, %get3A_786, %get3A_787, %get3A_788] {strides = array<i32>} : memref<2x2x4x8x128xf32, #tpu.memory_space<vmem>>, vector<16xf32>,
          %mul3A_790 = arith.mulf %get3A_789, %mul3A_630 : vector<16xf32>
          %sub3A_791 = arith.constant 1 : i32
          %sub3A_792 = arith.subi %scan3A_565, %sub3A_791 : i32
          %mul3A_793 = arith.constant 16 : i32
          %mul3A_794 = arith.muli %sub3A_792, %mul3A_793 : i32
          %add3A_795 = vector.broadcast %mul3A_794 : i32 to vector<16xi32>
          %add3A_796 = arith.addi %add3A_795, %iota3A : vector<16xi32>
          %broadcast_in_dim3A_797 = arith.constant 0 : i32
          %broadcast_in_dim3A_798 = vector.broadcast %broadcast_in_dim3A_797 : i32 to vector<16xi32>
          tpu.vector_store_idx %arg8[%add3A_796, %broadcast_in_dim3A_798], %scan3A_566 : memref<512x16xf32, #tpu.memory_space<vmem>>[vector<16xi32>, vector<16xi32>], vector<16xf32>,
          %broadcast_in_dim3A_799 = arith.constant 1 : i32
          %broadcast_in_dim3A_800 = vector.broadcast %broadcast_in_dim3A_799 : i32 to vector<16xi32>
          tpu.vector_store_idx %arg8[%add3A_796, %broadcast_in_dim3A_800], %scan3A_567 : memref<512x16xf32, #tpu.memory_space<vmem>>[vector<16xi32>, vector<16xi32>], vector<16xf32>,
          %broadcast_in_dim3A_801 = arith.constant 2 : i32
          %broadcast_in_dim3A_802 = vector.broadcast %broadcast_in_dim3A_801 : i32 to vector<16xi32>
          tpu.vector_store_idx %arg8[%add3A_796, %broadcast_in_dim3A_802], %scan3A_568 : memref<512x16xf32, #tpu.memory_space<vmem>>[vector<16xi32>, vector<16xi32>], vector<16xf32>,
          %broadcast_in_dim3A_803 = arith.constant 3 : i32
          %broadcast_in_dim3A_804 = vector.broadcast %broadcast_in_dim3A_803 : i32 to vector<16xi32>
          tpu.vector_store_idx %arg8[%add3A_796, %broadcast_in_dim3A_804], %scan3A_569 : memref<512x16xf32, #tpu.memory_space<vmem>>[vector<16xi32>, vector<16xi32>], vector<16xf32>,
          %broadcast_in_dim3A_805 = arith.constant 4 : i32
          %broadcast_in_dim3A_806 = vector.broadcast %broadcast_in_dim3A_805 : i32 to vector<16xi32>
          tpu.vector_store_idx %arg8[%add3A_796, %broadcast_in_dim3A_806], %scan3A_570 : memref<512x16xf32, #tpu.memory_space<vmem>>[vector<16xi32>, vector<16xi32>], vector<16xf32>,
          %broadcast_in_dim3A_807 = arith.constant 5 : i32
          %broadcast_in_dim3A_808 = vector.broadcast %broadcast_in_dim3A_807 : i32 to vector<16xi32>
          tpu.vector_store_idx %arg8[%add3A_796, %broadcast_in_dim3A_808], %scan3A_571 : memref<512x16xf32, #tpu.memory_space<vmem>>[vector<16xi32>, vector<16xi32>], vector<16xf32>,
          %broadcast_in_dim3A_809 = arith.constant 6 : i32
          %broadcast_in_dim3A_810 = vector.broadcast %broadcast_in_dim3A_809 : i32 to vector<16xi32>
          tpu.vector_store_idx %arg8[%add3A_796, %broadcast_in_dim3A_810], %scan3A_572 : memref<512x16xf32, #tpu.memory_space<vmem>>[vector<16xi32>, vector<16xi32>], vector<16xf32>,
          %broadcast_in_dim3A_811 = arith.constant 7 : i32
          %broadcast_in_dim3A_812 = vector.broadcast %broadcast_in_dim3A_811 : i32 to vector<16xi32>
          tpu.vector_store_idx %arg8[%add3A_796, %broadcast_in_dim3A_812], %scan3A_573 : memref<512x16xf32, #tpu.memory_space<vmem>>[vector<16xi32>, vector<16xi32>], vector<16xf32>,
          %broadcast_in_dim3A_813 = arith.constant 8 : i32
          %broadcast_in_dim3A_814 = vector.broadcast %broadcast_in_dim3A_813 : i32 to vector<16xi32>
          tpu.vector_store_idx %arg8[%add3A_796, %broadcast_in_dim3A_814], %scan3A_574 : memref<512x16xf32, #tpu.memory_space<vmem>>[vector<16xi32>, vector<16xi32>], vector<16xf32>,
          %broadcast_in_dim3A_815 = arith.constant 9 : i32
          %broadcast_in_dim3A_816 = vector.broadcast %broadcast_in_dim3A_815 : i32 to vector<16xi32>
          tpu.vector_store_idx %arg8[%add3A_796, %broadcast_in_dim3A_816], %scan3A_575 : memref<512x16xf32, #tpu.memory_space<vmem>>[vector<16xi32>, vector<16xi32>], vector<16xf32>,
          %broadcast_in_dim3A_817 = arith.constant 10 : i32
          %broadcast_in_dim3A_818 = vector.broadcast %broadcast_in_dim3A_817 : i32 to vector<16xi32>
          tpu.vector_store_idx %arg8[%add3A_796, %broadcast_in_dim3A_818], %scan3A_576 : memref<512x16xf32, #tpu.memory_space<vmem>>[vector<16xi32>, vector<16xi32>], vector<16xf32>,
          %broadcast_in_dim3A_819 = arith.constant 11 : i32
          %broadcast_in_dim3A_820 = vector.broadcast %broadcast_in_dim3A_819 : i32 to vector<16xi32>
          tpu.vector_store_idx %arg8[%add3A_796, %broadcast_in_dim3A_820], %scan3A_577 : memref<512x16xf32, #tpu.memory_space<vmem>>[vector<16xi32>, vector<16xi32>], vector<16xf32>,
          %broadcast_in_dim3A_821 = arith.constant 12 : i32
          %broadcast_in_dim3A_822 = vector.broadcast %broadcast_in_dim3A_821 : i32 to vector<16xi32>
          tpu.vector_store_idx %arg8[%add3A_796, %broadcast_in_dim3A_822], %scan3A_578 : memref<512x16xf32, #tpu.memory_space<vmem>>[vector<16xi32>, vector<16xi32>], vector<16xf32>,
          %broadcast_in_dim3A_823 = arith.constant 13 : i32
          %broadcast_in_dim3A_824 = vector.broadcast %broadcast_in_dim3A_823 : i32 to vector<16xi32>
          tpu.vector_store_idx %arg8[%add3A_796, %broadcast_in_dim3A_824], %scan3A_579 : memref<512x16xf32, #tpu.memory_space<vmem>>[vector<16xi32>, vector<16xi32>], vector<16xf32>,
          %broadcast_in_dim3A_825 = arith.constant 14 : i32
          %broadcast_in_dim3A_826 = vector.broadcast %broadcast_in_dim3A_825 : i32 to vector<16xi32>
          tpu.vector_store_idx %arg8[%add3A_796, %broadcast_in_dim3A_826], %scan3A_580 : memref<512x16xf32, #tpu.memory_space<vmem>>[vector<16xi32>, vector<16xi32>], vector<16xf32>,
          %broadcast_in_dim3A_827 = arith.constant 15 : i32
          %broadcast_in_dim3A_828 = vector.broadcast %broadcast_in_dim3A_827 : i32 to vector<16xi32>
          tpu.vector_store_idx %arg8[%add3A_796, %broadcast_in_dim3A_828], %scan3A_581 : memref<512x16xf32, #tpu.memory_space<vmem>>[vector<16xi32>, vector<16xi32>], vector<16xf32>,
          scf.yield %mul3A_640, %mul3A_650, %mul3A_660, %mul3A_670, %mul3A_680, %mul3A_690, %mul3A_700, %mul3A_710, %mul3A_720, %mul3A_730, %mul3A_740, %mul3A_750, %mul3A_760, %mul3A_770, %mul3A_780, %mul3A_790 : vector<16xf32>, vector<16xf32>, vector<16xf32>, vector<16xf32>, vector<16xf32>, vector<16xf32>, vector<16xf32>, vector<16xf32>, vector<16xf32>, vector<16xf32>, vector<16xf32>, vector<16xf32>, vector<16xf32>, vector<16xf32>, vector<16xf32>, vector<16xf32>
        }
        %scan3A_486 = arith.constant 31 : i32
        %add3A_487 = arith.constant 496 : i32
        %add3A_488 = vector.broadcast %add3A_487 : i32 to vector<16xi32>
        %add3A_489 = arith.addi %add3A_488, %iota3A : vector<16xi32>
        %broadcast_in_dim3A = arith.constant 0 : i32
        %broadcast_in_dim3A_490 = vector.broadcast %broadcast_in_dim3A : i32 to vector<16xi32>
        tpu.vector_store_idx %arg8[%add3A_489, %broadcast_in_dim3A_490], %scan3A_485#0 : memref<512x16xf32, #tpu.memory_space<vmem>>[vector<16xi32>, vector<16xi32>], vector<16xf32>,
        %broadcast_in_dim3A_491 = arith.constant 1 : i32
        %broadcast_in_dim3A_492 = vector.broadcast %broadcast_in_dim3A_491 : i32 to vector<16xi32>
        tpu.vector_store_idx %arg8[%add3A_489, %broadcast_in_dim3A_492], %scan3A_485#1 : memref<512x16xf32, #tpu.memory_space<vmem>>[vector<16xi32>, vector<16xi32>], vector<16xf32>,
        %broadcast_in_dim3A_493 = arith.constant 2 : i32
        %broadcast_in_dim3A_494 = vector.broadcast %broadcast_in_dim3A_493 : i32 to vector<16xi32>
        tpu.vector_store_idx %arg8[%add3A_489, %broadcast_in_dim3A_494], %scan3A_485#2 : memref<512x16xf32, #tpu.memory_space<vmem>>[vector<16xi32>, vector<16xi32>], vector<16xf32>,
        %broadcast_in_dim3A_495 = arith.constant 3 : i32
        %broadcast_in_dim3A_496 = vector.broadcast %broadcast_in_dim3A_495 : i32 to vector<16xi32>
        tpu.vector_store_idx %arg8[%add3A_489, %broadcast_in_dim3A_496], %scan3A_485#3 : memref<512x16xf32, #tpu.memory_space<vmem>>[vector<16xi32>, vector<16xi32>], vector<16xf32>,
        %broadcast_in_dim3A_497 = arith.constant 4 : i32
        %broadcast_in_dim3A_498 = vector.broadcast %broadcast_in_dim3A_497 : i32 to vector<16xi32>
        tpu.vector_store_idx %arg8[%add3A_489, %broadcast_in_dim3A_498], %scan3A_485#4 : memref<512x16xf32, #tpu.memory_space<vmem>>[vector<16xi32>, vector<16xi32>], vector<16xf32>,
        %broadcast_in_dim3A_499 = arith.constant 5 : i32
        %broadcast_in_dim3A_500 = vector.broadcast %broadcast_in_dim3A_499 : i32 to vector<16xi32>
        tpu.vector_store_idx %arg8[%add3A_489, %broadcast_in_dim3A_500], %scan3A_485#5 : memref<512x16xf32, #tpu.memory_space<vmem>>[vector<16xi32>, vector<16xi32>], vector<16xf32>,
        %broadcast_in_dim3A_501 = arith.constant 6 : i32
        %broadcast_in_dim3A_502 = vector.broadcast %broadcast_in_dim3A_501 : i32 to vector<16xi32>
        tpu.vector_store_idx %arg8[%add3A_489, %broadcast_in_dim3A_502], %scan3A_485#6 : memref<512x16xf32, #tpu.memory_space<vmem>>[vector<16xi32>, vector<16xi32>], vector<16xf32>,
        %broadcast_in_dim3A_503 = arith.constant 7 : i32
        %broadcast_in_dim3A_504 = vector.broadcast %broadcast_in_dim3A_503 : i32 to vector<16xi32>
        tpu.vector_store_idx %arg8[%add3A_489, %broadcast_in_dim3A_504], %scan3A_485#7 : memref<512x16xf32, #tpu.memory_space<vmem>>[vector<16xi32>, vector<16xi32>], vector<16xf32>,
        %broadcast_in_dim3A_505 = arith.constant 8 : i32
        %broadcast_in_dim3A_506 = vector.broadcast %broadcast_in_dim3A_505 : i32 to vector<16xi32>
        tpu.vector_store_idx %arg8[%add3A_489, %broadcast_in_dim3A_506], %scan3A_485#8 : memref<512x16xf32, #tpu.memory_space<vmem>>[vector<16xi32>, vector<16xi32>], vector<16xf32>,
        %broadcast_in_dim3A_507 = arith.constant 9 : i32
        %broadcast_in_dim3A_508 = vector.broadcast %broadcast_in_dim3A_507 : i32 to vector<16xi32>
        tpu.vector_store_idx %arg8[%add3A_489, %broadcast_in_dim3A_508], %scan3A_485#9 : memref<512x16xf32, #tpu.memory_space<vmem>>[vector<16xi32>, vector<16xi32>], vector<16xf32>,
        %broadcast_in_dim3A_509 = arith.constant 10 : i32
        %broadcast_in_dim3A_510 = vector.broadcast %broadcast_in_dim3A_509 : i32 to vector<16xi32>
        tpu.vector_store_idx %arg8[%add3A_489, %broadcast_in_dim3A_510], %scan3A_485#10 : memref<512x16xf32, #tpu.memory_space<vmem>>[vector<16xi32>, vector<16xi32>], vector<16xf32>,
        %broadcast_in_dim3A_511 = arith.constant 11 : i32
        %broadcast_in_dim3A_512 = vector.broadcast %broadcast_in_dim3A_511 : i32 to vector<16xi32>
        tpu.vector_store_idx %arg8[%add3A_489, %broadcast_in_dim3A_512], %scan3A_485#11 : memref<512x16xf32, #tpu.memory_space<vmem>>[vector<16xi32>, vector<16xi32>], vector<16xf32>,
        %broadcast_in_dim3A_513 = arith.constant 12 : i32
        %broadcast_in_dim3A_514 = vector.broadcast %broadcast_in_dim3A_513 : i32 to vector<16xi32>
        tpu.vector_store_idx %arg8[%add3A_489, %broadcast_in_dim3A_514], %scan3A_485#12 : memref<512x16xf32, #tpu.memory_space<vmem>>[vector<16xi32>, vector<16xi32>], vector<16xf32>,
        %broadcast_in_dim3A_515 = arith.constant 13 : i32
        %broadcast_in_dim3A_516 = vector.broadcast %broadcast_in_dim3A_515 : i32 to vector<16xi32>
        tpu.vector_store_idx %arg8[%add3A_489, %broadcast_in_dim3A_516], %scan3A_485#13 : memref<512x16xf32, #tpu.memory_space<vmem>>[vector<16xi32>, vector<16xi32>], vector<16xf32>,
        %broadcast_in_dim3A_517 = arith.constant 14 : i32
        %broadcast_in_dim3A_518 = vector.broadcast %broadcast_in_dim3A_517 : i32 to vector<16xi32>
        tpu.vector_store_idx %arg8[%add3A_489, %broadcast_in_dim3A_518], %scan3A_485#14 : memref<512x16xf32, #tpu.memory_space<vmem>>[vector<16xi32>, vector<16xi32>], vector<16xf32>,
        %broadcast_in_dim3A_519 = arith.constant 15 : i32
        %broadcast_in_dim3A_520 = vector.broadcast %broadcast_in_dim3A_519 : i32 to vector<16xi32>
        tpu.vector_store_idx %arg8[%add3A_489, %broadcast_in_dim3A_520], %scan3A_485#15 : memref<512x16xf32, #tpu.memory_space<vmem>>[vector<16xi32>, vector<16xi32>], vector<16xf32>,
        %dma_start3A_521 = arith.constant 1 : i32
        %dma_start3A_522 = arith.constant 0 : i32
        %dma_start3A_523 = arith.constant 0 : i32
        %dma_start3A_524 = arith.constant 0 : i32
        %dma_start3A_525 = tpu.memref_slice %arg8[%dma_start3A_523, %dma_start3A_524] : memref<512x16xf32, #tpu.memory_space<vmem>> -> memref<128x16xf32, #tpu.memory_space<vmem>>
        %dma_start3A_526 = arith.constant 0 : i32
        %dma_start3A_527 = tpu.memref_slice %arg11[%dma_start3A_521, %dma_start3A_522, %dma_start3A_526] : memref<2x4x128xi32, #tpu.memory_space<vmem>> -> memref<1x1x128xi32, #tpu.memory_space<vmem>>
        %dma_start3A_528 = tpu.memref_squeeze %dma_start3A_527 : memref<1x1x128xi32, #tpu.memory_space<vmem>> -> memref<128xi32, #tpu.memory_space<vmem>>
        %dma_start3A_529 = arith.constant 0 : i32
        %dma_start3A_530 = arith.constant 0 : i32
        %dma_start3A_531 = tpu.memref_slice %arg7[%dma_start3A_529, %dma_start3A_530] : memref<100000x16xf32, #tpu.memory_space<vmem_shared>> -> memref<100000x16xf32, #tpu.memory_space<vmem_shared>>
        tpu.enqueue_indirect_dma source(%dma_start3A_525 : memref<128x16xf32, #tpu.memory_space<vmem>>) target(%dma_start3A_531 : memref<100000x16xf32, #tpu.memory_space<vmem_shared>>) offsets(%dma_start3A_528 : memref<128xi32, #tpu.memory_space<vmem>>) semaphore(%arg15 : memref<!tpu.dma_semaphore, #tpu.memory_space<semaphore_mem>>) {add = true}
        %dma_start3A_532 = arith.constant 1 : i32
        %dma_start3A_533 = arith.constant 1 : i32
        %dma_start3A_534 = arith.constant 128 : i32
        %dma_start3A_535 = arith.constant 0 : i32
        %dma_start3A_536 = tpu.memref_slice %arg8[%dma_start3A_534, %dma_start3A_535] : memref<512x16xf32, #tpu.memory_space<vmem>> -> memref<128x16xf32, #tpu.memory_space<vmem>>
        %dma_start3A_537 = arith.constant 0 : i32
        %dma_start3A_538 = tpu.memref_slice %arg11[%dma_start3A_532, %dma_start3A_533, %dma_start3A_537] : memref<2x4x128xi32, #tpu.memory_space<vmem>> -> memref<1x1x128xi32, #tpu.memory_space<vmem>>
        %dma_start3A_539 = tpu.memref_squeeze %dma_start3A_538 : memref<1x1x128xi32, #tpu.memory_space<vmem>> -> memref<128xi32, #tpu.memory_space<vmem>>
        %dma_start3A_540 = arith.constant 0 : i32
        %dma_start3A_541 = arith.constant 0 : i32
        %dma_start3A_542 = tpu.memref_slice %arg7[%dma_start3A_540, %dma_start3A_541] : memref<100000x16xf32, #tpu.memory_space<vmem_shared>> -> memref<100000x16xf32, #tpu.memory_space<vmem_shared>>
        tpu.enqueue_indirect_dma source(%dma_start3A_536 : memref<128x16xf32, #tpu.memory_space<vmem>>) target(%dma_start3A_542 : memref<100000x16xf32, #tpu.memory_space<vmem_shared>>) offsets(%dma_start3A_539 : memref<128xi32, #tpu.memory_space<vmem>>) semaphore(%arg15 : memref<!tpu.dma_semaphore, #tpu.memory_space<semaphore_mem>>) {add = true}
        %dma_start3A_543 = arith.constant 1 : i32
        %dma_start3A_544 = arith.constant 2 : i32
        %dma_start3A_545 = arith.constant 256 : i32
        %dma_start3A_546 = arith.constant 0 : i32
        %dma_start3A_547 = tpu.memref_slice %arg8[%dma_start3A_545, %dma_start3A_546] : memref<512x16xf32, #tpu.memory_space<vmem>> -> memref<128x16xf32, #tpu.memory_space<vmem>>
        %dma_start3A_548 = arith.constant 0 : i32
        %dma_start3A_549 = tpu.memref_slice %arg11[%dma_start3A_543, %dma_start3A_544, %dma_start3A_548] : memref<2x4x128xi32, #tpu.memory_space<vmem>> -> memref<1x1x128xi32, #tpu.memory_space<vmem>>
        %dma_start3A_550 = tpu.memref_squeeze %dma_start3A_549 : memref<1x1x128xi32, #tpu.memory_space<vmem>> -> memref<128xi32, #tpu.memory_space<vmem>>
        %dma_start3A_551 = arith.constant 0 : i32
        %dma_start3A_552 = arith.constant 0 : i32
        %dma_start3A_553 = tpu.memref_slice %arg7[%dma_start3A_551, %dma_start3A_552] : memref<100000x16xf32, #tpu.memory_space<vmem_shared>> -> memref<100000x16xf32, #tpu.memory_space<vmem_shared>>
        tpu.enqueue_indirect_dma source(%dma_start3A_547 : memref<128x16xf32, #tpu.memory_space<vmem>>) target(%dma_start3A_553 : memref<100000x16xf32, #tpu.memory_space<vmem_shared>>) offsets(%dma_start3A_550 : memref<128xi32, #tpu.memory_space<vmem>>) semaphore(%arg15 : memref<!tpu.dma_semaphore, #tpu.memory_space<semaphore_mem>>) {add = true}
        %dma_start3A_554 = arith.constant 1 : i32
        %dma_start3A_555 = arith.constant 3 : i32
        %dma_start3A_556 = arith.constant 384 : i32
        %dma_start3A_557 = arith.constant 0 : i32
        %dma_start3A_558 = tpu.memref_slice %arg8[%dma_start3A_556, %dma_start3A_557] : memref<512x16xf32, #tpu.memory_space<vmem>> -> memref<128x16xf32, #tpu.memory_space<vmem>>
        %dma_start3A_559 = arith.constant 0 : i32
        %dma_start3A_560 = tpu.memref_slice %arg11[%dma_start3A_554, %dma_start3A_555, %dma_start3A_559] : memref<2x4x128xi32, #tpu.memory_space<vmem>> -> memref<1x1x128xi32, #tpu.memory_space<vmem>>
        %dma_start3A_561 = tpu.memref_squeeze %dma_start3A_560 : memref<1x1x128xi32, #tpu.memory_space<vmem>> -> memref<128xi32, #tpu.memory_space<vmem>>
        %dma_start3A_562 = arith.constant 0 : i32
        %dma_start3A_563 = arith.constant 0 : i32
        %dma_start3A_564 = tpu.memref_slice %arg7[%dma_start3A_562, %dma_start3A_563] : memref<100000x16xf32, #tpu.memory_space<vmem_shared>> -> memref<100000x16xf32, #tpu.memory_space<vmem_shared>>
        tpu.enqueue_indirect_dma source(%dma_start3A_558 : memref<128x16xf32, #tpu.memory_space<vmem>>) target(%dma_start3A_564 : memref<100000x16xf32, #tpu.memory_space<vmem_shared>>) offsets(%dma_start3A_561 : memref<128xi32, #tpu.memory_space<vmem>>) semaphore(%arg15 : memref<!tpu.dma_semaphore, #tpu.memory_space<semaphore_mem>>) {add = true}
      } else {
      }
    }
    %while3A_153 = arith.constant 1 : i32
    scf.for %while3A_220 = %while3A_151 to %while3A_147 step %while3A_153  : i32 {
      %mul3A_221 = arith.constant 2 : i32
      %mul3A_222 = arith.muli %mul3A_221, %while3A_220 : i32
      %add3A_223 = arith.constant 0 : i32
      %add3A_224 = arith.addi %mul3A_222, %add3A_223 : i32
      %lt3A_225 = arith.cmpi slt, %add3A_224, %select_n3A_65 : i32
      %convert_element_type3A = arith.extui %lt3A_225 : i1 to i32
      %cond3A = arith.constant 0 : i32
      %cond3A_226 = arith.cmpi ne, %convert_element_type3A, %cond3A : i32
      scf.if %cond3A_226 {
        %mul3A_235 = arith.constant 32 : i32
        %mul3A_236 = arith.muli %add3A_224, %mul3A_235 : i32
        %add3A_237 = arith.addi %add3A, %mul3A_236 : i32
        %mul3A_238 = arith.constant 512 : i32
        %mul3A_239 = arith.muli %add3A_237, %mul3A_238 : i32
        %multiple_of3A_240 = tpu.assume_multiple %mul3A_239, 8 : i32
        %mul3A_241 = arith.constant 4 : i32
        %mul3A_242 = arith.muli %add3A_237, %mul3A_241 : i32
        %dma_wait3A_243 = arith.constant 0 : i32
        %dma_wait3A_244 = arith.constant 0 : i32
        %dma_wait3A_245 = arith.constant 0 : i32
        %dma_wait3A_246 = arith.constant 0 : i32
        %dma_wait3A_247 = arith.constant 0 : i32
        %dma_wait3A_248 = tpu.memref_slice %arg9[%dma_wait3A_243, %dma_wait3A_244, %dma_wait3A_245, %dma_wait3A_246, %dma_wait3A_247] : memref<2x2x4x8x128xf32, #tpu.memory_space<vmem>> -> memref<1x2x4x8x128xf32, #tpu.memory_space<vmem>>
        %dma_wait3A_249 = tpu.memref_squeeze %dma_wait3A_248 : memref<1x2x4x8x128xf32, #tpu.memory_space<vmem>> -> memref<2x4x8x128xf32, #tpu.memory_space<vmem>>
        %dma_wait3A_250 = arith.constant 0 : i32
        %dma_wait3A_251 = arith.constant 0 : i32
        %dma_wait3A_252 = arith.constant 0 : i32
        %dma_wait3A_253 = tpu.memref_slice %arg2[%dma_wait3A_250, %mul3A_242, %dma_wait3A_251, %dma_wait3A_252] : memref<2x25000x8x128xf32, #tpu.memory_space<hbm>> -> memref<2x4x8x128xf32, #tpu.memory_space<hbm>>
        %dma_wait3A_254 = arith.constant 0 : i32
        %dma_wait3A_255 = arith.constant 0 : i32
        %dma_wait3A_256 = arith.constant 0 : i32
        %dma_wait3A_257 = arith.constant 0 : i32
        %dma_wait3A_258 = tpu.memref_slice %arg9[%dma_wait3A_243, %dma_wait3A_254, %dma_wait3A_255, %dma_wait3A_256, %dma_wait3A_257] : memref<2x2x4x8x128xf32, #tpu.memory_space<vmem>> -> memref<1x2x4x8x128xf32, #tpu.memory_space<vmem>>
        %dma_wait3A_259 = tpu.memref_squeeze %dma_wait3A_258 : memref<1x2x4x8x128xf32, #tpu.memory_space<vmem>> -> memref<2x4x8x128xf32, #tpu.memory_space<vmem>>
        %dma_wait3A_260 = arith.constant 0 : i32
        %dma_wait3A_261 = arith.constant 0 : i32
        %dma_wait3A_262 = arith.constant 0 : i32
        %dma_wait3A_263 = tpu.memref_slice %arg2[%dma_wait3A_260, %mul3A_242, %dma_wait3A_261, %dma_wait3A_262] : memref<2x25000x8x128xf32, #tpu.memory_space<hbm>> -> memref<2x4x8x128xf32, #tpu.memory_space<hbm>>
        tpu.wait_dma2 semaphore(%arg13 : memref<!tpu.dma_semaphore, #tpu.memory_space<semaphore_mem>>) src(%dma_wait3A_263 : memref<2x4x8x128xf32, #tpu.memory_space<hbm>>) dst(%dma_wait3A_259 : memref<2x4x8x128xf32, #tpu.memory_space<vmem>>)
        %dma_wait3A_264 = arith.constant 0 : i32
        %dma_wait3A_265 = arith.constant 0 : i32
        %dma_wait3A_266 = tpu.memref_slice %arg10[%dma_wait3A_264, %dma_wait3A_265] : memref<2x512xf32, #tpu.memory_space<vmem>> -> memref<1x512xf32, #tpu.memory_space<vmem>>
        %dma_wait3A_267 = tpu.memref_squeeze %dma_wait3A_266 : memref<1x512xf32, #tpu.memory_space<vmem>> -> memref<512xf32, #tpu.memory_space<vmem>>
        %dma_wait3A_268 = tpu.memref_slice %arg3[%multiple_of3A_240] : memref<3200000xf32, #tpu.memory_space<hbm>> -> memref<512xf32, #tpu.memory_space<hbm>>
        %dma_wait3A_269 = arith.constant 0 : i32
        %dma_wait3A_270 = tpu.memref_slice %arg10[%dma_wait3A_264, %dma_wait3A_269] : memref<2x512xf32, #tpu.memory_space<vmem>> -> memref<1x512xf32, #tpu.memory_space<vmem>>
        %dma_wait3A_271 = tpu.memref_squeeze %dma_wait3A_270 : memref<1x512xf32, #tpu.memory_space<vmem>> -> memref<512xf32, #tpu.memory_space<vmem>>
        %dma_wait3A_272 = tpu.memref_slice %arg3[%multiple_of3A_240] : memref<3200000xf32, #tpu.memory_space<hbm>> -> memref<512xf32, #tpu.memory_space<hbm>>
        tpu.wait_dma2 semaphore(%arg13 : memref<!tpu.dma_semaphore, #tpu.memory_space<semaphore_mem>>) src(%dma_wait3A_272 : memref<512xf32, #tpu.memory_space<hbm>>) dst(%dma_wait3A_271 : memref<512xf32, #tpu.memory_space<vmem>>)
        %dma_wait3A_273 = arith.constant 0 : i32
        %dma_wait3A_274 = arith.constant 0 : i32
        %dma_wait3A_275 = arith.constant 0 : i32
        %dma_wait3A_276 = tpu.memref_slice %arg11[%dma_wait3A_273, %dma_wait3A_274, %dma_wait3A_275] : memref<2x4x128xi32, #tpu.memory_space<vmem>> -> memref<1x4x128xi32, #tpu.memory_space<vmem>>
        %dma_wait3A_277 = tpu.memref_squeeze %dma_wait3A_276 : memref<1x4x128xi32, #tpu.memory_space<vmem>> -> memref<4x128xi32, #tpu.memory_space<vmem>>
        %dma_wait3A_278 = arith.constant 0 : i32
        %dma_wait3A_279 = arith.constant 0 : i32
        %dma_wait3A_280 = tpu.memref_slice %arg4[%add3A_237, %dma_wait3A_278, %dma_wait3A_279] : memref<6250x4x128xi32, #tpu.memory_space<hbm>> -> memref<1x4x128xi32, #tpu.memory_space<hbm>>
        %dma_wait3A_281 = tpu.memref_squeeze %dma_wait3A_280 : memref<1x4x128xi32, #tpu.memory_space<hbm>> -> memref<4x128xi32, #tpu.memory_space<hbm>>
        %dma_wait3A_282 = arith.constant 0 : i32
        %dma_wait3A_283 = arith.constant 0 : i32
        %dma_wait3A_284 = tpu.memref_slice %arg11[%dma_wait3A_273, %dma_wait3A_282, %dma_wait3A_283] : memref<2x4x128xi32, #tpu.memory_space<vmem>> -> memref<1x4x128xi32, #tpu.memory_space<vmem>>
        %dma_wait3A_285 = tpu.memref_squeeze %dma_wait3A_284 : memref<1x4x128xi32, #tpu.memory_space<vmem>> -> memref<4x128xi32, #tpu.memory_space<vmem>>
        %dma_wait3A_286 = arith.constant 0 : i32
        %dma_wait3A_287 = arith.constant 0 : i32
        %dma_wait3A_288 = tpu.memref_slice %arg4[%add3A_237, %dma_wait3A_286, %dma_wait3A_287] : memref<6250x4x128xi32, #tpu.memory_space<hbm>> -> memref<1x4x128xi32, #tpu.memory_space<hbm>>
        %dma_wait3A_289 = tpu.memref_squeeze %dma_wait3A_288 : memref<1x4x128xi32, #tpu.memory_space<hbm>> -> memref<4x128xi32, #tpu.memory_space<hbm>>
        tpu.wait_dma2 semaphore(%arg13 : memref<!tpu.dma_semaphore, #tpu.memory_space<semaphore_mem>>) src(%dma_wait3A_289 : memref<4x128xi32, #tpu.memory_space<hbm>>) dst(%dma_wait3A_285 : memref<4x128xi32, #tpu.memory_space<vmem>>)
        %gt3A = arith.constant 0 : i32
        %gt3A_290 = arith.cmpi sgt, %add3A_224, %gt3A : i32
        %convert_element_type3A_291 = arith.extui %gt3A_290 : i1 to i32
        %cond3A_292 = arith.constant 0 : i32
        %cond3A_293 = arith.cmpi ne, %convert_element_type3A_291, %cond3A_292 : i32
        scf.if %cond3A_293 {
          %dma_wait3A_565 = arith.constant 1 : i32
          %dma_wait3A_566 = arith.constant 0 : i32
          %dma_wait3A_567 = arith.constant 0 : i32
          %dma_wait3A_568 = arith.constant 0 : i32
          %dma_wait3A_569 = tpu.memref_slice %arg8[%dma_wait3A_567, %dma_wait3A_568] : memref<512x16xf32, #tpu.memory_space<vmem>> -> memref<128x16xf32, #tpu.memory_space<vmem>>
          %dma_wait3A_570 = arith.constant 0 : i32
          %dma_wait3A_571 = tpu.memref_slice %arg11[%dma_wait3A_565, %dma_wait3A_566, %dma_wait3A_570] : memref<2x4x128xi32, #tpu.memory_space<vmem>> -> memref<1x1x128xi32, #tpu.memory_space<vmem>>
          %dma_wait3A_572 = tpu.memref_squeeze %dma_wait3A_571 : memref<1x1x128xi32, #tpu.memory_space<vmem>> -> memref<128xi32, #tpu.memory_space<vmem>>
          %dma_wait3A_573 = arith.constant 0 : i32
          %dma_wait3A_574 = arith.constant 0 : i32
          %dma_wait3A_575 = tpu.memref_slice %arg7[%dma_wait3A_573, %dma_wait3A_574] : memref<100000x16xf32, #tpu.memory_space<vmem_shared>> -> memref<100000x16xf32, #tpu.memory_space<vmem_shared>>
          tpu.wait_indirect_dma semaphore(%arg15 : memref<!tpu.dma_semaphore, #tpu.memory_space<semaphore_mem>>) src(%dma_wait3A_569 : memref<128x16xf32, #tpu.memory_space<vmem>>) dst(%dma_wait3A_575 : memref<100000x16xf32, #tpu.memory_space<vmem_shared>>)
          %dma_wait3A_576 = arith.constant 1 : i32
          %dma_wait3A_577 = arith.constant 1 : i32
          %dma_wait3A_578 = arith.constant 128 : i32
          %dma_wait3A_579 = arith.constant 0 : i32
          %dma_wait3A_580 = tpu.memref_slice %arg8[%dma_wait3A_578, %dma_wait3A_579] : memref<512x16xf32, #tpu.memory_space<vmem>> -> memref<128x16xf32, #tpu.memory_space<vmem>>
          %dma_wait3A_581 = arith.constant 0 : i32
          %dma_wait3A_582 = tpu.memref_slice %arg11[%dma_wait3A_576, %dma_wait3A_577, %dma_wait3A_581] : memref<2x4x128xi32, #tpu.memory_space<vmem>> -> memref<1x1x128xi32, #tpu.memory_space<vmem>>
          %dma_wait3A_583 = tpu.memref_squeeze %dma_wait3A_582 : memref<1x1x128xi32, #tpu.memory_space<vmem>> -> memref<128xi32, #tpu.memory_space<vmem>>
          %dma_wait3A_584 = arith.constant 0 : i32
          %dma_wait3A_585 = arith.constant 0 : i32
          %dma_wait3A_586 = tpu.memref_slice %arg7[%dma_wait3A_584, %dma_wait3A_585] : memref<100000x16xf32, #tpu.memory_space<vmem_shared>> -> memref<100000x16xf32, #tpu.memory_space<vmem_shared>>
          tpu.wait_indirect_dma semaphore(%arg15 : memref<!tpu.dma_semaphore, #tpu.memory_space<semaphore_mem>>) src(%dma_wait3A_580 : memref<128x16xf32, #tpu.memory_space<vmem>>) dst(%dma_wait3A_586 : memref<100000x16xf32, #tpu.memory_space<vmem_shared>>)
          %dma_wait3A_587 = arith.constant 1 : i32
          %dma_wait3A_588 = arith.constant 2 : i32
          %dma_wait3A_589 = arith.constant 256 : i32
          %dma_wait3A_590 = arith.constant 0 : i32
          %dma_wait3A_591 = tpu.memref_slice %arg8[%dma_wait3A_589, %dma_wait3A_590] : memref<512x16xf32, #tpu.memory_space<vmem>> -> memref<128x16xf32, #tpu.memory_space<vmem>>
          %dma_wait3A_592 = arith.constant 0 : i32
          %dma_wait3A_593 = tpu.memref_slice %arg11[%dma_wait3A_587, %dma_wait3A_588, %dma_wait3A_592] : memref<2x4x128xi32, #tpu.memory_space<vmem>> -> memref<1x1x128xi32, #tpu.memory_space<vmem>>
          %dma_wait3A_594 = tpu.memref_squeeze %dma_wait3A_593 : memref<1x1x128xi32, #tpu.memory_space<vmem>> -> memref<128xi32, #tpu.memory_space<vmem>>
          %dma_wait3A_595 = arith.constant 0 : i32
          %dma_wait3A_596 = arith.constant 0 : i32
          %dma_wait3A_597 = tpu.memref_slice %arg7[%dma_wait3A_595, %dma_wait3A_596] : memref<100000x16xf32, #tpu.memory_space<vmem_shared>> -> memref<100000x16xf32, #tpu.memory_space<vmem_shared>>
          tpu.wait_indirect_dma semaphore(%arg15 : memref<!tpu.dma_semaphore, #tpu.memory_space<semaphore_mem>>) src(%dma_wait3A_591 : memref<128x16xf32, #tpu.memory_space<vmem>>) dst(%dma_wait3A_597 : memref<100000x16xf32, #tpu.memory_space<vmem_shared>>)
          %dma_wait3A_598 = arith.constant 1 : i32
          %dma_wait3A_599 = arith.constant 3 : i32
          %dma_wait3A_600 = arith.constant 384 : i32
          %dma_wait3A_601 = arith.constant 0 : i32
          %dma_wait3A_602 = tpu.memref_slice %arg8[%dma_wait3A_600, %dma_wait3A_601] : memref<512x16xf32, #tpu.memory_space<vmem>> -> memref<128x16xf32, #tpu.memory_space<vmem>>
          %dma_wait3A_603 = arith.constant 0 : i32
          %dma_wait3A_604 = tpu.memref_slice %arg11[%dma_wait3A_598, %dma_wait3A_599, %dma_wait3A_603] : memref<2x4x128xi32, #tpu.memory_space<vmem>> -> memref<1x1x128xi32, #tpu.memory_space<vmem>>
          %dma_wait3A_605 = tpu.memref_squeeze %dma_wait3A_604 : memref<1x1x128xi32, #tpu.memory_space<vmem>> -> memref<128xi32, #tpu.memory_space<vmem>>
          %dma_wait3A_606 = arith.constant 0 : i32
          %dma_wait3A_607 = arith.constant 0 : i32
          %dma_wait3A_608 = tpu.memref_slice %arg7[%dma_wait3A_606, %dma_wait3A_607] : memref<100000x16xf32, #tpu.memory_space<vmem_shared>> -> memref<100000x16xf32, #tpu.memory_space<vmem_shared>>
          tpu.wait_indirect_dma semaphore(%arg15 : memref<!tpu.dma_semaphore, #tpu.memory_space<semaphore_mem>>) src(%dma_wait3A_602 : memref<128x16xf32, #tpu.memory_space<vmem>>) dst(%dma_wait3A_608 : memref<100000x16xf32, #tpu.memory_space<vmem_shared>>)
        } else {
        }
        %add3A_294 = arith.constant 1 : i32
        %add3A_295 = arith.addi %add3A_224, %add3A_294 : i32
        %lt3A_296 = arith.cmpi slt, %add3A_295, %select_n3A_65 : i32
        %convert_element_type3A_297 = arith.extui %lt3A_296 : i1 to i32
        %cond3A_298 = arith.constant 0 : i32
        %cond3A_299 = arith.cmpi ne, %convert_element_type3A_297, %cond3A_298 : i32
        scf.if %cond3A_299 {
          %add3A_565 = arith.constant 1 : i32
          %add3A_566 = arith.addi %add3A_224, %add3A_565 : i32
          %mul3A_567 = arith.constant 32 : i32
          %mul3A_568 = arith.muli %add3A_566, %mul3A_567 : i32
          %add3A_569 = arith.addi %add3A, %mul3A_568 : i32
          %mul3A_570 = arith.constant 512 : i32
          %mul3A_571 = arith.muli %add3A_569, %mul3A_570 : i32
          %multiple_of3A_572 = tpu.assume_multiple %mul3A_571, 8 : i32
          %mul3A_573 = arith.constant 4 : i32
          %mul3A_574 = arith.muli %add3A_569, %mul3A_573 : i32
          %dma_start3A_575 = arith.constant 1 : i32
          %dma_start3A_576 = arith.constant 0 : i32
          %dma_start3A_577 = arith.constant 0 : i32
          %dma_start3A_578 = arith.constant 0 : i32
          %dma_start3A_579 = arith.constant 0 : i32
          %dma_start3A_580 = tpu.memref_slice %arg9[%dma_start3A_575, %dma_start3A_576, %dma_start3A_577, %dma_start3A_578, %dma_start3A_579] : memref<2x2x4x8x128xf32, #tpu.memory_space<vmem>> -> memref<1x2x4x8x128xf32, #tpu.memory_space<vmem>>
          %dma_start3A_581 = tpu.memref_squeeze %dma_start3A_580 : memref<1x2x4x8x128xf32, #tpu.memory_space<vmem>> -> memref<2x4x8x128xf32, #tpu.memory_space<vmem>>
          %dma_start3A_582 = arith.constant 0 : i32
          %dma_start3A_583 = arith.constant 0 : i32
          %dma_start3A_584 = arith.constant 0 : i32
          %dma_start3A_585 = tpu.memref_slice %arg2[%dma_start3A_582, %mul3A_574, %dma_start3A_583, %dma_start3A_584] : memref<2x25000x8x128xf32, #tpu.memory_space<hbm>> -> memref<2x4x8x128xf32, #tpu.memory_space<hbm>>
          %dma_start3A_586 = arith.constant 0 : i32
          %dma_start3A_587 = arith.constant 0 : i32
          %dma_start3A_588 = arith.constant 0 : i32
          %dma_start3A_589 = arith.constant 0 : i32
          %dma_start3A_590 = tpu.memref_slice %arg9[%dma_start3A_575, %dma_start3A_586, %dma_start3A_587, %dma_start3A_588, %dma_start3A_589] : memref<2x2x4x8x128xf32, #tpu.memory_space<vmem>> -> memref<1x2x4x8x128xf32, #tpu.memory_space<vmem>>
          %dma_start3A_591 = tpu.memref_squeeze %dma_start3A_590 : memref<1x2x4x8x128xf32, #tpu.memory_space<vmem>> -> memref<2x4x8x128xf32, #tpu.memory_space<vmem>>
          %dma_start3A_592 = arith.constant 0 : i32
          %dma_start3A_593 = arith.constant 0 : i32
          %dma_start3A_594 = arith.constant 0 : i32
          %dma_start3A_595 = tpu.memref_slice %arg2[%dma_start3A_592, %mul3A_574, %dma_start3A_593, %dma_start3A_594] : memref<2x25000x8x128xf32, #tpu.memory_space<hbm>> -> memref<2x4x8x128xf32, #tpu.memory_space<hbm>>
          tpu.enqueue_dma source(%dma_start3A_595 : memref<2x4x8x128xf32, #tpu.memory_space<hbm>>) target(%dma_start3A_591 : memref<2x4x8x128xf32, #tpu.memory_space<vmem>>) target_semaphore(%arg14 : memref<!tpu.dma_semaphore, #tpu.memory_space<semaphore_mem>>)
          %dma_start3A_596 = arith.constant 1 : i32
          %dma_start3A_597 = arith.constant 0 : i32
          %dma_start3A_598 = tpu.memref_slice %arg10[%dma_start3A_596, %dma_start3A_597] : memref<2x512xf32, #tpu.memory_space<vmem>> -> memref<1x512xf32, #tpu.memory_space<vmem>>
          %dma_start3A_599 = tpu.memref_squeeze %dma_start3A_598 : memref<1x512xf32, #tpu.memory_space<vmem>> -> memref<512xf32, #tpu.memory_space<vmem>>
          %dma_start3A_600 = tpu.memref_slice %arg3[%multiple_of3A_572] : memref<3200000xf32, #tpu.memory_space<hbm>> -> memref<512xf32, #tpu.memory_space<hbm>>
          %dma_start3A_601 = arith.constant 0 : i32
          %dma_start3A_602 = tpu.memref_slice %arg10[%dma_start3A_596, %dma_start3A_601] : memref<2x512xf32, #tpu.memory_space<vmem>> -> memref<1x512xf32, #tpu.memory_space<vmem>>
          %dma_start3A_603 = tpu.memref_squeeze %dma_start3A_602 : memref<1x512xf32, #tpu.memory_space<vmem>> -> memref<512xf32, #tpu.memory_space<vmem>>
          %dma_start3A_604 = tpu.memref_slice %arg3[%multiple_of3A_572] : memref<3200000xf32, #tpu.memory_space<hbm>> -> memref<512xf32, #tpu.memory_space<hbm>>
          tpu.enqueue_dma source(%dma_start3A_604 : memref<512xf32, #tpu.memory_space<hbm>>) target(%dma_start3A_603 : memref<512xf32, #tpu.memory_space<vmem>>) target_semaphore(%arg14 : memref<!tpu.dma_semaphore, #tpu.memory_space<semaphore_mem>>)
          %dma_start3A_605 = arith.constant 1 : i32
          %dma_start3A_606 = arith.constant 0 : i32
          %dma_start3A_607 = arith.constant 0 : i32
          %dma_start3A_608 = tpu.memref_slice %arg11[%dma_start3A_605, %dma_start3A_606, %dma_start3A_607] : memref<2x4x128xi32, #tpu.memory_space<vmem>> -> memref<1x4x128xi32, #tpu.memory_space<vmem>>
          %dma_start3A_609 = tpu.memref_squeeze %dma_start3A_608 : memref<1x4x128xi32, #tpu.memory_space<vmem>> -> memref<4x128xi32, #tpu.memory_space<vmem>>
          %dma_start3A_610 = arith.constant 0 : i32
          %dma_start3A_611 = arith.constant 0 : i32
          %dma_start3A_612 = tpu.memref_slice %arg4[%add3A_569, %dma_start3A_610, %dma_start3A_611] : memref<6250x4x128xi32, #tpu.memory_space<hbm>> -> memref<1x4x128xi32, #tpu.memory_space<hbm>>
          %dma_start3A_613 = tpu.memref_squeeze %dma_start3A_612 : memref<1x4x128xi32, #tpu.memory_space<hbm>> -> memref<4x128xi32, #tpu.memory_space<hbm>>
          %dma_start3A_614 = arith.constant 0 : i32
          %dma_start3A_615 = arith.constant 0 : i32
          %dma_start3A_616 = tpu.memref_slice %arg11[%dma_start3A_605, %dma_start3A_614, %dma_start3A_615] : memref<2x4x128xi32, #tpu.memory_space<vmem>> -> memref<1x4x128xi32, #tpu.memory_space<vmem>>
          %dma_start3A_617 = tpu.memref_squeeze %dma_start3A_616 : memref<1x4x128xi32, #tpu.memory_space<vmem>> -> memref<4x128xi32, #tpu.memory_space<vmem>>
          %dma_start3A_618 = arith.constant 0 : i32
          %dma_start3A_619 = arith.constant 0 : i32
          %dma_start3A_620 = tpu.memref_slice %arg4[%add3A_569, %dma_start3A_618, %dma_start3A_619] : memref<6250x4x128xi32, #tpu.memory_space<hbm>> -> memref<1x4x128xi32, #tpu.memory_space<hbm>>
          %dma_start3A_621 = tpu.memref_squeeze %dma_start3A_620 : memref<1x4x128xi32, #tpu.memory_space<hbm>> -> memref<4x128xi32, #tpu.memory_space<hbm>>
          tpu.enqueue_dma source(%dma_start3A_621 : memref<4x128xi32, #tpu.memory_space<hbm>>) target(%dma_start3A_617 : memref<4x128xi32, #tpu.memory_space<vmem>>) target_semaphore(%arg14 : memref<!tpu.dma_semaphore, #tpu.memory_space<semaphore_mem>>)
        } else {
        }
        %get3A_300 = arith.constant 0 : i32
        %get3A_301 = arith.index_cast %get3A_300 : i32 to index
        %get3A_302 = arith.constant 0 : index
        %get3A_303 = tpu.vector_load %arg10[%get3A_301, %get3A_302] {strides = array<i32>} : memref<2x512xf32, #tpu.memory_space<vmem>>, vector<16xf32>,
        %mul3A_304 = arith.mulf %get3A_303, %get3A_1 : vector<16xf32>
        %get3A_305 = arith.constant 0 : i32
        %get3A_306 = arith.constant 0 : i32
        %get3A_307 = arith.constant 0 : i32
        %get3A_308 = arith.constant 0 : i32
        %get3A_309 = arith.index_cast %get3A_305 : i32 to index
        %get3A_310 = arith.index_cast %get3A_306 : i32 to index
        %get3A_311 = arith.index_cast %get3A_307 : i32 to index
        %get3A_312 = arith.index_cast %get3A_308 : i32 to index
        %get3A_313 = arith.constant 0 : index
        %get3A_314 = tpu.vector_load %arg9[%get3A_309, %get3A_310, %get3A_311, %get3A_312, %get3A_313] {strides = array<i32>} : memref<2x2x4x8x128xf32, #tpu.memory_space<vmem>>, vector<16xf32>,
        %mul3A_315 = arith.mulf %get3A_314, %mul3A_304 : vector<16xf32>
        %get3A_316 = arith.constant 0 : i32
        %get3A_317 = arith.constant 0 : i32
        %get3A_318 = arith.constant 0 : i32
        %get3A_319 = arith.constant 1 : i32
        %get3A_320 = arith.index_cast %get3A_316 : i32 to index
        %get3A_321 = arith.index_cast %get3A_317 : i32 to index
        %get3A_322 = arith.index_cast %get3A_318 : i32 to index
        %get3A_323 = arith.index_cast %get3A_319 : i32 to index
        %get3A_324 = arith.constant 0 : index
        %get3A_325 = tpu.vector_load %arg9[%get3A_320, %get3A_321, %get3A_322, %get3A_323, %get3A_324] {strides = array<i32>} : memref<2x2x4x8x128xf32, #tpu.memory_space<vmem>>, vector<16xf32>,
        %mul3A_326 = arith.mulf %get3A_325, %mul3A_304 : vector<16xf32>
        %get3A_327 = arith.constant 0 : i32
        %get3A_328 = arith.constant 0 : i32
        %get3A_329 = arith.constant 0 : i32
        %get3A_330 = arith.constant 2 : i32
        %get3A_331 = arith.index_cast %get3A_327 : i32 to index
        %get3A_332 = arith.index_cast %get3A_328 : i32 to index
        %get3A_333 = arith.index_cast %get3A_329 : i32 to index
        %get3A_334 = arith.index_cast %get3A_330 : i32 to index
        %get3A_335 = arith.constant 0 : index
        %get3A_336 = tpu.vector_load %arg9[%get3A_331, %get3A_332, %get3A_333, %get3A_334, %get3A_335] {strides = array<i32>} : memref<2x2x4x8x128xf32, #tpu.memory_space<vmem>>, vector<16xf32>,
        %mul3A_337 = arith.mulf %get3A_336, %mul3A_304 : vector<16xf32>
        %get3A_338 = arith.constant 0 : i32
        %get3A_339 = arith.constant 0 : i32
        %get3A_340 = arith.constant 0 : i32
        %get3A_341 = arith.constant 3 : i32
        %get3A_342 = arith.index_cast %get3A_338 : i32 to index
        %get3A_343 = arith.index_cast %get3A_339 : i32 to index
        %get3A_344 = arith.index_cast %get3A_340 : i32 to index
        %get3A_345 = arith.index_cast %get3A_341 : i32 to index
        %get3A_346 = arith.constant 0 : index
        %get3A_347 = tpu.vector_load %arg9[%get3A_342, %get3A_343, %get3A_344, %get3A_345, %get3A_346] {strides = array<i32>} : memref<2x2x4x8x128xf32, #tpu.memory_space<vmem>>, vector<16xf32>,
        %mul3A_348 = arith.mulf %get3A_347, %mul3A_304 : vector<16xf32>
        %get3A_349 = arith.constant 0 : i32
        %get3A_350 = arith.constant 0 : i32
        %get3A_351 = arith.constant 0 : i32
        %get3A_352 = arith.constant 4 : i32
        %get3A_353 = arith.index_cast %get3A_349 : i32 to index
        %get3A_354 = arith.index_cast %get3A_350 : i32 to index
        %get3A_355 = arith.index_cast %get3A_351 : i32 to index
        %get3A_356 = arith.index_cast %get3A_352 : i32 to index
        %get3A_357 = arith.constant 0 : index
        %get3A_358 = tpu.vector_load %arg9[%get3A_353, %get3A_354, %get3A_355, %get3A_356, %get3A_357] {strides = array<i32>} : memref<2x2x4x8x128xf32, #tpu.memory_space<vmem>>, vector<16xf32>,
        %mul3A_359 = arith.mulf %get3A_358, %mul3A_304 : vector<16xf32>
        %get3A_360 = arith.constant 0 : i32
        %get3A_361 = arith.constant 0 : i32
        %get3A_362 = arith.constant 0 : i32
        %get3A_363 = arith.constant 5 : i32
        %get3A_364 = arith.index_cast %get3A_360 : i32 to index
        %get3A_365 = arith.index_cast %get3A_361 : i32 to index
        %get3A_366 = arith.index_cast %get3A_362 : i32 to index
        %get3A_367 = arith.index_cast %get3A_363 : i32 to index
        %get3A_368 = arith.constant 0 : index
        %get3A_369 = tpu.vector_load %arg9[%get3A_364, %get3A_365, %get3A_366, %get3A_367, %get3A_368] {strides = array<i32>} : memref<2x2x4x8x128xf32, #tpu.memory_space<vmem>>, vector<16xf32>,
        %mul3A_370 = arith.mulf %get3A_369, %mul3A_304 : vector<16xf32>
        %get3A_371 = arith.constant 0 : i32
        %get3A_372 = arith.constant 0 : i32
        %get3A_373 = arith.constant 0 : i32
        %get3A_374 = arith.constant 6 : i32
        %get3A_375 = arith.index_cast %get3A_371 : i32 to index
        %get3A_376 = arith.index_cast %get3A_372 : i32 to index
        %get3A_377 = arith.index_cast %get3A_373 : i32 to index
        %get3A_378 = arith.index_cast %get3A_374 : i32 to index
        %get3A_379 = arith.constant 0 : index
        %get3A_380 = tpu.vector_load %arg9[%get3A_375, %get3A_376, %get3A_377, %get3A_378, %get3A_379] {strides = array<i32>} : memref<2x2x4x8x128xf32, #tpu.memory_space<vmem>>, vector<16xf32>,
        %mul3A_381 = arith.mulf %get3A_380, %mul3A_304 : vector<16xf32>
        %get3A_382 = arith.constant 0 : i32
        %get3A_383 = arith.constant 0 : i32
        %get3A_384 = arith.constant 0 : i32
        %get3A_385 = arith.constant 7 : i32
        %get3A_386 = arith.index_cast %get3A_382 : i32 to index
        %get3A_387 = arith.index_cast %get3A_383 : i32 to index
        %get3A_388 = arith.index_cast %get3A_384 : i32 to index
        %get3A_389 = arith.index_cast %get3A_385 : i32 to index
        %get3A_390 = arith.constant 0 : index
        %get3A_391 = tpu.vector_load %arg9[%get3A_386, %get3A_387, %get3A_388, %get3A_389, %get3A_390] {strides = array<i32>} : memref<2x2x4x8x128xf32, #tpu.memory_space<vmem>>, vector<16xf32>,
        %mul3A_392 = arith.mulf %get3A_391, %mul3A_304 : vector<16xf32>
        %get3A_393 = arith.constant 0 : i32
        %get3A_394 = arith.constant 1 : i32
        %get3A_395 = arith.constant 0 : i32
        %get3A_396 = arith.constant 0 : i32
        %get3A_397 = arith.index_cast %get3A_393 : i32 to index
        %get3A_398 = arith.index_cast %get3A_394 : i32 to index
        %get3A_399 = arith.index_cast %get3A_395 : i32 to index
        %get3A_400 = arith.index_cast %get3A_396 : i32 to index
        %get3A_401 = arith.constant 0 : index
        %get3A_402 = tpu.vector_load %arg9[%get3A_397, %get3A_398, %get3A_399, %get3A_400, %get3A_401] {strides = array<i32>} : memref<2x2x4x8x128xf32, #tpu.memory_space<vmem>>, vector<16xf32>,
        %mul3A_403 = arith.mulf %get3A_402, %mul3A_304 : vector<16xf32>
        %get3A_404 = arith.constant 0 : i32
        %get3A_405 = arith.constant 1 : i32
        %get3A_406 = arith.constant 0 : i32
        %get3A_407 = arith.constant 1 : i32
        %get3A_408 = arith.index_cast %get3A_404 : i32 to index
        %get3A_409 = arith.index_cast %get3A_405 : i32 to index
        %get3A_410 = arith.index_cast %get3A_406 : i32 to index
        %get3A_411 = arith.index_cast %get3A_407 : i32 to index
        %get3A_412 = arith.constant 0 : index
        %get3A_413 = tpu.vector_load %arg9[%get3A_408, %get3A_409, %get3A_410, %get3A_411, %get3A_412] {strides = array<i32>} : memref<2x2x4x8x128xf32, #tpu.memory_space<vmem>>, vector<16xf32>,
        %mul3A_414 = arith.mulf %get3A_413, %mul3A_304 : vector<16xf32>
        %get3A_415 = arith.constant 0 : i32
        %get3A_416 = arith.constant 1 : i32
        %get3A_417 = arith.constant 0 : i32
        %get3A_418 = arith.constant 2 : i32
        %get3A_419 = arith.index_cast %get3A_415 : i32 to index
        %get3A_420 = arith.index_cast %get3A_416 : i32 to index
        %get3A_421 = arith.index_cast %get3A_417 : i32 to index
        %get3A_422 = arith.index_cast %get3A_418 : i32 to index
        %get3A_423 = arith.constant 0 : index
        %get3A_424 = tpu.vector_load %arg9[%get3A_419, %get3A_420, %get3A_421, %get3A_422, %get3A_423] {strides = array<i32>} : memref<2x2x4x8x128xf32, #tpu.memory_space<vmem>>, vector<16xf32>,
        %mul3A_425 = arith.mulf %get3A_424, %mul3A_304 : vector<16xf32>
        %get3A_426 = arith.constant 0 : i32
        %get3A_427 = arith.constant 1 : i32
        %get3A_428 = arith.constant 0 : i32
        %get3A_429 = arith.constant 3 : i32
        %get3A_430 = arith.index_cast %get3A_426 : i32 to index
        %get3A_431 = arith.index_cast %get3A_427 : i32 to index
        %get3A_432 = arith.index_cast %get3A_428 : i32 to index
        %get3A_433 = arith.index_cast %get3A_429 : i32 to index
        %get3A_434 = arith.constant 0 : index
        %get3A_435 = tpu.vector_load %arg9[%get3A_430, %get3A_431, %get3A_432, %get3A_433, %get3A_434] {strides = array<i32>} : memref<2x2x4x8x128xf32, #tpu.memory_space<vmem>>, vector<16xf32>,
        %mul3A_436 = arith.mulf %get3A_435, %mul3A_304 : vector<16xf32>
        %get3A_437 = arith.constant 0 : i32
        %get3A_438 = arith.constant 1 : i32
        %get3A_439 = arith.constant 0 : i32
        %get3A_440 = arith.constant 4 : i32
        %get3A_441 = arith.index_cast %get3A_437 : i32 to index
        %get3A_442 = arith.index_cast %get3A_438 : i32 to index
        %get3A_443 = arith.index_cast %get3A_439 : i32 to index
        %get3A_444 = arith.index_cast %get3A_440 : i32 to index
        %get3A_445 = arith.constant 0 : index
        %get3A_446 = tpu.vector_load %arg9[%get3A_441, %get3A_442, %get3A_443, %get3A_444, %get3A_445] {strides = array<i32>} : memref<2x2x4x8x128xf32, #tpu.memory_space<vmem>>, vector<16xf32>,
        %mul3A_447 = arith.mulf %get3A_446, %mul3A_304 : vector<16xf32>
        %get3A_448 = arith.constant 0 : i32
        %get3A_449 = arith.constant 1 : i32
        %get3A_450 = arith.constant 0 : i32
        %get3A_451 = arith.constant 5 : i32
        %get3A_452 = arith.index_cast %get3A_448 : i32 to index
        %get3A_453 = arith.index_cast %get3A_449 : i32 to index
        %get3A_454 = arith.index_cast %get3A_450 : i32 to index
        %get3A_455 = arith.index_cast %get3A_451 : i32 to index
        %get3A_456 = arith.constant 0 : index
        %get3A_457 = tpu.vector_load %arg9[%get3A_452, %get3A_453, %get3A_454, %get3A_455, %get3A_456] {strides = array<i32>} : memref<2x2x4x8x128xf32, #tpu.memory_space<vmem>>, vector<16xf32>,
        %mul3A_458 = arith.mulf %get3A_457, %mul3A_304 : vector<16xf32>
        %get3A_459 = arith.constant 0 : i32
        %get3A_460 = arith.constant 1 : i32
        %get3A_461 = arith.constant 0 : i32
        %get3A_462 = arith.constant 6 : i32
        %get3A_463 = arith.index_cast %get3A_459 : i32 to index
        %get3A_464 = arith.index_cast %get3A_460 : i32 to index
        %get3A_465 = arith.index_cast %get3A_461 : i32 to index
        %get3A_466 = arith.index_cast %get3A_462 : i32 to index
        %get3A_467 = arith.constant 0 : index
        %get3A_468 = tpu.vector_load %arg9[%get3A_463, %get3A_464, %get3A_465, %get3A_466, %get3A_467] {strides = array<i32>} : memref<2x2x4x8x128xf32, #tpu.memory_space<vmem>>, vector<16xf32>,
        %mul3A_469 = arith.mulf %get3A_468, %mul3A_304 : vector<16xf32>
        %get3A_470 = arith.constant 0 : i32
        %get3A_471 = arith.constant 1 : i32
        %get3A_472 = arith.constant 0 : i32
        %get3A_473 = arith.constant 7 : i32
        %get3A_474 = arith.index_cast %get3A_470 : i32 to index
        %get3A_475 = arith.index_cast %get3A_471 : i32 to index
        %get3A_476 = arith.index_cast %get3A_472 : i32 to index
        %get3A_477 = arith.index_cast %get3A_473 : i32 to index
        %get3A_478 = arith.constant 0 : index
        %get3A_479 = tpu.vector_load %arg9[%get3A_474, %get3A_475, %get3A_476, %get3A_477, %get3A_478] {strides = array<i32>} : memref<2x2x4x8x128xf32, #tpu.memory_space<vmem>>, vector<16xf32>,
        %mul3A_480 = arith.mulf %get3A_479, %mul3A_304 : vector<16xf32>
        %scan3A_481 = arith.constant 1 : i32
        %scan3A_482 = arith.constant 31 : i32
        %scan3A_483 = arith.addi %scan3A_481, %scan3A_482 : i32
        %scan3A_484 = arith.constant 1 : i32
        %scan3A_485:16 = scf.for %scan3A_565 = %scan3A_481 to %scan3A_483 step %scan3A_484 iter_args(%scan3A_566 = %mul3A_315, %scan3A_567 = %mul3A_326, %scan3A_568 = %mul3A_337, %scan3A_569 = %mul3A_348, %scan3A_570 = %mul3A_359, %scan3A_571 = %mul3A_370, %scan3A_572 = %mul3A_381, %scan3A_573 = %mul3A_392, %scan3A_574 = %mul3A_403, %scan3A_575 = %mul3A_414, %scan3A_576 = %mul3A_425, %scan3A_577 = %mul3A_436, %scan3A_578 = %mul3A_447, %scan3A_579 = %mul3A_458, %scan3A_580 = %mul3A_469, %scan3A_581 = %mul3A_480) -> (vector<16xf32>, vector<16xf32>, vector<16xf32>, vector<16xf32>, vector<16xf32>, vector<16xf32>, vector<16xf32>, vector<16xf32>, vector<16xf32>, vector<16xf32>, vector<16xf32>, vector<16xf32>, vector<16xf32>, vector<16xf32>, vector<16xf32>, vector<16xf32>)  : i32 {
          %jit3A_582 = arith.constant 8 : i32
          %div3A_583 = arith.divsi %scan3A_565, %jit3A_582 : i32
          %sign3A_584 = arith.constant 0 : i32
          %sign3A_585 = arith.cmpi sgt, %scan3A_565, %sign3A_584 : i32
          %sign3A_586 = arith.extui %sign3A_585 : i1 to i32
          %sign3A_587 = arith.constant 0 : i32
          %sign3A_588 = arith.cmpi slt, %scan3A_565, %sign3A_587 : i32
          %sign3A_589 = arith.extui %sign3A_588 : i1 to i32
          %sign3A_590 = arith.subi %sign3A_586, %sign3A_589 : i32
          %sign3A_591 = arith.constant 0 : i32
          %sign3A_592 = arith.cmpi sgt, %jit3A_582, %sign3A_591 : i32
          %sign3A_593 = arith.extui %sign3A_592 : i1 to i32
          %sign3A_594 = arith.constant 0 : i32
          %sign3A_595 = arith.cmpi slt, %jit3A_582, %sign3A_594 : i32
          %sign3A_596 = arith.extui %sign3A_595 : i1 to i32
          %sign3A_597 = arith.subi %sign3A_593, %sign3A_596 : i32
          %ne3A_598 = arith.cmpi ne, %sign3A_590, %sign3A_597 : i32
          %rem3A_599 = arith.remsi %scan3A_565, %jit3A_582 : i32
          %ne3A_600 = arith.constant 0 : i32
          %ne3A_601 = arith.cmpi ne, %rem3A_599, %ne3A_600 : i32
          %and3A_602 = arith.andi %ne3A_598, %ne3A_601 : i1
          %sub3A_603 = arith.constant 1 : i32
          %sub3A_604 = arith.subi %div3A_583, %sub3A_603 : i32
          %select_n3A_605 = arith.select %and3A_602, %sub3A_604, %div3A_583 : i32
          %jit3A_606 = arith.constant 8 : i32
          %eq3A_607 = arith.constant 0 : i32
          %eq3A_608 = arith.cmpi eq, %jit3A_606, %eq3A_607 : i32
          %jit3A_609 = arith.constant 1 : i32
          %select_n3A_610 = arith.select %eq3A_608, %jit3A_609, %jit3A_606 : i32
          %rem3A_611 = arith.remsi %scan3A_565, %select_n3A_610 : i32
          %ne3A_612 = arith.constant 0 : i32
          %ne3A_613 = arith.cmpi ne, %rem3A_611, %ne3A_612 : i32
          %lt3A_614 = arith.constant 0 : i32
          %lt3A_615 = arith.cmpi slt, %rem3A_611, %lt3A_614 : i32
          %lt3A_616 = arith.constant 0 : i32
          %lt3A_617 = arith.cmpi slt, %select_n3A_610, %lt3A_616 : i32
          %ne3A_618 = arith.xori %lt3A_615, %lt3A_617 : i1
          %and3A_619 = arith.andi %ne3A_618, %ne3A_613 : i1
          %add3A_620 = arith.addi %rem3A_611, %select_n3A_610 : i32
          %select_n3A_621 = arith.select %and3A_619, %add3A_620, %rem3A_611 : i32
          %mul3A_622 = arith.constant 16 : i32
          %mul3A_623 = arith.muli %select_n3A_621, %mul3A_622 : i32
          %mul3A_624 = arith.constant 16 : i32
          %mul3A_625 = arith.muli %scan3A_565, %mul3A_624 : i32
          %get3A_626 = arith.constant 0 : i32
          %get3A_627 = arith.index_cast %get3A_626 : i32 to index
          %get3A_628 = arith.index_cast %mul3A_625 : i32 to index
          %get3A_629 = tpu.vector_load %arg10[%get3A_627, %get3A_628] {strides = array<i32>} : memref<2x512xf32, #tpu.memory_space<vmem>>, vector<16xf32>,
          %mul3A_630 = arith.mulf %get3A_629, %get3A_1 : vector<16xf32>
          %get3A_631 = arith.constant 0 : i32
          %get3A_632 = arith.constant 0 : i32
          %get3A_633 = arith.constant 0 : i32
          %get3A_634 = arith.index_cast %get3A_631 : i32 to index
          %get3A_635 = arith.index_cast %get3A_632 : i32 to index
          %get3A_636 = arith.index_cast %select_n3A_605 : i32 to index
          %get3A_637 = arith.index_cast %get3A_633 : i32 to index
          %get3A_638 = arith.index_cast %mul3A_623 : i32 to index
          %get3A_639 = tpu.vector_load %arg9[%get3A_634, %get3A_635, %get3A_636, %get3A_637, %get3A_638] {strides = array<i32>} : memref<2x2x4x8x128xf32, #tpu.memory_space<vmem>>, vector<16xf32>,
          %mul3A_640 = arith.mulf %get3A_639, %mul3A_630 : vector<16xf32>
          %get3A_641 = arith.constant 0 : i32
          %get3A_642 = arith.constant 0 : i32
          %get3A_643 = arith.constant 1 : i32
          %get3A_644 = arith.index_cast %get3A_641 : i32 to index
          %get3A_645 = arith.index_cast %get3A_642 : i32 to index
          %get3A_646 = arith.index_cast %select_n3A_605 : i32 to index
          %get3A_647 = arith.index_cast %get3A_643 : i32 to index
          %get3A_648 = arith.index_cast %mul3A_623 : i32 to index
          %get3A_649 = tpu.vector_load %arg9[%get3A_644, %get3A_645, %get3A_646, %get3A_647, %get3A_648] {strides = array<i32>} : memref<2x2x4x8x128xf32, #tpu.memory_space<vmem>>, vector<16xf32>,
          %mul3A_650 = arith.mulf %get3A_649, %mul3A_630 : vector<16xf32>
          %get3A_651 = arith.constant 0 : i32
          %get3A_652 = arith.constant 0 : i32
          %get3A_653 = arith.constant 2 : i32
          %get3A_654 = arith.index_cast %get3A_651 : i32 to index
          %get3A_655 = arith.index_cast %get3A_652 : i32 to index
          %get3A_656 = arith.index_cast %select_n3A_605 : i32 to index
          %get3A_657 = arith.index_cast %get3A_653 : i32 to index
          %get3A_658 = arith.index_cast %mul3A_623 : i32 to index
          %get3A_659 = tpu.vector_load %arg9[%get3A_654, %get3A_655, %get3A_656, %get3A_657, %get3A_658] {strides = array<i32>} : memref<2x2x4x8x128xf32, #tpu.memory_space<vmem>>, vector<16xf32>,
          %mul3A_660 = arith.mulf %get3A_659, %mul3A_630 : vector<16xf32>
          %get3A_661 = arith.constant 0 : i32
          %get3A_662 = arith.constant 0 : i32
          %get3A_663 = arith.constant 3 : i32
          %get3A_664 = arith.index_cast %get3A_661 : i32 to index
          %get3A_665 = arith.index_cast %get3A_662 : i32 to index
          %get3A_666 = arith.index_cast %select_n3A_605 : i32 to index
          %get3A_667 = arith.index_cast %get3A_663 : i32 to index
          %get3A_668 = arith.index_cast %mul3A_623 : i32 to index
          %get3A_669 = tpu.vector_load %arg9[%get3A_664, %get3A_665, %get3A_666, %get3A_667, %get3A_668] {strides = array<i32>} : memref<2x2x4x8x128xf32, #tpu.memory_space<vmem>>, vector<16xf32>,
          %mul3A_670 = arith.mulf %get3A_669, %mul3A_630 : vector<16xf32>
          %get3A_671 = arith.constant 0 : i32
          %get3A_672 = arith.constant 0 : i32
          %get3A_673 = arith.constant 4 : i32
          %get3A_674 = arith.index_cast %get3A_671 : i32 to index
          %get3A_675 = arith.index_cast %get3A_672 : i32 to index
          %get3A_676 = arith.index_cast %select_n3A_605 : i32 to index
          %get3A_677 = arith.index_cast %get3A_673 : i32 to index
          %get3A_678 = arith.index_cast %mul3A_623 : i32 to index
          %get3A_679 = tpu.vector_load %arg9[%get3A_674, %get3A_675, %get3A_676, %get3A_677, %get3A_678] {strides = array<i32>} : memref<2x2x4x8x128xf32, #tpu.memory_space<vmem>>, vector<16xf32>,
          %mul3A_680 = arith.mulf %get3A_679, %mul3A_630 : vector<16xf32>
          %get3A_681 = arith.constant 0 : i32
          %get3A_682 = arith.constant 0 : i32
          %get3A_683 = arith.constant 5 : i32
          %get3A_684 = arith.index_cast %get3A_681 : i32 to index
          %get3A_685 = arith.index_cast %get3A_682 : i32 to index
          %get3A_686 = arith.index_cast %select_n3A_605 : i32 to index
          %get3A_687 = arith.index_cast %get3A_683 : i32 to index
          %get3A_688 = arith.index_cast %mul3A_623 : i32 to index
          %get3A_689 = tpu.vector_load %arg9[%get3A_684, %get3A_685, %get3A_686, %get3A_687, %get3A_688] {strides = array<i32>} : memref<2x2x4x8x128xf32, #tpu.memory_space<vmem>>, vector<16xf32>,
          %mul3A_690 = arith.mulf %get3A_689, %mul3A_630 : vector<16xf32>
          %get3A_691 = arith.constant 0 : i32
          %get3A_692 = arith.constant 0 : i32
          %get3A_693 = arith.constant 6 : i32
          %get3A_694 = arith.index_cast %get3A_691 : i32 to index
          %get3A_695 = arith.index_cast %get3A_692 : i32 to index
          %get3A_696 = arith.index_cast %select_n3A_605 : i32 to index
          %get3A_697 = arith.index_cast %get3A_693 : i32 to index
          %get3A_698 = arith.index_cast %mul3A_623 : i32 to index
          %get3A_699 = tpu.vector_load %arg9[%get3A_694, %get3A_695, %get3A_696, %get3A_697, %get3A_698] {strides = array<i32>} : memref<2x2x4x8x128xf32, #tpu.memory_space<vmem>>, vector<16xf32>,
          %mul3A_700 = arith.mulf %get3A_699, %mul3A_630 : vector<16xf32>
          %get3A_701 = arith.constant 0 : i32
          %get3A_702 = arith.constant 0 : i32
          %get3A_703 = arith.constant 7 : i32
          %get3A_704 = arith.index_cast %get3A_701 : i32 to index
          %get3A_705 = arith.index_cast %get3A_702 : i32 to index
          %get3A_706 = arith.index_cast %select_n3A_605 : i32 to index
          %get3A_707 = arith.index_cast %get3A_703 : i32 to index
          %get3A_708 = arith.index_cast %mul3A_623 : i32 to index
          %get3A_709 = tpu.vector_load %arg9[%get3A_704, %get3A_705, %get3A_706, %get3A_707, %get3A_708] {strides = array<i32>} : memref<2x2x4x8x128xf32, #tpu.memory_space<vmem>>, vector<16xf32>,
          %mul3A_710 = arith.mulf %get3A_709, %mul3A_630 : vector<16xf32>
          %get3A_711 = arith.constant 0 : i32
          %get3A_712 = arith.constant 1 : i32
          %get3A_713 = arith.constant 0 : i32
          %get3A_714 = arith.index_cast %get3A_711 : i32 to index
          %get3A_715 = arith.index_cast %get3A_712 : i32 to index
          %get3A_716 = arith.index_cast %select_n3A_605 : i32 to index
          %get3A_717 = arith.index_cast %get3A_713 : i32 to index
          %get3A_718 = arith.index_cast %mul3A_623 : i32 to index
          %get3A_719 = tpu.vector_load %arg9[%get3A_714, %get3A_715, %get3A_716, %get3A_717, %get3A_718] {strides = array<i32>} : memref<2x2x4x8x128xf32, #tpu.memory_space<vmem>>, vector<16xf32>,
          %mul3A_720 = arith.mulf %get3A_719, %mul3A_630 : vector<16xf32>
          %get3A_721 = arith.constant 0 : i32
          %get3A_722 = arith.constant 1 : i32
          %get3A_723 = arith.constant 1 : i32
          %get3A_724 = arith.index_cast %get3A_721 : i32 to index
          %get3A_725 = arith.index_cast %get3A_722 : i32 to index
          %get3A_726 = arith.index_cast %select_n3A_605 : i32 to index
          %get3A_727 = arith.index_cast %get3A_723 : i32 to index
          %get3A_728 = arith.index_cast %mul3A_623 : i32 to index
          %get3A_729 = tpu.vector_load %arg9[%get3A_724, %get3A_725, %get3A_726, %get3A_727, %get3A_728] {strides = array<i32>} : memref<2x2x4x8x128xf32, #tpu.memory_space<vmem>>, vector<16xf32>,
          %mul3A_730 = arith.mulf %get3A_729, %mul3A_630 : vector<16xf32>
          %get3A_731 = arith.constant 0 : i32
          %get3A_732 = arith.constant 1 : i32
          %get3A_733 = arith.constant 2 : i32
          %get3A_734 = arith.index_cast %get3A_731 : i32 to index
          %get3A_735 = arith.index_cast %get3A_732 : i32 to index
          %get3A_736 = arith.index_cast %select_n3A_605 : i32 to index
          %get3A_737 = arith.index_cast %get3A_733 : i32 to index
          %get3A_738 = arith.index_cast %mul3A_623 : i32 to index
          %get3A_739 = tpu.vector_load %arg9[%get3A_734, %get3A_735, %get3A_736, %get3A_737, %get3A_738] {strides = array<i32>} : memref<2x2x4x8x128xf32, #tpu.memory_space<vmem>>, vector<16xf32>,
          %mul3A_740 = arith.mulf %get3A_739, %mul3A_630 : vector<16xf32>
          %get3A_741 = arith.constant 0 : i32
          %get3A_742 = arith.constant 1 : i32
          %get3A_743 = arith.constant 3 : i32
          %get3A_744 = arith.index_cast %get3A_741 : i32 to index
          %get3A_745 = arith.index_cast %get3A_742 : i32 to index
          %get3A_746 = arith.index_cast %select_n3A_605 : i32 to index
          %get3A_747 = arith.index_cast %get3A_743 : i32 to index
          %get3A_748 = arith.index_cast %mul3A_623 : i32 to index
          %get3A_749 = tpu.vector_load %arg9[%get3A_744, %get3A_745, %get3A_746, %get3A_747, %get3A_748] {strides = array<i32>} : memref<2x2x4x8x128xf32, #tpu.memory_space<vmem>>, vector<16xf32>,
          %mul3A_750 = arith.mulf %get3A_749, %mul3A_630 : vector<16xf32>
          %get3A_751 = arith.constant 0 : i32
          %get3A_752 = arith.constant 1 : i32
          %get3A_753 = arith.constant 4 : i32
          %get3A_754 = arith.index_cast %get3A_751 : i32 to index
          %get3A_755 = arith.index_cast %get3A_752 : i32 to index
          %get3A_756 = arith.index_cast %select_n3A_605 : i32 to index
          %get3A_757 = arith.index_cast %get3A_753 : i32 to index
          %get3A_758 = arith.index_cast %mul3A_623 : i32 to index
          %get3A_759 = tpu.vector_load %arg9[%get3A_754, %get3A_755, %get3A_756, %get3A_757, %get3A_758] {strides = array<i32>} : memref<2x2x4x8x128xf32, #tpu.memory_space<vmem>>, vector<16xf32>,
          %mul3A_760 = arith.mulf %get3A_759, %mul3A_630 : vector<16xf32>
          %get3A_761 = arith.constant 0 : i32
          %get3A_762 = arith.constant 1 : i32
          %get3A_763 = arith.constant 5 : i32
          %get3A_764 = arith.index_cast %get3A_761 : i32 to index
          %get3A_765 = arith.index_cast %get3A_762 : i32 to index
          %get3A_766 = arith.index_cast %select_n3A_605 : i32 to index
          %get3A_767 = arith.index_cast %get3A_763 : i32 to index
          %get3A_768 = arith.index_cast %mul3A_623 : i32 to index
          %get3A_769 = tpu.vector_load %arg9[%get3A_764, %get3A_765, %get3A_766, %get3A_767, %get3A_768] {strides = array<i32>} : memref<2x2x4x8x128xf32, #tpu.memory_space<vmem>>, vector<16xf32>,
          %mul3A_770 = arith.mulf %get3A_769, %mul3A_630 : vector<16xf32>
          %get3A_771 = arith.constant 0 : i32
          %get3A_772 = arith.constant 1 : i32
          %get3A_773 = arith.constant 6 : i32
          %get3A_774 = arith.index_cast %get3A_771 : i32 to index
          %get3A_775 = arith.index_cast %get3A_772 : i32 to index
          %get3A_776 = arith.index_cast %select_n3A_605 : i32 to index
          %get3A_777 = arith.index_cast %get3A_773 : i32 to index
          %get3A_778 = arith.index_cast %mul3A_623 : i32 to index
          %get3A_779 = tpu.vector_load %arg9[%get3A_774, %get3A_775, %get3A_776, %get3A_777, %get3A_778] {strides = array<i32>} : memref<2x2x4x8x128xf32, #tpu.memory_space<vmem>>, vector<16xf32>,
          %mul3A_780 = arith.mulf %get3A_779, %mul3A_630 : vector<16xf32>
          %get3A_781 = arith.constant 0 : i32
          %get3A_782 = arith.constant 1 : i32
          %get3A_783 = arith.constant 7 : i32
          %get3A_784 = arith.index_cast %get3A_781 : i32 to index
          %get3A_785 = arith.index_cast %get3A_782 : i32 to index
          %get3A_786 = arith.index_cast %select_n3A_605 : i32 to index
          %get3A_787 = arith.index_cast %get3A_783 : i32 to index
          %get3A_788 = arith.index_cast %mul3A_623 : i32 to index
          %get3A_789 = tpu.vector_load %arg9[%get3A_784, %get3A_785, %get3A_786, %get3A_787, %get3A_788] {strides = array<i32>} : memref<2x2x4x8x128xf32, #tpu.memory_space<vmem>>, vector<16xf32>,
          %mul3A_790 = arith.mulf %get3A_789, %mul3A_630 : vector<16xf32>
          %sub3A_791 = arith.constant 1 : i32
          %sub3A_792 = arith.subi %scan3A_565, %sub3A_791 : i32
          %mul3A_793 = arith.constant 16 : i32
          %mul3A_794 = arith.muli %sub3A_792, %mul3A_793 : i32
          %add3A_795 = vector.broadcast %mul3A_794 : i32 to vector<16xi32>
          %add3A_796 = arith.addi %add3A_795, %iota3A : vector<16xi32>
          %broadcast_in_dim3A_797 = arith.constant 0 : i32
          %broadcast_in_dim3A_798 = vector.broadcast %broadcast_in_dim3A_797 : i32 to vector<16xi32>
          tpu.vector_store_idx %arg8[%add3A_796, %broadcast_in_dim3A_798], %scan3A_566 : memref<512x16xf32, #tpu.memory_space<vmem>>[vector<16xi32>, vector<16xi32>], vector<16xf32>,
          %broadcast_in_dim3A_799 = arith.constant 1 : i32
          %broadcast_in_dim3A_800 = vector.broadcast %broadcast_in_dim3A_799 : i32 to vector<16xi32>
          tpu.vector_store_idx %arg8[%add3A_796, %broadcast_in_dim3A_800], %scan3A_567 : memref<512x16xf32, #tpu.memory_space<vmem>>[vector<16xi32>, vector<16xi32>], vector<16xf32>,
          %broadcast_in_dim3A_801 = arith.constant 2 : i32
          %broadcast_in_dim3A_802 = vector.broadcast %broadcast_in_dim3A_801 : i32 to vector<16xi32>
          tpu.vector_store_idx %arg8[%add3A_796, %broadcast_in_dim3A_802], %scan3A_568 : memref<512x16xf32, #tpu.memory_space<vmem>>[vector<16xi32>, vector<16xi32>], vector<16xf32>,
          %broadcast_in_dim3A_803 = arith.constant 3 : i32
          %broadcast_in_dim3A_804 = vector.broadcast %broadcast_in_dim3A_803 : i32 to vector<16xi32>
          tpu.vector_store_idx %arg8[%add3A_796, %broadcast_in_dim3A_804], %scan3A_569 : memref<512x16xf32, #tpu.memory_space<vmem>>[vector<16xi32>, vector<16xi32>], vector<16xf32>,
          %broadcast_in_dim3A_805 = arith.constant 4 : i32
          %broadcast_in_dim3A_806 = vector.broadcast %broadcast_in_dim3A_805 : i32 to vector<16xi32>
          tpu.vector_store_idx %arg8[%add3A_796, %broadcast_in_dim3A_806], %scan3A_570 : memref<512x16xf32, #tpu.memory_space<vmem>>[vector<16xi32>, vector<16xi32>], vector<16xf32>,
          %broadcast_in_dim3A_807 = arith.constant 5 : i32
          %broadcast_in_dim3A_808 = vector.broadcast %broadcast_in_dim3A_807 : i32 to vector<16xi32>
          tpu.vector_store_idx %arg8[%add3A_796, %broadcast_in_dim3A_808], %scan3A_571 : memref<512x16xf32, #tpu.memory_space<vmem>>[vector<16xi32>, vector<16xi32>], vector<16xf32>,
          %broadcast_in_dim3A_809 = arith.constant 6 : i32
          %broadcast_in_dim3A_810 = vector.broadcast %broadcast_in_dim3A_809 : i32 to vector<16xi32>
          tpu.vector_store_idx %arg8[%add3A_796, %broadcast_in_dim3A_810], %scan3A_572 : memref<512x16xf32, #tpu.memory_space<vmem>>[vector<16xi32>, vector<16xi32>], vector<16xf32>,
          %broadcast_in_dim3A_811 = arith.constant 7 : i32
          %broadcast_in_dim3A_812 = vector.broadcast %broadcast_in_dim3A_811 : i32 to vector<16xi32>
          tpu.vector_store_idx %arg8[%add3A_796, %broadcast_in_dim3A_812], %scan3A_573 : memref<512x16xf32, #tpu.memory_space<vmem>>[vector<16xi32>, vector<16xi32>], vector<16xf32>,
          %broadcast_in_dim3A_813 = arith.constant 8 : i32
          %broadcast_in_dim3A_814 = vector.broadcast %broadcast_in_dim3A_813 : i32 to vector<16xi32>
          tpu.vector_store_idx %arg8[%add3A_796, %broadcast_in_dim3A_814], %scan3A_574 : memref<512x16xf32, #tpu.memory_space<vmem>>[vector<16xi32>, vector<16xi32>], vector<16xf32>,
          %broadcast_in_dim3A_815 = arith.constant 9 : i32
          %broadcast_in_dim3A_816 = vector.broadcast %broadcast_in_dim3A_815 : i32 to vector<16xi32>
          tpu.vector_store_idx %arg8[%add3A_796, %broadcast_in_dim3A_816], %scan3A_575 : memref<512x16xf32, #tpu.memory_space<vmem>>[vector<16xi32>, vector<16xi32>], vector<16xf32>,
          %broadcast_in_dim3A_817 = arith.constant 10 : i32
          %broadcast_in_dim3A_818 = vector.broadcast %broadcast_in_dim3A_817 : i32 to vector<16xi32>
          tpu.vector_store_idx %arg8[%add3A_796, %broadcast_in_dim3A_818], %scan3A_576 : memref<512x16xf32, #tpu.memory_space<vmem>>[vector<16xi32>, vector<16xi32>], vector<16xf32>,
          %broadcast_in_dim3A_819 = arith.constant 11 : i32
          %broadcast_in_dim3A_820 = vector.broadcast %broadcast_in_dim3A_819 : i32 to vector<16xi32>
          tpu.vector_store_idx %arg8[%add3A_796, %broadcast_in_dim3A_820], %scan3A_577 : memref<512x16xf32, #tpu.memory_space<vmem>>[vector<16xi32>, vector<16xi32>], vector<16xf32>,
          %broadcast_in_dim3A_821 = arith.constant 12 : i32
          %broadcast_in_dim3A_822 = vector.broadcast %broadcast_in_dim3A_821 : i32 to vector<16xi32>
          tpu.vector_store_idx %arg8[%add3A_796, %broadcast_in_dim3A_822], %scan3A_578 : memref<512x16xf32, #tpu.memory_space<vmem>>[vector<16xi32>, vector<16xi32>], vector<16xf32>,
          %broadcast_in_dim3A_823 = arith.constant 13 : i32
          %broadcast_in_dim3A_824 = vector.broadcast %broadcast_in_dim3A_823 : i32 to vector<16xi32>
          tpu.vector_store_idx %arg8[%add3A_796, %broadcast_in_dim3A_824], %scan3A_579 : memref<512x16xf32, #tpu.memory_space<vmem>>[vector<16xi32>, vector<16xi32>], vector<16xf32>,
          %broadcast_in_dim3A_825 = arith.constant 14 : i32
          %broadcast_in_dim3A_826 = vector.broadcast %broadcast_in_dim3A_825 : i32 to vector<16xi32>
          tpu.vector_store_idx %arg8[%add3A_796, %broadcast_in_dim3A_826], %scan3A_580 : memref<512x16xf32, #tpu.memory_space<vmem>>[vector<16xi32>, vector<16xi32>], vector<16xf32>,
          %broadcast_in_dim3A_827 = arith.constant 15 : i32
          %broadcast_in_dim3A_828 = vector.broadcast %broadcast_in_dim3A_827 : i32 to vector<16xi32>
          tpu.vector_store_idx %arg8[%add3A_796, %broadcast_in_dim3A_828], %scan3A_581 : memref<512x16xf32, #tpu.memory_space<vmem>>[vector<16xi32>, vector<16xi32>], vector<16xf32>,
          scf.yield %mul3A_640, %mul3A_650, %mul3A_660, %mul3A_670, %mul3A_680, %mul3A_690, %mul3A_700, %mul3A_710, %mul3A_720, %mul3A_730, %mul3A_740, %mul3A_750, %mul3A_760, %mul3A_770, %mul3A_780, %mul3A_790 : vector<16xf32>, vector<16xf32>, vector<16xf32>, vector<16xf32>, vector<16xf32>, vector<16xf32>, vector<16xf32>, vector<16xf32>, vector<16xf32>, vector<16xf32>, vector<16xf32>, vector<16xf32>, vector<16xf32>, vector<16xf32>, vector<16xf32>, vector<16xf32>
        }
        %scan3A_486 = arith.constant 31 : i32
        %add3A_487 = arith.constant 496 : i32
        %add3A_488 = vector.broadcast %add3A_487 : i32 to vector<16xi32>
        %add3A_489 = arith.addi %add3A_488, %iota3A : vector<16xi32>
        %broadcast_in_dim3A = arith.constant 0 : i32
        %broadcast_in_dim3A_490 = vector.broadcast %broadcast_in_dim3A : i32 to vector<16xi32>
        tpu.vector_store_idx %arg8[%add3A_489, %broadcast_in_dim3A_490], %scan3A_485#0 : memref<512x16xf32, #tpu.memory_space<vmem>>[vector<16xi32>, vector<16xi32>], vector<16xf32>,
        %broadcast_in_dim3A_491 = arith.constant 1 : i32
        %broadcast_in_dim3A_492 = vector.broadcast %broadcast_in_dim3A_491 : i32 to vector<16xi32>
        tpu.vector_store_idx %arg8[%add3A_489, %broadcast_in_dim3A_492], %scan3A_485#1 : memref<512x16xf32, #tpu.memory_space<vmem>>[vector<16xi32>, vector<16xi32>], vector<16xf32>,
        %broadcast_in_dim3A_493 = arith.constant 2 : i32
        %broadcast_in_dim3A_494 = vector.broadcast %broadcast_in_dim3A_493 : i32 to vector<16xi32>
        tpu.vector_store_idx %arg8[%add3A_489, %broadcast_in_dim3A_494], %scan3A_485#2 : memref<512x16xf32, #tpu.memory_space<vmem>>[vector<16xi32>, vector<16xi32>], vector<16xf32>,
        %broadcast_in_dim3A_495 = arith.constant 3 : i32
        %broadcast_in_dim3A_496 = vector.broadcast %broadcast_in_dim3A_495 : i32 to vector<16xi32>
        tpu.vector_store_idx %arg8[%add3A_489, %broadcast_in_dim3A_496], %scan3A_485#3 : memref<512x16xf32, #tpu.memory_space<vmem>>[vector<16xi32>, vector<16xi32>], vector<16xf32>,
        %broadcast_in_dim3A_497 = arith.constant 4 : i32
        %broadcast_in_dim3A_498 = vector.broadcast %broadcast_in_dim3A_497 : i32 to vector<16xi32>
        tpu.vector_store_idx %arg8[%add3A_489, %broadcast_in_dim3A_498], %scan3A_485#4 : memref<512x16xf32, #tpu.memory_space<vmem>>[vector<16xi32>, vector<16xi32>], vector<16xf32>,
        %broadcast_in_dim3A_499 = arith.constant 5 : i32
        %broadcast_in_dim3A_500 = vector.broadcast %broadcast_in_dim3A_499 : i32 to vector<16xi32>
        tpu.vector_store_idx %arg8[%add3A_489, %broadcast_in_dim3A_500], %scan3A_485#5 : memref<512x16xf32, #tpu.memory_space<vmem>>[vector<16xi32>, vector<16xi32>], vector<16xf32>,
        %broadcast_in_dim3A_501 = arith.constant 6 : i32
        %broadcast_in_dim3A_502 = vector.broadcast %broadcast_in_dim3A_501 : i32 to vector<16xi32>
        tpu.vector_store_idx %arg8[%add3A_489, %broadcast_in_dim3A_502], %scan3A_485#6 : memref<512x16xf32, #tpu.memory_space<vmem>>[vector<16xi32>, vector<16xi32>], vector<16xf32>,
        %broadcast_in_dim3A_503 = arith.constant 7 : i32
        %broadcast_in_dim3A_504 = vector.broadcast %broadcast_in_dim3A_503 : i32 to vector<16xi32>
        tpu.vector_store_idx %arg8[%add3A_489, %broadcast_in_dim3A_504], %scan3A_485#7 : memref<512x16xf32, #tpu.memory_space<vmem>>[vector<16xi32>, vector<16xi32>], vector<16xf32>,
        %broadcast_in_dim3A_505 = arith.constant 8 : i32
        %broadcast_in_dim3A_506 = vector.broadcast %broadcast_in_dim3A_505 : i32 to vector<16xi32>
        tpu.vector_store_idx %arg8[%add3A_489, %broadcast_in_dim3A_506], %scan3A_485#8 : memref<512x16xf32, #tpu.memory_space<vmem>>[vector<16xi32>, vector<16xi32>], vector<16xf32>,
        %broadcast_in_dim3A_507 = arith.constant 9 : i32
        %broadcast_in_dim3A_508 = vector.broadcast %broadcast_in_dim3A_507 : i32 to vector<16xi32>
        tpu.vector_store_idx %arg8[%add3A_489, %broadcast_in_dim3A_508], %scan3A_485#9 : memref<512x16xf32, #tpu.memory_space<vmem>>[vector<16xi32>, vector<16xi32>], vector<16xf32>,
        %broadcast_in_dim3A_509 = arith.constant 10 : i32
        %broadcast_in_dim3A_510 = vector.broadcast %broadcast_in_dim3A_509 : i32 to vector<16xi32>
        tpu.vector_store_idx %arg8[%add3A_489, %broadcast_in_dim3A_510], %scan3A_485#10 : memref<512x16xf32, #tpu.memory_space<vmem>>[vector<16xi32>, vector<16xi32>], vector<16xf32>,
        %broadcast_in_dim3A_511 = arith.constant 11 : i32
        %broadcast_in_dim3A_512 = vector.broadcast %broadcast_in_dim3A_511 : i32 to vector<16xi32>
        tpu.vector_store_idx %arg8[%add3A_489, %broadcast_in_dim3A_512], %scan3A_485#11 : memref<512x16xf32, #tpu.memory_space<vmem>>[vector<16xi32>, vector<16xi32>], vector<16xf32>,
        %broadcast_in_dim3A_513 = arith.constant 12 : i32
        %broadcast_in_dim3A_514 = vector.broadcast %broadcast_in_dim3A_513 : i32 to vector<16xi32>
        tpu.vector_store_idx %arg8[%add3A_489, %broadcast_in_dim3A_514], %scan3A_485#12 : memref<512x16xf32, #tpu.memory_space<vmem>>[vector<16xi32>, vector<16xi32>], vector<16xf32>,
        %broadcast_in_dim3A_515 = arith.constant 13 : i32
        %broadcast_in_dim3A_516 = vector.broadcast %broadcast_in_dim3A_515 : i32 to vector<16xi32>
        tpu.vector_store_idx %arg8[%add3A_489, %broadcast_in_dim3A_516], %scan3A_485#13 : memref<512x16xf32, #tpu.memory_space<vmem>>[vector<16xi32>, vector<16xi32>], vector<16xf32>,
        %broadcast_in_dim3A_517 = arith.constant 14 : i32
        %broadcast_in_dim3A_518 = vector.broadcast %broadcast_in_dim3A_517 : i32 to vector<16xi32>
        tpu.vector_store_idx %arg8[%add3A_489, %broadcast_in_dim3A_518], %scan3A_485#14 : memref<512x16xf32, #tpu.memory_space<vmem>>[vector<16xi32>, vector<16xi32>], vector<16xf32>,
        %broadcast_in_dim3A_519 = arith.constant 15 : i32
        %broadcast_in_dim3A_520 = vector.broadcast %broadcast_in_dim3A_519 : i32 to vector<16xi32>
        tpu.vector_store_idx %arg8[%add3A_489, %broadcast_in_dim3A_520], %scan3A_485#15 : memref<512x16xf32, #tpu.memory_space<vmem>>[vector<16xi32>, vector<16xi32>], vector<16xf32>,
        %dma_start3A_521 = arith.constant 0 : i32
        %dma_start3A_522 = arith.constant 0 : i32
        %dma_start3A_523 = arith.constant 0 : i32
        %dma_start3A_524 = arith.constant 0 : i32
        %dma_start3A_525 = tpu.memref_slice %arg8[%dma_start3A_523, %dma_start3A_524] : memref<512x16xf32, #tpu.memory_space<vmem>> -> memref<128x16xf32, #tpu.memory_space<vmem>>
        %dma_start3A_526 = arith.constant 0 : i32
        %dma_start3A_527 = tpu.memref_slice %arg11[%dma_start3A_521, %dma_start3A_522, %dma_start3A_526] : memref<2x4x128xi32, #tpu.memory_space<vmem>> -> memref<1x1x128xi32, #tpu.memory_space<vmem>>
        %dma_start3A_528 = tpu.memref_squeeze %dma_start3A_527 : memref<1x1x128xi32, #tpu.memory_space<vmem>> -> memref<128xi32, #tpu.memory_space<vmem>>
        %dma_start3A_529 = arith.constant 0 : i32
        %dma_start3A_530 = arith.constant 0 : i32
        %dma_start3A_531 = tpu.memref_slice %arg7[%dma_start3A_529, %dma_start3A_530] : memref<100000x16xf32, #tpu.memory_space<vmem_shared>> -> memref<100000x16xf32, #tpu.memory_space<vmem_shared>>
        tpu.enqueue_indirect_dma source(%dma_start3A_525 : memref<128x16xf32, #tpu.memory_space<vmem>>) target(%dma_start3A_531 : memref<100000x16xf32, #tpu.memory_space<vmem_shared>>) offsets(%dma_start3A_528 : memref<128xi32, #tpu.memory_space<vmem>>) semaphore(%arg15 : memref<!tpu.dma_semaphore, #tpu.memory_space<semaphore_mem>>) {add = true}
        %dma_start3A_532 = arith.constant 0 : i32
        %dma_start3A_533 = arith.constant 1 : i32
        %dma_start3A_534 = arith.constant 128 : i32
        %dma_start3A_535 = arith.constant 0 : i32
        %dma_start3A_536 = tpu.memref_slice %arg8[%dma_start3A_534, %dma_start3A_535] : memref<512x16xf32, #tpu.memory_space<vmem>> -> memref<128x16xf32, #tpu.memory_space<vmem>>
        %dma_start3A_537 = arith.constant 0 : i32
        %dma_start3A_538 = tpu.memref_slice %arg11[%dma_start3A_532, %dma_start3A_533, %dma_start3A_537] : memref<2x4x128xi32, #tpu.memory_space<vmem>> -> memref<1x1x128xi32, #tpu.memory_space<vmem>>
        %dma_start3A_539 = tpu.memref_squeeze %dma_start3A_538 : memref<1x1x128xi32, #tpu.memory_space<vmem>> -> memref<128xi32, #tpu.memory_space<vmem>>
        %dma_start3A_540 = arith.constant 0 : i32
        %dma_start3A_541 = arith.constant 0 : i32
        %dma_start3A_542 = tpu.memref_slice %arg7[%dma_start3A_540, %dma_start3A_541] : memref<100000x16xf32, #tpu.memory_space<vmem_shared>> -> memref<100000x16xf32, #tpu.memory_space<vmem_shared>>
        tpu.enqueue_indirect_dma source(%dma_start3A_536 : memref<128x16xf32, #tpu.memory_space<vmem>>) target(%dma_start3A_542 : memref<100000x16xf32, #tpu.memory_space<vmem_shared>>) offsets(%dma_start3A_539 : memref<128xi32, #tpu.memory_space<vmem>>) semaphore(%arg15 : memref<!tpu.dma_semaphore, #tpu.memory_space<semaphore_mem>>) {add = true}
        %dma_start3A_543 = arith.constant 0 : i32
        %dma_start3A_544 = arith.constant 2 : i32
        %dma_start3A_545 = arith.constant 256 : i32
        %dma_start3A_546 = arith.constant 0 : i32
        %dma_start3A_547 = tpu.memref_slice %arg8[%dma_start3A_545, %dma_start3A_546] : memref<512x16xf32, #tpu.memory_space<vmem>> -> memref<128x16xf32, #tpu.memory_space<vmem>>
        %dma_start3A_548 = arith.constant 0 : i32
        %dma_start3A_549 = tpu.memref_slice %arg11[%dma_start3A_543, %dma_start3A_544, %dma_start3A_548] : memref<2x4x128xi32, #tpu.memory_space<vmem>> -> memref<1x1x128xi32, #tpu.memory_space<vmem>>
        %dma_start3A_550 = tpu.memref_squeeze %dma_start3A_549 : memref<1x1x128xi32, #tpu.memory_space<vmem>> -> memref<128xi32, #tpu.memory_space<vmem>>
        %dma_start3A_551 = arith.constant 0 : i32
        %dma_start3A_552 = arith.constant 0 : i32
        %dma_start3A_553 = tpu.memref_slice %arg7[%dma_start3A_551, %dma_start3A_552] : memref<100000x16xf32, #tpu.memory_space<vmem_shared>> -> memref<100000x16xf32, #tpu.memory_space<vmem_shared>>
        tpu.enqueue_indirect_dma source(%dma_start3A_547 : memref<128x16xf32, #tpu.memory_space<vmem>>) target(%dma_start3A_553 : memref<100000x16xf32, #tpu.memory_space<vmem_shared>>) offsets(%dma_start3A_550 : memref<128xi32, #tpu.memory_space<vmem>>) semaphore(%arg15 : memref<!tpu.dma_semaphore, #tpu.memory_space<semaphore_mem>>) {add = true}
        %dma_start3A_554 = arith.constant 0 : i32
        %dma_start3A_555 = arith.constant 3 : i32
        %dma_start3A_556 = arith.constant 384 : i32
        %dma_start3A_557 = arith.constant 0 : i32
        %dma_start3A_558 = tpu.memref_slice %arg8[%dma_start3A_556, %dma_start3A_557] : memref<512x16xf32, #tpu.memory_space<vmem>> -> memref<128x16xf32, #tpu.memory_space<vmem>>
        %dma_start3A_559 = arith.constant 0 : i32
        %dma_start3A_560 = tpu.memref_slice %arg11[%dma_start3A_554, %dma_start3A_555, %dma_start3A_559] : memref<2x4x128xi32, #tpu.memory_space<vmem>> -> memref<1x1x128xi32, #tpu.memory_space<vmem>>
        %dma_start3A_561 = tpu.memref_squeeze %dma_start3A_560 : memref<1x1x128xi32, #tpu.memory_space<vmem>> -> memref<128xi32, #tpu.memory_space<vmem>>
        %dma_start3A_562 = arith.constant 0 : i32
        %dma_start3A_563 = arith.constant 0 : i32
        %dma_start3A_564 = tpu.memref_slice %arg7[%dma_start3A_562, %dma_start3A_563] : memref<100000x16xf32, #tpu.memory_space<vmem_shared>> -> memref<100000x16xf32, #tpu.memory_space<vmem_shared>>
        tpu.enqueue_indirect_dma source(%dma_start3A_558 : memref<128x16xf32, #tpu.memory_space<vmem>>) target(%dma_start3A_564 : memref<100000x16xf32, #tpu.memory_space<vmem_shared>>) offsets(%dma_start3A_561 : memref<128xi32, #tpu.memory_space<vmem>>) semaphore(%arg15 : memref<!tpu.dma_semaphore, #tpu.memory_space<semaphore_mem>>) {add = true}
      } else {
      }
      %mul3A_227 = arith.constant 2 : i32
      %mul3A_228 = arith.muli %mul3A_227, %while3A_220 : i32
      %add3A_229 = arith.constant 1 : i32
      %add3A_230 = arith.addi %mul3A_228, %add3A_229 : i32
      %lt3A_231 = arith.cmpi slt, %add3A_230, %select_n3A_65 : i32
      %convert_element_type3A_232 = arith.extui %lt3A_231 : i1 to i32
      %cond3A_233 = arith.constant 0 : i32
      %cond3A_234 = arith.cmpi ne, %convert_element_type3A_232, %cond3A_233 : i32
      scf.if %cond3A_234 {
        %mul3A_235 = arith.constant 32 : i32
        %mul3A_236 = arith.muli %add3A_230, %mul3A_235 : i32
        %add3A_237 = arith.addi %add3A, %mul3A_236 : i32
        %mul3A_238 = arith.constant 512 : i32
        %mul3A_239 = arith.muli %add3A_237, %mul3A_238 : i32
        %multiple_of3A_240 = tpu.assume_multiple %mul3A_239, 8 : i32
        %mul3A_241 = arith.constant 4 : i32
        %mul3A_242 = arith.muli %add3A_237, %mul3A_241 : i32
        %dma_wait3A_243 = arith.constant 1 : i32
        %dma_wait3A_244 = arith.constant 0 : i32
        %dma_wait3A_245 = arith.constant 0 : i32
        %dma_wait3A_246 = arith.constant 0 : i32
        %dma_wait3A_247 = arith.constant 0 : i32
        %dma_wait3A_248 = tpu.memref_slice %arg9[%dma_wait3A_243, %dma_wait3A_244, %dma_wait3A_245, %dma_wait3A_246, %dma_wait3A_247] : memref<2x2x4x8x128xf32, #tpu.memory_space<vmem>> -> memref<1x2x4x8x128xf32, #tpu.memory_space<vmem>>
        %dma_wait3A_249 = tpu.memref_squeeze %dma_wait3A_248 : memref<1x2x4x8x128xf32, #tpu.memory_space<vmem>> -> memref<2x4x8x128xf32, #tpu.memory_space<vmem>>
        %dma_wait3A_250 = arith.constant 0 : i32
        %dma_wait3A_251 = arith.constant 0 : i32
        %dma_wait3A_252 = arith.constant 0 : i32
        %dma_wait3A_253 = tpu.memref_slice %arg2[%dma_wait3A_250, %mul3A_242, %dma_wait3A_251, %dma_wait3A_252] : memref<2x25000x8x128xf32, #tpu.memory_space<hbm>> -> memref<2x4x8x128xf32, #tpu.memory_space<hbm>>
        %dma_wait3A_254 = arith.constant 0 : i32
        %dma_wait3A_255 = arith.constant 0 : i32
        %dma_wait3A_256 = arith.constant 0 : i32
        %dma_wait3A_257 = arith.constant 0 : i32
        %dma_wait3A_258 = tpu.memref_slice %arg9[%dma_wait3A_243, %dma_wait3A_254, %dma_wait3A_255, %dma_wait3A_256, %dma_wait3A_257] : memref<2x2x4x8x128xf32, #tpu.memory_space<vmem>> -> memref<1x2x4x8x128xf32, #tpu.memory_space<vmem>>
        %dma_wait3A_259 = tpu.memref_squeeze %dma_wait3A_258 : memref<1x2x4x8x128xf32, #tpu.memory_space<vmem>> -> memref<2x4x8x128xf32, #tpu.memory_space<vmem>>
        %dma_wait3A_260 = arith.constant 0 : i32
        %dma_wait3A_261 = arith.constant 0 : i32
        %dma_wait3A_262 = arith.constant 0 : i32
        %dma_wait3A_263 = tpu.memref_slice %arg2[%dma_wait3A_260, %mul3A_242, %dma_wait3A_261, %dma_wait3A_262] : memref<2x25000x8x128xf32, #tpu.memory_space<hbm>> -> memref<2x4x8x128xf32, #tpu.memory_space<hbm>>
        tpu.wait_dma2 semaphore(%arg14 : memref<!tpu.dma_semaphore, #tpu.memory_space<semaphore_mem>>) src(%dma_wait3A_263 : memref<2x4x8x128xf32, #tpu.memory_space<hbm>>) dst(%dma_wait3A_259 : memref<2x4x8x128xf32, #tpu.memory_space<vmem>>)
        %dma_wait3A_264 = arith.constant 1 : i32
        %dma_wait3A_265 = arith.constant 0 : i32
        %dma_wait3A_266 = tpu.memref_slice %arg10[%dma_wait3A_264, %dma_wait3A_265] : memref<2x512xf32, #tpu.memory_space<vmem>> -> memref<1x512xf32, #tpu.memory_space<vmem>>
        %dma_wait3A_267 = tpu.memref_squeeze %dma_wait3A_266 : memref<1x512xf32, #tpu.memory_space<vmem>> -> memref<512xf32, #tpu.memory_space<vmem>>
        %dma_wait3A_268 = tpu.memref_slice %arg3[%multiple_of3A_240] : memref<3200000xf32, #tpu.memory_space<hbm>> -> memref<512xf32, #tpu.memory_space<hbm>>
        %dma_wait3A_269 = arith.constant 0 : i32
        %dma_wait3A_270 = tpu.memref_slice %arg10[%dma_wait3A_264, %dma_wait3A_269] : memref<2x512xf32, #tpu.memory_space<vmem>> -> memref<1x512xf32, #tpu.memory_space<vmem>>
        %dma_wait3A_271 = tpu.memref_squeeze %dma_wait3A_270 : memref<1x512xf32, #tpu.memory_space<vmem>> -> memref<512xf32, #tpu.memory_space<vmem>>
        %dma_wait3A_272 = tpu.memref_slice %arg3[%multiple_of3A_240] : memref<3200000xf32, #tpu.memory_space<hbm>> -> memref<512xf32, #tpu.memory_space<hbm>>
        tpu.wait_dma2 semaphore(%arg14 : memref<!tpu.dma_semaphore, #tpu.memory_space<semaphore_mem>>) src(%dma_wait3A_272 : memref<512xf32, #tpu.memory_space<hbm>>) dst(%dma_wait3A_271 : memref<512xf32, #tpu.memory_space<vmem>>)
        %dma_wait3A_273 = arith.constant 1 : i32
        %dma_wait3A_274 = arith.constant 0 : i32
        %dma_wait3A_275 = arith.constant 0 : i32
        %dma_wait3A_276 = tpu.memref_slice %arg11[%dma_wait3A_273, %dma_wait3A_274, %dma_wait3A_275] : memref<2x4x128xi32, #tpu.memory_space<vmem>> -> memref<1x4x128xi32, #tpu.memory_space<vmem>>
        %dma_wait3A_277 = tpu.memref_squeeze %dma_wait3A_276 : memref<1x4x128xi32, #tpu.memory_space<vmem>> -> memref<4x128xi32, #tpu.memory_space<vmem>>
        %dma_wait3A_278 = arith.constant 0 : i32
        %dma_wait3A_279 = arith.constant 0 : i32
        %dma_wait3A_280 = tpu.memref_slice %arg4[%add3A_237, %dma_wait3A_278, %dma_wait3A_279] : memref<6250x4x128xi32, #tpu.memory_space<hbm>> -> memref<1x4x128xi32, #tpu.memory_space<hbm>>
        %dma_wait3A_281 = tpu.memref_squeeze %dma_wait3A_280 : memref<1x4x128xi32, #tpu.memory_space<hbm>> -> memref<4x128xi32, #tpu.memory_space<hbm>>
        %dma_wait3A_282 = arith.constant 0 : i32
        %dma_wait3A_283 = arith.constant 0 : i32
        %dma_wait3A_284 = tpu.memref_slice %arg11[%dma_wait3A_273, %dma_wait3A_282, %dma_wait3A_283] : memref<2x4x128xi32, #tpu.memory_space<vmem>> -> memref<1x4x128xi32, #tpu.memory_space<vmem>>
        %dma_wait3A_285 = tpu.memref_squeeze %dma_wait3A_284 : memref<1x4x128xi32, #tpu.memory_space<vmem>> -> memref<4x128xi32, #tpu.memory_space<vmem>>
        %dma_wait3A_286 = arith.constant 0 : i32
        %dma_wait3A_287 = arith.constant 0 : i32
        %dma_wait3A_288 = tpu.memref_slice %arg4[%add3A_237, %dma_wait3A_286, %dma_wait3A_287] : memref<6250x4x128xi32, #tpu.memory_space<hbm>> -> memref<1x4x128xi32, #tpu.memory_space<hbm>>
        %dma_wait3A_289 = tpu.memref_squeeze %dma_wait3A_288 : memref<1x4x128xi32, #tpu.memory_space<hbm>> -> memref<4x128xi32, #tpu.memory_space<hbm>>
        tpu.wait_dma2 semaphore(%arg14 : memref<!tpu.dma_semaphore, #tpu.memory_space<semaphore_mem>>) src(%dma_wait3A_289 : memref<4x128xi32, #tpu.memory_space<hbm>>) dst(%dma_wait3A_285 : memref<4x128xi32, #tpu.memory_space<vmem>>)
        %gt3A = arith.constant 0 : i32
        %gt3A_290 = arith.cmpi sgt, %add3A_230, %gt3A : i32
        %convert_element_type3A_291 = arith.extui %gt3A_290 : i1 to i32
        %cond3A_292 = arith.constant 0 : i32
        %cond3A_293 = arith.cmpi ne, %convert_element_type3A_291, %cond3A_292 : i32
        scf.if %cond3A_293 {
          %dma_wait3A_565 = arith.constant 0 : i32
          %dma_wait3A_566 = arith.constant 0 : i32
          %dma_wait3A_567 = arith.constant 0 : i32
          %dma_wait3A_568 = arith.constant 0 : i32
          %dma_wait3A_569 = tpu.memref_slice %arg8[%dma_wait3A_567, %dma_wait3A_568] : memref<512x16xf32, #tpu.memory_space<vmem>> -> memref<128x16xf32, #tpu.memory_space<vmem>>
          %dma_wait3A_570 = arith.constant 0 : i32
          %dma_wait3A_571 = tpu.memref_slice %arg11[%dma_wait3A_565, %dma_wait3A_566, %dma_wait3A_570] : memref<2x4x128xi32, #tpu.memory_space<vmem>> -> memref<1x1x128xi32, #tpu.memory_space<vmem>>
          %dma_wait3A_572 = tpu.memref_squeeze %dma_wait3A_571 : memref<1x1x128xi32, #tpu.memory_space<vmem>> -> memref<128xi32, #tpu.memory_space<vmem>>
          %dma_wait3A_573 = arith.constant 0 : i32
          %dma_wait3A_574 = arith.constant 0 : i32
          %dma_wait3A_575 = tpu.memref_slice %arg7[%dma_wait3A_573, %dma_wait3A_574] : memref<100000x16xf32, #tpu.memory_space<vmem_shared>> -> memref<100000x16xf32, #tpu.memory_space<vmem_shared>>
          tpu.wait_indirect_dma semaphore(%arg15 : memref<!tpu.dma_semaphore, #tpu.memory_space<semaphore_mem>>) src(%dma_wait3A_569 : memref<128x16xf32, #tpu.memory_space<vmem>>) dst(%dma_wait3A_575 : memref<100000x16xf32, #tpu.memory_space<vmem_shared>>)
          %dma_wait3A_576 = arith.constant 0 : i32
          %dma_wait3A_577 = arith.constant 1 : i32
          %dma_wait3A_578 = arith.constant 128 : i32
          %dma_wait3A_579 = arith.constant 0 : i32
          %dma_wait3A_580 = tpu.memref_slice %arg8[%dma_wait3A_578, %dma_wait3A_579] : memref<512x16xf32, #tpu.memory_space<vmem>> -> memref<128x16xf32, #tpu.memory_space<vmem>>
          %dma_wait3A_581 = arith.constant 0 : i32
          %dma_wait3A_582 = tpu.memref_slice %arg11[%dma_wait3A_576, %dma_wait3A_577, %dma_wait3A_581] : memref<2x4x128xi32, #tpu.memory_space<vmem>> -> memref<1x1x128xi32, #tpu.memory_space<vmem>>
          %dma_wait3A_583 = tpu.memref_squeeze %dma_wait3A_582 : memref<1x1x128xi32, #tpu.memory_space<vmem>> -> memref<128xi32, #tpu.memory_space<vmem>>
          %dma_wait3A_584 = arith.constant 0 : i32
          %dma_wait3A_585 = arith.constant 0 : i32
          %dma_wait3A_586 = tpu.memref_slice %arg7[%dma_wait3A_584, %dma_wait3A_585] : memref<100000x16xf32, #tpu.memory_space<vmem_shared>> -> memref<100000x16xf32, #tpu.memory_space<vmem_shared>>
          tpu.wait_indirect_dma semaphore(%arg15 : memref<!tpu.dma_semaphore, #tpu.memory_space<semaphore_mem>>) src(%dma_wait3A_580 : memref<128x16xf32, #tpu.memory_space<vmem>>) dst(%dma_wait3A_586 : memref<100000x16xf32, #tpu.memory_space<vmem_shared>>)
          %dma_wait3A_587 = arith.constant 0 : i32
          %dma_wait3A_588 = arith.constant 2 : i32
          %dma_wait3A_589 = arith.constant 256 : i32
          %dma_wait3A_590 = arith.constant 0 : i32
          %dma_wait3A_591 = tpu.memref_slice %arg8[%dma_wait3A_589, %dma_wait3A_590] : memref<512x16xf32, #tpu.memory_space<vmem>> -> memref<128x16xf32, #tpu.memory_space<vmem>>
          %dma_wait3A_592 = arith.constant 0 : i32
          %dma_wait3A_593 = tpu.memref_slice %arg11[%dma_wait3A_587, %dma_wait3A_588, %dma_wait3A_592] : memref<2x4x128xi32, #tpu.memory_space<vmem>> -> memref<1x1x128xi32, #tpu.memory_space<vmem>>
          %dma_wait3A_594 = tpu.memref_squeeze %dma_wait3A_593 : memref<1x1x128xi32, #tpu.memory_space<vmem>> -> memref<128xi32, #tpu.memory_space<vmem>>
          %dma_wait3A_595 = arith.constant 0 : i32
          %dma_wait3A_596 = arith.constant 0 : i32
          %dma_wait3A_597 = tpu.memref_slice %arg7[%dma_wait3A_595, %dma_wait3A_596] : memref<100000x16xf32, #tpu.memory_space<vmem_shared>> -> memref<100000x16xf32, #tpu.memory_space<vmem_shared>>
          tpu.wait_indirect_dma semaphore(%arg15 : memref<!tpu.dma_semaphore, #tpu.memory_space<semaphore_mem>>) src(%dma_wait3A_591 : memref<128x16xf32, #tpu.memory_space<vmem>>) dst(%dma_wait3A_597 : memref<100000x16xf32, #tpu.memory_space<vmem_shared>>)
          %dma_wait3A_598 = arith.constant 0 : i32
          %dma_wait3A_599 = arith.constant 3 : i32
          %dma_wait3A_600 = arith.constant 384 : i32
          %dma_wait3A_601 = arith.constant 0 : i32
          %dma_wait3A_602 = tpu.memref_slice %arg8[%dma_wait3A_600, %dma_wait3A_601] : memref<512x16xf32, #tpu.memory_space<vmem>> -> memref<128x16xf32, #tpu.memory_space<vmem>>
          %dma_wait3A_603 = arith.constant 0 : i32
          %dma_wait3A_604 = tpu.memref_slice %arg11[%dma_wait3A_598, %dma_wait3A_599, %dma_wait3A_603] : memref<2x4x128xi32, #tpu.memory_space<vmem>> -> memref<1x1x128xi32, #tpu.memory_space<vmem>>
          %dma_wait3A_605 = tpu.memref_squeeze %dma_wait3A_604 : memref<1x1x128xi32, #tpu.memory_space<vmem>> -> memref<128xi32, #tpu.memory_space<vmem>>
          %dma_wait3A_606 = arith.constant 0 : i32
          %dma_wait3A_607 = arith.constant 0 : i32
          %dma_wait3A_608 = tpu.memref_slice %arg7[%dma_wait3A_606, %dma_wait3A_607] : memref<100000x16xf32, #tpu.memory_space<vmem_shared>> -> memref<100000x16xf32, #tpu.memory_space<vmem_shared>>
          tpu.wait_indirect_dma semaphore(%arg15 : memref<!tpu.dma_semaphore, #tpu.memory_space<semaphore_mem>>) src(%dma_wait3A_602 : memref<128x16xf32, #tpu.memory_space<vmem>>) dst(%dma_wait3A_608 : memref<100000x16xf32, #tpu.memory_space<vmem_shared>>)
        } else {
        }
        %add3A_294 = arith.constant 1 : i32
        %add3A_295 = arith.addi %add3A_230, %add3A_294 : i32
        %lt3A_296 = arith.cmpi slt, %add3A_295, %select_n3A_65 : i32
        %convert_element_type3A_297 = arith.extui %lt3A_296 : i1 to i32
        %cond3A_298 = arith.constant 0 : i32
        %cond3A_299 = arith.cmpi ne, %convert_element_type3A_297, %cond3A_298 : i32
        scf.if %cond3A_299 {
          %add3A_565 = arith.constant 1 : i32
          %add3A_566 = arith.addi %add3A_230, %add3A_565 : i32
          %mul3A_567 = arith.constant 32 : i32
          %mul3A_568 = arith.muli %add3A_566, %mul3A_567 : i32
          %add3A_569 = arith.addi %add3A, %mul3A_568 : i32
          %mul3A_570 = arith.constant 512 : i32
          %mul3A_571 = arith.muli %add3A_569, %mul3A_570 : i32
          %multiple_of3A_572 = tpu.assume_multiple %mul3A_571, 8 : i32
          %mul3A_573 = arith.constant 4 : i32
          %mul3A_574 = arith.muli %add3A_569, %mul3A_573 : i32
          %dma_start3A_575 = arith.constant 0 : i32
          %dma_start3A_576 = arith.constant 0 : i32
          %dma_start3A_577 = arith.constant 0 : i32
          %dma_start3A_578 = arith.constant 0 : i32
          %dma_start3A_579 = arith.constant 0 : i32
          %dma_start3A_580 = tpu.memref_slice %arg9[%dma_start3A_575, %dma_start3A_576, %dma_start3A_577, %dma_start3A_578, %dma_start3A_579] : memref<2x2x4x8x128xf32, #tpu.memory_space<vmem>> -> memref<1x2x4x8x128xf32, #tpu.memory_space<vmem>>
          %dma_start3A_581 = tpu.memref_squeeze %dma_start3A_580 : memref<1x2x4x8x128xf32, #tpu.memory_space<vmem>> -> memref<2x4x8x128xf32, #tpu.memory_space<vmem>>
          %dma_start3A_582 = arith.constant 0 : i32
          %dma_start3A_583 = arith.constant 0 : i32
          %dma_start3A_584 = arith.constant 0 : i32
          %dma_start3A_585 = tpu.memref_slice %arg2[%dma_start3A_582, %mul3A_574, %dma_start3A_583, %dma_start3A_584] : memref<2x25000x8x128xf32, #tpu.memory_space<hbm>> -> memref<2x4x8x128xf32, #tpu.memory_space<hbm>>
          %dma_start3A_586 = arith.constant 0 : i32
          %dma_start3A_587 = arith.constant 0 : i32
          %dma_start3A_588 = arith.constant 0 : i32
          %dma_start3A_589 = arith.constant 0 : i32
          %dma_start3A_590 = tpu.memref_slice %arg9[%dma_start3A_575, %dma_start3A_586, %dma_start3A_587, %dma_start3A_588, %dma_start3A_589] : memref<2x2x4x8x128xf32, #tpu.memory_space<vmem>> -> memref<1x2x4x8x128xf32, #tpu.memory_space<vmem>>
          %dma_start3A_591 = tpu.memref_squeeze %dma_start3A_590 : memref<1x2x4x8x128xf32, #tpu.memory_space<vmem>> -> memref<2x4x8x128xf32, #tpu.memory_space<vmem>>
          %dma_start3A_592 = arith.constant 0 : i32
          %dma_start3A_593 = arith.constant 0 : i32
          %dma_start3A_594 = arith.constant 0 : i32
          %dma_start3A_595 = tpu.memref_slice %arg2[%dma_start3A_592, %mul3A_574, %dma_start3A_593, %dma_start3A_594] : memref<2x25000x8x128xf32, #tpu.memory_space<hbm>> -> memref<2x4x8x128xf32, #tpu.memory_space<hbm>>
          tpu.enqueue_dma source(%dma_start3A_595 : memref<2x4x8x128xf32, #tpu.memory_space<hbm>>) target(%dma_start3A_591 : memref<2x4x8x128xf32, #tpu.memory_space<vmem>>) target_semaphore(%arg13 : memref<!tpu.dma_semaphore, #tpu.memory_space<semaphore_mem>>)
          %dma_start3A_596 = arith.constant 0 : i32
          %dma_start3A_597 = arith.constant 0 : i32
          %dma_start3A_598 = tpu.memref_slice %arg10[%dma_start3A_596, %dma_start3A_597] : memref<2x512xf32, #tpu.memory_space<vmem>> -> memref<1x512xf32, #tpu.memory_space<vmem>>
          %dma_start3A_599 = tpu.memref_squeeze %dma_start3A_598 : memref<1x512xf32, #tpu.memory_space<vmem>> -> memref<512xf32, #tpu.memory_space<vmem>>
          %dma_start3A_600 = tpu.memref_slice %arg3[%multiple_of3A_572] : memref<3200000xf32, #tpu.memory_space<hbm>> -> memref<512xf32, #tpu.memory_space<hbm>>
          %dma_start3A_601 = arith.constant 0 : i32
          %dma_start3A_602 = tpu.memref_slice %arg10[%dma_start3A_596, %dma_start3A_601] : memref<2x512xf32, #tpu.memory_space<vmem>> -> memref<1x512xf32, #tpu.memory_space<vmem>>
          %dma_start3A_603 = tpu.memref_squeeze %dma_start3A_602 : memref<1x512xf32, #tpu.memory_space<vmem>> -> memref<512xf32, #tpu.memory_space<vmem>>
          %dma_start3A_604 = tpu.memref_slice %arg3[%multiple_of3A_572] : memref<3200000xf32, #tpu.memory_space<hbm>> -> memref<512xf32, #tpu.memory_space<hbm>>
          tpu.enqueue_dma source(%dma_start3A_604 : memref<512xf32, #tpu.memory_space<hbm>>) target(%dma_start3A_603 : memref<512xf32, #tpu.memory_space<vmem>>) target_semaphore(%arg13 : memref<!tpu.dma_semaphore, #tpu.memory_space<semaphore_mem>>)
          %dma_start3A_605 = arith.constant 0 : i32
          %dma_start3A_606 = arith.constant 0 : i32
          %dma_start3A_607 = arith.constant 0 : i32
          %dma_start3A_608 = tpu.memref_slice %arg11[%dma_start3A_605, %dma_start3A_606, %dma_start3A_607] : memref<2x4x128xi32, #tpu.memory_space<vmem>> -> memref<1x4x128xi32, #tpu.memory_space<vmem>>
          %dma_start3A_609 = tpu.memref_squeeze %dma_start3A_608 : memref<1x4x128xi32, #tpu.memory_space<vmem>> -> memref<4x128xi32, #tpu.memory_space<vmem>>
          %dma_start3A_610 = arith.constant 0 : i32
          %dma_start3A_611 = arith.constant 0 : i32
          %dma_start3A_612 = tpu.memref_slice %arg4[%add3A_569, %dma_start3A_610, %dma_start3A_611] : memref<6250x4x128xi32, #tpu.memory_space<hbm>> -> memref<1x4x128xi32, #tpu.memory_space<hbm>>
          %dma_start3A_613 = tpu.memref_squeeze %dma_start3A_612 : memref<1x4x128xi32, #tpu.memory_space<hbm>> -> memref<4x128xi32, #tpu.memory_space<hbm>>
          %dma_start3A_614 = arith.constant 0 : i32
          %dma_start3A_615 = arith.constant 0 : i32
          %dma_start3A_616 = tpu.memref_slice %arg11[%dma_start3A_605, %dma_start3A_614, %dma_start3A_615] : memref<2x4x128xi32, #tpu.memory_space<vmem>> -> memref<1x4x128xi32, #tpu.memory_space<vmem>>
          %dma_start3A_617 = tpu.memref_squeeze %dma_start3A_616 : memref<1x4x128xi32, #tpu.memory_space<vmem>> -> memref<4x128xi32, #tpu.memory_space<vmem>>
          %dma_start3A_618 = arith.constant 0 : i32
          %dma_start3A_619 = arith.constant 0 : i32
          %dma_start3A_620 = tpu.memref_slice %arg4[%add3A_569, %dma_start3A_618, %dma_start3A_619] : memref<6250x4x128xi32, #tpu.memory_space<hbm>> -> memref<1x4x128xi32, #tpu.memory_space<hbm>>
          %dma_start3A_621 = tpu.memref_squeeze %dma_start3A_620 : memref<1x4x128xi32, #tpu.memory_space<hbm>> -> memref<4x128xi32, #tpu.memory_space<hbm>>
          tpu.enqueue_dma source(%dma_start3A_621 : memref<4x128xi32, #tpu.memory_space<hbm>>) target(%dma_start3A_617 : memref<4x128xi32, #tpu.memory_space<vmem>>) target_semaphore(%arg13 : memref<!tpu.dma_semaphore, #tpu.memory_space<semaphore_mem>>)
        } else {
        }
        %get3A_300 = arith.constant 1 : i32
        %get3A_301 = arith.index_cast %get3A_300 : i32 to index
        %get3A_302 = arith.constant 0 : index
        %get3A_303 = tpu.vector_load %arg10[%get3A_301, %get3A_302] {strides = array<i32>} : memref<2x512xf32, #tpu.memory_space<vmem>>, vector<16xf32>,
        %mul3A_304 = arith.mulf %get3A_303, %get3A_1 : vector<16xf32>
        %get3A_305 = arith.constant 1 : i32
        %get3A_306 = arith.constant 0 : i32
        %get3A_307 = arith.constant 0 : i32
        %get3A_308 = arith.constant 0 : i32
        %get3A_309 = arith.index_cast %get3A_305 : i32 to index
        %get3A_310 = arith.index_cast %get3A_306 : i32 to index
        %get3A_311 = arith.index_cast %get3A_307 : i32 to index
        %get3A_312 = arith.index_cast %get3A_308 : i32 to index
        %get3A_313 = arith.constant 0 : index
        %get3A_314 = tpu.vector_load %arg9[%get3A_309, %get3A_310, %get3A_311, %get3A_312, %get3A_313] {strides = array<i32>} : memref<2x2x4x8x128xf32, #tpu.memory_space<vmem>>, vector<16xf32>,
        %mul3A_315 = arith.mulf %get3A_314, %mul3A_304 : vector<16xf32>
        %get3A_316 = arith.constant 1 : i32
        %get3A_317 = arith.constant 0 : i32
        %get3A_318 = arith.constant 0 : i32
        %get3A_319 = arith.constant 1 : i32
        %get3A_320 = arith.index_cast %get3A_316 : i32 to index
        %get3A_321 = arith.index_cast %get3A_317 : i32 to index
        %get3A_322 = arith.index_cast %get3A_318 : i32 to index
        %get3A_323 = arith.index_cast %get3A_319 : i32 to index
        %get3A_324 = arith.constant 0 : index
        %get3A_325 = tpu.vector_load %arg9[%get3A_320, %get3A_321, %get3A_322, %get3A_323, %get3A_324] {strides = array<i32>} : memref<2x2x4x8x128xf32, #tpu.memory_space<vmem>>, vector<16xf32>,
        %mul3A_326 = arith.mulf %get3A_325, %mul3A_304 : vector<16xf32>
        %get3A_327 = arith.constant 1 : i32
        %get3A_328 = arith.constant 0 : i32
        %get3A_329 = arith.constant 0 : i32
        %get3A_330 = arith.constant 2 : i32
        %get3A_331 = arith.index_cast %get3A_327 : i32 to index
        %get3A_332 = arith.index_cast %get3A_328 : i32 to index
        %get3A_333 = arith.index_cast %get3A_329 : i32 to index
        %get3A_334 = arith.index_cast %get3A_330 : i32 to index
        %get3A_335 = arith.constant 0 : index
        %get3A_336 = tpu.vector_load %arg9[%get3A_331, %get3A_332, %get3A_333, %get3A_334, %get3A_335] {strides = array<i32>} : memref<2x2x4x8x128xf32, #tpu.memory_space<vmem>>, vector<16xf32>,
        %mul3A_337 = arith.mulf %get3A_336, %mul3A_304 : vector<16xf32>
        %get3A_338 = arith.constant 1 : i32
        %get3A_339 = arith.constant 0 : i32
        %get3A_340 = arith.constant 0 : i32
        %get3A_341 = arith.constant 3 : i32
        %get3A_342 = arith.index_cast %get3A_338 : i32 to index
        %get3A_343 = arith.index_cast %get3A_339 : i32 to index
        %get3A_344 = arith.index_cast %get3A_340 : i32 to index
        %get3A_345 = arith.index_cast %get3A_341 : i32 to index
        %get3A_346 = arith.constant 0 : index
        %get3A_347 = tpu.vector_load %arg9[%get3A_342, %get3A_343, %get3A_344, %get3A_345, %get3A_346] {strides = array<i32>} : memref<2x2x4x8x128xf32, #tpu.memory_space<vmem>>, vector<16xf32>,
        %mul3A_348 = arith.mulf %get3A_347, %mul3A_304 : vector<16xf32>
        %get3A_349 = arith.constant 1 : i32
        %get3A_350 = arith.constant 0 : i32
        %get3A_351 = arith.constant 0 : i32
        %get3A_352 = arith.constant 4 : i32
        %get3A_353 = arith.index_cast %get3A_349 : i32 to index
        %get3A_354 = arith.index_cast %get3A_350 : i32 to index
        %get3A_355 = arith.index_cast %get3A_351 : i32 to index
        %get3A_356 = arith.index_cast %get3A_352 : i32 to index
        %get3A_357 = arith.constant 0 : index
        %get3A_358 = tpu.vector_load %arg9[%get3A_353, %get3A_354, %get3A_355, %get3A_356, %get3A_357] {strides = array<i32>} : memref<2x2x4x8x128xf32, #tpu.memory_space<vmem>>, vector<16xf32>,
        %mul3A_359 = arith.mulf %get3A_358, %mul3A_304 : vector<16xf32>
        %get3A_360 = arith.constant 1 : i32
        %get3A_361 = arith.constant 0 : i32
        %get3A_362 = arith.constant 0 : i32
        %get3A_363 = arith.constant 5 : i32
        %get3A_364 = arith.index_cast %get3A_360 : i32 to index
        %get3A_365 = arith.index_cast %get3A_361 : i32 to index
        %get3A_366 = arith.index_cast %get3A_362 : i32 to index
        %get3A_367 = arith.index_cast %get3A_363 : i32 to index
        %get3A_368 = arith.constant 0 : index
        %get3A_369 = tpu.vector_load %arg9[%get3A_364, %get3A_365, %get3A_366, %get3A_367, %get3A_368] {strides = array<i32>} : memref<2x2x4x8x128xf32, #tpu.memory_space<vmem>>, vector<16xf32>,
        %mul3A_370 = arith.mulf %get3A_369, %mul3A_304 : vector<16xf32>
        %get3A_371 = arith.constant 1 : i32
        %get3A_372 = arith.constant 0 : i32
        %get3A_373 = arith.constant 0 : i32
        %get3A_374 = arith.constant 6 : i32
        %get3A_375 = arith.index_cast %get3A_371 : i32 to index
        %get3A_376 = arith.index_cast %get3A_372 : i32 to index
        %get3A_377 = arith.index_cast %get3A_373 : i32 to index
        %get3A_378 = arith.index_cast %get3A_374 : i32 to index
        %get3A_379 = arith.constant 0 : index
        %get3A_380 = tpu.vector_load %arg9[%get3A_375, %get3A_376, %get3A_377, %get3A_378, %get3A_379] {strides = array<i32>} : memref<2x2x4x8x128xf32, #tpu.memory_space<vmem>>, vector<16xf32>,
        %mul3A_381 = arith.mulf %get3A_380, %mul3A_304 : vector<16xf32>
        %get3A_382 = arith.constant 1 : i32
        %get3A_383 = arith.constant 0 : i32
        %get3A_384 = arith.constant 0 : i32
        %get3A_385 = arith.constant 7 : i32
        %get3A_386 = arith.index_cast %get3A_382 : i32 to index
        %get3A_387 = arith.index_cast %get3A_383 : i32 to index
        %get3A_388 = arith.index_cast %get3A_384 : i32 to index
        %get3A_389 = arith.index_cast %get3A_385 : i32 to index
        %get3A_390 = arith.constant 0 : index
        %get3A_391 = tpu.vector_load %arg9[%get3A_386, %get3A_387, %get3A_388, %get3A_389, %get3A_390] {strides = array<i32>} : memref<2x2x4x8x128xf32, #tpu.memory_space<vmem>>, vector<16xf32>,
        %mul3A_392 = arith.mulf %get3A_391, %mul3A_304 : vector<16xf32>
        %get3A_393 = arith.constant 1 : i32
        %get3A_394 = arith.constant 1 : i32
        %get3A_395 = arith.constant 0 : i32
        %get3A_396 = arith.constant 0 : i32
        %get3A_397 = arith.index_cast %get3A_393 : i32 to index
        %get3A_398 = arith.index_cast %get3A_394 : i32 to index
        %get3A_399 = arith.index_cast %get3A_395 : i32 to index
        %get3A_400 = arith.index_cast %get3A_396 : i32 to index
        %get3A_401 = arith.constant 0 : index
        %get3A_402 = tpu.vector_load %arg9[%get3A_397, %get3A_398, %get3A_399, %get3A_400, %get3A_401] {strides = array<i32>} : memref<2x2x4x8x128xf32, #tpu.memory_space<vmem>>, vector<16xf32>,
        %mul3A_403 = arith.mulf %get3A_402, %mul3A_304 : vector<16xf32>
        %get3A_404 = arith.constant 1 : i32
        %get3A_405 = arith.constant 1 : i32
        %get3A_406 = arith.constant 0 : i32
        %get3A_407 = arith.constant 1 : i32
        %get3A_408 = arith.index_cast %get3A_404 : i32 to index
        %get3A_409 = arith.index_cast %get3A_405 : i32 to index
        %get3A_410 = arith.index_cast %get3A_406 : i32 to index
        %get3A_411 = arith.index_cast %get3A_407 : i32 to index
        %get3A_412 = arith.constant 0 : index
        %get3A_413 = tpu.vector_load %arg9[%get3A_408, %get3A_409, %get3A_410, %get3A_411, %get3A_412] {strides = array<i32>} : memref<2x2x4x8x128xf32, #tpu.memory_space<vmem>>, vector<16xf32>,
        %mul3A_414 = arith.mulf %get3A_413, %mul3A_304 : vector<16xf32>
        %get3A_415 = arith.constant 1 : i32
        %get3A_416 = arith.constant 1 : i32
        %get3A_417 = arith.constant 0 : i32
        %get3A_418 = arith.constant 2 : i32
        %get3A_419 = arith.index_cast %get3A_415 : i32 to index
        %get3A_420 = arith.index_cast %get3A_416 : i32 to index
        %get3A_421 = arith.index_cast %get3A_417 : i32 to index
        %get3A_422 = arith.index_cast %get3A_418 : i32 to index
        %get3A_423 = arith.constant 0 : index
        %get3A_424 = tpu.vector_load %arg9[%get3A_419, %get3A_420, %get3A_421, %get3A_422, %get3A_423] {strides = array<i32>} : memref<2x2x4x8x128xf32, #tpu.memory_space<vmem>>, vector<16xf32>,
        %mul3A_425 = arith.mulf %get3A_424, %mul3A_304 : vector<16xf32>
        %get3A_426 = arith.constant 1 : i32
        %get3A_427 = arith.constant 1 : i32
        %get3A_428 = arith.constant 0 : i32
        %get3A_429 = arith.constant 3 : i32
        %get3A_430 = arith.index_cast %get3A_426 : i32 to index
        %get3A_431 = arith.index_cast %get3A_427 : i32 to index
        %get3A_432 = arith.index_cast %get3A_428 : i32 to index
        %get3A_433 = arith.index_cast %get3A_429 : i32 to index
        %get3A_434 = arith.constant 0 : index
        %get3A_435 = tpu.vector_load %arg9[%get3A_430, %get3A_431, %get3A_432, %get3A_433, %get3A_434] {strides = array<i32>} : memref<2x2x4x8x128xf32, #tpu.memory_space<vmem>>, vector<16xf32>,
        %mul3A_436 = arith.mulf %get3A_435, %mul3A_304 : vector<16xf32>
        %get3A_437 = arith.constant 1 : i32
        %get3A_438 = arith.constant 1 : i32
        %get3A_439 = arith.constant 0 : i32
        %get3A_440 = arith.constant 4 : i32
        %get3A_441 = arith.index_cast %get3A_437 : i32 to index
        %get3A_442 = arith.index_cast %get3A_438 : i32 to index
        %get3A_443 = arith.index_cast %get3A_439 : i32 to index
        %get3A_444 = arith.index_cast %get3A_440 : i32 to index
        %get3A_445 = arith.constant 0 : index
        %get3A_446 = tpu.vector_load %arg9[%get3A_441, %get3A_442, %get3A_443, %get3A_444, %get3A_445] {strides = array<i32>} : memref<2x2x4x8x128xf32, #tpu.memory_space<vmem>>, vector<16xf32>,
        %mul3A_447 = arith.mulf %get3A_446, %mul3A_304 : vector<16xf32>
        %get3A_448 = arith.constant 1 : i32
        %get3A_449 = arith.constant 1 : i32
        %get3A_450 = arith.constant 0 : i32
        %get3A_451 = arith.constant 5 : i32
        %get3A_452 = arith.index_cast %get3A_448 : i32 to index
        %get3A_453 = arith.index_cast %get3A_449 : i32 to index
        %get3A_454 = arith.index_cast %get3A_450 : i32 to index
        %get3A_455 = arith.index_cast %get3A_451 : i32 to index
        %get3A_456 = arith.constant 0 : index
        %get3A_457 = tpu.vector_load %arg9[%get3A_452, %get3A_453, %get3A_454, %get3A_455, %get3A_456] {strides = array<i32>} : memref<2x2x4x8x128xf32, #tpu.memory_space<vmem>>, vector<16xf32>,
        %mul3A_458 = arith.mulf %get3A_457, %mul3A_304 : vector<16xf32>
        %get3A_459 = arith.constant 1 : i32
        %get3A_460 = arith.constant 1 : i32
        %get3A_461 = arith.constant 0 : i32
        %get3A_462 = arith.constant 6 : i32
        %get3A_463 = arith.index_cast %get3A_459 : i32 to index
        %get3A_464 = arith.index_cast %get3A_460 : i32 to index
        %get3A_465 = arith.index_cast %get3A_461 : i32 to index
        %get3A_466 = arith.index_cast %get3A_462 : i32 to index
        %get3A_467 = arith.constant 0 : index
        %get3A_468 = tpu.vector_load %arg9[%get3A_463, %get3A_464, %get3A_465, %get3A_466, %get3A_467] {strides = array<i32>} : memref<2x2x4x8x128xf32, #tpu.memory_space<vmem>>, vector<16xf32>,
        %mul3A_469 = arith.mulf %get3A_468, %mul3A_304 : vector<16xf32>
        %get3A_470 = arith.constant 1 : i32
        %get3A_471 = arith.constant 1 : i32
        %get3A_472 = arith.constant 0 : i32
        %get3A_473 = arith.constant 7 : i32
        %get3A_474 = arith.index_cast %get3A_470 : i32 to index
        %get3A_475 = arith.index_cast %get3A_471 : i32 to index
        %get3A_476 = arith.index_cast %get3A_472 : i32 to index
        %get3A_477 = arith.index_cast %get3A_473 : i32 to index
        %get3A_478 = arith.constant 0 : index
        %get3A_479 = tpu.vector_load %arg9[%get3A_474, %get3A_475, %get3A_476, %get3A_477, %get3A_478] {strides = array<i32>} : memref<2x2x4x8x128xf32, #tpu.memory_space<vmem>>, vector<16xf32>,
        %mul3A_480 = arith.mulf %get3A_479, %mul3A_304 : vector<16xf32>
        %scan3A_481 = arith.constant 1 : i32
        %scan3A_482 = arith.constant 31 : i32
        %scan3A_483 = arith.addi %scan3A_481, %scan3A_482 : i32
        %scan3A_484 = arith.constant 1 : i32
        %scan3A_485:16 = scf.for %scan3A_565 = %scan3A_481 to %scan3A_483 step %scan3A_484 iter_args(%scan3A_566 = %mul3A_315, %scan3A_567 = %mul3A_326, %scan3A_568 = %mul3A_337, %scan3A_569 = %mul3A_348, %scan3A_570 = %mul3A_359, %scan3A_571 = %mul3A_370, %scan3A_572 = %mul3A_381, %scan3A_573 = %mul3A_392, %scan3A_574 = %mul3A_403, %scan3A_575 = %mul3A_414, %scan3A_576 = %mul3A_425, %scan3A_577 = %mul3A_436, %scan3A_578 = %mul3A_447, %scan3A_579 = %mul3A_458, %scan3A_580 = %mul3A_469, %scan3A_581 = %mul3A_480) -> (vector<16xf32>, vector<16xf32>, vector<16xf32>, vector<16xf32>, vector<16xf32>, vector<16xf32>, vector<16xf32>, vector<16xf32>, vector<16xf32>, vector<16xf32>, vector<16xf32>, vector<16xf32>, vector<16xf32>, vector<16xf32>, vector<16xf32>, vector<16xf32>)  : i32 {
          %jit3A_582 = arith.constant 8 : i32
          %div3A_583 = arith.divsi %scan3A_565, %jit3A_582 : i32
          %sign3A_584 = arith.constant 0 : i32
          %sign3A_585 = arith.cmpi sgt, %scan3A_565, %sign3A_584 : i32
          %sign3A_586 = arith.extui %sign3A_585 : i1 to i32
          %sign3A_587 = arith.constant 0 : i32
          %sign3A_588 = arith.cmpi slt, %scan3A_565, %sign3A_587 : i32
          %sign3A_589 = arith.extui %sign3A_588 : i1 to i32
          %sign3A_590 = arith.subi %sign3A_586, %sign3A_589 : i32
          %sign3A_591 = arith.constant 0 : i32
          %sign3A_592 = arith.cmpi sgt, %jit3A_582, %sign3A_591 : i32
          %sign3A_593 = arith.extui %sign3A_592 : i1 to i32
          %sign3A_594 = arith.constant 0 : i32
          %sign3A_595 = arith.cmpi slt, %jit3A_582, %sign3A_594 : i32
          %sign3A_596 = arith.extui %sign3A_595 : i1 to i32
          %sign3A_597 = arith.subi %sign3A_593, %sign3A_596 : i32
          %ne3A_598 = arith.cmpi ne, %sign3A_590, %sign3A_597 : i32
          %rem3A_599 = arith.remsi %scan3A_565, %jit3A_582 : i32
          %ne3A_600 = arith.constant 0 : i32
          %ne3A_601 = arith.cmpi ne, %rem3A_599, %ne3A_600 : i32
          %and3A_602 = arith.andi %ne3A_598, %ne3A_601 : i1
          %sub3A_603 = arith.constant 1 : i32
          %sub3A_604 = arith.subi %div3A_583, %sub3A_603 : i32
          %select_n3A_605 = arith.select %and3A_602, %sub3A_604, %div3A_583 : i32
          %jit3A_606 = arith.constant 8 : i32
          %eq3A_607 = arith.constant 0 : i32
          %eq3A_608 = arith.cmpi eq, %jit3A_606, %eq3A_607 : i32
          %jit3A_609 = arith.constant 1 : i32
          %select_n3A_610 = arith.select %eq3A_608, %jit3A_609, %jit3A_606 : i32
          %rem3A_611 = arith.remsi %scan3A_565, %select_n3A_610 : i32
          %ne3A_612 = arith.constant 0 : i32
          %ne3A_613 = arith.cmpi ne, %rem3A_611, %ne3A_612 : i32
          %lt3A_614 = arith.constant 0 : i32
          %lt3A_615 = arith.cmpi slt, %rem3A_611, %lt3A_614 : i32
          %lt3A_616 = arith.constant 0 : i32
          %lt3A_617 = arith.cmpi slt, %select_n3A_610, %lt3A_616 : i32
          %ne3A_618 = arith.xori %lt3A_615, %lt3A_617 : i1
          %and3A_619 = arith.andi %ne3A_618, %ne3A_613 : i1
          %add3A_620 = arith.addi %rem3A_611, %select_n3A_610 : i32
          %select_n3A_621 = arith.select %and3A_619, %add3A_620, %rem3A_611 : i32
          %mul3A_622 = arith.constant 16 : i32
          %mul3A_623 = arith.muli %select_n3A_621, %mul3A_622 : i32
          %mul3A_624 = arith.constant 16 : i32
          %mul3A_625 = arith.muli %scan3A_565, %mul3A_624 : i32
          %get3A_626 = arith.constant 1 : i32
          %get3A_627 = arith.index_cast %get3A_626 : i32 to index
          %get3A_628 = arith.index_cast %mul3A_625 : i32 to index
          %get3A_629 = tpu.vector_load %arg10[%get3A_627, %get3A_628] {strides = array<i32>} : memref<2x512xf32, #tpu.memory_space<vmem>>, vector<16xf32>,
          %mul3A_630 = arith.mulf %get3A_629, %get3A_1 : vector<16xf32>
          %get3A_631 = arith.constant 1 : i32
          %get3A_632 = arith.constant 0 : i32
          %get3A_633 = arith.constant 0 : i32
          %get3A_634 = arith.index_cast %get3A_631 : i32 to index
          %get3A_635 = arith.index_cast %get3A_632 : i32 to index
          %get3A_636 = arith.index_cast %select_n3A_605 : i32 to index
          %get3A_637 = arith.index_cast %get3A_633 : i32 to index
          %get3A_638 = arith.index_cast %mul3A_623 : i32 to index
          %get3A_639 = tpu.vector_load %arg9[%get3A_634, %get3A_635, %get3A_636, %get3A_637, %get3A_638] {strides = array<i32>} : memref<2x2x4x8x128xf32, #tpu.memory_space<vmem>>, vector<16xf32>,
          %mul3A_640 = arith.mulf %get3A_639, %mul3A_630 : vector<16xf32>
          %get3A_641 = arith.constant 1 : i32
          %get3A_642 = arith.constant 0 : i32
          %get3A_643 = arith.constant 1 : i32
          %get3A_644 = arith.index_cast %get3A_641 : i32 to index
          %get3A_645 = arith.index_cast %get3A_642 : i32 to index
          %get3A_646 = arith.index_cast %select_n3A_605 : i32 to index
          %get3A_647 = arith.index_cast %get3A_643 : i32 to index
          %get3A_648 = arith.index_cast %mul3A_623 : i32 to index
          %get3A_649 = tpu.vector_load %arg9[%get3A_644, %get3A_645, %get3A_646, %get3A_647, %get3A_648] {strides = array<i32>} : memref<2x2x4x8x128xf32, #tpu.memory_space<vmem>>, vector<16xf32>,
          %mul3A_650 = arith.mulf %get3A_649, %mul3A_630 : vector<16xf32>
          %get3A_651 = arith.constant 1 : i32
          %get3A_652 = arith.constant 0 : i32
          %get3A_653 = arith.constant 2 : i32
          %get3A_654 = arith.index_cast %get3A_651 : i32 to index
          %get3A_655 = arith.index_cast %get3A_652 : i32 to index
          %get3A_656 = arith.index_cast %select_n3A_605 : i32 to index
          %get3A_657 = arith.index_cast %get3A_653 : i32 to index
          %get3A_658 = arith.index_cast %mul3A_623 : i32 to index
          %get3A_659 = tpu.vector_load %arg9[%get3A_654, %get3A_655, %get3A_656, %get3A_657, %get3A_658] {strides = array<i32>} : memref<2x2x4x8x128xf32, #tpu.memory_space<vmem>>, vector<16xf32>,
          %mul3A_660 = arith.mulf %get3A_659, %mul3A_630 : vector<16xf32>
          %get3A_661 = arith.constant 1 : i32
          %get3A_662 = arith.constant 0 : i32
          %get3A_663 = arith.constant 3 : i32
          %get3A_664 = arith.index_cast %get3A_661 : i32 to index
          %get3A_665 = arith.index_cast %get3A_662 : i32 to index
          %get3A_666 = arith.index_cast %select_n3A_605 : i32 to index
          %get3A_667 = arith.index_cast %get3A_663 : i32 to index
          %get3A_668 = arith.index_cast %mul3A_623 : i32 to index
          %get3A_669 = tpu.vector_load %arg9[%get3A_664, %get3A_665, %get3A_666, %get3A_667, %get3A_668] {strides = array<i32>} : memref<2x2x4x8x128xf32, #tpu.memory_space<vmem>>, vector<16xf32>,
          %mul3A_670 = arith.mulf %get3A_669, %mul3A_630 : vector<16xf32>
          %get3A_671 = arith.constant 1 : i32
          %get3A_672 = arith.constant 0 : i32
          %get3A_673 = arith.constant 4 : i32
          %get3A_674 = arith.index_cast %get3A_671 : i32 to index
          %get3A_675 = arith.index_cast %get3A_672 : i32 to index
          %get3A_676 = arith.index_cast %select_n3A_605 : i32 to index
          %get3A_677 = arith.index_cast %get3A_673 : i32 to index
          %get3A_678 = arith.index_cast %mul3A_623 : i32 to index
          %get3A_679 = tpu.vector_load %arg9[%get3A_674, %get3A_675, %get3A_676, %get3A_677, %get3A_678] {strides = array<i32>} : memref<2x2x4x8x128xf32, #tpu.memory_space<vmem>>, vector<16xf32>,
          %mul3A_680 = arith.mulf %get3A_679, %mul3A_630 : vector<16xf32>
          %get3A_681 = arith.constant 1 : i32
          %get3A_682 = arith.constant 0 : i32
          %get3A_683 = arith.constant 5 : i32
          %get3A_684 = arith.index_cast %get3A_681 : i32 to index
          %get3A_685 = arith.index_cast %get3A_682 : i32 to index
          %get3A_686 = arith.index_cast %select_n3A_605 : i32 to index
          %get3A_687 = arith.index_cast %get3A_683 : i32 to index
          %get3A_688 = arith.index_cast %mul3A_623 : i32 to index
          %get3A_689 = tpu.vector_load %arg9[%get3A_684, %get3A_685, %get3A_686, %get3A_687, %get3A_688] {strides = array<i32>} : memref<2x2x4x8x128xf32, #tpu.memory_space<vmem>>, vector<16xf32>,
          %mul3A_690 = arith.mulf %get3A_689, %mul3A_630 : vector<16xf32>
          %get3A_691 = arith.constant 1 : i32
          %get3A_692 = arith.constant 0 : i32
          %get3A_693 = arith.constant 6 : i32
          %get3A_694 = arith.index_cast %get3A_691 : i32 to index
          %get3A_695 = arith.index_cast %get3A_692 : i32 to index
          %get3A_696 = arith.index_cast %select_n3A_605 : i32 to index
          %get3A_697 = arith.index_cast %get3A_693 : i32 to index
          %get3A_698 = arith.index_cast %mul3A_623 : i32 to index
          %get3A_699 = tpu.vector_load %arg9[%get3A_694, %get3A_695, %get3A_696, %get3A_697, %get3A_698] {strides = array<i32>} : memref<2x2x4x8x128xf32, #tpu.memory_space<vmem>>, vector<16xf32>,
          %mul3A_700 = arith.mulf %get3A_699, %mul3A_630 : vector<16xf32>
          %get3A_701 = arith.constant 1 : i32
          %get3A_702 = arith.constant 0 : i32
          %get3A_703 = arith.constant 7 : i32
          %get3A_704 = arith.index_cast %get3A_701 : i32 to index
          %get3A_705 = arith.index_cast %get3A_702 : i32 to index
          %get3A_706 = arith.index_cast %select_n3A_605 : i32 to index
          %get3A_707 = arith.index_cast %get3A_703 : i32 to index
          %get3A_708 = arith.index_cast %mul3A_623 : i32 to index
          %get3A_709 = tpu.vector_load %arg9[%get3A_704, %get3A_705, %get3A_706, %get3A_707, %get3A_708] {strides = array<i32>} : memref<2x2x4x8x128xf32, #tpu.memory_space<vmem>>, vector<16xf32>,
          %mul3A_710 = arith.mulf %get3A_709, %mul3A_630 : vector<16xf32>
          %get3A_711 = arith.constant 1 : i32
          %get3A_712 = arith.constant 1 : i32
          %get3A_713 = arith.constant 0 : i32
          %get3A_714 = arith.index_cast %get3A_711 : i32 to index
          %get3A_715 = arith.index_cast %get3A_712 : i32 to index
          %get3A_716 = arith.index_cast %select_n3A_605 : i32 to index
          %get3A_717 = arith.index_cast %get3A_713 : i32 to index
          %get3A_718 = arith.index_cast %mul3A_623 : i32 to index
          %get3A_719 = tpu.vector_load %arg9[%get3A_714, %get3A_715, %get3A_716, %get3A_717, %get3A_718] {strides = array<i32>} : memref<2x2x4x8x128xf32, #tpu.memory_space<vmem>>, vector<16xf32>,
          %mul3A_720 = arith.mulf %get3A_719, %mul3A_630 : vector<16xf32>
          %get3A_721 = arith.constant 1 : i32
          %get3A_722 = arith.constant 1 : i32
          %get3A_723 = arith.constant 1 : i32
          %get3A_724 = arith.index_cast %get3A_721 : i32 to index
          %get3A_725 = arith.index_cast %get3A_722 : i32 to index
          %get3A_726 = arith.index_cast %select_n3A_605 : i32 to index
          %get3A_727 = arith.index_cast %get3A_723 : i32 to index
          %get3A_728 = arith.index_cast %mul3A_623 : i32 to index
          %get3A_729 = tpu.vector_load %arg9[%get3A_724, %get3A_725, %get3A_726, %get3A_727, %get3A_728] {strides = array<i32>} : memref<2x2x4x8x128xf32, #tpu.memory_space<vmem>>, vector<16xf32>,
          %mul3A_730 = arith.mulf %get3A_729, %mul3A_630 : vector<16xf32>
          %get3A_731 = arith.constant 1 : i32
          %get3A_732 = arith.constant 1 : i32
          %get3A_733 = arith.constant 2 : i32
          %get3A_734 = arith.index_cast %get3A_731 : i32 to index
          %get3A_735 = arith.index_cast %get3A_732 : i32 to index
          %get3A_736 = arith.index_cast %select_n3A_605 : i32 to index
          %get3A_737 = arith.index_cast %get3A_733 : i32 to index
          %get3A_738 = arith.index_cast %mul3A_623 : i32 to index
          %get3A_739 = tpu.vector_load %arg9[%get3A_734, %get3A_735, %get3A_736, %get3A_737, %get3A_738] {strides = array<i32>} : memref<2x2x4x8x128xf32, #tpu.memory_space<vmem>>, vector<16xf32>,
          %mul3A_740 = arith.mulf %get3A_739, %mul3A_630 : vector<16xf32>
          %get3A_741 = arith.constant 1 : i32
          %get3A_742 = arith.constant 1 : i32
          %get3A_743 = arith.constant 3 : i32
          %get3A_744 = arith.index_cast %get3A_741 : i32 to index
          %get3A_745 = arith.index_cast %get3A_742 : i32 to index
          %get3A_746 = arith.index_cast %select_n3A_605 : i32 to index
          %get3A_747 = arith.index_cast %get3A_743 : i32 to index
          %get3A_748 = arith.index_cast %mul3A_623 : i32 to index
          %get3A_749 = tpu.vector_load %arg9[%get3A_744, %get3A_745, %get3A_746, %get3A_747, %get3A_748] {strides = array<i32>} : memref<2x2x4x8x128xf32, #tpu.memory_space<vmem>>, vector<16xf32>,
          %mul3A_750 = arith.mulf %get3A_749, %mul3A_630 : vector<16xf32>
          %get3A_751 = arith.constant 1 : i32
          %get3A_752 = arith.constant 1 : i32
          %get3A_753 = arith.constant 4 : i32
          %get3A_754 = arith.index_cast %get3A_751 : i32 to index
          %get3A_755 = arith.index_cast %get3A_752 : i32 to index
          %get3A_756 = arith.index_cast %select_n3A_605 : i32 to index
          %get3A_757 = arith.index_cast %get3A_753 : i32 to index
          %get3A_758 = arith.index_cast %mul3A_623 : i32 to index
          %get3A_759 = tpu.vector_load %arg9[%get3A_754, %get3A_755, %get3A_756, %get3A_757, %get3A_758] {strides = array<i32>} : memref<2x2x4x8x128xf32, #tpu.memory_space<vmem>>, vector<16xf32>,
          %mul3A_760 = arith.mulf %get3A_759, %mul3A_630 : vector<16xf32>
          %get3A_761 = arith.constant 1 : i32
          %get3A_762 = arith.constant 1 : i32
          %get3A_763 = arith.constant 5 : i32
          %get3A_764 = arith.index_cast %get3A_761 : i32 to index
          %get3A_765 = arith.index_cast %get3A_762 : i32 to index
          %get3A_766 = arith.index_cast %select_n3A_605 : i32 to index
          %get3A_767 = arith.index_cast %get3A_763 : i32 to index
          %get3A_768 = arith.index_cast %mul3A_623 : i32 to index
          %get3A_769 = tpu.vector_load %arg9[%get3A_764, %get3A_765, %get3A_766, %get3A_767, %get3A_768] {strides = array<i32>} : memref<2x2x4x8x128xf32, #tpu.memory_space<vmem>>, vector<16xf32>,
          %mul3A_770 = arith.mulf %get3A_769, %mul3A_630 : vector<16xf32>
          %get3A_771 = arith.constant 1 : i32
          %get3A_772 = arith.constant 1 : i32
          %get3A_773 = arith.constant 6 : i32
          %get3A_774 = arith.index_cast %get3A_771 : i32 to index
          %get3A_775 = arith.index_cast %get3A_772 : i32 to index
          %get3A_776 = arith.index_cast %select_n3A_605 : i32 to index
          %get3A_777 = arith.index_cast %get3A_773 : i32 to index
          %get3A_778 = arith.index_cast %mul3A_623 : i32 to index
          %get3A_779 = tpu.vector_load %arg9[%get3A_774, %get3A_775, %get3A_776, %get3A_777, %get3A_778] {strides = array<i32>} : memref<2x2x4x8x128xf32, #tpu.memory_space<vmem>>, vector<16xf32>,
          %mul3A_780 = arith.mulf %get3A_779, %mul3A_630 : vector<16xf32>
          %get3A_781 = arith.constant 1 : i32
          %get3A_782 = arith.constant 1 : i32
          %get3A_783 = arith.constant 7 : i32
          %get3A_784 = arith.index_cast %get3A_781 : i32 to index
          %get3A_785 = arith.index_cast %get3A_782 : i32 to index
          %get3A_786 = arith.index_cast %select_n3A_605 : i32 to index
          %get3A_787 = arith.index_cast %get3A_783 : i32 to index
          %get3A_788 = arith.index_cast %mul3A_623 : i32 to index
          %get3A_789 = tpu.vector_load %arg9[%get3A_784, %get3A_785, %get3A_786, %get3A_787, %get3A_788] {strides = array<i32>} : memref<2x2x4x8x128xf32, #tpu.memory_space<vmem>>, vector<16xf32>,
          %mul3A_790 = arith.mulf %get3A_789, %mul3A_630 : vector<16xf32>
          %sub3A_791 = arith.constant 1 : i32
          %sub3A_792 = arith.subi %scan3A_565, %sub3A_791 : i32
          %mul3A_793 = arith.constant 16 : i32
          %mul3A_794 = arith.muli %sub3A_792, %mul3A_793 : i32
          %add3A_795 = vector.broadcast %mul3A_794 : i32 to vector<16xi32>
          %add3A_796 = arith.addi %add3A_795, %iota3A : vector<16xi32>
          %broadcast_in_dim3A_797 = arith.constant 0 : i32
          %broadcast_in_dim3A_798 = vector.broadcast %broadcast_in_dim3A_797 : i32 to vector<16xi32>
          tpu.vector_store_idx %arg8[%add3A_796, %broadcast_in_dim3A_798], %scan3A_566 : memref<512x16xf32, #tpu.memory_space<vmem>>[vector<16xi32>, vector<16xi32>], vector<16xf32>,
          %broadcast_in_dim3A_799 = arith.constant 1 : i32
          %broadcast_in_dim3A_800 = vector.broadcast %broadcast_in_dim3A_799 : i32 to vector<16xi32>
          tpu.vector_store_idx %arg8[%add3A_796, %broadcast_in_dim3A_800], %scan3A_567 : memref<512x16xf32, #tpu.memory_space<vmem>>[vector<16xi32>, vector<16xi32>], vector<16xf32>,
          %broadcast_in_dim3A_801 = arith.constant 2 : i32
          %broadcast_in_dim3A_802 = vector.broadcast %broadcast_in_dim3A_801 : i32 to vector<16xi32>
          tpu.vector_store_idx %arg8[%add3A_796, %broadcast_in_dim3A_802], %scan3A_568 : memref<512x16xf32, #tpu.memory_space<vmem>>[vector<16xi32>, vector<16xi32>], vector<16xf32>,
          %broadcast_in_dim3A_803 = arith.constant 3 : i32
          %broadcast_in_dim3A_804 = vector.broadcast %broadcast_in_dim3A_803 : i32 to vector<16xi32>
          tpu.vector_store_idx %arg8[%add3A_796, %broadcast_in_dim3A_804], %scan3A_569 : memref<512x16xf32, #tpu.memory_space<vmem>>[vector<16xi32>, vector<16xi32>], vector<16xf32>,
          %broadcast_in_dim3A_805 = arith.constant 4 : i32
          %broadcast_in_dim3A_806 = vector.broadcast %broadcast_in_dim3A_805 : i32 to vector<16xi32>
          tpu.vector_store_idx %arg8[%add3A_796, %broadcast_in_dim3A_806], %scan3A_570 : memref<512x16xf32, #tpu.memory_space<vmem>>[vector<16xi32>, vector<16xi32>], vector<16xf32>,
          %broadcast_in_dim3A_807 = arith.constant 5 : i32
          %broadcast_in_dim3A_808 = vector.broadcast %broadcast_in_dim3A_807 : i32 to vector<16xi32>
          tpu.vector_store_idx %arg8[%add3A_796, %broadcast_in_dim3A_808], %scan3A_571 : memref<512x16xf32, #tpu.memory_space<vmem>>[vector<16xi32>, vector<16xi32>], vector<16xf32>,
          %broadcast_in_dim3A_809 = arith.constant 6 : i32
          %broadcast_in_dim3A_810 = vector.broadcast %broadcast_in_dim3A_809 : i32 to vector<16xi32>
          tpu.vector_store_idx %arg8[%add3A_796, %broadcast_in_dim3A_810], %scan3A_572 : memref<512x16xf32, #tpu.memory_space<vmem>>[vector<16xi32>, vector<16xi32>], vector<16xf32>,
          %broadcast_in_dim3A_811 = arith.constant 7 : i32
          %broadcast_in_dim3A_812 = vector.broadcast %broadcast_in_dim3A_811 : i32 to vector<16xi32>
          tpu.vector_store_idx %arg8[%add3A_796, %broadcast_in_dim3A_812], %scan3A_573 : memref<512x16xf32, #tpu.memory_space<vmem>>[vector<16xi32>, vector<16xi32>], vector<16xf32>,
          %broadcast_in_dim3A_813 = arith.constant 8 : i32
          %broadcast_in_dim3A_814 = vector.broadcast %broadcast_in_dim3A_813 : i32 to vector<16xi32>
          tpu.vector_store_idx %arg8[%add3A_796, %broadcast_in_dim3A_814], %scan3A_574 : memref<512x16xf32, #tpu.memory_space<vmem>>[vector<16xi32>, vector<16xi32>], vector<16xf32>,
          %broadcast_in_dim3A_815 = arith.constant 9 : i32
          %broadcast_in_dim3A_816 = vector.broadcast %broadcast_in_dim3A_815 : i32 to vector<16xi32>
          tpu.vector_store_idx %arg8[%add3A_796, %broadcast_in_dim3A_816], %scan3A_575 : memref<512x16xf32, #tpu.memory_space<vmem>>[vector<16xi32>, vector<16xi32>], vector<16xf32>,
          %broadcast_in_dim3A_817 = arith.constant 10 : i32
          %broadcast_in_dim3A_818 = vector.broadcast %broadcast_in_dim3A_817 : i32 to vector<16xi32>
          tpu.vector_store_idx %arg8[%add3A_796, %broadcast_in_dim3A_818], %scan3A_576 : memref<512x16xf32, #tpu.memory_space<vmem>>[vector<16xi32>, vector<16xi32>], vector<16xf32>,
          %broadcast_in_dim3A_819 = arith.constant 11 : i32
          %broadcast_in_dim3A_820 = vector.broadcast %broadcast_in_dim3A_819 : i32 to vector<16xi32>
          tpu.vector_store_idx %arg8[%add3A_796, %broadcast_in_dim3A_820], %scan3A_577 : memref<512x16xf32, #tpu.memory_space<vmem>>[vector<16xi32>, vector<16xi32>], vector<16xf32>,
          %broadcast_in_dim3A_821 = arith.constant 12 : i32
          %broadcast_in_dim3A_822 = vector.broadcast %broadcast_in_dim3A_821 : i32 to vector<16xi32>
          tpu.vector_store_idx %arg8[%add3A_796, %broadcast_in_dim3A_822], %scan3A_578 : memref<512x16xf32, #tpu.memory_space<vmem>>[vector<16xi32>, vector<16xi32>], vector<16xf32>,
          %broadcast_in_dim3A_823 = arith.constant 13 : i32
          %broadcast_in_dim3A_824 = vector.broadcast %broadcast_in_dim3A_823 : i32 to vector<16xi32>
          tpu.vector_store_idx %arg8[%add3A_796, %broadcast_in_dim3A_824], %scan3A_579 : memref<512x16xf32, #tpu.memory_space<vmem>>[vector<16xi32>, vector<16xi32>], vector<16xf32>,
          %broadcast_in_dim3A_825 = arith.constant 14 : i32
          %broadcast_in_dim3A_826 = vector.broadcast %broadcast_in_dim3A_825 : i32 to vector<16xi32>
          tpu.vector_store_idx %arg8[%add3A_796, %broadcast_in_dim3A_826], %scan3A_580 : memref<512x16xf32, #tpu.memory_space<vmem>>[vector<16xi32>, vector<16xi32>], vector<16xf32>,
          %broadcast_in_dim3A_827 = arith.constant 15 : i32
          %broadcast_in_dim3A_828 = vector.broadcast %broadcast_in_dim3A_827 : i32 to vector<16xi32>
          tpu.vector_store_idx %arg8[%add3A_796, %broadcast_in_dim3A_828], %scan3A_581 : memref<512x16xf32, #tpu.memory_space<vmem>>[vector<16xi32>, vector<16xi32>], vector<16xf32>,
          scf.yield %mul3A_640, %mul3A_650, %mul3A_660, %mul3A_670, %mul3A_680, %mul3A_690, %mul3A_700, %mul3A_710, %mul3A_720, %mul3A_730, %mul3A_740, %mul3A_750, %mul3A_760, %mul3A_770, %mul3A_780, %mul3A_790 : vector<16xf32>, vector<16xf32>, vector<16xf32>, vector<16xf32>, vector<16xf32>, vector<16xf32>, vector<16xf32>, vector<16xf32>, vector<16xf32>, vector<16xf32>, vector<16xf32>, vector<16xf32>, vector<16xf32>, vector<16xf32>, vector<16xf32>, vector<16xf32>
        }
        %scan3A_486 = arith.constant 31 : i32
        %add3A_487 = arith.constant 496 : i32
        %add3A_488 = vector.broadcast %add3A_487 : i32 to vector<16xi32>
        %add3A_489 = arith.addi %add3A_488, %iota3A : vector<16xi32>
        %broadcast_in_dim3A = arith.constant 0 : i32
        %broadcast_in_dim3A_490 = vector.broadcast %broadcast_in_dim3A : i32 to vector<16xi32>
        tpu.vector_store_idx %arg8[%add3A_489, %broadcast_in_dim3A_490], %scan3A_485#0 : memref<512x16xf32, #tpu.memory_space<vmem>>[vector<16xi32>, vector<16xi32>], vector<16xf32>,
        %broadcast_in_dim3A_491 = arith.constant 1 : i32
        %broadcast_in_dim3A_492 = vector.broadcast %broadcast_in_dim3A_491 : i32 to vector<16xi32>
        tpu.vector_store_idx %arg8[%add3A_489, %broadcast_in_dim3A_492], %scan3A_485#1 : memref<512x16xf32, #tpu.memory_space<vmem>>[vector<16xi32>, vector<16xi32>], vector<16xf32>,
        %broadcast_in_dim3A_493 = arith.constant 2 : i32
        %broadcast_in_dim3A_494 = vector.broadcast %broadcast_in_dim3A_493 : i32 to vector<16xi32>
        tpu.vector_store_idx %arg8[%add3A_489, %broadcast_in_dim3A_494], %scan3A_485#2 : memref<512x16xf32, #tpu.memory_space<vmem>>[vector<16xi32>, vector<16xi32>], vector<16xf32>,
        %broadcast_in_dim3A_495 = arith.constant 3 : i32
        %broadcast_in_dim3A_496 = vector.broadcast %broadcast_in_dim3A_495 : i32 to vector<16xi32>
        tpu.vector_store_idx %arg8[%add3A_489, %broadcast_in_dim3A_496], %scan3A_485#3 : memref<512x16xf32, #tpu.memory_space<vmem>>[vector<16xi32>, vector<16xi32>], vector<16xf32>,
        %broadcast_in_dim3A_497 = arith.constant 4 : i32
        %broadcast_in_dim3A_498 = vector.broadcast %broadcast_in_dim3A_497 : i32 to vector<16xi32>
        tpu.vector_store_idx %arg8[%add3A_489, %broadcast_in_dim3A_498], %scan3A_485#4 : memref<512x16xf32, #tpu.memory_space<vmem>>[vector<16xi32>, vector<16xi32>], vector<16xf32>,
        %broadcast_in_dim3A_499 = arith.constant 5 : i32
        %broadcast_in_dim3A_500 = vector.broadcast %broadcast_in_dim3A_499 : i32 to vector<16xi32>
        tpu.vector_store_idx %arg8[%add3A_489, %broadcast_in_dim3A_500], %scan3A_485#5 : memref<512x16xf32, #tpu.memory_space<vmem>>[vector<16xi32>, vector<16xi32>], vector<16xf32>,
        %broadcast_in_dim3A_501 = arith.constant 6 : i32
        %broadcast_in_dim3A_502 = vector.broadcast %broadcast_in_dim3A_501 : i32 to vector<16xi32>
        tpu.vector_store_idx %arg8[%add3A_489, %broadcast_in_dim3A_502], %scan3A_485#6 : memref<512x16xf32, #tpu.memory_space<vmem>>[vector<16xi32>, vector<16xi32>], vector<16xf32>,
        %broadcast_in_dim3A_503 = arith.constant 7 : i32
        %broadcast_in_dim3A_504 = vector.broadcast %broadcast_in_dim3A_503 : i32 to vector<16xi32>
        tpu.vector_store_idx %arg8[%add3A_489, %broadcast_in_dim3A_504], %scan3A_485#7 : memref<512x16xf32, #tpu.memory_space<vmem>>[vector<16xi32>, vector<16xi32>], vector<16xf32>,
        %broadcast_in_dim3A_505 = arith.constant 8 : i32
        %broadcast_in_dim3A_506 = vector.broadcast %broadcast_in_dim3A_505 : i32 to vector<16xi32>
        tpu.vector_store_idx %arg8[%add3A_489, %broadcast_in_dim3A_506], %scan3A_485#8 : memref<512x16xf32, #tpu.memory_space<vmem>>[vector<16xi32>, vector<16xi32>], vector<16xf32>,
        %broadcast_in_dim3A_507 = arith.constant 9 : i32
        %broadcast_in_dim3A_508 = vector.broadcast %broadcast_in_dim3A_507 : i32 to vector<16xi32>
        tpu.vector_store_idx %arg8[%add3A_489, %broadcast_in_dim3A_508], %scan3A_485#9 : memref<512x16xf32, #tpu.memory_space<vmem>>[vector<16xi32>, vector<16xi32>], vector<16xf32>,
        %broadcast_in_dim3A_509 = arith.constant 10 : i32
        %broadcast_in_dim3A_510 = vector.broadcast %broadcast_in_dim3A_509 : i32 to vector<16xi32>
        tpu.vector_store_idx %arg8[%add3A_489, %broadcast_in_dim3A_510], %scan3A_485#10 : memref<512x16xf32, #tpu.memory_space<vmem>>[vector<16xi32>, vector<16xi32>], vector<16xf32>,
        %broadcast_in_dim3A_511 = arith.constant 11 : i32
        %broadcast_in_dim3A_512 = vector.broadcast %broadcast_in_dim3A_511 : i32 to vector<16xi32>
        tpu.vector_store_idx %arg8[%add3A_489, %broadcast_in_dim3A_512], %scan3A_485#11 : memref<512x16xf32, #tpu.memory_space<vmem>>[vector<16xi32>, vector<16xi32>], vector<16xf32>,
        %broadcast_in_dim3A_513 = arith.constant 12 : i32
        %broadcast_in_dim3A_514 = vector.broadcast %broadcast_in_dim3A_513 : i32 to vector<16xi32>
        tpu.vector_store_idx %arg8[%add3A_489, %broadcast_in_dim3A_514], %scan3A_485#12 : memref<512x16xf32, #tpu.memory_space<vmem>>[vector<16xi32>, vector<16xi32>], vector<16xf32>,
        %broadcast_in_dim3A_515 = arith.constant 13 : i32
        %broadcast_in_dim3A_516 = vector.broadcast %broadcast_in_dim3A_515 : i32 to vector<16xi32>
        tpu.vector_store_idx %arg8[%add3A_489, %broadcast_in_dim3A_516], %scan3A_485#13 : memref<512x16xf32, #tpu.memory_space<vmem>>[vector<16xi32>, vector<16xi32>], vector<16xf32>,
        %broadcast_in_dim3A_517 = arith.constant 14 : i32
        %broadcast_in_dim3A_518 = vector.broadcast %broadcast_in_dim3A_517 : i32 to vector<16xi32>
        tpu.vector_store_idx %arg8[%add3A_489, %broadcast_in_dim3A_518], %scan3A_485#14 : memref<512x16xf32, #tpu.memory_space<vmem>>[vector<16xi32>, vector<16xi32>], vector<16xf32>,
        %broadcast_in_dim3A_519 = arith.constant 15 : i32
        %broadcast_in_dim3A_520 = vector.broadcast %broadcast_in_dim3A_519 : i32 to vector<16xi32>
        tpu.vector_store_idx %arg8[%add3A_489, %broadcast_in_dim3A_520], %scan3A_485#15 : memref<512x16xf32, #tpu.memory_space<vmem>>[vector<16xi32>, vector<16xi32>], vector<16xf32>,
        %dma_start3A_521 = arith.constant 1 : i32
        %dma_start3A_522 = arith.constant 0 : i32
        %dma_start3A_523 = arith.constant 0 : i32
        %dma_start3A_524 = arith.constant 0 : i32
        %dma_start3A_525 = tpu.memref_slice %arg8[%dma_start3A_523, %dma_start3A_524] : memref<512x16xf32, #tpu.memory_space<vmem>> -> memref<128x16xf32, #tpu.memory_space<vmem>>
        %dma_start3A_526 = arith.constant 0 : i32
        %dma_start3A_527 = tpu.memref_slice %arg11[%dma_start3A_521, %dma_start3A_522, %dma_start3A_526] : memref<2x4x128xi32, #tpu.memory_space<vmem>> -> memref<1x1x128xi32, #tpu.memory_space<vmem>>
        %dma_start3A_528 = tpu.memref_squeeze %dma_start3A_527 : memref<1x1x128xi32, #tpu.memory_space<vmem>> -> memref<128xi32, #tpu.memory_space<vmem>>
        %dma_start3A_529 = arith.constant 0 : i32
        %dma_start3A_530 = arith.constant 0 : i32
        %dma_start3A_531 = tpu.memref_slice %arg7[%dma_start3A_529, %dma_start3A_530] : memref<100000x16xf32, #tpu.memory_space<vmem_shared>> -> memref<100000x16xf32, #tpu.memory_space<vmem_shared>>
        tpu.enqueue_indirect_dma source(%dma_start3A_525 : memref<128x16xf32, #tpu.memory_space<vmem>>) target(%dma_start3A_531 : memref<100000x16xf32, #tpu.memory_space<vmem_shared>>) offsets(%dma_start3A_528 : memref<128xi32, #tpu.memory_space<vmem>>) semaphore(%arg15 : memref<!tpu.dma_semaphore, #tpu.memory_space<semaphore_mem>>) {add = true}
        %dma_start3A_532 = arith.constant 1 : i32
        %dma_start3A_533 = arith.constant 1 : i32
        %dma_start3A_534 = arith.constant 128 : i32
        %dma_start3A_535 = arith.constant 0 : i32
        %dma_start3A_536 = tpu.memref_slice %arg8[%dma_start3A_534, %dma_start3A_535] : memref<512x16xf32, #tpu.memory_space<vmem>> -> memref<128x16xf32, #tpu.memory_space<vmem>>
        %dma_start3A_537 = arith.constant 0 : i32
        %dma_start3A_538 = tpu.memref_slice %arg11[%dma_start3A_532, %dma_start3A_533, %dma_start3A_537] : memref<2x4x128xi32, #tpu.memory_space<vmem>> -> memref<1x1x128xi32, #tpu.memory_space<vmem>>
        %dma_start3A_539 = tpu.memref_squeeze %dma_start3A_538 : memref<1x1x128xi32, #tpu.memory_space<vmem>> -> memref<128xi32, #tpu.memory_space<vmem>>
        %dma_start3A_540 = arith.constant 0 : i32
        %dma_start3A_541 = arith.constant 0 : i32
        %dma_start3A_542 = tpu.memref_slice %arg7[%dma_start3A_540, %dma_start3A_541] : memref<100000x16xf32, #tpu.memory_space<vmem_shared>> -> memref<100000x16xf32, #tpu.memory_space<vmem_shared>>
        tpu.enqueue_indirect_dma source(%dma_start3A_536 : memref<128x16xf32, #tpu.memory_space<vmem>>) target(%dma_start3A_542 : memref<100000x16xf32, #tpu.memory_space<vmem_shared>>) offsets(%dma_start3A_539 : memref<128xi32, #tpu.memory_space<vmem>>) semaphore(%arg15 : memref<!tpu.dma_semaphore, #tpu.memory_space<semaphore_mem>>) {add = true}
        %dma_start3A_543 = arith.constant 1 : i32
        %dma_start3A_544 = arith.constant 2 : i32
        %dma_start3A_545 = arith.constant 256 : i32
        %dma_start3A_546 = arith.constant 0 : i32
        %dma_start3A_547 = tpu.memref_slice %arg8[%dma_start3A_545, %dma_start3A_546] : memref<512x16xf32, #tpu.memory_space<vmem>> -> memref<128x16xf32, #tpu.memory_space<vmem>>
        %dma_start3A_548 = arith.constant 0 : i32
        %dma_start3A_549 = tpu.memref_slice %arg11[%dma_start3A_543, %dma_start3A_544, %dma_start3A_548] : memref<2x4x128xi32, #tpu.memory_space<vmem>> -> memref<1x1x128xi32, #tpu.memory_space<vmem>>
        %dma_start3A_550 = tpu.memref_squeeze %dma_start3A_549 : memref<1x1x128xi32, #tpu.memory_space<vmem>> -> memref<128xi32, #tpu.memory_space<vmem>>
        %dma_start3A_551 = arith.constant 0 : i32
        %dma_start3A_552 = arith.constant 0 : i32
        %dma_start3A_553 = tpu.memref_slice %arg7[%dma_start3A_551, %dma_start3A_552] : memref<100000x16xf32, #tpu.memory_space<vmem_shared>> -> memref<100000x16xf32, #tpu.memory_space<vmem_shared>>
        tpu.enqueue_indirect_dma source(%dma_start3A_547 : memref<128x16xf32, #tpu.memory_space<vmem>>) target(%dma_start3A_553 : memref<100000x16xf32, #tpu.memory_space<vmem_shared>>) offsets(%dma_start3A_550 : memref<128xi32, #tpu.memory_space<vmem>>) semaphore(%arg15 : memref<!tpu.dma_semaphore, #tpu.memory_space<semaphore_mem>>) {add = true}
        %dma_start3A_554 = arith.constant 1 : i32
        %dma_start3A_555 = arith.constant 3 : i32
        %dma_start3A_556 = arith.constant 384 : i32
        %dma_start3A_557 = arith.constant 0 : i32
        %dma_start3A_558 = tpu.memref_slice %arg8[%dma_start3A_556, %dma_start3A_557] : memref<512x16xf32, #tpu.memory_space<vmem>> -> memref<128x16xf32, #tpu.memory_space<vmem>>
        %dma_start3A_559 = arith.constant 0 : i32
        %dma_start3A_560 = tpu.memref_slice %arg11[%dma_start3A_554, %dma_start3A_555, %dma_start3A_559] : memref<2x4x128xi32, #tpu.memory_space<vmem>> -> memref<1x1x128xi32, #tpu.memory_space<vmem>>
        %dma_start3A_561 = tpu.memref_squeeze %dma_start3A_560 : memref<1x1x128xi32, #tpu.memory_space<vmem>> -> memref<128xi32, #tpu.memory_space<vmem>>
        %dma_start3A_562 = arith.constant 0 : i32
        %dma_start3A_563 = arith.constant 0 : i32
        %dma_start3A_564 = tpu.memref_slice %arg7[%dma_start3A_562, %dma_start3A_563] : memref<100000x16xf32, #tpu.memory_space<vmem_shared>> -> memref<100000x16xf32, #tpu.memory_space<vmem_shared>>
        tpu.enqueue_indirect_dma source(%dma_start3A_558 : memref<128x16xf32, #tpu.memory_space<vmem>>) target(%dma_start3A_564 : memref<100000x16xf32, #tpu.memory_space<vmem_shared>>) offsets(%dma_start3A_561 : memref<128xi32, #tpu.memory_space<vmem>>) semaphore(%arg15 : memref<!tpu.dma_semaphore, #tpu.memory_space<semaphore_mem>>) {add = true}
      } else {
      }
    }
    %sub3A_154 = arith.constant 1 : i32
    %sub3A_155 = arith.subi %select_n3A_65, %sub3A_154 : i32
    %jit3A_156 = arith.constant 2 : i32
    %eq3A = arith.constant 0 : i32
    %eq3A_157 = arith.cmpi eq, %jit3A_156, %eq3A : i32
    %jit3A_158 = arith.constant 1 : i32
    %select_n3A_159 = arith.select %eq3A_157, %jit3A_158, %jit3A_156 : i32
    %rem3A_160 = arith.remsi %sub3A_155, %select_n3A_159 : i32
    %ne3A_161 = arith.constant 0 : i32
    %ne3A_162 = arith.cmpi ne, %rem3A_160, %ne3A_161 : i32
    %lt3A = arith.constant 0 : i32
    %lt3A_163 = arith.cmpi slt, %rem3A_160, %lt3A : i32
    %lt3A_164 = arith.constant 0 : i32
    %lt3A_165 = arith.cmpi slt, %select_n3A_159, %lt3A_164 : i32
    %ne3A_166 = arith.xori %lt3A_163, %lt3A_165 : i1
    %and3A_167 = arith.andi %ne3A_166, %ne3A_162 : i1
    %add3A_168 = arith.addi %rem3A_160, %select_n3A_159 : i32
    %select_n3A_169 = arith.select %and3A_167, %add3A_168, %rem3A_160 : i32
    %dma_wait3A = arith.constant 0 : i32
    %dma_wait3A_170 = arith.constant 0 : i32
    %dma_wait3A_171 = arith.constant 0 : i32
    %dma_wait3A_172 = tpu.memref_slice %arg8[%dma_wait3A_170, %dma_wait3A_171] : memref<512x16xf32, #tpu.memory_space<vmem>> -> memref<128x16xf32, #tpu.memory_space<vmem>>
    %dma_wait3A_173 = arith.constant 0 : i32
    %dma_wait3A_174 = tpu.memref_slice %arg11[%select_n3A_169, %dma_wait3A, %dma_wait3A_173] : memref<2x4x128xi32, #tpu.memory_space<vmem>> -> memref<1x1x128xi32, #tpu.memory_space<vmem>>
    %dma_wait3A_175 = tpu.memref_squeeze %dma_wait3A_174 : memref<1x1x128xi32, #tpu.memory_space<vmem>> -> memref<128xi32, #tpu.memory_space<vmem>>
    %dma_wait3A_176 = arith.constant 0 : i32
    %dma_wait3A_177 = arith.constant 0 : i32
    %dma_wait3A_178 = tpu.memref_slice %arg7[%dma_wait3A_176, %dma_wait3A_177] : memref<100000x16xf32, #tpu.memory_space<vmem_shared>> -> memref<100000x16xf32, #tpu.memory_space<vmem_shared>>
    tpu.wait_indirect_dma semaphore(%arg15 : memref<!tpu.dma_semaphore, #tpu.memory_space<semaphore_mem>>) src(%dma_wait3A_172 : memref<128x16xf32, #tpu.memory_space<vmem>>) dst(%dma_wait3A_178 : memref<100000x16xf32, #tpu.memory_space<vmem_shared>>)
    %dma_wait3A_179 = arith.constant 1 : i32
    %dma_wait3A_180 = arith.constant 128 : i32
    %dma_wait3A_181 = arith.constant 0 : i32
    %dma_wait3A_182 = tpu.memref_slice %arg8[%dma_wait3A_180, %dma_wait3A_181] : memref<512x16xf32, #tpu.memory_space<vmem>> -> memref<128x16xf32, #tpu.memory_space<vmem>>
    %dma_wait3A_183 = arith.constant 0 : i32
    %dma_wait3A_184 = tpu.memref_slice %arg11[%select_n3A_169, %dma_wait3A_179, %dma_wait3A_183] : memref<2x4x128xi32, #tpu.memory_space<vmem>> -> memref<1x1x128xi32, #tpu.memory_space<vmem>>
    %dma_wait3A_185 = tpu.memref_squeeze %dma_wait3A_184 : memref<1x1x128xi32, #tpu.memory_space<vmem>> -> memref<128xi32, #tpu.memory_space<vmem>>
    %dma_wait3A_186 = arith.constant 0 : i32
    %dma_wait3A_187 = arith.constant 0 : i32
    %dma_wait3A_188 = tpu.memref_slice %arg7[%dma_wait3A_186, %dma_wait3A_187] : memref<100000x16xf32, #tpu.memory_space<vmem_shared>> -> memref<100000x16xf32, #tpu.memory_space<vmem_shared>>
    tpu.wait_indirect_dma semaphore(%arg15 : memref<!tpu.dma_semaphore, #tpu.memory_space<semaphore_mem>>) src(%dma_wait3A_182 : memref<128x16xf32, #tpu.memory_space<vmem>>) dst(%dma_wait3A_188 : memref<100000x16xf32, #tpu.memory_space<vmem_shared>>)
    %dma_wait3A_189 = arith.constant 2 : i32
    %dma_wait3A_190 = arith.constant 256 : i32
    %dma_wait3A_191 = arith.constant 0 : i32
    %dma_wait3A_192 = tpu.memref_slice %arg8[%dma_wait3A_190, %dma_wait3A_191] : memref<512x16xf32, #tpu.memory_space<vmem>> -> memref<128x16xf32, #tpu.memory_space<vmem>>
    %dma_wait3A_193 = arith.constant 0 : i32
    %dma_wait3A_194 = tpu.memref_slice %arg11[%select_n3A_169, %dma_wait3A_189, %dma_wait3A_193] : memref<2x4x128xi32, #tpu.memory_space<vmem>> -> memref<1x1x128xi32, #tpu.memory_space<vmem>>
    %dma_wait3A_195 = tpu.memref_squeeze %dma_wait3A_194 : memref<1x1x128xi32, #tpu.memory_space<vmem>> -> memref<128xi32, #tpu.memory_space<vmem>>
    %dma_wait3A_196 = arith.constant 0 : i32
    %dma_wait3A_197 = arith.constant 0 : i32
    %dma_wait3A_198 = tpu.memref_slice %arg7[%dma_wait3A_196, %dma_wait3A_197] : memref<100000x16xf32, #tpu.memory_space<vmem_shared>> -> memref<100000x16xf32, #tpu.memory_space<vmem_shared>>
    tpu.wait_indirect_dma semaphore(%arg15 : memref<!tpu.dma_semaphore, #tpu.memory_space<semaphore_mem>>) src(%dma_wait3A_192 : memref<128x16xf32, #tpu.memory_space<vmem>>) dst(%dma_wait3A_198 : memref<100000x16xf32, #tpu.memory_space<vmem_shared>>)
    %dma_wait3A_199 = arith.constant 3 : i32
    %dma_wait3A_200 = arith.constant 384 : i32
    %dma_wait3A_201 = arith.constant 0 : i32
    %dma_wait3A_202 = tpu.memref_slice %arg8[%dma_wait3A_200, %dma_wait3A_201] : memref<512x16xf32, #tpu.memory_space<vmem>> -> memref<128x16xf32, #tpu.memory_space<vmem>>
    %dma_wait3A_203 = arith.constant 0 : i32
    %dma_wait3A_204 = tpu.memref_slice %arg11[%select_n3A_169, %dma_wait3A_199, %dma_wait3A_203] : memref<2x4x128xi32, #tpu.memory_space<vmem>> -> memref<1x1x128xi32, #tpu.memory_space<vmem>>
    %dma_wait3A_205 = tpu.memref_squeeze %dma_wait3A_204 : memref<1x1x128xi32, #tpu.memory_space<vmem>> -> memref<128xi32, #tpu.memory_space<vmem>>
    %dma_wait3A_206 = arith.constant 0 : i32
    %dma_wait3A_207 = arith.constant 0 : i32
    %dma_wait3A_208 = tpu.memref_slice %arg7[%dma_wait3A_206, %dma_wait3A_207] : memref<100000x16xf32, #tpu.memory_space<vmem_shared>> -> memref<100000x16xf32, #tpu.memory_space<vmem_shared>>
    tpu.wait_indirect_dma semaphore(%arg15 : memref<!tpu.dma_semaphore, #tpu.memory_space<semaphore_mem>>) src(%dma_wait3A_202 : memref<128x16xf32, #tpu.memory_space<vmem>>) dst(%dma_wait3A_208 : memref<100000x16xf32, #tpu.memory_space<vmem_shared>>)
    %barrier3A_209 = arith.constant 0 : index
    tpu.barrier barrier_id(%barrier3A_209)
    %while3A_210 = arith.constant 0 : i32
    %while3A_211 = arith.constant 0 : i32
    %while3A_212 = arith.subi %select_n3A, %while3A_211 : i32
    %while3A_213 = arith.addi %while3A_211, %while3A_212 : i32
    %while3A_214 = arith.constant 1 : i32
    %while3A_215 = arith.divsi %while3A_212, %while3A_214 : i32
    %while3A_216 = arith.muli %while3A_215, %while3A_214 : i32
    %while3A_217 = arith.addi %while3A_211, %while3A_216 : i32
    %while3A_218 = arith.constant 1 : i32
    scf.for %while3A_220 = %while3A_211 to %while3A_217 step %while3A_218  : i32 {
      %mul3A_221 = arith.constant 16 : i32
      %mul3A_222 = arith.muli %while3A_220, %mul3A_221 : i32
      %add3A_223 = arith.addi %arg1, %mul3A_222 : i32
      %mul3A_224 = arith.constant 400 : i32
      %mul3A_225 = arith.muli %add3A_223, %mul3A_224 : i32
      %multiple_of3A_226 = tpu.assume_multiple %mul3A_225, 8 : i32
      "tpu.region"() ({
        %run_scoped3A = tpu.sem_alloc : memref<!tpu.dma_semaphore, #tpu.memory_space<semaphore_mem>>
        %dma_start3A_227 = arith.constant 0 : i32
        %dma_start3A_228 = arith.constant 0 : i32
        %dma_start3A_229 = tpu.memref_slice %arg8[%dma_start3A_227, %dma_start3A_228] : memref<512x16xf32, #tpu.memory_space<vmem>> -> memref<400x16xf32, #tpu.memory_space<vmem>>
        %dma_start3A_230 = arith.constant 0 : i32
        %dma_start3A_231 = tpu.memref_slice %arg7[%multiple_of3A_226, %dma_start3A_230] : memref<100000x16xf32, #tpu.memory_space<vmem_shared>> -> memref<400x16xf32, #tpu.memory_space<vmem_shared>>
        %dma_start3A_232 = arith.constant 0 : i32
        %dma_start3A_233 = arith.constant 0 : i32
        %dma_start3A_234 = tpu.memref_slice %arg8[%dma_start3A_232, %dma_start3A_233] : memref<512x16xf32, #tpu.memory_space<vmem>> -> memref<400x16xf32, #tpu.memory_space<vmem>>
        %dma_start3A_235 = arith.constant 0 : i32
        %dma_start3A_236 = tpu.memref_slice %arg7[%multiple_of3A_226, %dma_start3A_235] : memref<100000x16xf32, #tpu.memory_space<vmem_shared>> -> memref<400x16xf32, #tpu.memory_space<vmem_shared>>
        tpu.enqueue_dma source(%dma_start3A_236 : memref<400x16xf32, #tpu.memory_space<vmem_shared>>) target(%dma_start3A_234 : memref<400x16xf32, #tpu.memory_space<vmem>>) target_semaphore(%run_scoped3A : memref<!tpu.dma_semaphore, #tpu.memory_space<semaphore_mem>>)
        %dma_wait3A_237 = arith.constant 0 : i32
        %dma_wait3A_238 = arith.constant 0 : i32
        %dma_wait3A_239 = tpu.memref_slice %arg8[%dma_wait3A_237, %dma_wait3A_238] : memref<512x16xf32, #tpu.memory_space<vmem>> -> memref<400x16xf32, #tpu.memory_space<vmem>>
        %dma_wait3A_240 = arith.constant 0 : i32
        %dma_wait3A_241 = tpu.memref_slice %arg7[%multiple_of3A_226, %dma_wait3A_240] : memref<100000x16xf32, #tpu.memory_space<vmem_shared>> -> memref<400x16xf32, #tpu.memory_space<vmem_shared>>
        %dma_wait3A_242 = arith.constant 0 : i32
        %dma_wait3A_243 = arith.constant 0 : i32
        %dma_wait3A_244 = tpu.memref_slice %arg8[%dma_wait3A_242, %dma_wait3A_243] : memref<512x16xf32, #tpu.memory_space<vmem>> -> memref<400x16xf32, #tpu.memory_space<vmem>>
        %dma_wait3A_245 = arith.constant 0 : i32
        %dma_wait3A_246 = tpu.memref_slice %arg7[%multiple_of3A_226, %dma_wait3A_245] : memref<100000x16xf32, #tpu.memory_space<vmem_shared>> -> memref<400x16xf32, #tpu.memory_space<vmem_shared>>
        tpu.wait_dma2 semaphore(%run_scoped3A : memref<!tpu.dma_semaphore, #tpu.memory_space<semaphore_mem>>) src(%dma_wait3A_246 : memref<400x16xf32, #tpu.memory_space<vmem_shared>>) dst(%dma_wait3A_244 : memref<400x16xf32, #tpu.memory_space<vmem>>)
        tpu.yield
      }) : () -> ()
      "tpu.region"() ({
        %run_scoped3A = tpu.sem_alloc : memref<!tpu.dma_semaphore, #tpu.memory_space<semaphore_mem>>
        %dma_start3A_227 = arith.constant 0 : i32
        %dma_start3A_228 = arith.constant 0 : i32
        %dma_start3A_229 = tpu.memref_slice %arg8[%dma_start3A_227, %dma_start3A_228] : memref<512x16xf32, #tpu.memory_space<vmem>> -> memref<400x16xf32, #tpu.memory_space<vmem>>
        %dma_start3A_230 = arith.constant 0 : i32
        %dma_start3A_231 = tpu.memref_slice %arg6[%arg0, %multiple_of3A_226, %dma_start3A_230] : memref<2x100000x128xf32, #tpu.memory_space<hbm>> -> memref<1x400x16xf32, #tpu.memory_space<hbm>>
        %dma_start3A_232 = tpu.memref_squeeze %dma_start3A_231 : memref<1x400x16xf32, #tpu.memory_space<hbm>> -> memref<400x16xf32, #tpu.memory_space<hbm>>
        %dma_start3A_233 = arith.constant 0 : i32
        %dma_start3A_234 = tpu.memref_slice %arg6[%arg0, %multiple_of3A_226, %dma_start3A_233] : memref<2x100000x128xf32, #tpu.memory_space<hbm>> -> memref<1x400x16xf32, #tpu.memory_space<hbm>>
        %dma_start3A_235 = tpu.memref_squeeze %dma_start3A_234 : memref<1x400x16xf32, #tpu.memory_space<hbm>> -> memref<400x16xf32, #tpu.memory_space<hbm>>
        %dma_start3A_236 = arith.constant 0 : i32
        %dma_start3A_237 = arith.constant 0 : i32
        %dma_start3A_238 = tpu.memref_slice %arg8[%dma_start3A_236, %dma_start3A_237] : memref<512x16xf32, #tpu.memory_space<vmem>> -> memref<400x16xf32, #tpu.memory_space<vmem>>
        tpu.enqueue_dma source(%dma_start3A_238 : memref<400x16xf32, #tpu.memory_space<vmem>>) target(%dma_start3A_235 : memref<400x16xf32, #tpu.memory_space<hbm>>) target_semaphore(%run_scoped3A : memref<!tpu.dma_semaphore, #tpu.memory_space<semaphore_mem>>)
        %dma_wait3A_239 = arith.constant 0 : i32
        %dma_wait3A_240 = arith.constant 0 : i32
        %dma_wait3A_241 = tpu.memref_slice %arg8[%dma_wait3A_239, %dma_wait3A_240] : memref<512x16xf32, #tpu.memory_space<vmem>> -> memref<400x16xf32, #tpu.memory_space<vmem>>
        %dma_wait3A_242 = arith.constant 0 : i32
        %dma_wait3A_243 = tpu.memref_slice %arg6[%arg0, %multiple_of3A_226, %dma_wait3A_242] : memref<2x100000x128xf32, #tpu.memory_space<hbm>> -> memref<1x400x16xf32, #tpu.memory_space<hbm>>
        %dma_wait3A_244 = tpu.memref_squeeze %dma_wait3A_243 : memref<1x400x16xf32, #tpu.memory_space<hbm>> -> memref<400x16xf32, #tpu.memory_space<hbm>>
        %dma_wait3A_245 = arith.constant 0 : i32
        %dma_wait3A_246 = tpu.memref_slice %arg6[%arg0, %multiple_of3A_226, %dma_wait3A_245] : memref<2x100000x128xf32, #tpu.memory_space<hbm>> -> memref<1x400x16xf32, #tpu.memory_space<hbm>>
        %dma_wait3A_247 = tpu.memref_squeeze %dma_wait3A_246 : memref<1x400x16xf32, #tpu.memory_space<hbm>> -> memref<400x16xf32, #tpu.memory_space<hbm>>
        %dma_wait3A_248 = arith.constant 0 : i32
        %dma_wait3A_249 = arith.constant 0 : i32
        %dma_wait3A_250 = tpu.memref_slice %arg8[%dma_wait3A_248, %dma_wait3A_249] : memref<512x16xf32, #tpu.memory_space<vmem>> -> memref<400x16xf32, #tpu.memory_space<vmem>>
        tpu.wait_dma2 semaphore(%run_scoped3A : memref<!tpu.dma_semaphore, #tpu.memory_space<semaphore_mem>>) src(%dma_wait3A_250 : memref<400x16xf32, #tpu.memory_space<vmem>>) dst(%dma_wait3A_247 : memref<400x16xf32, #tpu.memory_space<hbm>>)
        tpu.yield
      }) : () -> ()
    }
    %while3A_219 = arith.constant 1 : i32
    scf.for %while3A_220 = %while3A_217 to %while3A_213 step %while3A_219  : i32 {
      %mul3A_221 = arith.constant 16 : i32
      %mul3A_222 = arith.muli %while3A_220, %mul3A_221 : i32
      %add3A_223 = arith.addi %arg1, %mul3A_222 : i32
      %mul3A_224 = arith.constant 400 : i32
      %mul3A_225 = arith.muli %add3A_223, %mul3A_224 : i32
      %multiple_of3A_226 = tpu.assume_multiple %mul3A_225, 8 : i32
      "tpu.region"() ({
        %run_scoped3A = tpu.sem_alloc : memref<!tpu.dma_semaphore, #tpu.memory_space<semaphore_mem>>
        %dma_start3A_227 = arith.constant 0 : i32
        %dma_start3A_228 = arith.constant 0 : i32
        %dma_start3A_229 = tpu.memref_slice %arg8[%dma_start3A_227, %dma_start3A_228] : memref<512x16xf32, #tpu.memory_space<vmem>> -> memref<400x16xf32, #tpu.memory_space<vmem>>
        %dma_start3A_230 = arith.constant 0 : i32
        %dma_start3A_231 = tpu.memref_slice %arg7[%multiple_of3A_226, %dma_start3A_230] : memref<100000x16xf32, #tpu.memory_space<vmem_shared>> -> memref<400x16xf32, #tpu.memory_space<vmem_shared>>
        %dma_start3A_232 = arith.constant 0 : i32
        %dma_start3A_233 = arith.constant 0 : i32
        %dma_start3A_234 = tpu.memref_slice %arg8[%dma_start3A_232, %dma_start3A_233] : memref<512x16xf32, #tpu.memory_space<vmem>> -> memref<400x16xf32, #tpu.memory_space<vmem>>
        %dma_start3A_235 = arith.constant 0 : i32
        %dma_start3A_236 = tpu.memref_slice %arg7[%multiple_of3A_226, %dma_start3A_235] : memref<100000x16xf32, #tpu.memory_space<vmem_shared>> -> memref<400x16xf32, #tpu.memory_space<vmem_shared>>
        tpu.enqueue_dma source(%dma_start3A_236 : memref<400x16xf32, #tpu.memory_space<vmem_shared>>) target(%dma_start3A_234 : memref<400x16xf32, #tpu.memory_space<vmem>>) target_semaphore(%run_scoped3A : memref<!tpu.dma_semaphore, #tpu.memory_space<semaphore_mem>>)
        %dma_wait3A_237 = arith.constant 0 : i32
        %dma_wait3A_238 = arith.constant 0 : i32
        %dma_wait3A_239 = tpu.memref_slice %arg8[%dma_wait3A_237, %dma_wait3A_238] : memref<512x16xf32, #tpu.memory_space<vmem>> -> memref<400x16xf32, #tpu.memory_space<vmem>>
        %dma_wait3A_240 = arith.constant 0 : i32
        %dma_wait3A_241 = tpu.memref_slice %arg7[%multiple_of3A_226, %dma_wait3A_240] : memref<100000x16xf32, #tpu.memory_space<vmem_shared>> -> memref<400x16xf32, #tpu.memory_space<vmem_shared>>
        %dma_wait3A_242 = arith.constant 0 : i32
        %dma_wait3A_243 = arith.constant 0 : i32
        %dma_wait3A_244 = tpu.memref_slice %arg8[%dma_wait3A_242, %dma_wait3A_243] : memref<512x16xf32, #tpu.memory_space<vmem>> -> memref<400x16xf32, #tpu.memory_space<vmem>>
        %dma_wait3A_245 = arith.constant 0 : i32
        %dma_wait3A_246 = tpu.memref_slice %arg7[%multiple_of3A_226, %dma_wait3A_245] : memref<100000x16xf32, #tpu.memory_space<vmem_shared>> -> memref<400x16xf32, #tpu.memory_space<vmem_shared>>
        tpu.wait_dma2 semaphore(%run_scoped3A : memref<!tpu.dma_semaphore, #tpu.memory_space<semaphore_mem>>) src(%dma_wait3A_246 : memref<400x16xf32, #tpu.memory_space<vmem_shared>>) dst(%dma_wait3A_244 : memref<400x16xf32, #tpu.memory_space<vmem>>)
        tpu.yield
      }) : () -> ()
      "tpu.region"() ({
        %run_scoped3A = tpu.sem_alloc : memref<!tpu.dma_semaphore, #tpu.memory_space<semaphore_mem>>
        %dma_start3A_227 = arith.constant 0 : i32
        %dma_start3A_228 = arith.constant 0 : i32
        %dma_start3A_229 = tpu.memref_slice %arg8[%dma_start3A_227, %dma_start3A_228] : memref<512x16xf32, #tpu.memory_space<vmem>> -> memref<400x16xf32, #tpu.memory_space<vmem>>
        %dma_start3A_230 = arith.constant 0 : i32
        %dma_start3A_231 = tpu.memref_slice %arg6[%arg0, %multiple_of3A_226, %dma_start3A_230] : memref<2x100000x128xf32, #tpu.memory_space<hbm>> -> memref<1x400x16xf32, #tpu.memory_space<hbm>>
        %dma_start3A_232 = tpu.memref_squeeze %dma_start3A_231 : memref<1x400x16xf32, #tpu.memory_space<hbm>> -> memref<400x16xf32, #tpu.memory_space<hbm>>
        %dma_start3A_233 = arith.constant 0 : i32
        %dma_start3A_234 = tpu.memref_slice %arg6[%arg0, %multiple_of3A_226, %dma_start3A_233] : memref<2x100000x128xf32, #tpu.memory_space<hbm>> -> memref<1x400x16xf32, #tpu.memory_space<hbm>>
        %dma_start3A_235 = tpu.memref_squeeze %dma_start3A_234 : memref<1x400x16xf32, #tpu.memory_space<hbm>> -> memref<400x16xf32, #tpu.memory_space<hbm>>
        %dma_start3A_236 = arith.constant 0 : i32
        %dma_start3A_237 = arith.constant 0 : i32
        %dma_start3A_238 = tpu.memref_slice %arg8[%dma_start3A_236, %dma_start3A_237] : memref<512x16xf32, #tpu.memory_space<vmem>> -> memref<400x16xf32, #tpu.memory_space<vmem>>
        tpu.enqueue_dma source(%dma_start3A_238 : memref<400x16xf32, #tpu.memory_space<vmem>>) target(%dma_start3A_235 : memref<400x16xf32, #tpu.memory_space<hbm>>) target_semaphore(%run_scoped3A : memref<!tpu.dma_semaphore, #tpu.memory_space<semaphore_mem>>)
        %dma_wait3A_239 = arith.constant 0 : i32
        %dma_wait3A_240 = arith.constant 0 : i32
        %dma_wait3A_241 = tpu.memref_slice %arg8[%dma_wait3A_239, %dma_wait3A_240] : memref<512x16xf32, #tpu.memory_space<vmem>> -> memref<400x16xf32, #tpu.memory_space<vmem>>
        %dma_wait3A_242 = arith.constant 0 : i32
        %dma_wait3A_243 = tpu.memref_slice %arg6[%arg0, %multiple_of3A_226, %dma_wait3A_242] : memref<2x100000x128xf32, #tpu.memory_space<hbm>> -> memref<1x400x16xf32, #tpu.memory_space<hbm>>
        %dma_wait3A_244 = tpu.memref_squeeze %dma_wait3A_243 : memref<1x400x16xf32, #tpu.memory_space<hbm>> -> memref<400x16xf32, #tpu.memory_space<hbm>>
        %dma_wait3A_245 = arith.constant 0 : i32
        %dma_wait3A_246 = tpu.memref_slice %arg6[%arg0, %multiple_of3A_226, %dma_wait3A_245] : memref<2x100000x128xf32, #tpu.memory_space<hbm>> -> memref<1x400x16xf32, #tpu.memory_space<hbm>>
        %dma_wait3A_247 = tpu.memref_squeeze %dma_wait3A_246 : memref<1x400x16xf32, #tpu.memory_space<hbm>> -> memref<400x16xf32, #tpu.memory_space<hbm>>
        %dma_wait3A_248 = arith.constant 0 : i32
        %dma_wait3A_249 = arith.constant 0 : i32
        %dma_wait3A_250 = tpu.memref_slice %arg8[%dma_wait3A_248, %dma_wait3A_249] : memref<512x16xf32, #tpu.memory_space<vmem>> -> memref<400x16xf32, #tpu.memory_space<vmem>>
        tpu.wait_dma2 semaphore(%run_scoped3A : memref<!tpu.dma_semaphore, #tpu.memory_space<semaphore_mem>>) src(%dma_wait3A_250 : memref<400x16xf32, #tpu.memory_space<vmem>>) dst(%dma_wait3A_247 : memref<400x16xf32, #tpu.memory_space<hbm>>)
        tpu.yield
      }) : () -> ()
    }
    return
  }
}

module attributes {stable_mosaic.version = 14 : i64} {
  func.func @_combine_body(%arg0: i32, %arg1: memref<1x2000x128xf32, #tpu.memory_space<vmem>>, %arg2: memref<1x2000x128xf32, #tpu.memory_space<vmem>>, %arg3: memref<1x1xf32, #tpu.memory_space<vmem>>, %arg4: memref<250x8x16xf32, #tpu.memory_space<vmem>>) attributes {dimension_semantics = [#tpu.dimension_semantics<arbitrary>], iteration_bounds = array<i64: 50>, scalar_prefetch = 0 : i64, scratch_operands = 0 : i64, tpu.core_type = #tpu.core_type<tc>, window_params = [{transform_indices = @transform_0, window_bounds = array<i64: 1, 2000, 128>}, {transform_indices = @transform_1, window_bounds = array<i64: 1, 2000, 128>}, {pipeline_mode = #tpu.pipeline_mode<synchronous>, transform_indices = @transform_2, window_bounds = array<i64: 1, 1>}, {transform_indices = @transform_3, window_bounds = array<i64: 250, 8, 16>}]} {
    %get3A = arith.constant 0 : index
    %get3A_0 = arith.constant 0 : index
    %get3A_1 = arith.constant 0 : index
    %get3A_2 = vector.load %arg1[%get3A, %get3A_0, %get3A_1] : memref<1x2000x128xf32, #tpu.memory_space<vmem>>, vector<1x2000x128xf32>
    %get3A_3 = vector.shape_cast %get3A_2 : vector<1x2000x128xf32> to vector<2000x128xf32>
    %slice3A = vector.extract_strided_slice %get3A_3 {offsets = [0, 0], sizes = [2000, 16], strides = [1, 1]} : vector<2000x128xf32> to vector<2000x16xf32>
    %get3A_4 = arith.constant 0 : index
    %get3A_5 = arith.constant 0 : index
    %get3A_6 = arith.constant 0 : index
    %get3A_7 = vector.load %arg2[%get3A_4, %get3A_5, %get3A_6] : memref<1x2000x128xf32, #tpu.memory_space<vmem>>, vector<1x2000x128xf32>
    %get3A_8 = vector.shape_cast %get3A_7 : vector<1x2000x128xf32> to vector<2000x128xf32>
    %slice3A_9 = vector.extract_strided_slice %get3A_8 {offsets = [0, 0], sizes = [2000, 16], strides = [1, 1]} : vector<2000x128xf32> to vector<2000x16xf32>
    %add3A = arith.addf %slice3A, %slice3A_9 : vector<2000x16xf32>
    %get3A_10 = arith.constant 0 : index
    %get3A_11 = arith.constant 0 : index
    %get3A_12 = vector.load %arg3[%get3A_10, %get3A_11] : memref<1x1xf32, #tpu.memory_space<vmem>>, vector<1x1xf32>
    %get3A_13 = vector.extract %get3A_12[0, 0] : f32 from vector<1x1xf32>
    %add3A_14 = vector.broadcast %get3A_13 : f32 to vector<2000x16xf32>
    %add3A_15 = arith.addf %add3A, %add3A_14 : vector<2000x16xf32>
    %reshape3A = vector.shape_cast %add3A_15 : vector<2000x16xf32> to vector<250x8x16xf32>
    %swap3A = arith.constant 0 : index
    %swap3A_16 = arith.constant 0 : index
    %swap3A_17 = arith.constant 0 : index
    %swap3A_18 = vector.load %arg4[%swap3A, %swap3A_16, %swap3A_17] : memref<250x8x16xf32, #tpu.memory_space<vmem>>, vector<250x8x16xf32>
    tpu.vector_store %arg4[%swap3A, %swap3A_16, %swap3A_17], %reshape3A {strides = array<i32>} : memref<250x8x16xf32, #tpu.memory_space<vmem>>, vector<250x8x16xf32>,
    return
  }
  func.func @transform_0(%arg0: i32) -> (i32, i32, i32) {
    %c0_i32 = arith.constant 0 : i32
    %c0_i32_0 = arith.constant 0 : i32
    %c0_i32_1 = arith.constant 0 : i32
    return %c0_i32, %arg0, %c0_i32_0 : i32, i32, i32
  }
  func.func @transform_1(%arg0: i32) -> (i32, i32, i32) {
    %c1_i32 = arith.constant 1 : i32
    %c0_i32 = arith.constant 0 : i32
    %c0_i32_0 = arith.constant 0 : i32
    return %c1_i32, %arg0, %c0_i32 : i32, i32, i32
  }
  func.func @transform_2(%arg0: i32) -> (i32, i32) {
    %c0_i32 = arith.constant 0 : i32
    %c0_i32_0 = arith.constant 0 : i32
    %c0_i32_1 = arith.constant 0 : i32
    return %c0_i32, %c0_i32_0 : i32, i32
  }
  func.func @transform_3(%arg0: i32) -> (i32, i32, i32) {
    %c0_i32 = arith.constant 0 : i32
    %c0_i32_0 = arith.constant 0 : i32
    %c0_i32_1 = arith.constant 0 : i32
    return %arg0, %c0_i32, %c0_i32_0 : i32, i32, i32
  }
}

</mosaic_0001>

<sc_bundles>
// kernel: kernel.4.cloned.1.call-start
scs
__scs_entry_jumppad:
0x0: {  	(pc) =	sbr.rel $0x88, $3  }
0x1: {  	(tag) =	ssettag $0x0;
	lr =	simm.s32 $0x1  }
0x2: {  	[smem:$0x3F9C] =	sst lr;
	_ =	strace $0xD0000000  }
0x3: {  	_ = 	snop  }
0x4: {  	_ = 	snop  }
0x5: {  	_ = 	snop  }
0x6: {  	_ = 	snop  }
0x7: {  	_ = 	snop  }
__scs_overlays_trampoline_lowered:
0x8: {  	[smem:$0x3FAB] =	sst s0  }
0x9: {  	[smem:$0x3FAC] =	sst s1  }
0xa: {  	[smem:$0x3FAD] =	sst s2  }
0xb: {  	[smem:$0x3FAE] =	sst s3  }
0xc: {  	[smem:$0x3FAF] =	sst s4  }
0xd: {  	[smem:$0x3FB0] =	sst s5  }
0xe: {  	[smem:$0x3FB1] =	sst s6  }
0xf: {  	[smem:$0x3FB2] =	sst s7  }
0x10: {  	[smem:$0x3FB3] =	sst s8  }
0x11: {  	[smem:$0x3FB4] =	sst s9;
	s0 =	simm.s32 @!p0 $0x0  }
0x12: {  	s1 =	sld [smem:$0x3F9A];
	s0 =	simm.s32 @p0 $0x1  }
0x13: {  	[smem:$0x3FB5] =	sst s0;
	s0 =	simm.s32 @!p1 $0x0  }
0x14: {  	s2 =	sld [smem:$0x3F99];
	s0 =	simm.s32 @p1 $0x1  }
0x15: {  	[smem:$0x3FB6] =	sst s0;
	s0 =	simm.s32 @!p2 $0x0  }
0x16: {  	s3 =	sld [smem:$0x3FDB];
	s0 =	simm.s32 @p2 $0x1  }
0x17: {  	s4 =	simm.s32 $0x1BF5;
	[smem:$0x3FB8] =	sst s0  }
0x18: {  	s0 =	sld [smem:$0x3F9B];
	_ =	swait.ge [sflag:s4], $0x0  }
0x19: {  	s7 =	sld [smem:$0x3F9C]  }
0x1a: {  	s8 =	sadd.s32 $0xFFFFE003, lr  }
0x1b: {  	s9 =	sadd.s32 $0xFFFFFEF7, lr;
	s5 =	simm.s32 $0xFFFFFFFF;
	p2 =	slt.u32 s8, $0xFFFFF086  }
0x1c: {  	p1 =	slt.u32 s9, $0xF7A;
	s5 =	simm.s32 @!p2 $0x0  }
0x1d: {  	s5 =	simm.s32 @p1 $0x1;
	p0 =	seq.s32 s7, s2  }
0x1e: {  	s7 =	smul.u32 @!p0 $0xF7A, s2;
	p2 =	seq.s32 @!p0 s5, $0x0  }
0x1f: {  	s9 =	smul.u32 $0xF7A, s1;
	s8 =	simm.s32 @!p0 $0x1BF5;
	p2 =	por !p2, p0  }
0x20: {  	[sflag:s8] =	ssyncset.s32 @!p0 $0xFFFFF086;
	s6 =	sadd.s32 @!p0 s3, s7;
	s7 =	simm.s32 @!p0 $0x108  }
0x21: {  	s3 =	sadd.s32 s3, s9;
	s6 =	sadd.s32 @!p0 $0x88, s6;
	s7 =	simm.s32 @p2 $0x1082  }
0x22: {  	[simem:s7], [sflag:s8] =	dma.local @!p0 [hbm:s6], $0xF7A  }
0x23: {  	s9 =	sor.u32 $0xD0000000, s2;
	s6 =	simm.s32 $0x108;
	_ =	swait.ge @!p0 [sflag:s8], $0x0  }
0x24: {  	s3 =	sadd.s32 $0x88, s3;
	s6 =	simm.s32 @!p1 $0x1082;
	[sflag:s4] =	ssyncset.s32 $0xFFFFF086  }
0x25: {  	[simem:s6], [sflag:s4] =	dma.local [hbm:s3], $0xF7A  }
0x26: {  	[smem:$0x3F9C] =	sst s1;
	(tag) =	ssettag s2;
	_ =	strace s9  }
0x27: {  	s1 =	sld [smem:$0x3FAC]  }
0x28: {  	s2 =	sld [smem:$0x3FAD]  }
0x29: {  	s4 =	sld [smem:$0x3FAF]  }
0x2a: {  	p0 =	seq.s32 s5, $0x0;
	s5 =	sld [smem:$0x3FB0]  }
0x2b: {  	s6 =	sld [smem:$0x3FB1]  }
0x2c: {  	s7 =	sld [smem:$0x3FB2]  }
0x2d: {  	s3 =	simm.s32 $0x108;
	s8 =	sld [smem:$0x3FB3]  }
0x2e: {  	s3 =	simm.s32 @!p0 $0x1082;
	s9 =	sld [smem:$0x3FB4]  }
0x2f: {  	lr =	sadd.s32 s0, s3;
	s0 =	sld [smem:$0x3FAB]  }
0x30: {  	s3 =	sld [smem:$0x3FAE]  }
0x31: {  	[smem:$0x3FB7] =	sst s10  }
0x32: {  	s10 =	sld [smem:$0x3FB5];
	_ =	sdelay $0x3  }
0x33: {  	p0 =	seq.s32 s10, $0x1;
	s10 =	sld [smem:$0x3FB7];
	_ =	sdelay $0x3  }
0x34: {  	[smem:$0x3FB7] =	sst s10  }
0x35: {  	s10 =	sld [smem:$0x3FB6];
	_ =	sdelay $0x3  }
0x36: {  	p1 =	seq.s32 s10, $0x1;
	s10 =	sld [smem:$0x3FB7];
	_ =	sdelay $0x3  }
0x37: {  	[smem:$0x3FB7] =	sst s10  }
0x38: {  	s10 =	sld [smem:$0x3FB8]  }
0x39: {  	_ = 	snop;
	(pc) =	sbr.ind lr, $3  }
0x3a: {  	_ = 	snop  }
0x3b: {  	_ = 	snop  }
0x3c: {  	p2 =	seq.s32 s10, $0x1;
	s10 =	sld [smem:$0x3FB7]  }
0x3d: {  	_ =	shalt  }
0x3e: {  	_ =	shalt  }
0x3f: {  	_ =	shalt  }
0x40: {  	_ =	shalt  }
0x41: {  	_ =	shalt  }
0x42: {  	_ =	shalt  }
0x43: {  	_ =	shalt  }
0x44: {  	_ =	shalt  }
0x45: {  	_ =	shalt  }
0x46: {  	_ =	shalt  }
0x47: {  	_ =	shalt  }
0x48: {  	_ =	shalt  }
0x49: {  	_ =	shalt  }
0x4a: {  	_ =	shalt  }
0x4b: {  	_ =	shalt  }
0x4c: {  	_ =	shalt  }
0x4d: {  	_ =	shalt  }
0x4e: {  	_ =	shalt  }
0x4f: {  	_ =	shalt  }
0x50: {  	_ =	shalt  }
0x51: {  	_ =	shalt  }
0x52: {  	_ =	shalt  }
0x53: {  	_ =	shalt  }
0x54: {  	_ =	shalt  }
0x55: {  	_ =	shalt  }
0x56: {  	_ =	shalt  }
0x57: {  	_ =	shalt  }
0x58: {  	_ =	shalt  }
0x59: {  	_ =	shalt  }
0x5a: {  	_ =	shalt  }
0x5b: {  	_ =	shalt  }
0x5c: {  	_ =	shalt  }
0x5d: {  	_ =	shalt  }
0x5e: {  	_ =	shalt  }
0x5f: {  	_ =	shalt  }
0x60: {  	_ =	shalt  }
0x61: {  	_ =	shalt  }
0x62: {  	_ =	shalt  }
0x63: {  	_ =	shalt  }
0x64: {  	_ =	shalt  }
0x65: {  	_ =	shalt  }
0x66: {  	_ =	shalt  }
0x67: {  	_ =	shalt  }
0x68: {  	_ =	shalt  }
0x69: {  	_ =	shalt  }
0x6a: {  	_ =	shalt  }
0x6b: {  	_ =	shalt  }
0x6c: {  	_ =	shalt  }
0x6d: {  	_ =	shalt  }
0x6e: {  	_ =	shalt  }
0x6f: {  	_ =	shalt  }
0x70: {  	_ =	shalt  }
0x71: {  	_ =	shalt  }
0x72: {  	_ =	shalt  }
0x73: {  	_ =	shalt  }
0x74: {  	_ =	shalt  }
0x75: {  	_ =	shalt  }
0x76: {  	_ =	shalt  }
0x77: {  	_ =	shalt  }
0x78: {  	_ =	shalt  }
0x79: {  	_ =	shalt  }
0x7a: {  	_ =	shalt  }
0x7b: {  	_ =	shalt  }
0x7c: {  	_ =	shalt  }
0x7d: {  	_ =	shalt  }
0x7e: {  	_ =	shalt  }
0x7f: {  	_ =	shalt  }
0x80: {  	_ =	shalt  }
0x81: {  	_ =	shalt  }
0x82: {  	_ =	shalt  }
0x83: {  	_ =	shalt  }
0x84: {  	_ =	shalt  }
0x85: {  	_ =	shalt  }
0x86: {  	_ =	shalt  }
0x87: {  	_ =	shalt  }
.Lfunc_end0:
.L_simem_size_0:
called_computation_lowered:
.L_overlay_start_0:
0x88: {  	s2 =	sld [smem:$0x3FD9]  }
0x89: {  	s3 =	sld [smem:$0x3FFE];
	_ =	sdelay $0x1  }
0x8a: {  	s1 =	srdreg.scid  }
0x8b: {  	s0 =	sand.u32 $0x1, s1  }
0x8c: {  	s17 =	sshll.u32 s0, $0xA;
	s2 =	sadd.s32 s3, s2  }
0x8d: {  	s2 =	sadd.s32 s2, s17  }
0x8e: {  	[smem:$0x3FC3] =	sst s2  }
0x8f: {  	_ = 	snop  }
0x90: {  	s2 =	sld [smem:$0x3FC9]  }
0x91: {  	s18 =	sld [smem:$0x3FC8]  }
0x92: {  	s4 =	sld [smem:$0x3FC7]  }
0x93: {  	s5 =	sld [smem:$0x3FD0];
	(tm) =	ssettm $0x1  }
0x94: {  	s6 =	sld [smem:$0x3FFB];
	_ =	sdelay $0x3  }
0x95: {  	_ =	strace s6  }
0x96: {  	s6 =	sld [smem:$0x3FFC];
	_ =	sdelay $0x3  }
0x97: {  	_ =	strace s6  }
0x98: {  	s6 =	sld [smem:$0x3FFD];
	_ =	sdelay $0x3  }
0x99: {  	_ =	strace s6  }
0x9a: {  	_ =	strace $0x8FFFFFFF  }
0x9b: {  	s19 =	sld [smem:$0x3FDB];
	_ =	sdelay $0x1  }
0x9c: {  	s7 =	simm.s32 $_scs_section_size  }
0x9d: {  	s8 =	simm.s32 $_size__tile_overlayer_lowered;
	s9 =	simm.s32 $_tile_overlayer_lowered  }
0x9e: {  	s22 =	simm.s32 $0x1BFF;
	s21 =	sshll.u32 s9, $0x1;
	s6 =	sadd.s32 s7, s19  }
0x9f: {  	s10 =	simm.s32 $0x0;
	s20 =	sshll.u32 s8, $0x1;
	s8 =	sadd.s32 s21, s6  }
0xa0: {  	[timem:s10], [sflag:s22] =	dma.local [hbm:s8], s20  }
0xa1: {  	_ =	swait.ge [sflag:s22], s20  }
0xa2: {  	s7 =	ssub.s32 $0x0, s20;
	[sflag:s22] =	ssyncset.done $0x0  }
0xa3: {  	[sflag:s22] =	ssyncadd.s32 s7;
	_ =	sdelay $0x1  }
0xa4: {  	s23 =	simm.s32 $0x1B8B  }
0xa5: {  	_ =	swait.ge [sflag:s23], $0x1  }
0xa6: {  	[sflag:s23] =	ssyncset.done $0x0  }
0xa7: {  	s25 =	simm.s32 $0x1B8E;
	s24 =	sld [smem:$0x3FFE];
	[sflag:s23] =	ssyncadd.s32 $0xFFFFFFFF  }
0xa8: {  	s26 =	simm.s32 $execute0_lowered;
	[smem:$0x3FD2] =	sst s25  }
0xa9: {  	s8 =	sshll.u32 s26, $0x1;
	_ =	strace $0x80000046;
	[dreg:$0x1] =	wrdreg $0xFFFFFFFF  }
0xaa: {  	s28 =	simm.s32 $_size_execute0_lowered;
	s6 =	sadd.s32 s6, s8;
	[dreg:$0x0] =	wrdreg $0x0  }
0xab: {  	s8 =	sshll.u32 s28, $0x1;
	[dreg:$0x2] =	wrdreg s6  }
0xac: {  	[dreg:$0x3] =	wrdreg s8  }
0xad: {  	[dreg:$0x4] =	wrdreg $0xC0  }
0xae: {  	_ =	task [dreg:s10], $0x5FFFF  }
0xaf: {  	[dreg:$0x1] =	wrdreg $0xFFFFFFFF  }
0xb0: {  	[dreg:$0x0] =	wrdreg $0x60  }
0xb1: {  	[dreg:$0x2] =	wrdreg s2  }
0xb2: {  	[dreg:$0x3] =	wrdreg s18  }
0xb3: {  	[dreg:$0x4] =	wrdreg s4  }
0xb4: {  	[dreg:$0x5] =	wrdreg s5  }
0xb5: {  	[dreg:$0x6] =	wrdreg s24  }
0xb6: {  	[dreg:$0x7] =	wrdreg $0x0  }
0xb7: {  	[dreg:$0x8] =	wrdreg $0x9  }
0xb8: {  	_ =	task.clear_ibuf [dreg:s10], $0x9FFFF;
	_ =	strace $0x90000046  }
0xb9: {  	s29 =	simm.s32 $0x9;
	_ =	strace $0x80000048  }
0xba: {  	_ =	swait.ge [sflag:s29], $0x1  }
0xbb: {  	[sflag:s29] =	ssyncadd.s32 $0xFFFFFFFF  }
0xbc: {  	_ =	strace $0x90000048  }
0xbd: {  	_ =	sfence  }
0xbe: {  	s30 =	sld [smem:$0x0];
	_ =	sdelay $0x2  }
0xbf: {  	s31 =	sshll.u32 s1, $0xD;
	s1 =	sshrl.u32 s1, $0x2  }
0xc0: {  	s3 =	sand.u32 $0x4000, s31;
	s1 =	sadd.s32 s1, s30  }
0xc1: {  	s0 =	sor.u32 s3, s0;
	s1 =	sshll.u32 s1, $0x11  }
0xc2: {  	s0 =	sor.u32 s1, s0  }
0xc3: {  	s0 =	sadd.s32 $0x8F2B, s0  }
0xc4: {  	[sflag:s0] =	ssyncadd.remote.s32 $0x1  }
0xc5: {  	_ =	sfence.sel $0xFFFF  }
0xc6: {  	[dreg:$0x0] =	wrdreg $0xFFFFFFFF;
	(pc) =	sbr.abs _section_cstart, $3  }
0xc7: {  	[dreg:$0x1] =	wrdreg $0xFFFFFFFF  }
0xc8: {  	_ =	task.clear_ibuf [dreg:s10], $0x2FFFF;
	_ =	strace $0x9FFFFFFF  }
0xc9: {  	(tm) =	ssettm $0x7FFFFFFF  }
tec
execute0_lowered:
.L_overlay_start_1:
0x0: {  	(tag) =	ssettag $0x1  }
0x1: {  	s0 =	rddreg [dreg:$0x0]  }
0x2: {  	s1 =	rddreg [dreg:$0x1]  }
0x3: {  	s2 =	rddreg [dreg:$0x2];
	s3 =	srdreg.scid  }
0x4: {  	s4 =	rddreg [dreg:$0x4];
	s10 =	stileid.u32  }
0x5: {  	s6 =	rddreg [dreg:$0x5];
	s8 =	simm.s32 $0x0;
	s28 =	simm.s32 $0x80  }
0x6: {  	s29 =	simm.s32 $0x1EB20;
	s30 =	simm.s32 $0x18EA0;
	s31 =	simm.s32 $0x1EBA0  }
0x7: {  	s12 =	simm.s32 $0x0;
	s3 =	sand.u32 $0x1, s3;
	s7 =	smul.u32 $0xC800, s10  }
0x8: {  	[smem:$0x7FF] =	sst s8;
	s19 =	ssub.s32 $0x109, s10;
	s11 =	smul.u32 $0x6400, s10  }
0x9: {  	s5 =	smul.u32 $0xC35000, s3;
	_ =	strace $0x80000047;
	s17 =	ssub.s32 $0x2, s3  }
0xa: {  	s3 =	sshll.u32 s3, $0x4;
	s15 =	sshrl.u32 s19, $0x4;
	s19 =	simm.s32 $0x4  }
0xb: {  	s18 =	sshrl.u32 s17, $0x1;
	s8 =	sor.u32 s10, s3;
	s25 =	sshrl.u32 s11, $0x2  }
0xc: {  	s3 =	simm.s32 $0x1EC20;
	s11 =	simm.s32 $0x10;
	[dreg:$0x7] =	wrdreg s15  }
0xd: {  	s5 =	sadd.s32 s7, s5;
	s20 =	ssub.s32 $0x1889, s8;
	s21 =	sshll.u32 s8, $0x9  }
0xe: {  	v0 =	vlaneseq.u32;
	s9 =	sshll.u32 s8, $0x6;
	s16 =	sadd.s32 s25, s6;
	s25 =	simm.s32 $0x1EAA0  }
0xf: {  	v0 =	vmul.u32 $0x10, v0;
	s7 =	simm.s32 $0x2;
	s5 =	sshrl.u32 s5, $0x3;
	s10 =	sshrl.u32 s20, $0x5  }
0x10: {  	s22 =	sadd.s32 s0, s21;
	s23 =	sadd.s32 s1, s9;
	[dreg:$0xc] =	wrdreg s16  }
0x11: {  	v1 =	vimm.f32 $0.0e+00;
	v2 =	vor.u32 $0x1F00, v0;
	s24 =	sadd.s32 s2, s9;
	s20 =	simm.s32 $0x186A0;
	[dreg:$0x8] =	wrdreg s22  }
0x12: {  	v4 =	vor.u32 $0x1F02, v0;
	v5 =	vor.u32 $0x1F03, v0;
	v6 =	vor.u32 $0x1F04, v0;
	s4 =	sadd.s32 s5, s4;
	s5 =	ssub.s32 s17, s18;
	[dreg:$0x9] =	wrdreg s23  }
0x13: {  	v7 =	vor.u32 $0x1F05, v0;
	v8 =	vor.u32 $0x1F06, v0;
	v9 =	vor.u32 $0x1F07, v0;
	[dreg:$0xa] =	wrdreg s24;
	s14 =	sadd.s32 $0xFFFFFFFF, s10;
	s18 =	simm.s32 $0x3  }
0x14: {  	v10 =	vor.u32 $0x1F08, v0;
	v11 =	vor.u32 $0x1F09, v0;
	v12 =	vor.u32 $0x1F0A, v0;
	s23 =	simm.s32 $0x1EDA0;
	s24 =	simm.s32 $0x1EE20;
	s5 =	smax.u32 s5, $0x1  }
0x15: {  	v13 =	vor.u32 $0x1F0B, v0;
	v14 =	vor.u32 $0x1F0C, v0;
	[tilespmem:$0x1FFE0] =	vst v2;
	v2 =	vor.u32 $0x1F01, v0;
	s26 =	sadd.s32 $0x400, s4;
	s4 =	simm.s32 $0x19EA0;
	[dreg:$0xb] =	wrdreg s5  }
0x16: {  	v15 =	vor.u32 $0x1F0D, v0;
	v16 =	vor.u32 $0x1F0E, v0;
	v17 =	vor.u32 $0x1F0F, v0;
	[tilespmem:$0x1FFF0] =	vst v2;
	[dreg:$0xd] =	wrdreg s26;
	s26 =	simm.s32 $0x1;
	s5 =	simm.s32 $0x196A0  }
.LBB2_1:
0x17: {  	[dreg:$0xe] =	wrdreg s12  }
0x18: {  	s9 =	rddreg [dreg:$0x3];
	s22 =	simm.s32 $0x0;
	s13 =	simm.s32 $0x1EEA0  }
0x19: {  	[tilespmem:s13], [sflag:$0x4] =	stream.linear.gather [hbm4b:s9+s22], $0x10, $0x38;
	[tilespmem:$0x1EEB0] =	vst v63  }
0x1a: {  	_ =	swait.ge [sflag:s19], $0x10  }
0x1b: {  	[sflag:s19] =	ssyncset.done $0x0  }
0x1c: {  	[sflag:s19] =	ssyncadd.s32 $0xFFFFFFF0  }
0x1d: {  	s12 =	simm.s32 $0x0;
	s9 =	simm.s32 $0x40;
	v18 =	vld [tilespmem:$0x1EEA0]  }
.LBB2_2:
0x1e: {  	p0 =	sne.s32 s9, $0x63C0;
	[tilespmem:s12+$0x186A0] =	vst v1;
	s12 =	smov.u32 s9;
	s9 =	sadd.s32 $0x40, s9  }
.Ltmp0:
0x1f: {  	(pc) =	sbr.rel @p0 .LBB2_2-.Ltmp0, $2  }
0x20: {  	_ =	sdelay $0x2  }
0x21: {  	s12 =	sshra.s32 s12, $0x2  }
0x22: {  	p0 =	sne.s32 s15, $0x1  }
.Ltmp1:
0x23: {  	_ = 	snop;
	(pc) =	sbr.rel @!p0 .LBB2_5-.Ltmp1, $4  }
0x24: {  	[tilespmem:s12+$0x186A0] =	vst v1  }
0x25: {  	[spmem:s16] =	stream.linear.scatter [tilespmem:s20], [sflag:$0x4], $0x1900, $0x38;
	[tilespmem:$0x1EEB0] =	vst v63  }
0x26: {  	_ =	swait.ge [sflag:s19], $0x1900  }
0x27: {  	s9 =	sadd.s32 $0xFFFFFFFF, s15;
	s12 =	smov.u32 s16;
	[sflag:s19] =	ssyncset.done $0x0  }
.LBB2_4:
0x28: {  	p1 =	sne.s32 s9, $0x1;
	[sflag:s19] =	ssyncadd.s32 $0xFFFFE700;
	s12 =	sadd.s32 $0x19000, s12  }
.Ltmp2:
0x29: {  	s9 =	sadd.s32 $0xFFFFFFFF, s9;
	(pc) =	sbr.rel @p1 .LBB2_4-.Ltmp2, $4  }
0x2a: {  	_ = 	snop  }
0x2b: {  	[spmem:s12] =	stream.linear.scatter [tilespmem:s20], [sflag:$0x4], $0x1900, $0x38;
	[tilespmem:$0x1EEB0] =	vst v63  }
0x2c: {  	_ =	swait.ge [sflag:s19], $0x1900  }
0x2d: {  	[sflag:s19] =	ssyncset.done $0x0  }
.LBB2_5:
0x2e: {  	[sflag:s19] =	ssyncadd.s32 $0xFFFFE700  }
0x2f: {  	s12 =	simm.s32 $0x1000;
	[bflag:$0x0] =	sbarrier.arrive $0xFFFF  }
0x30: {  	s13 =	simm.s32 $0x186A000;
	s15 =	simm.s32 $0x1A6A0;
	s9 =	rddreg [dreg:$0x8]  }
0x31: {  	[tilespmem:s15], [sflag:$0x1] =	stream.strided.gather [hbm4b:s9+s12], $0x2000, s13, s12, $0x38;
	[tilespmem:$0x1EEB0] =	vst v63  }
.Ltmp3:
0x32: {  	_ = 	snop;
	(pc) =	sbr.rel .LBB2_6-.Ltmp3, $4  }
0x33: {  	s21 =	simm.s32 $0x1E6A0;
	s17 =	rddreg [dreg:$0x9];
	s13 =	simm.s32 $0x0  }
0x34: {  	[tilespmem:s21], [sflag:$0x1] =	stream.linear.gather [hbm4b:s17+s13], $0x200, $0x38;
	[tilespmem:$0x1EEB0] =	vst v63  }
0x35: {  	s22 =	rddreg [dreg:$0xa];
	s15 =	simm.s32 $0x0  }
0x36: {  	[tilespmem:s25], [sflag:$0x1] =	stream.linear.gather [hbm4b:s22+s13], $0x200, $0x38;
	[tilespmem:$0x1EEB0] =	vst v63  }
.LBB2_12:
0x37: {  	s15 =	sadd.s32 $0x1, s15  }
0x38: {  	p1 =	sne.s32 s15, $0x62  }
.Ltmp4:
0x39: {  	_ = 	snop;
	(pc) =	sbr.rel @!p1 .LBB2_13-.Ltmp4, $1  }
0x3a: {  	_ =	sdelay $0x3  }
.LBB2_6:
0x3b: {  	_ =	swait.ge [sflag:s26], $0x2000  }
0x3c: {  	[sflag:s26] =	ssyncset.done $0x0  }
0x3d: {  	[sflag:s26] =	ssyncadd.s32 $0xFFFFE000  }
0x3e: {  	_ =	swait.ge [sflag:s26], $0x200  }
0x3f: {  	[sflag:s26] =	ssyncset.done $0x0  }
0x40: {  	[sflag:s26] =	ssyncadd.s32 $0xFFFFFE00  }
0x41: {  	_ =	swait.ge [sflag:s26], $0x200  }
0x42: {  	p2 =	seq.s32 s15, $0x0;
	[sflag:s26] =	ssyncset.done $0x0  }
0x43: {  	s9 =	simm.s32 @!p2 $0x3;
	[sflag:s26] =	ssyncadd.s32 $0xFFFFFE00  }
0x44: {  	_ =	swait.ge @!p2 [sflag:s9], $0x800  }
0x45: {  	[sflag:s9] =	ssyncset.done @!p2 $0x0  }
0x46: {  	[sflag:s9] =	ssyncadd.s32 @!p2 $0xFFFFF800  }
0x47: {  	_ =	swait.ge @!p2 [sflag:s9], $0x800  }
0x48: {  	[sflag:s9] =	ssyncset.done @!p2 $0x0  }
0x49: {  	s17 =	sshll.u32 s15, $0x1;
	[sflag:s9] =	ssyncadd.s32 @!p2 $0xFFFFF800  }
0x4a: {  	s12 =	sor.u32 $0x1, s17;
	_ =	swait.ge @!p2 [sflag:s9], $0x800  }
0x4b: {  	p1 =	sge.u32 s12, s10;
	[sflag:s9] =	ssyncset.done @!p2 $0x0  }
0x4c: {  	s12 =	sshll.u32 @!p1 s12, $0x5;
	[sflag:s9] =	ssyncadd.s32 @!p2 $0xFFFFF800  }
0x4d: {  	s12 =	sor.u32 @!p1 s8, s12;
	_ =	swait.ge @!p2 [sflag:s9], $0x800  }
0x4e: {  	s21 =	simm.s32 @!p1 $0x186A000;
	s16 =	sshll.u32 @!p1 s12, $0x9;
	[sflag:s9] =	ssyncset.done @!p2 $0x0  }
0x4f: {  	s22 =	simm.s32 @!p1 $0x1C6A0;
	s16 =	sand.u32 @!p1 $0x1FFFFE00, s16;
	[sflag:s9] =	ssyncadd.s32 @!p2 $0xFFFFF800  }
0x50: {  	s9 =	sshll.u32 @!p1 s12, $0x6;
	s12 =	sadd.s32 @!p1 s0, s16;
	s16 =	simm.s32 @!p1 $0x1000  }
0x51: {  	[tilespmem:s22], [sflag:$0x2] =	stream.strided.gather @!p1 [hbm4b:s12+s16], $0x2000, s21, s16, $0x38;
	[tilespmem:$0x1EEB0] =	vst v63  }
0x52: {  	s12 =	sadd.s32 @!p1 s1, s9;
	s16 =	simm.s32 @!p1 $0x0;
	s21 =	simm.s32 @!p1 $0x1E8A0  }
0x53: {  	[tilespmem:s21], [sflag:$0x2] =	stream.linear.gather @!p1 [hbm4b:s12+s16], $0x200, $0x38;
	[tilespmem:$0x1EEB0] =	vst v63  }
0x54: {  	s9 =	sadd.s32 @!p1 s2, s9;
	s12 =	simm.s32 @!p1 $0x1ECA0  }
0x55: {  	[tilespmem:s12], [sflag:$0x2] =	stream.linear.gather @!p1 [hbm4b:s9+s16], $0x200, $0x38;
	[tilespmem:$0x1EEB0] =	vst v63  }
0x56: {  	v2 =	vld [tilespmem:$0x1E6A0]  }
0x57: {  	v3 =	vld [tilespmem:$0x1A6A0]  }
0x58: {  	v19 =	vld [tilespmem:$0x1A720]  }
0x59: {  	v20 =	vld [tilespmem:$0x1A7A0]  }
0x5a: {  	v21 =	vld [tilespmem:$0x1A820]  }
0x5b: {  	v22 =	vld [tilespmem:$0x1A8A0]  }
0x5c: {  	v23 =	vld [tilespmem:$0x1A920]  }
0x5d: {  	v24 =	vld [tilespmem:$0x1A9A0]  }
0x5e: {  	v25 =	vld [tilespmem:$0x1AA20]  }
0x5f: {  	v26 =	vld [tilespmem:$0x1B6A0]  }
0x60: {  	v27 =	vld [tilespmem:$0x1B720]  }
0x61: {  	v28 =	vld [tilespmem:$0x1B7A0]  }
0x62: {  	v29 =	vld [tilespmem:$0x1B820]  }
0x63: {  	v33 =	vld [tilespmem:$0x1B8A0]  }
0x64: {  	v34 =	vld [tilespmem:$0x1B920]  }
0x65: {  	s21 =	simm.s32 $0x80;
	s9 =	simm.s32 $0x10;
	v36 =	vld [tilespmem:$0x1B9A0]  }
0x66: {  	s16 =	simm.s32 $0x1E6B0;
	s12 =	sand.u32 $0xC00, s21;
	v37 =	vld [tilespmem:$0x1BA20];
	s22 =	sand.u32 $0x70, s9  }
0x67: {  	v38 =	vld [tilespmem:s16+$0x0];
	s12 =	sor.u32 s22, s12;
	v2 =	vmul.f32 v2, v18  }
0x68: {  	v50 =	vld [tilespmem:s12+$0x1BA20]  }
0x69: {  	v40 =	vld [tilespmem:s12+$0x1B9A0];
	v62 =	vmul.f32 v2, v3;
	v30 =	vmul.f32 v19, v2  }
0x6a: {  	v39 =	vld [tilespmem:s12+$0x1B920];
	v31 =	vmul.f32 v20, v2;
	v32 =	vmul.f32 v21, v2  }
0x6b: {  	v43 =	vld [tilespmem:s12+$0x1B8A0];
	v35 =	vmul.f32 v22, v2;
	v19 =	vmul.f32 v23, v2  }
0x6c: {  	v55 =	vld [tilespmem:s12+$0x1B820];
	v20 =	vmul.f32 v24, v2;
	v22 =	vmul.f32 v25, v2  }
0x6d: {  	v47 =	vld [tilespmem:s12+$0x1B7A0];
	v25 =	vmul.f32 v26, v2;
	v26 =	vmul.f32 v27, v2  }
0x6e: {  	v51 =	vld [tilespmem:s12+$0x1B720];
	s21 =	sadd.s32 $0x1A6A0, s12;
	v21 =	vmul.f32 v28, v2;
	v23 =	vmul.f32 v29, v2  }
0x6f: {  	v57 =	vld [tilespmem:s21+$0x380];
	v27 =	vmul.f32 v34, v2;
	v34 =	vmul.f32 v38, v18  }
0x70: {  	v58 =	vld [tilespmem:s21+$0x300];
	v24 =	vmul.f32 v33, v2;
	v29 =	vmov s13;
	v28 =	vmul.f32 v36, v2  }
0x71: {  	v63 =	vshll.u32 v29, $0x4;
	v29 =	vmul.f32 v37, v2;
	v38 =	vmul.f32 v43, v34  }
0x72: {  	v39 =	vmul.f32 v39, v34;
	v36 =	vmul.f32 v40, v34  }
0x73: {  	v3 =	vld [tilespmem:s12+$0x1A6A0];
	v43 =	vmul.f32 v47, v34;
	v37 =	vmul.f32 v50, v34  }
0x74: {  	v2 =	vld [tilespmem:s12+$0x1B6A0];
	v52 =	vmul.f32 v51, v34;
	v50 =	vmul.f32 v55, v34  }
0x75: {  	v33 =	vor.u32 v0, v63;
	v63 =	vld [tilespmem:s21+$0x280];
	v57 =	vmul.f32 v57, v34;
	v58 =	vmul.f32 v58, v34  }
0x76: {  	v48 =	vor.u32 $0x1, v33;
	v49 =	vor.u32 $0x2, v33;
	v44 =	vor.u32 $0x6, v33  }
0x77: {  	v53 =	vld [tilespmem:s21+$0x180];
	v46 =	vor.u32 $0x7, v33;
	v41 =	vor.u32 $0x9, v33;
	v42 =	vor.u32 $0xA, v33  }
0x78: {  	v56 =	vld [tilespmem:s21+$0x100];
	v45 =	vor.u32 $0xB, v33;
	v47 =	vor.u32 $0xC, v33;
	v51 =	vor.u32 $0xD, v33  }
0x79: {  	v59 =	vld [tilespmem:s21+$0x80];
	v60 =	vor.u32 $0x4, v33;
	v54 =	vmul.f32 v34, v3;
	v3 =	vor.u32 $0x3, v33  }
0x7a: {  	s12 =	simm.s32 $0x100;
	v40 =	vld [tilespmem:s21+$0x200];
	v61 =	vor.u32 $0x5, v33;
	v55 =	vmul.f32 v2, v34;
	v2 =	vmul.f32 v63, v34;
	[tilespmem:v33+s20+$0x0] =	vst.idx.msk $0xffff, v62  }
.LBB2_7:
0x7b: {  	p1 =	sne.s32 s12, $0xF80  }
0x7c: {  	[tilespmem:v48+s20+$0x0] =	vst.idx.msk $0xffff, v30;
	s16 =	sadd.s32 $0x10, s16;
	v62 =	vmov v54;
	s21 =	smov.u32 s12;
	s12 =	sadd.s32 $0x80, s12  }
0x7d: {  	[tilespmem:v49+s20+$0x0] =	vst.idx.msk $0xffff, v31;
	v31 =	vor.u32 $0x8, v33  }
0x7e: {  	[tilespmem:v3+s20+$0x0] =	vst.idx.msk $0xffff, v32  }
0x7f: {  	v30 =	vmul.f32 v59, v34;
	[tilespmem:v60+s20+$0x0] =	vst.idx.msk $0xffff, v35  }
0x80: {  	[tilespmem:v61+s20+$0x0] =	vst.idx.msk $0xffff, v19;
	v19 =	vmov v2  }
0x81: {  	[tilespmem:v44+s20+$0x0] =	vst.idx.msk $0xffff, v20;
	v20 =	vmov v58  }
0x82: {  	[tilespmem:v46+s20+$0x0] =	vst.idx.msk $0xffff, v22;
	v22 =	vmov v57  }
0x83: {  	v2 =	vor.u32 $0xE, v33;
	[tilespmem:v31+s20+$0x0] =	vst.idx.msk $0xffff, v25;
	v25 =	vmov v55  }
0x84: {  	v3 =	vor.u32 $0xF, v33;
	[tilespmem:v41+s20+$0x0] =	vst.idx.msk $0xffff, v26;
	v26 =	vmov v52  }
0x85: {  	[tilespmem:v42+s20+$0x0] =	vst.idx.msk $0xffff, v21;
	v21 =	vmov v43  }
0x86: {  	v31 =	vmul.f32 v56, v34;
	[tilespmem:v45+s20+$0x0] =	vst.idx.msk $0xffff, v23;
	v23 =	vmov v50  }
0x87: {  	v32 =	vmul.f32 v53, v34;
	v33 =	vmov s9;
	[tilespmem:v47+s20+$0x0] =	vst.idx.msk $0xffff, v24;
	v24 =	vmov v38  }
0x88: {  	v33 =	vshll.u32 v33, $0x4;
	[tilespmem:v51+s20+$0x0] =	vst.idx.msk $0xffff, v27;
	v27 =	vmov v39  }
0x89: {  	v35 =	vmul.f32 v40, v34;
	s9 =	sadd.s32 $0x10, s9;
	v33 =	vor.u32 v0, v33;
	[tilespmem:v2+s20+$0x0] =	vst.idx.msk $0xffff, v28;
	v28 =	vmov v36  }
0x8a: {  	s21 =	sand.u32 $0xC00, s21;
	s22 =	sand.u32 $0x70, s9;
	v48 =	vor.u32 $0x1, v33;
	[tilespmem:v3+s20+$0x0] =	vst.idx.msk $0xffff, v29;
	v29 =	vmov v37  }
0x8b: {  	s21 =	sor.u32 s22, s21;
	v49 =	vor.u32 $0x2, v33;
	v2 =	vld [tilespmem:s16+$0x0]  }
0x8c: {  	s22 =	sadd.s32 $0x1A6A0, s21;
	v3 =	vld [tilespmem:s21+$0x1A6A0]  }
0x8d: {  	v37 =	vld [tilespmem:s21+$0x1BA20]  }
0x8e: {  	v36 =	vld [tilespmem:s21+$0x1B9A0]  }
0x8f: {  	v44 =	vor.u32 $0x6, v33;
	v39 =	vld [tilespmem:s21+$0x1B920]  }
0x90: {  	v46 =	vor.u32 $0x7, v33;
	v38 =	vld [tilespmem:s21+$0x1B8A0]  }
0x91: {  	v50 =	vld [tilespmem:s21+$0x1B820]  }
0x92: {  	v41 =	vor.u32 $0x9, v33;
	v40 =	vld [tilespmem:s21+$0x1B7A0]  }
0x93: {  	v42 =	vor.u32 $0xA, v33;
	v34 =	vmul.f32 v2, v18;
	v2 =	vld [tilespmem:s21+$0x1B720]  }
0x94: {  	v45 =	vor.u32 $0xB, v33;
	v55 =	vld [tilespmem:s21+$0x1B6A0]  }
0x95: {  	v47 =	vor.u32 $0xC, v33;
	v54 =	vmul.f32 v34, v3;
	v57 =	vld [tilespmem:s22+$0x380];
	v38 =	vmul.f32 v38, v34  }
0x96: {  	v51 =	vor.u32 $0xD, v33;
	v36 =	vmul.f32 v36, v34;
	v39 =	vmul.f32 v39, v34;
	v58 =	vld [tilespmem:s22+$0x300]  }
0x97: {  	v37 =	vmul.f32 v37, v34;
	v63 =	vld [tilespmem:s22+$0x280];
	v43 =	vmul.f32 v40, v34  }
.Ltmp5:
0x98: {  	v50 =	vmul.f32 v50, v34;
	v40 =	vld [tilespmem:s22+$0x200];
	v52 =	vmul.f32 v2, v34;
	(pc) =	sbr.rel @p1 .LBB2_7-.Ltmp5, $4  }
0x99: {  	v3 =	vor.u32 $0x3, v33;
	v53 =	vld [tilespmem:s22+$0x180];
	v55 =	vmul.f32 v55, v34  }
0x9a: {  	v60 =	vor.u32 $0x4, v33;
	v56 =	vld [tilespmem:s22+$0x100];
	v57 =	vmul.f32 v57, v34  }
0x9b: {  	v61 =	vor.u32 $0x5, v33;
	v59 =	vld [tilespmem:s22+$0x80];
	v58 =	vmul.f32 v58, v34  }
0x9c: {  	v2 =	vmul.f32 v63, v34;
	[tilespmem:v33+s20+$0x0] =	vst.idx.msk $0xffff, v62  }
0x9d: {  	_ =	sdelay $0x3  }
0x9e: {  	[tilespmem:v48+s20+$0x0] =	vst.idx.msk $0xffff, v30  }
0x9f: {  	[tilespmem:v49+s20+$0x0] =	vst.idx.msk $0xffff, v31  }
0xa0: {  	v62 =	vor.u32 $0x8, v33;
	[tilespmem:v3+s20+$0x0] =	vst.idx.msk $0xffff, v32  }
0xa1: {  	[tilespmem:v60+s20+$0x0] =	vst.idx.msk $0xffff, v35  }
0xa2: {  	[tilespmem:v61+s20+$0x0] =	vst.idx.msk $0xffff, v19  }
0xa3: {  	[tilespmem:v44+s20+$0x0] =	vst.idx.msk $0xffff, v20  }
0xa4: {  	[tilespmem:v46+s20+$0x0] =	vst.idx.msk $0xffff, v22  }
0xa5: {  	v20 =	vld [tilespmem:$0x1FFE0];
	[tilespmem:v62+s20+$0x0] =	vst.idx.msk $0xffff, v25  }
0xa6: {  	v63 =	vld [tilespmem:$0x1FFF0];
	v3 =	vor.u32 $0xE, v33;
	[tilespmem:v41+s20+$0x0] =	vst.idx.msk $0xffff, v26  }
0xa7: {  	v19 =	vor.u32 $0xF, v33;
	[tilespmem:v42+s20+$0x0] =	vst.idx.msk $0xffff, v21  }
0xa8: {  	[tilespmem:v45+s20+$0x0] =	vst.idx.msk $0xffff, v23  }
0xa9: {  	[tilespmem:v47+s20+$0x0] =	vst.idx.msk $0xffff, v24  }
0xaa: {  	[tilespmem:v51+s20+$0x0] =	vst.idx.msk $0xffff, v27  }
0xab: {  	[tilespmem:v3+s20+$0x0] =	vst.idx.msk $0xffff, v28  }
0xac: {  	v3 =	vmul.f32 v59, v34;
	[tilespmem:v19+s20+$0x0] =	vst.idx.msk $0xffff, v29  }
0xad: {  	v19 =	vmul.f32 v56, v34;
	[tilespmem:v20+s20+$0x0] =	vst.idx.msk $0xffff, v54  }
0xae: {  	v20 =	vmul.f32 v53, v34;
	[tilespmem:v63+s20+$0x0] =	vst.idx.msk $0xffff, v3  }
0xaf: {  	v3 =	vmul.f32 v40, v34;
	[tilespmem:v4+s20+$0x0] =	vst.idx.msk $0xffff, v19  }
0xb0: {  	[tilespmem:v5+s20+$0x0] =	vst.idx.msk $0xffff, v20  }
0xb1: {  	[tilespmem:v6+s20+$0x0] =	vst.idx.msk $0xffff, v3  }
0xb2: {  	[tilespmem:v7+s20+$0x0] =	vst.idx.msk $0xffff, v2  }
0xb3: {  	[tilespmem:v8+s20+$0x0] =	vst.idx.msk $0xffff, v58  }
0xb4: {  	[tilespmem:v9+s20+$0x0] =	vst.idx.msk $0xffff, v57  }
0xb5: {  	[tilespmem:v10+s20+$0x0] =	vst.idx.msk $0xffff, v55  }
0xb6: {  	[tilespmem:v11+s20+$0x0] =	vst.idx.msk $0xffff, v52  }
0xb7: {  	[tilespmem:v12+s20+$0x0] =	vst.idx.msk $0xffff, v43  }
0xb8: {  	[tilespmem:v13+s20+$0x0] =	vst.idx.msk $0xffff, v50  }
0xb9: {  	[tilespmem:v14+s20+$0x0] =	vst.idx.msk $0xffff, v38  }
0xba: {  	[tilespmem:v15+s20+$0x0] =	vst.idx.msk $0xffff, v39  }
0xbb: {  	[tilespmem:v16+s20+$0x0] =	vst.idx.msk $0xffff, v36  }
0xbc: {  	[tilespmem:v17+s20+$0x0] =	vst.idx.msk $0xffff, v37  }
0xbd: {  	[spmem:s6] =	stream.indirect.scatter.add.f32 [tilespmem:s20], [sflag:$0x3], $0x10, s25, s28, $0xb8;
	[tilespmem:$0x1EEB0] =	vst v63  }
0xbe: {  	p1 =	sge.u32 s17, s14  }
0xbf: {  	[spmem:s6] =	stream.indirect.scatter.add.f32 [tilespmem:s30], [sflag:$0x3], $0x10, s29, s28, $0xb8;
	[tilespmem:$0x1EEB0] =	vst v63  }
.Ltmp6:
0xc0: {  	_ = 	snop;
	(pc) =	sbr.rel @p1 .LBB2_12-.Ltmp6, $4  }
0xc1: {  	_ = 	snop  }
0xc2: {  	[spmem:s6] =	stream.indirect.scatter.add.f32 [tilespmem:s5], [sflag:$0x3], $0x10, s31, s28, $0xb8;
	[tilespmem:$0x1EEB0] =	vst v63  }
0xc3: {  	_ = 	snop  }
0xc4: {  	[spmem:s6] =	stream.indirect.scatter.add.f32 [tilespmem:s4], [sflag:$0x3], $0x10, s3, s28, $0xb8;
	[tilespmem:$0x1EEB0] =	vst v63  }
0xc5: {  	_ =	swait.ge [sflag:s7], $0x2000  }
0xc6: {  	[sflag:s7] =	ssyncset.done $0x0  }
0xc7: {  	[sflag:s7] =	ssyncadd.s32 $0xFFFFE000  }
0xc8: {  	_ =	swait.ge [sflag:s7], $0x200  }
0xc9: {  	[sflag:s7] =	ssyncset.done $0x0  }
0xca: {  	[sflag:s7] =	ssyncadd.s32 $0xFFFFFE00  }
0xcb: {  	_ =	swait.ge [sflag:s7], $0x200  }
0xcc: {  	[sflag:s7] =	ssyncset.done $0x0  }
0xcd: {  	[sflag:s7] =	ssyncadd.s32 $0xFFFFFE00  }
0xce: {  	_ =	swait.ge [sflag:s18], $0x800  }
0xcf: {  	[sflag:s18] =	ssyncset.done $0x0  }
0xd0: {  	[sflag:s18] =	ssyncadd.s32 $0xFFFFF800  }
0xd1: {  	_ =	swait.ge [sflag:s18], $0x800  }
0xd2: {  	[sflag:s18] =	ssyncset.done $0x0  }
0xd3: {  	s9 =	sadd.s32 $0x2, s17;
	[sflag:s18] =	ssyncadd.s32 $0xFFFFF800  }
0xd4: {  	p1 =	sge.u32 s9, s10;
	_ =	swait.ge [sflag:s18], $0x800  }
0xd5: {  	s9 =	sshll.u32 @!p1 s9, $0x5;
	[sflag:s18] =	ssyncset.done $0x0  }
0xd6: {  	s16 =	simm.s32 @!p1 $0x1000;
	s9 =	sor.u32 @!p1 s8, s9;
	[sflag:s18] =	ssyncadd.s32 $0xFFFFF800  }
0xd7: {  	s17 =	simm.s32 @!p1 $0x186A000;
	s12 =	sshll.u32 @!p1 s9, $0x9;
	_ =	swait.ge [sflag:s18], $0x800  }
0xd8: {  	s21 =	simm.s32 @!p1 $0x1A6A0;
	s12 =	sand.u32 @!p1 $0x1FFFBE00, s12;
	[sflag:s18] =	ssyncset.done $0x0  }
0xd9: {  	s9 =	sshll.u32 @!p1 s9, $0x6;
	s12 =	sadd.s32 @!p1 s0, s12;
	[sflag:s18] =	ssyncadd.s32 $0xFFFFF800  }
0xda: {  	[tilespmem:s21], [sflag:$0x1] =	stream.strided.gather @!p1 [hbm4b:s12+s16], $0x2000, s17, s16, $0x38;
	[tilespmem:$0x1EEB0] =	vst v63  }
0xdb: {  	s12 =	sadd.s32 @!p1 s1, s9;
	s16 =	simm.s32 @!p1 $0x0;
	s17 =	simm.s32 @!p1 $0x1E6A0  }
0xdc: {  	[tilespmem:s17], [sflag:$0x1] =	stream.linear.gather @!p1 [hbm4b:s12+s16], $0x200, $0x38;
	[tilespmem:$0x1EEB0] =	vst v63  }
0xdd: {  	s9 =	sadd.s32 @!p1 s2, s9;
	s12 =	simm.s32 @!p1 $0x1EAA0  }
0xde: {  	[tilespmem:s12], [sflag:$0x1] =	stream.linear.gather @!p1 [hbm4b:s9+s16], $0x200, $0x38;
	[tilespmem:$0x1EEB0] =	vst v63  }
0xdf: {  	v2 =	vld [tilespmem:$0x1E8A0]  }
0xe0: {  	v3 =	vld [tilespmem:$0x1C6A0]  }
0xe1: {  	v19 =	vld [tilespmem:$0x1C720]  }
0xe2: {  	v20 =	vld [tilespmem:$0x1C7A0]  }
0xe3: {  	v21 =	vld [tilespmem:$0x1C820]  }
0xe4: {  	v22 =	vld [tilespmem:$0x1C8A0]  }
0xe5: {  	v23 =	vld [tilespmem:$0x1C920]  }
0xe6: {  	v24 =	vld [tilespmem:$0x1C9A0]  }
0xe7: {  	v25 =	vld [tilespmem:$0x1CA20]  }
0xe8: {  	v26 =	vld [tilespmem:$0x1D6A0]  }
0xe9: {  	v27 =	vld [tilespmem:$0x1D720]  }
0xea: {  	v28 =	vld [tilespmem:$0x1D7A0]  }
0xeb: {  	v29 =	vld [tilespmem:$0x1D820]  }
0xec: {  	v30 =	vld [tilespmem:$0x1D8A0]  }
0xed: {  	v31 =	vld [tilespmem:$0x1D920]  }
0xee: {  	s17 =	simm.s32 $0x80;
	s9 =	simm.s32 $0x10;
	v36 =	vld [tilespmem:$0x1D9A0]  }
0xef: {  	s16 =	simm.s32 $0x1E8B0;
	s12 =	sand.u32 $0xC00, s17;
	v37 =	vld [tilespmem:$0x1DA20];
	s21 =	sand.u32 $0x70, s9  }
0xf0: {  	v38 =	vld [tilespmem:s16+$0x0];
	s17 =	sor.u32 s21, s12;
	v2 =	vmul.f32 v2, v18  }
0xf1: {  	s22 =	simm.s32 $0x0;
	v39 =	vld [tilespmem:s17+$0x1D9A0]  }
0xf2: {  	v33 =	vmov s22;
	v40 =	vld [tilespmem:s17+$0x1D920];
	v34 =	vmul.f32 v2, v3  }
0xf3: {  	v33 =	vshll.u32 v33, $0x4;
	v41 =	vld [tilespmem:s17+$0x1D8A0];
	v32 =	vmul.f32 v19, v2;
	v20 =	vmul.f32 v20, v2  }
0xf4: {  	v33 =	vor.u32 v0, v33;
	v43 =	vld [tilespmem:s17+$0x1D820];
	v21 =	vmul.f32 v21, v2;
	v35 =	vmul.f32 v22, v2  }
0xf5: {  	v42 =	vor.u32 $0x1, v33;
	v47 =	vld [tilespmem:s17+$0x1D7A0];
	v19 =	vmul.f32 v23, v2;
	v22 =	vmul.f32 v24, v2  }
0xf6: {  	v44 =	vor.u32 $0x2, v33;
	v56 =	vld [tilespmem:s17+$0x1D720];
	v23 =	vmul.f32 v25, v2;
	v24 =	vmul.f32 v26, v2  }
0xf7: {  	v48 =	vor.u32 $0x3, v33;
	v59 =	vld [tilespmem:s17+$0x1D6A0];
	v25 =	vmul.f32 v27, v2;
	v26 =	vmul.f32 v28, v2  }
0xf8: {  	v45 =	vor.u32 $0x4, v33;
	v61 =	vld [tilespmem:s17+$0x1C9A0];
	v27 =	vmul.f32 v29, v2;
	v29 =	vmul.f32 v31, v2  }
0xf9: {  	v49 =	vor.u32 $0x5, v33;
	v63 =	vld [tilespmem:s17+$0x1C920];
	v31 =	vmul.f32 v36, v2;
	v36 =	vmul.f32 v38, v18  }
0xfa: {  	v50 =	vor.u32 $0x6, v33;
	v28 =	vmul.f32 v30, v2;
	v30 =	vmul.f32 v37, v2;
	v2 =	vld [tilespmem:s17+$0x1CA20]  }
0xfb: {  	v51 =	vor.u32 $0x7, v33;
	v52 =	vor.u32 $0x8, v33;
	v3 =	vld [tilespmem:s17+$0x1DA20];
	v38 =	vmul.f32 v41, v36  }
0xfc: {  	v46 =	vor.u32 $0xA, v33;
	v62 =	vld [tilespmem:s17+$0x1C820];
	v37 =	vmul.f32 v40, v36;
	v41 =	vmul.f32 v43, v36  }
0xfd: {  	v53 =	vor.u32 $0xB, v33;
	v60 =	vld [tilespmem:s17+$0x1C6A0];
	v39 =	vmul.f32 v39, v36;
	v47 =	vmul.f32 v47, v36  }
0xfe: {  	v54 =	vor.u32 $0xC, v33;
	v43 =	vld [tilespmem:s17+$0x1C8A0];
	v57 =	vmul.f32 v56, v36;
	v59 =	vmul.f32 v59, v36  }
0xff: {  	v55 =	vor.u32 $0xD, v33;
	v61 =	vmul.f32 v61, v36;
	v58 =	vmul.f32 v2, v36;
	v2 =	vld [tilespmem:s17+$0x1C7A0]  }
0x100: {  	s12 =	simm.s32 $0x100;
	v56 =	vor.u32 $0xE, v33;
	v63 =	vmul.f32 v63, v36;
	v40 =	vmul.f32 v3, v36;
	v3 =	vld [tilespmem:s17+$0x1C720]  }
.LBB2_10:
0x101: {  	p1 =	sne.s32 s12, $0xF80  }
0x102: {  	[tilespmem:v33+s20+$0x0] =	vst.idx.msk $0xffff, v34;
	s16 =	sadd.s32 $0x10, s16;
	s17 =	smov.u32 s12;
	s12 =	sadd.s32 $0x80, s12  }
0x103: {  	v34 =	vmul.f32 v62, v36;
	[tilespmem:v42+s20+$0x0] =	vst.idx.msk $0xffff, v32  }
0x104: {  	[tilespmem:v44+s20+$0x0] =	vst.idx.msk $0xffff, v20;
	v20 =	vmul.f32 v2, v36  }
0x105: {  	v2 =	vor.u32 $0x9, v33;
	[tilespmem:v48+s20+$0x0] =	vst.idx.msk $0xffff, v21;
	v21 =	vmov v34  }
0x106: {  	v32 =	vmul.f32 v3, v36;
	[tilespmem:v45+s20+$0x0] =	vst.idx.msk $0xffff, v35  }
0x107: {  	[tilespmem:v49+s20+$0x0] =	vst.idx.msk $0xffff, v19;
	v19 =	vmov v63  }
0x108: {  	[tilespmem:v50+s20+$0x0] =	vst.idx.msk $0xffff, v22;
	v22 =	vmov v61  }
0x109: {  	[tilespmem:v51+s20+$0x0] =	vst.idx.msk $0xffff, v23;
	v23 =	vmov v58  }
0x10a: {  	[tilespmem:v52+s20+$0x0] =	vst.idx.msk $0xffff, v24;
	v24 =	vmov v59  }
0x10b: {  	[tilespmem:v2+s20+$0x0] =	vst.idx.msk $0xffff, v25;
	v2 =	vor.u32 $0xF, v33;
	v25 =	vmov v57  }
0x10c: {  	v34 =	vmul.f32 v36, v60;
	[tilespmem:v46+s20+$0x0] =	vst.idx.msk $0xffff, v26;
	v26 =	vmov v47  }
0x10d: {  	v3 =	vmov s9;
	[tilespmem:v53+s20+$0x0] =	vst.idx.msk $0xffff, v27;
	v27 =	vmov v41  }
0x10e: {  	v3 =	vshll.u32 v3, $0x4;
	[tilespmem:v54+s20+$0x0] =	vst.idx.msk $0xffff, v28;
	v28 =	vmov v38  }
0x10f: {  	v33 =	vor.u32 v0, v3;
	[tilespmem:v55+s20+$0x0] =	vst.idx.msk $0xffff, v29;
	v29 =	vmov v37  }
0x110: {  	s9 =	sadd.s32 $0x10, s9;
	v35 =	vmul.f32 v43, v36;
	v42 =	vor.u32 $0x1, v33;
	[tilespmem:v56+s20+$0x0] =	vst.idx.msk $0xffff, v31;
	v31 =	vmov v39  }
0x111: {  	s17 =	sand.u32 $0xC00, s17;
	s21 =	sand.u32 $0x70, s9;
	v44 =	vor.u32 $0x2, v33;
	[tilespmem:v2+s20+$0x0] =	vst.idx.msk $0xffff, v30;
	v30 =	vmov v40  }
0x112: {  	s17 =	sor.u32 s21, s17;
	v48 =	vor.u32 $0x3, v33;
	v2 =	vld [tilespmem:s16+$0x0]  }
0x113: {  	v45 =	vor.u32 $0x4, v33;
	v3 =	vld [tilespmem:s17+$0x1DA20]  }
0x114: {  	v49 =	vor.u32 $0x5, v33;
	v39 =	vld [tilespmem:s17+$0x1D9A0]  }
0x115: {  	v50 =	vor.u32 $0x6, v33;
	v37 =	vld [tilespmem:s17+$0x1D920]  }
0x116: {  	v51 =	vor.u32 $0x7, v33;
	v38 =	vld [tilespmem:s17+$0x1D8A0]  }
0x117: {  	v52 =	vor.u32 $0x8, v33;
	v40 =	vld [tilespmem:s17+$0x1D820]  }
0x118: {  	v43 =	vld [tilespmem:s17+$0x1D7A0]  }
0x119: {  	v46 =	vor.u32 $0xA, v33;
	v36 =	vmul.f32 v2, v18;
	v2 =	vld [tilespmem:s17+$0x1D720]  }
0x11a: {  	v53 =	vor.u32 $0xB, v33;
	v57 =	vld [tilespmem:s17+$0x1CA20]  }
0x11b: {  	v54 =	vor.u32 $0xC, v33;
	v37 =	vmul.f32 v37, v36;
	v59 =	vld [tilespmem:s17+$0x1D6A0];
	v38 =	vmul.f32 v38, v36  }
0x11c: {  	v55 =	vor.u32 $0xD, v33;
	v39 =	vmul.f32 v39, v36;
	v61 =	vld [tilespmem:s17+$0x1C9A0];
	v41 =	vmul.f32 v40, v36  }
0x11d: {  	v56 =	vor.u32 $0xE, v33;
	v40 =	vmul.f32 v3, v36;
	v63 =	vld [tilespmem:s17+$0x1C920];
	v47 =	vmul.f32 v43, v36  }
.Ltmp7:
0x11e: {  	v43 =	vld [tilespmem:s17+$0x1C8A0];
	(pc) =	sbr.rel @p1 .LBB2_10-.Ltmp7, $4  }
0x11f: {  	v62 =	vld [tilespmem:s17+$0x1C820];
	v58 =	vmul.f32 v57, v36;
	v57 =	vmul.f32 v2, v36  }
0x120: {  	v2 =	vld [tilespmem:s17+$0x1C7A0];
	v59 =	vmul.f32 v59, v36  }
0x121: {  	v60 =	vld [tilespmem:s17+$0x1C6A0];
	v61 =	vmul.f32 v61, v36  }
0x122: {  	v3 =	vld [tilespmem:s17+$0x1C720];
	v63 =	vmul.f32 v63, v36  }
0x123: {  	_ =	sdelay $0x3  }
0x124: {  	[tilespmem:v33+s20+$0x0] =	vst.idx.msk $0xffff, v34  }
0x125: {  	[tilespmem:v42+s20+$0x0] =	vst.idx.msk $0xffff, v32  }
0x126: {  	[tilespmem:v44+s20+$0x0] =	vst.idx.msk $0xffff, v20  }
0x127: {  	[tilespmem:v48+s20+$0x0] =	vst.idx.msk $0xffff, v21  }
0x128: {  	v20 =	vor.u32 $0x9, v33;
	[tilespmem:v45+s20+$0x0] =	vst.idx.msk $0xffff, v35  }
0x129: {  	[tilespmem:v49+s20+$0x0] =	vst.idx.msk $0xffff, v19  }
0x12a: {  	[tilespmem:v50+s20+$0x0] =	vst.idx.msk $0xffff, v22  }
0x12b: {  	[tilespmem:v51+s20+$0x0] =	vst.idx.msk $0xffff, v23  }
0x12c: {  	[tilespmem:v52+s20+$0x0] =	vst.idx.msk $0xffff, v24  }
0x12d: {  	[tilespmem:v20+s20+$0x0] =	vst.idx.msk $0xffff, v25  }
0x12e: {  	v19 =	vor.u32 $0xF, v33;
	[tilespmem:v46+s20+$0x0] =	vst.idx.msk $0xffff, v26  }
0x12f: {  	[tilespmem:v53+s20+$0x0] =	vst.idx.msk $0xffff, v27  }
0x130: {  	[tilespmem:v54+s20+$0x0] =	vst.idx.msk $0xffff, v28  }
0x131: {  	[tilespmem:v55+s20+$0x0] =	vst.idx.msk $0xffff, v29  }
0x132: {  	[tilespmem:v56+s20+$0x0] =	vst.idx.msk $0xffff, v31  }
0x133: {  	[tilespmem:v19+s20+$0x0] =	vst.idx.msk $0xffff, v30;
	v19 =	vld [tilespmem:$0x1FFE0];
	_ =	sdelay $0x5  }
0x134: {  	v20 =	vmul.f32 v36, v60;
	_ =	sdelay $0x1  }
0x135: {  	[tilespmem:v19+s20+$0x0] =	vst.idx.msk $0xffff, v20;
	v20 =	vld [tilespmem:$0x1FFF0];
	_ =	sdelay $0x5  }
0x136: {  	v3 =	vmul.f32 v3, v36  }
0x137: {  	v2 =	vmul.f32 v2, v36  }
0x138: {  	v19 =	vmul.f32 v62, v36;
	[tilespmem:v20+s20+$0x0] =	vst.idx.msk $0xffff, v3  }
0x139: {  	v3 =	vmul.f32 v43, v36;
	[tilespmem:v4+s20+$0x0] =	vst.idx.msk $0xffff, v2  }
0x13a: {  	[tilespmem:v5+s20+$0x0] =	vst.idx.msk $0xffff, v19  }
0x13b: {  	[tilespmem:v6+s20+$0x0] =	vst.idx.msk $0xffff, v3  }
0x13c: {  	[tilespmem:v7+s20+$0x0] =	vst.idx.msk $0xffff, v63  }
0x13d: {  	[tilespmem:v8+s20+$0x0] =	vst.idx.msk $0xffff, v61  }
0x13e: {  	[tilespmem:v9+s20+$0x0] =	vst.idx.msk $0xffff, v58  }
0x13f: {  	[tilespmem:v10+s20+$0x0] =	vst.idx.msk $0xffff, v59  }
0x140: {  	[tilespmem:v11+s20+$0x0] =	vst.idx.msk $0xffff, v57  }
0x141: {  	[tilespmem:v12+s20+$0x0] =	vst.idx.msk $0xffff, v47  }
0x142: {  	[tilespmem:v13+s20+$0x0] =	vst.idx.msk $0xffff, v41  }
0x143: {  	[tilespmem:v14+s20+$0x0] =	vst.idx.msk $0xffff, v38  }
0x144: {  	[tilespmem:v15+s20+$0x0] =	vst.idx.msk $0xffff, v37  }
0x145: {  	[tilespmem:v16+s20+$0x0] =	vst.idx.msk $0xffff, v39  }
0x146: {  	s9 =	simm.s32 $0x1ECA0;
	[tilespmem:v17+s20+$0x0] =	vst.idx.msk $0xffff, v40  }
0x147: {  	[spmem:s6] =	stream.indirect.scatter.add.f32 [tilespmem:s20], [sflag:$0x3], $0x10, s9, s28, $0xb8;
	[tilespmem:$0x1EEB0] =	vst v63  }
0x148: {  	s22 =	simm.s32 $0x1ED20  }
0x149: {  	[spmem:s6] =	stream.indirect.scatter.add.f32 [tilespmem:s30], [sflag:$0x3], $0x10, s22, s28, $0xb8;
	[tilespmem:$0x1EEB0] =	vst v63  }
.Ltmp8:
0x14a: {  	_ = 	snop;
	(pc) =	sbr.rel .LBB2_12-.Ltmp8, $4  }
0x14b: {  	_ = 	snop  }
0x14c: {  	[spmem:s6] =	stream.indirect.scatter.add.f32 [tilespmem:s5], [sflag:$0x3], $0x10, s23, s28, $0xb8;
	[tilespmem:$0x1EEB0] =	vst v63  }
0x14d: {  	_ = 	snop  }
0x14e: {  	[spmem:s6] =	stream.indirect.scatter.add.f32 [tilespmem:s4], [sflag:$0x3], $0x10, s24, s28, $0xb8;
	[tilespmem:$0x1EEB0] =	vst v63  }
.LBB2_13:
0x14f: {  	_ =	swait.ge [sflag:s18], $0x800  }
0x150: {  	[sflag:s18] =	ssyncset.done $0x0  }
0x151: {  	[sflag:s18] =	ssyncadd.s32 $0xFFFFF800  }
0x152: {  	_ =	swait.ge [sflag:s18], $0x800  }
0x153: {  	[sflag:s18] =	ssyncset.done $0x0  }
0x154: {  	[sflag:s18] =	ssyncadd.s32 $0xFFFFF800  }
0x155: {  	_ =	swait.ge [sflag:s18], $0x800  }
0x156: {  	[sflag:s18] =	ssyncset.done $0x0  }
0x157: {  	[sflag:s18] =	ssyncadd.s32 $0xFFFFF800  }
0x158: {  	_ =	swait.ge [sflag:s18], $0x800  }
0x159: {  	[sflag:s18] =	ssyncset.done $0x0  }
0x15a: {  	[sflag:s18] =	ssyncadd.s32 $0xFFFFF800  }
0x15b: {  	[bflag:$0x0] =	sbarrier.arrive $0xFFFF  }
0x15c: {  	s16 =	rddreg [dreg:$0xc]  }
0x15d: {  	[tilespmem:s20], [sflag:$0x4] =	stream.linear.gather [spmem:s16], $0x1900, $0x38;
	[tilespmem:$0x1EEB0] =	vst v63  }
0x15e: {  	_ =	swait.ge [sflag:s19], $0x1900  }
0x15f: {  	[sflag:s19] =	ssyncset.done $0x0  }
.Ltmp9:
0x160: {  	s13 =	rddreg [dreg:$0xd];
	[sflag:s19] =	ssyncadd.s32 $0xFFFFE700;
	(pc) =	sbr.rel @!p0 .LBB2_15-.Ltmp9, $4  }
0x161: {  	[hbm4b:s13+s11] =	stream.strided.scatter [tilespmem:s20], [sflag:$0x4], $0x1900, s28, s11, $0x38;
	[tilespmem:$0x1EEB0] =	vst v63  }
0x162: {  	_ =	swait.ge [sflag:s19], $0x1900  }
0x163: {  	s15 =	rddreg [dreg:$0x7]  }
0x164: {  	s12 =	smov.u32 s16;
	[sflag:s19] =	ssyncset.done $0x0;
	s9 =	sadd.s32 $0xFFFFFFFF, s15  }
.LBB2_14:
0x165: {  	[sflag:s19] =	ssyncadd.s32 $0xFFFFE700;
	s12 =	sadd.s32 $0x19000, s12;
	s13 =	sadd.s32 $0x19000, s13  }
0x166: {  	[tilespmem:s20], [sflag:$0x4] =	stream.linear.gather [spmem:s12], $0x1900, $0x38;
	[tilespmem:$0x1EEB0] =	vst v63  }
0x167: {  	p0 =	sne.s32 s9, $0x1;
	s9 =	sadd.s32 $0xFFFFFFFF, s9;
	_ =	swait.ge [sflag:s19], $0x1900  }
.Ltmp10:
0x168: {  	[sflag:s19] =	ssyncset.done $0x0;
	(pc) =	sbr.rel @p0 .LBB2_14-.Ltmp10, $4  }
0x169: {  	[sflag:s19] =	ssyncadd.s32 $0xFFFFE700  }
0x16a: {  	[hbm4b:s13+s11] =	stream.strided.scatter [tilespmem:s20], [sflag:$0x4], $0x1900, s28, s11, $0x38;
	[tilespmem:$0x1EEB0] =	vst v63  }
0x16b: {  	_ =	swait.ge [sflag:s19], $0x1900  }
0x16c: {  	[sflag:s19] =	ssyncset.done $0x0  }
.LBB2_15:
0x16d: {  	s12 =	rddreg [dreg:$0xe]  }
0x16e: {  	s9 =	rddreg [dreg:$0xb];
	s12 =	sadd.s32 $0x1, s12  }
0x16f: {  	p0 =	sne.s32 s12, s9  }
.Ltmp11:
0x170: {  	_ = 	snop;
	(pc) =	sbr.rel @p0 .LBB2_1-.Ltmp11, $2  }
0x171: {  	_ =	sdelay $0x2  }
0x172: {  	[sflag:s19] =	ssyncadd.s32 $0xFFFFE700  }
0x173: {  	_ =	sfence.sel $0x180000  }
0x174: {  	[bflag:$0x0] =	sbarrier.arrive $0xFFFF  }
0x175: {  	_ =	strace $0x90000047  }
0x176: {  	s0 =	stileid.u32;
	[bflag:$0x2] =	sbarrier.arrive $0xFFFF  }
0x177: {  	p0 =	sne.s32 s0, $0x0;
	s0 =	rddreg [dreg:$0x6]  }
0x178: {  	s0 =	sadd.s32 @!p0 $0x100000, s0  }
0x179: {  	[sflag:s0] =	ssyncadd.tile.s32 @!p0 $0x1;
	_ =	shalt  }
.Lfunc_end2:
_tile_overlayer_lowered:
.L_overlay_start_2:
0x17a: {  	(tag) =	ssettag $0x2  }
0x17b: {  	s0 =	rddreg [dreg:$0x0];
	s2 =	stileid.u32  }
0x17c: {  	s1 =	rddreg [dreg:$0x1];
	p0 =	sne.s32 s2, $0x0  }
0x17d: {  	s3 =	rddreg [dreg:$0x2];
	[bflag:$0x3] =	sbarrier.arrive $0xFFFF;
	s2 =	simm.s32 @!p0 $0x1C04  }
0x17e: {  	[timem:s3], [sflag:s2] =	dma.local @!p0 [hbm:s0], s1  }
0x17f: {  	s0 =	simm.s32 @!p0 $0x4  }
0x180: {  	_ =	swait.ge @!p0 [sflag:s0], s1  }
0x181: {  	s1 =	ssub.s32 @!p0 $0x0, s1;
	[sflag:s0] =	ssyncset.done @!p0 $0x0  }
0x182: {  	[sflag:s0] =	ssyncadd.s32 @!p0 s1  }
0x183: {  	[bflag:$0x3] =	sbarrier.arrive $0xFFFF  }
0x184: {  	_ =	shalt  }

</sc_bundles>
